<compile_context>
chip_gen: v7x
topology: tpu7x:2x2x1
jax: 0.10.2.dev20260603
libtpu: 0.0.44.dev20260713+nightly
codegen_flags: <defaults>
</compile_context>

<pallas_src>
import functools

import jax
import jax.numpy as jnp
from jax import lax
from jax.experimental import pallas as pl
from jax.experimental.pallas import tpu as pltpu
from jax.experimental.pallas import tpu_sc as plsc

N_SRC0 = 50000
N_DST0 = 10000
N_DST1 = 2048
E0 = 320000
E1 = 65536
D = 128
D_OUT = 47
FEAT_ROWS = 200000
EMB_ROWS = 100000
GLOBAL_N = 200000
N_HIT = 25000
N_MISS = 25000
N_PUSH = 2048
N_PULL = 2048

NC = 2
NS = 16
NW = NC * NS

f32 = jnp.float32
i32 = jnp.int32

HP = 28672
A_CH = 112
A_K = 8
H_ROWS = N_SRC0 + 64

B_K = 80
E0P = NW * B_K * 128
ACC0_ROWS = 10240
B_STRIPE = ACC0_ROWS // NS

H1_ROWS = N_DST0 + 48
F_K = E1 // (NW * 128)
F_STRIPE = N_DST1 // NS

_MESH = plsc.VectorSubcoreMesh(
    core_axis_name="c", subcore_axis_name="s", num_cores=NC, num_subcores=NS)


def _wid():
    return lax.axis_index("s") * NC + lax.axis_index("c")


def _zero_2d(ref, rows, lanes):
    per = lanes // 16

    def body(i, _):
        r = i // per
        cc = (i % per) * 16
        ref[r, pl.ds(cc, 16)] = jnp.zeros((16,), ref.dtype)
        return 0

    lax.fori_loop(0, rows * per, body, 0)


def _fill_ones(ref, rows):
    def body(r, _):
        ref[r, :] = jnp.ones((16,), f32)
        return 0

    lax.fori_loop(0, rows, body, 0)


def _slot_rows(tab_hbm, gid_hbm, out_hbm, jb, gid_v, ridx_v, grows_v, sem):
    pltpu.sync_copy(gid_hbm.at[pl.ds(jb, 64)], gid_v)
    for k in range(4):
        g16 = gid_v[pl.ds(k * 16, 16)]
        ridx_v[pl.ds(k * 16, 16)] = lax.shift_right_logical(g16, 7)
    pltpu.async_copy(tab_hbm.at[ridx_v], grows_v, sem).wait()
    pltpu.sync_copy(grows_v, out_hbm.at[pl.ds(jb, 64)])


@functools.partial(
    pl.kernel,
    out_type=(
        jax.ShapeDtypeStruct((H_ROWS, D), f32),
        jax.ShapeDtypeStruct((N_PUSH, 128), i32),
        jax.ShapeDtypeStruct((N_PULL, 128), i32),
    ),
    mesh=_MESH,
    compiler_params=pltpu.CompilerParams(needs_layout_passes=False),
    scratch_types=(
        pltpu.VMEM((A_K, A_CH), i32),
        pltpu.VMEM((A_K, A_CH), i32),
        pltpu.VMEM((A_CH, D), f32),
        pltpu.VMEM((64,), i32),
        pltpu.VMEM((64,), i32),
        pltpu.VMEM((64, 128), i32),
        pltpu.SemaphoreType.DMA,
    ),
)
def _stage_a(feat_hbm, hidx_hbm, hpos_hbm, x_hbm, mpos_hbm, tab_hbm,
             pgid_hbm, lgid_hbm, h_out, prow_out, lrow_out,
             idx_v, pos_v, rows_v, gid_v, ridx_v, grows_v, sem):
    w = _wid()
    rb = w * A_K
    pltpu.sync_copy(hidx_hbm.at[pl.ds(rb, A_K)], idx_v)
    pltpu.sync_copy(hpos_hbm.at[pl.ds(rb, A_K)], pos_v)
    for k in range(A_K):
        pltpu.async_copy(feat_hbm.at[idx_v.at[k]], rows_v, sem).wait()
        pltpu.async_copy(rows_v, h_out.at[pos_v.at[k]], sem).wait()
    pltpu.sync_copy(mpos_hbm.at[pl.ds(rb, A_K)], pos_v)
    for k in range(A_K):
        pltpu.sync_copy(x_hbm.at[pl.ds(w * (A_K * A_CH) + k * A_CH, A_CH)],
                        rows_v)
        pltpu.async_copy(rows_v, h_out.at[pos_v.at[k]], sem).wait()
    jb = w * 64
    _slot_rows(tab_hbm, pgid_hbm, prow_out, jb, gid_v, ridx_v, grows_v, sem)
    _slot_rows(tab_hbm, lgid_hbm, lrow_out, jb, gid_v, ridx_v, grows_v, sem)


def _agg_kernel(n_chunks, acc_rows, stripe, table_hbm, s2d_hbm, d2d_hbm,
                acc_out, hist_out, sidx_v, didx_v, rows_v, hist_v,
                acc_sh, sem):
    hr = acc_rows // 128
    c = lax.axis_index("c")
    s = lax.axis_index("s")
    w = _wid()
    _zero_2d(rows_v, 128, D)
    _zero_2d(hist_v, hr, D)
    base = s * stripe
    full = stripe // 128
    for t in range(full):
        pltpu.sync_copy(rows_v, acc_sh.at[pl.ds(base + t * 128, 128)])
    plsc.subcore_barrier()
    pltpu.sync_copy(s2d_hbm.at[pl.ds(w * n_chunks, n_chunks)], sidx_v)
    pltpu.sync_copy(d2d_hbm.at[pl.ds(w * n_chunks, n_chunks)], didx_v)

    def body(k, _):
        pltpu.async_copy(table_hbm.at[sidx_v.at[k]], rows_v, sem).wait()
        pltpu.sync_copy(rows_v, acc_sh.at[didx_v.at[k]], add=True)
        return 0

    lax.fori_loop(0, n_chunks, body, 0)
    ones16 = jnp.ones((16,), f32)

    def cbody(kk, _):
        k = kk // 8
        l = kk % 8
        d16 = didx_v[k, pl.ds(l * 16, 16)]
        r16 = lax.shift_right_logical(d16, 7)
        l16 = jnp.bitwise_and(d16, 127)
        plsc.addupdate_scatter(hist_v, [r16, l16], ones16)
        return 0

    lax.fori_loop(0, n_chunks * 8, cbody, 0)
    pltpu.sync_copy(hist_v, hist_out.at[pl.ds(w * hr, hr)])
    plsc.subcore_barrier()
    for t in range(full):
        pltpu.sync_copy(acc_sh.at[pl.ds(base + t * 128, 128)],
                        acc_out.at[c, pl.ds(base + t * 128, 128)])


_stage_b = functools.partial(
    pl.kernel,
    out_type=(
        jax.ShapeDtypeStruct((NC, ACC0_ROWS, D), f32),
        jax.ShapeDtypeStruct((NW * (ACC0_ROWS // 128), 128), f32),
    ),
    mesh=_MESH,
    compiler_params=pltpu.CompilerParams(needs_layout_passes=False),
    scratch_types=(
        pltpu.VMEM((B_K, 128), i32),
        pltpu.VMEM((B_K, 128), i32),
        pltpu.VMEM((128, D), f32),
        pltpu.VMEM((ACC0_ROWS // 128, D), f32),
        pltpu.VMEM_SHARED((ACC0_ROWS, D), f32),
        pltpu.SemaphoreType.DMA,
    ),
)(functools.partial(_agg_kernel, B_K, ACC0_ROWS, B_STRIPE))

_stage_f = functools.partial(
    pl.kernel,
    out_type=(
        jax.ShapeDtypeStruct((NC, N_DST1, D), f32),
        jax.ShapeDtypeStruct((NW * (N_DST1 // 128), 128), f32),
    ),
    mesh=_MESH,
    compiler_params=pltpu.CompilerParams(needs_layout_passes=False),
    scratch_types=(
        pltpu.VMEM((F_K, 128), i32),
        pltpu.VMEM((F_K, 128), i32),
        pltpu.VMEM((128, D), f32),
        pltpu.VMEM((N_DST1 // 128, D), f32),
        pltpu.VMEM_SHARED((N_DST1, D), f32),
        pltpu.SemaphoreType.DMA,
    ),
)(functools.partial(_agg_kernel, F_K, N_DST1, F_STRIPE))


def _stage_c_body(acc0, acc1, cnt, ht, wl, wr, b, out):
    c = jnp.sum(cnt[...], axis=0).reshape(-1, 1)
    mean = (acc0[...] + acc1[...]) / jnp.maximum(c, 1.0)
    res = (jnp.dot(mean, wl[...], preferred_element_type=f32)
           + jnp.dot(ht[...], wr[...], preferred_element_type=f32)
           + b[...])
    out[...] = jnp.maximum(res, 0.0)


def _stage_c(acc, cnt, h, W_l0, W_r0, b0):
    blk = 1024
    grid = ACC0_ROWS // blk
    return pl.pallas_call(
        _stage_c_body,
        grid=(grid,),
        in_specs=[
            pl.BlockSpec((blk, D), lambda i: (i, 0)),
            pl.BlockSpec((blk, D), lambda i: (i, 0)),
            pl.BlockSpec((NW, blk), lambda i: (0, i)),
            pl.BlockSpec((blk, D), lambda i: (i, 0)),
            pl.BlockSpec((D, D), lambda i: (0, 0)),
            pl.BlockSpec((D, D), lambda i: (0, 0)),
            pl.BlockSpec((1, D), lambda i: (0, 0)),
        ],
        out_specs=pl.BlockSpec((blk, D), lambda i: (i, 0)),
        out_shape=jax.ShapeDtypeStruct((ACC0_ROWS, D), f32),
    )(acc[0], acc[1], cnt, h[:ACC0_ROWS], W_l0, W_r0, b0.reshape(1, D))


def _stage_d_body(prow, pgid_c, pbid_c, lrow, lgid_b, lbid_c, lbid_r,
                  sc1, sc2, pbx, spull_o):
    j0 = pl.program_id(0) * 128
    lane_p = lax.broadcasted_iota(i32, (N_PUSH, 128), 1)
    spush_c = jnp.sum(
        jnp.where(lane_p == jnp.bitwise_and(pgid_c[...], 127), prow[...], 0),
        axis=1).reshape(N_PUSH, 1)
    lane_l = lax.broadcasted_iota(i32, (128, 128), 1)
    spull_r = jnp.sum(
        jnp.where(lane_l == jnp.bitwise_and(lgid_b[...], 127), lrow[...], 0),
        axis=1).reshape(1, 128)
    ii = lax.broadcasted_iota(i32, (N_PUSH, 128), 0)
    eq = spush_c == spull_r
    win = jnp.max(jnp.where(eq, ii * 16384 + pbid_c[...], -1), axis=0,
                  keepdims=True)
    eq2 = lbid_c[...] == lbid_r[...]
    last = jnp.max(jnp.where(eq2, ii, -1), axis=0, keepdims=True)
    jlane = lax.broadcasted_iota(i32, (1, 128), 1) + j0
    is_last = last == jlane
    tile = jlane >> 7
    hit = win >= 0
    sc1[...] = jnp.where(is_last, lbid_r[...], N_DST0 + tile)
    sc2[...] = jnp.where(jnp.logical_and(is_last, hit), lbid_r[...],
                         N_DST0 + 16 + tile)
    pbx[...] = jnp.where(hit, jnp.bitwise_and(win, 16383), 0)
    spull_o[...] = spull_r


def _stage_d(prow, push_gid, pbid_push, lrow, pull_gid, pull_bid):
    return pl.pallas_call(
        _stage_d_body,
        grid=(N_PULL // 128,),
        in_specs=[
            pl.BlockSpec((N_PUSH, 128), lambda i: (0, 0)),
            pl.BlockSpec((N_PUSH, 1), lambda i: (0, 0)),
            pl.BlockSpec((N_PUSH, 1), lambda i: (0, 0)),
            pl.BlockSpec((128, 128), lambda i: (i, 0)),
            pl.BlockSpec((128, 1), lambda i: (i, 0)),
            pl.BlockSpec((N_PULL, 1), lambda i: (0, 0)),
            pl.BlockSpec((1, 128), lambda i: (0, i)),
        ],
        out_specs=[
            pl.BlockSpec((1, 128), lambda i: (0, i)),
            pl.BlockSpec((1, 128), lambda i: (0, i)),
            pl.BlockSpec((1, 128), lambda i: (0, i)),
            pl.BlockSpec((1, 128), lambda i: (0, i)),
        ],
        out_shape=[
            jax.ShapeDtypeStruct((1, N_PULL), i32),
            jax.ShapeDtypeStruct((1, N_PULL), i32),
            jax.ShapeDtypeStruct((1, N_PULL), i32),
            jax.ShapeDtypeStruct((1, N_PULL), i32),
        ],
    )(prow, push_gid.reshape(N_PUSH, 1), pbid_push.reshape(N_PUSH, 1),
      lrow, pull_gid.reshape(N_PULL, 1), pull_bid.reshape(N_PULL, 1),
      pull_bid.reshape(1, N_PULL))


@functools.partial(
    pl.kernel,
    out_type=jax.ShapeDtypeStruct((H1_ROWS, D), f32),
    mesh=_MESH,
    compiler_params=pltpu.CompilerParams(needs_layout_passes=False),
    scratch_types=(
        pltpu.VMEM((320, D), f32),
        pltpu.VMEM((128,), i32),
        pltpu.VMEM((128,), i32),
        pltpu.VMEM((128,), i32),
        pltpu.VMEM((128,), i32),
        pltpu.VMEM((128, D), f32),
        pltpu.VMEM((128, D), f32),
        pltpu.SemaphoreType.DMA,
    ),
)
def _stage_e(h0_hbm, emb_hbm, spull_hbm, sc1_hbm, sc2_hbm, pbx_hbm, h1_out,
             cp_v, spull_v, idx1_v, idx2_v, pbx_v, vcache_v, vpush_v, sem):
    c = lax.axis_index("c")
    s = lax.axis_index("s")

    @pl.when(c == 0)
    def _():
        b = jnp.minimum(s * 632, N_DST0 - 632)
        pltpu.sync_copy(h0_hbm.at[pl.ds(b, 320)], cp_v)
        pltpu.sync_copy(cp_v, h1_out.at[pl.ds(b, 320)])
        pltpu.sync_copy(h0_hbm.at[pl.ds(b + 320, 312)],
                        cp_v.at[pl.ds(0, 312)])
        pltpu.sync_copy(cp_v.at[pl.ds(0, 312)],
                        h1_out.at[pl.ds(b + 320, 312)])
        jb = s * 128
        pltpu.sync_copy(spull_hbm.at[pl.ds(jb, 128)], spull_v)
        pltpu.sync_copy(sc1_hbm.at[pl.ds(jb, 128)], idx1_v)
        pltpu.sync_copy(sc2_hbm.at[pl.ds(jb, 128)], idx2_v)
        pltpu.sync_copy(pbx_hbm.at[pl.ds(jb, 128)], pbx_v)
        pltpu.async_copy(emb_hbm.at[spull_v], vcache_v, sem).wait()
        pltpu.async_copy(h0_hbm.at[pbx_v], vpush_v, sem).wait()
        plsc.subcore_barrier()
        pltpu.async_copy(vcache_v, h1_out.at[idx1_v], sem).wait()
        plsc.subcore_barrier()
        pltpu.async_copy(vpush_v, h1_out.at[idx2_v], sem).wait()


def _stage_g_body(acc0, acc1, cnt, ht, wl, wr, b, out):
    c = jnp.sum(cnt[...], axis=0).reshape(-1, 1)
    mean = (acc0[...] + acc1[...]) / jnp.maximum(c, 1.0)
    logits = (jnp.dot(mean, wl[...], preferred_element_type=f32)
              + jnp.dot(ht[...], wr[...], preferred_element_type=f32)
              + b[...])[:, :D_OUT]
    m = jnp.max(logits, axis=-1, keepdims=True)
    z = logits - m
    lse = jnp.log(jnp.sum(jnp.exp(z), axis=-1, keepdims=True))
    out[...] = z - lse


def _stage_g(acc, cnt, h1, W_l1, W_r1, b1):
    blk = 512
    wl = jnp.zeros((D, D), f32).at[:, :D_OUT].set(W_l1)
    wr = jnp.zeros((D, D), f32).at[:, :D_OUT].set(W_r1)
    bb = jnp.zeros((1, D), f32).at[0, :D_OUT].set(b1)
    return pl.pallas_call(
        _stage_g_body,
        grid=(N_DST1 // blk,),
        in_specs=[
            pl.BlockSpec((blk, D), lambda i: (i, 0)),
            pl.BlockSpec((blk, D), lambda i: (i, 0)),
            pl.BlockSpec((NW, blk), lambda i: (0, i)),
            pl.BlockSpec((blk, D), lambda i: (i, 0)),
            pl.BlockSpec((D, D), lambda i: (0, 0)),
            pl.BlockSpec((D, D), lambda i: (0, 0)),
            pl.BlockSpec((1, D), lambda i: (0, 0)),
        ],
        out_specs=pl.BlockSpec((blk, D_OUT), lambda i: (i, 0)),
        out_shape=jax.ShapeDtypeStruct((N_DST1, D_OUT), f32),
    )(acc[0], acc[1], cnt, h1[:N_DST1], wl, wr, bb)


def kernel(x, feat_cache, hit_idx, hit_mask, edge_index0, edge_index1, n_id,
           emb_cache_table, emb_cache, push_batch_id, push_global_id,
           pull_batch_id, pull_global_id, W_l0, W_r0, b0, W_l1, W_r1, b1):
    del n_id
    hit_pos = jnp.nonzero(hit_mask, size=N_HIT)[0].astype(i32)
    miss_pos = jnp.nonzero(jnp.logical_not(hit_mask), size=N_MISS)[0].astype(i32)

    hit_idx_p = jnp.zeros((HP,), i32).at[:N_HIT].set(hit_idx.astype(i32))
    hit_pos_p = jnp.full((HP,), N_SRC0, i32).at[:N_HIT].set(hit_pos)
    miss_pos_p = jnp.full((HP,), N_SRC0 + 1, i32).at[:N_MISS].set(miss_pos)
    x_p = jnp.zeros((HP, D), f32).at[:N_MISS].set(x)
    tabr = jnp.zeros((200064,), i32).at[:GLOBAL_N].set(
        emb_cache_table.astype(i32)).reshape(-1, 128)

    h, prow, lrow = _stage_a(
        feat_cache, hit_idx_p.reshape(-1, A_CH), hit_pos_p.reshape(-1, A_CH),
        x_p, miss_pos_p.reshape(-1, A_CH), tabr,
        push_global_id.astype(i32), pull_global_id.astype(i32))

    src0 = jnp.zeros((E0P,), i32).at[:E0].set(edge_index0[0].astype(i32))
    dst0 = jnp.full((E0P,), N_DST0, i32).at[:E0].set(edge_index0[1].astype(i32))
    acc0, hist0 = _stage_b(h, src0.reshape(-1, 128), dst0.reshape(-1, 128))

    h0 = _stage_c(acc0, hist0.reshape(NW, ACC0_ROWS), h, W_l0, W_r0, b0)

    sc1, sc2, pbx, spull = _stage_d(
        prow, push_global_id.astype(i32), push_batch_id.astype(i32),
        lrow, pull_global_id.astype(i32), pull_batch_id.astype(i32))

    h1 = _stage_e(h0, emb_cache, spull.reshape(-1), sc1.reshape(-1),
                  sc2.reshape(-1), pbx.reshape(-1))

    src1 = edge_index1[0].astype(i32)
    dst1 = edge_index1[1].astype(i32)
    acc1, hist1 = _stage_f(h1, src1.reshape(-1, 128), dst1.reshape(-1, 128))

    return _stage_g(acc1, hist1.reshape(NW, N_DST1), h1, W_l1, W_r1, b1)

# --- scband reference (transcript-rebuilt; emitter-appended) ---
"""Pipeline reference for scband-sage-prune-55224689492462 (READ-ONLY COPY).

The authoritative reference and input builder live on the scoring server;
editing this copy changes nothing except your own understanding.
"""

import jax, jax.numpy as jnp
import numpy as np

N_SRC0 = 50000
N_DST0 = 10000
N_DST1 = 2048
E0 = 320000
E1 = 65536
D_IN = 128
D_HID = 128
D_OUT = 47
FEAT_CACHE_ROWS = 200000
EMB_CACHE_ROWS = 100000
GLOBAL_N = 200000
N_HIT = 25000
N_MISS = 25000
N_PUSH = 2048
N_PULL = 2048


def setup_inputs(seed: int = 0):
    key = jax.random.key(seed)
    ks = jax.random.split(key, 24)
    x = jax.random.normal(ks[0], (N_MISS, D_IN), dtype=jnp.float32)
    feat_cache = jax.random.normal(ks[1], (FEAT_CACHE_ROWS, D_IN), dtype=jnp.float32)
    hit_idx = jax.random.randint(ks[2], (N_HIT,), 0, FEAT_CACHE_ROWS)
    # exactly N_HIT True entries so hit/miss partition has static sizes
    hit_mask = (jnp.arange(N_SRC0) % 2) == 0
    src0 = jax.random.randint(ks[3], (E0,), 0, N_SRC0)
    dst0 = jax.random.randint(ks[4], (E0,), 0, N_DST0)
    edge_index0 = jnp.stack([src0, dst0])
    src1 = jax.random.randint(ks[5], (E1,), 0, N_DST0)
    dst1 = jax.random.randint(ks[6], (E1,), 0, N_DST1)
    edge_index1 = jnp.stack([src1, dst1])
    n_id = jax.random.randint(ks[7], (N_SRC0,), 0, GLOBAL_N)
    emb_cache_table = jax.random.randint(ks[8], (GLOBAL_N,), 0, EMB_CACHE_ROWS)
    emb_cache = jax.random.normal(ks[9], (EMB_CACHE_ROWS, D_HID), dtype=jnp.float32)
    push_batch_id = jax.random.randint(ks[10], (N_PUSH,), 0, N_DST0)
    push_global_id = jax.random.randint(ks[11], (N_PUSH,), 0, GLOBAL_N)
    pull_batch_id = jax.random.randint(ks[12], (N_PULL,), 0, N_DST0)
    pull_global_id = jax.random.randint(ks[13], (N_PULL,), 0, GLOBAL_N)
    W_l0 = jax.random.normal(ks[14], (D_IN, D_HID), dtype=jnp.float32) / np.sqrt(D_IN)
    W_r0 = jax.random.normal(ks[15], (D_IN, D_HID), dtype=jnp.float32) / np.sqrt(D_IN)
    b0 = jnp.zeros((D_HID,), jnp.float32)
    W_l1 = jax.random.normal(ks[16], (D_HID, D_OUT), dtype=jnp.float32) / np.sqrt(D_HID)
    W_r1 = jax.random.normal(ks[17], (D_HID, D_OUT), dtype=jnp.float32) / np.sqrt(D_HID)
    b1 = jnp.zeros((D_OUT,), jnp.float32)
    return {
        'x': x, 'feat_cache': feat_cache, 'hit_idx': hit_idx, 'hit_mask': hit_mask,
        'edge_index0': edge_index0, 'edge_index1': edge_index1, 'n_id': n_id,
        'emb_cache_table': emb_cache_table, 'emb_cache': emb_cache,
        'push_batch_id': push_batch_id, 'push_global_id': push_global_id,
        'pull_batch_id': pull_batch_id, 'pull_global_id': pull_global_id,
        'W_l0': W_l0, 'W_r0': W_r0, 'b0': b0, 'W_l1': W_l1, 'W_r1': W_r1, 'b1': b1,
    }


def _sage_conv(h_src, h_dst, edge_index, num_dst, W_l, W_r, b):
    # PyG SAGEConv (mean aggregation, root weight, bias)
    msg = jnp.take(h_src, edge_index[0], axis=0)
    agg = jax.ops.segment_sum(msg, edge_index[1], num_segments=num_dst)
    cnt = jax.ops.segment_sum(jnp.ones((edge_index.shape[1], 1), msg.dtype), edge_index[1], num_segments=num_dst)
    mean = agg / jnp.maximum(cnt, 1.0)
    return mean @ W_l + h_dst @ W_r + b


def reference(x, feat_cache, hit_idx, hit_mask, edge_index0, edge_index1, n_id,
              emb_cache_table, emb_cache, push_batch_id, push_global_id,
              pull_batch_id, pull_global_id, W_l0, W_r0, b0, W_l1, W_r1, b1):
    # feature-cache assembly: gather hits from pinned cache, fill misses from x
    hit_feature = jnp.take(feat_cache, hit_idx, axis=0)
    hit_pos = jnp.nonzero(hit_mask, size=N_HIT)[0]
    miss_pos = jnp.nonzero(jnp.logical_not(hit_mask), size=N_MISS)[0]
    h = jnp.zeros((N_SRC0, D_IN), x.dtype)
    h = h.at[hit_pos].set(hit_feature)
    h = h.at[miss_pos].set(x)
    # layer 0 (non-final): SAGEConv + relu (dropout is identity in eval)
    h_t = h[:N_DST0]
    h = _sage_conv(h, h_t, edge_index0, N_DST0, W_l0, W_r0, b0)
    h = jax.nn.relu(h)
    # layer 1 (final): historical-embedding cache push (detached) then pull
    slot_push = jnp.take(emb_cache_table, push_global_id, axis=0)
    cache2 = emb_cache.at[slot_push].set(jax.lax.stop_gradient(jnp.take(h, push_batch_id, axis=0)))
    slot_pull = jnp.take(emb_cache_table, pull_global_id, axis=0)
    h = h.at[pull_batch_id].set(jnp.take(cache2, slot_pull, axis=0))
    h_t = h[:N_DST1]
    out = _sage_conv(h, h_t, edge_index1, N_DST1, W_l1, W_r1, b1)
    return jax.nn.log_softmax(out, axis=-1)

if __name__ == "__main__":
    import jax
    _d = setup_inputs()
    print(jax.jit(kernel)(*tuple(_d.values())))

</pallas_src>

<mosaic_0001>
#map = affine_map<(d0, d1) -> (0, 0)>
#map1 = affine_map<(d0, d1) -> (0, 0, 0)>
module attributes {stable_mosaic.version = 14 : i64} {
  func.func @_agg_kernel(%arg0: i32, %arg1: i32, %arg2: memref<50064x128xf32, #tpu.memory_space<hbm>>, %arg3: memref<2560x128xi32, #tpu.memory_space<hbm>>, %arg4: memref<2560x128xi32, #tpu.memory_space<hbm>>, %arg5: memref<2x10240x128xf32, #tpu.memory_space<hbm>>, %arg6: memref<2560x128xf32, #tpu.memory_space<hbm>>, %arg7: memref<80x128xi32, #tpu.memory_space<vmem>>, %arg8: memref<80x128xi32, #tpu.memory_space<vmem>>, %arg9: memref<128x128xf32, #tpu.memory_space<vmem>>, %arg10: memref<80x128xf32, #tpu.memory_space<vmem>>, %arg11: memref<10240x128xf32, #tpu.memory_space<vmem_shared>>, %arg12: memref<!tpu.dma_semaphore, #tpu.memory_space<semaphore_mem>>) attributes {dimension_semantics = [#tpu.dimension_semantics<core_parallel>, #tpu.dimension_semantics<subcore_parallel>], iteration_bounds = array<i64: 2, 16>, scalar_prefetch = 0 : i64, scratch_operands = 6 : i64, tpu.core_type = #tpu.core_type<sc_vector_subcore>, window_params = [{transform_indices = #map}, {transform_indices = #map}, {transform_indices = #map}, {transform_indices = #map1}, {transform_indices = #map}]} {
    %mul3A = arith.constant 2 : i32
    %mul3A_0 = arith.muli %arg1, %mul3A : i32
    %add3A = arith.addi %mul3A_0, %arg0 : i32
    %scan3A = arith.constant 0 : i32
    %scan3A_1 = arith.constant 0 : i32
    %scan3A_2 = arith.constant 1024 : i32
    %scan3A_3 = arith.addi %scan3A_1, %scan3A_2 : i32
    %scan3A_4 = arith.constant 1 : i32
    %scan3A_5 = scf.for %scan3A_68 = %scan3A_1 to %scan3A_3 step %scan3A_4 iter_args(%scan3A_69 = %scan3A) -> (i32)  : i32 {
      %jit3A = arith.constant 8 : i32
      %div3A = arith.divsi %scan3A_68, %jit3A : i32
      %sign3A = arith.constant 0 : i32
      %sign3A_70 = arith.cmpi sgt, %scan3A_68, %sign3A : i32
      %sign3A_71 = arith.extui %sign3A_70 : i1 to i32
      %sign3A_72 = arith.constant 0 : i32
      %sign3A_73 = arith.cmpi slt, %scan3A_68, %sign3A_72 : i32
      %sign3A_74 = arith.extui %sign3A_73 : i1 to i32
      %sign3A_75 = arith.subi %sign3A_71, %sign3A_74 : i32
      %sign3A_76 = arith.constant 0 : i32
      %sign3A_77 = arith.cmpi sgt, %jit3A, %sign3A_76 : i32
      %sign3A_78 = arith.extui %sign3A_77 : i1 to i32
      %sign3A_79 = arith.constant 0 : i32
      %sign3A_80 = arith.cmpi slt, %jit3A, %sign3A_79 : i32
      %sign3A_81 = arith.extui %sign3A_80 : i1 to i32
      %sign3A_82 = arith.subi %sign3A_78, %sign3A_81 : i32
      %ne3A = arith.cmpi ne, %sign3A_75, %sign3A_82 : i32
      %rem3A = arith.remsi %scan3A_68, %jit3A : i32
      %ne3A_83 = arith.constant 0 : i32
      %ne3A_84 = arith.cmpi ne, %rem3A, %ne3A_83 : i32
      %and3A = arith.andi %ne3A, %ne3A_84 : i1
      %sub3A = arith.constant 1 : i32
      %sub3A_85 = arith.subi %div3A, %sub3A : i32
      %select_n3A = arith.select %and3A, %sub3A_85, %div3A : i32
      %jit3A_86 = arith.constant 8 : i32
      %eq3A = arith.constant 0 : i32
      %eq3A_87 = arith.cmpi eq, %jit3A_86, %eq3A : i32
      %jit3A_88 = arith.constant 1 : i32
      %select_n3A_89 = arith.select %eq3A_87, %jit3A_88, %jit3A_86 : i32
      %rem3A_90 = arith.remsi %scan3A_68, %select_n3A_89 : i32
      %ne3A_91 = arith.constant 0 : i32
      %ne3A_92 = arith.cmpi ne, %rem3A_90, %ne3A_91 : i32
      %lt3A = arith.constant 0 : i32
      %lt3A_93 = arith.cmpi slt, %rem3A_90, %lt3A : i32
      %lt3A_94 = arith.constant 0 : i32
      %lt3A_95 = arith.cmpi slt, %select_n3A_89, %lt3A_94 : i32
      %ne3A_96 = arith.xori %lt3A_93, %lt3A_95 : i1
      %and3A_97 = arith.andi %ne3A_96, %ne3A_92 : i1
      %add3A_98 = arith.addi %rem3A_90, %select_n3A_89 : i32
      %select_n3A_99 = arith.select %and3A_97, %add3A_98, %rem3A_90 : i32
      %mul3A_100 = arith.constant 16 : i32
      %mul3A_101 = arith.muli %select_n3A_99, %mul3A_100 : i32
      %broadcast_in_dim3A_102 = arith.constant 0.000000e+00 : f32
      %broadcast_in_dim3A_103 = vector.broadcast %broadcast_in_dim3A_102 : f32 to vector<16xf32>
      %swap3A = arith.index_cast %select_n3A : i32 to index
      %swap3A_104 = arith.index_cast %mul3A_101 : i32 to index
      %swap3A_105 = tpu.vector_load %arg9[%swap3A, %swap3A_104] {strides = array<i32>} : memref<128x128xf32, #tpu.memory_space<vmem>>, vector<16xf32>,
      tpu.vector_store %arg9[%swap3A, %swap3A_104], %broadcast_in_dim3A_103 {strides = array<i32>} : memref<128x128xf32, #tpu.memory_space<vmem>>, vector<16xf32>,
      %scan3A_106 = arith.constant 0 : i32
      scf.yield %scan3A_106 : i32
    }
    %scan3A_6 = arith.constant 1024 : i32
    %scan3A_7 = arith.constant 0 : i32
    %scan3A_8 = arith.constant 0 : i32
    %scan3A_9 = arith.constant 640 : i32
    %scan3A_10 = arith.addi %scan3A_8, %scan3A_9 : i32
    %scan3A_11 = arith.constant 1 : i32
    %scan3A_12 = scf.for %scan3A_68 = %scan3A_8 to %scan3A_10 step %scan3A_11 iter_args(%scan3A_69 = %scan3A_7) -> (i32)  : i32 {
      %jit3A = arith.constant 8 : i32
      %div3A = arith.divsi %scan3A_68, %jit3A : i32
      %sign3A = arith.constant 0 : i32
      %sign3A_70 = arith.cmpi sgt, %scan3A_68, %sign3A : i32
      %sign3A_71 = arith.extui %sign3A_70 : i1 to i32
      %sign3A_72 = arith.constant 0 : i32
      %sign3A_73 = arith.cmpi slt, %scan3A_68, %sign3A_72 : i32
      %sign3A_74 = arith.extui %sign3A_73 : i1 to i32
      %sign3A_75 = arith.subi %sign3A_71, %sign3A_74 : i32
      %sign3A_76 = arith.constant 0 : i32
      %sign3A_77 = arith.cmpi sgt, %jit3A, %sign3A_76 : i32
      %sign3A_78 = arith.extui %sign3A_77 : i1 to i32
      %sign3A_79 = arith.constant 0 : i32
      %sign3A_80 = arith.cmpi slt, %jit3A, %sign3A_79 : i32
      %sign3A_81 = arith.extui %sign3A_80 : i1 to i32
      %sign3A_82 = arith.subi %sign3A_78, %sign3A_81 : i32
      %ne3A = arith.cmpi ne, %sign3A_75, %sign3A_82 : i32
      %rem3A = arith.remsi %scan3A_68, %jit3A : i32
      %ne3A_83 = arith.constant 0 : i32
      %ne3A_84 = arith.cmpi ne, %rem3A, %ne3A_83 : i32
      %and3A = arith.andi %ne3A, %ne3A_84 : i1
      %sub3A = arith.constant 1 : i32
      %sub3A_85 = arith.subi %div3A, %sub3A : i32
      %select_n3A = arith.select %and3A, %sub3A_85, %div3A : i32
      %jit3A_86 = arith.constant 8 : i32
      %eq3A = arith.constant 0 : i32
      %eq3A_87 = arith.cmpi eq, %jit3A_86, %eq3A : i32
      %jit3A_88 = arith.constant 1 : i32
      %select_n3A_89 = arith.select %eq3A_87, %jit3A_88, %jit3A_86 : i32
      %rem3A_90 = arith.remsi %scan3A_68, %select_n3A_89 : i32
      %ne3A_91 = arith.constant 0 : i32
      %ne3A_92 = arith.cmpi ne, %rem3A_90, %ne3A_91 : i32
      %lt3A = arith.constant 0 : i32
      %lt3A_93 = arith.cmpi slt, %rem3A_90, %lt3A : i32
      %lt3A_94 = arith.constant 0 : i32
      %lt3A_95 = arith.cmpi slt, %select_n3A_89, %lt3A_94 : i32
      %ne3A_96 = arith.xori %lt3A_93, %lt3A_95 : i1
      %and3A_97 = arith.andi %ne3A_96, %ne3A_92 : i1
      %add3A_98 = arith.addi %rem3A_90, %select_n3A_89 : i32
      %select_n3A_99 = arith.select %and3A_97, %add3A_98, %rem3A_90 : i32
      %mul3A_100 = arith.constant 16 : i32
      %mul3A_101 = arith.muli %select_n3A_99, %mul3A_100 : i32
      %broadcast_in_dim3A_102 = arith.constant 0.000000e+00 : f32
      %broadcast_in_dim3A_103 = vector.broadcast %broadcast_in_dim3A_102 : f32 to vector<16xf32>
      %swap3A = arith.index_cast %select_n3A : i32 to index
      %swap3A_104 = arith.index_cast %mul3A_101 : i32 to index
      %swap3A_105 = tpu.vector_load %arg10[%swap3A, %swap3A_104] {strides = array<i32>} : memref<80x128xf32, #tpu.memory_space<vmem>>, vector<16xf32>,
      tpu.vector_store %arg10[%swap3A, %swap3A_104], %broadcast_in_dim3A_103 {strides = array<i32>} : memref<80x128xf32, #tpu.memory_space<vmem>>, vector<16xf32>,
      %scan3A_106 = arith.constant 0 : i32
      scf.yield %scan3A_106 : i32
    }
    %scan3A_13 = arith.constant 640 : i32
    %mul3A_14 = arith.constant 640 : i32
    %mul3A_15 = arith.muli %arg1, %mul3A_14 : i32
    %add3A_16 = arith.constant 0 : i32
    %add3A_17 = arith.addi %mul3A_15, %add3A_16 : i32
    "tpu.region"() ({
      %run_scoped3A = tpu.sem_alloc : memref<!tpu.dma_semaphore, #tpu.memory_space<semaphore_mem>>
      %dma_start3A = arith.constant 0 : i32
      %dma_start3A_68 = tpu.memref_slice %arg11[%add3A_17, %dma_start3A] : memref<10240x128xf32, #tpu.memory_space<vmem_shared>> -> memref<128x128xf32, #tpu.memory_space<vmem_shared>>
      %dma_start3A_69 = arith.constant 0 : i32
      %dma_start3A_70 = tpu.memref_slice %arg11[%add3A_17, %dma_start3A_69] : memref<10240x128xf32, #tpu.memory_space<vmem_shared>> -> memref<128x128xf32, #tpu.memory_space<vmem_shared>>
      tpu.enqueue_dma source(%arg9 : memref<128x128xf32, #tpu.memory_space<vmem>>) target(%dma_start3A_70 : memref<128x128xf32, #tpu.memory_space<vmem_shared>>) target_semaphore(%run_scoped3A : memref<!tpu.dma_semaphore, #tpu.memory_space<semaphore_mem>>)
      %dma_wait3A = arith.constant 0 : i32
      %dma_wait3A_71 = tpu.memref_slice %arg11[%add3A_17, %dma_wait3A] : memref<10240x128xf32, #tpu.memory_space<vmem_shared>> -> memref<128x128xf32, #tpu.memory_space<vmem_shared>>
      %dma_wait3A_72 = arith.constant 0 : i32
      %dma_wait3A_73 = tpu.memref_slice %arg11[%add3A_17, %dma_wait3A_72] : memref<10240x128xf32, #tpu.memory_space<vmem_shared>> -> memref<128x128xf32, #tpu.memory_space<vmem_shared>>
      tpu.wait_dma2 semaphore(%run_scoped3A : memref<!tpu.dma_semaphore, #tpu.memory_space<semaphore_mem>>) src(%arg9 : memref<128x128xf32, #tpu.memory_space<vmem>>) dst(%dma_wait3A_73 : memref<128x128xf32, #tpu.memory_space<vmem_shared>>)
      tpu.yield
    }) : () -> ()
    %add3A_18 = arith.constant 128 : i32
    %add3A_19 = arith.addi %mul3A_15, %add3A_18 : i32
    "tpu.region"() ({
      %run_scoped3A = tpu.sem_alloc : memref<!tpu.dma_semaphore, #tpu.memory_space<semaphore_mem>>
      %dma_start3A = arith.constant 0 : i32
      %dma_start3A_68 = tpu.memref_slice %arg11[%add3A_19, %dma_start3A] : memref<10240x128xf32, #tpu.memory_space<vmem_shared>> -> memref<128x128xf32, #tpu.memory_space<vmem_shared>>
      %dma_start3A_69 = arith.constant 0 : i32
      %dma_start3A_70 = tpu.memref_slice %arg11[%add3A_19, %dma_start3A_69] : memref<10240x128xf32, #tpu.memory_space<vmem_shared>> -> memref<128x128xf32, #tpu.memory_space<vmem_shared>>
      tpu.enqueue_dma source(%arg9 : memref<128x128xf32, #tpu.memory_space<vmem>>) target(%dma_start3A_70 : memref<128x128xf32, #tpu.memory_space<vmem_shared>>) target_semaphore(%run_scoped3A : memref<!tpu.dma_semaphore, #tpu.memory_space<semaphore_mem>>)
      %dma_wait3A = arith.constant 0 : i32
      %dma_wait3A_71 = tpu.memref_slice %arg11[%add3A_19, %dma_wait3A] : memref<10240x128xf32, #tpu.memory_space<vmem_shared>> -> memref<128x128xf32, #tpu.memory_space<vmem_shared>>
      %dma_wait3A_72 = arith.constant 0 : i32
      %dma_wait3A_73 = tpu.memref_slice %arg11[%add3A_19, %dma_wait3A_72] : memref<10240x128xf32, #tpu.memory_space<vmem_shared>> -> memref<128x128xf32, #tpu.memory_space<vmem_shared>>
      tpu.wait_dma2 semaphore(%run_scoped3A : memref<!tpu.dma_semaphore, #tpu.memory_space<semaphore_mem>>) src(%arg9 : memref<128x128xf32, #tpu.memory_space<vmem>>) dst(%dma_wait3A_73 : memref<128x128xf32, #tpu.memory_space<vmem_shared>>)
      tpu.yield
    }) : () -> ()
    %add3A_20 = arith.constant 256 : i32
    %add3A_21 = arith.addi %mul3A_15, %add3A_20 : i32
    "tpu.region"() ({
      %run_scoped3A = tpu.sem_alloc : memref<!tpu.dma_semaphore, #tpu.memory_space<semaphore_mem>>
      %dma_start3A = arith.constant 0 : i32
      %dma_start3A_68 = tpu.memref_slice %arg11[%add3A_21, %dma_start3A] : memref<10240x128xf32, #tpu.memory_space<vmem_shared>> -> memref<128x128xf32, #tpu.memory_space<vmem_shared>>
      %dma_start3A_69 = arith.constant 0 : i32
      %dma_start3A_70 = tpu.memref_slice %arg11[%add3A_21, %dma_start3A_69] : memref<10240x128xf32, #tpu.memory_space<vmem_shared>> -> memref<128x128xf32, #tpu.memory_space<vmem_shared>>
      tpu.enqueue_dma source(%arg9 : memref<128x128xf32, #tpu.memory_space<vmem>>) target(%dma_start3A_70 : memref<128x128xf32, #tpu.memory_space<vmem_shared>>) target_semaphore(%run_scoped3A : memref<!tpu.dma_semaphore, #tpu.memory_space<semaphore_mem>>)
      %dma_wait3A = arith.constant 0 : i32
      %dma_wait3A_71 = tpu.memref_slice %arg11[%add3A_21, %dma_wait3A] : memref<10240x128xf32, #tpu.memory_space<vmem_shared>> -> memref<128x128xf32, #tpu.memory_space<vmem_shared>>
      %dma_wait3A_72 = arith.constant 0 : i32
      %dma_wait3A_73 = tpu.memref_slice %arg11[%add3A_21, %dma_wait3A_72] : memref<10240x128xf32, #tpu.memory_space<vmem_shared>> -> memref<128x128xf32, #tpu.memory_space<vmem_shared>>
      tpu.wait_dma2 semaphore(%run_scoped3A : memref<!tpu.dma_semaphore, #tpu.memory_space<semaphore_mem>>) src(%arg9 : memref<128x128xf32, #tpu.memory_space<vmem>>) dst(%dma_wait3A_73 : memref<128x128xf32, #tpu.memory_space<vmem_shared>>)
      tpu.yield
    }) : () -> ()
    %add3A_22 = arith.constant 384 : i32
    %add3A_23 = arith.addi %mul3A_15, %add3A_22 : i32
    "tpu.region"() ({
      %run_scoped3A = tpu.sem_alloc : memref<!tpu.dma_semaphore, #tpu.memory_space<semaphore_mem>>
      %dma_start3A = arith.constant 0 : i32
      %dma_start3A_68 = tpu.memref_slice %arg11[%add3A_23, %dma_start3A] : memref<10240x128xf32, #tpu.memory_space<vmem_shared>> -> memref<128x128xf32, #tpu.memory_space<vmem_shared>>
      %dma_start3A_69 = arith.constant 0 : i32
      %dma_start3A_70 = tpu.memref_slice %arg11[%add3A_23, %dma_start3A_69] : memref<10240x128xf32, #tpu.memory_space<vmem_shared>> -> memref<128x128xf32, #tpu.memory_space<vmem_shared>>
      tpu.enqueue_dma source(%arg9 : memref<128x128xf32, #tpu.memory_space<vmem>>) target(%dma_start3A_70 : memref<128x128xf32, #tpu.memory_space<vmem_shared>>) target_semaphore(%run_scoped3A : memref<!tpu.dma_semaphore, #tpu.memory_space<semaphore_mem>>)
      %dma_wait3A = arith.constant 0 : i32
      %dma_wait3A_71 = tpu.memref_slice %arg11[%add3A_23, %dma_wait3A] : memref<10240x128xf32, #tpu.memory_space<vmem_shared>> -> memref<128x128xf32, #tpu.memory_space<vmem_shared>>
      %dma_wait3A_72 = arith.constant 0 : i32
      %dma_wait3A_73 = tpu.memref_slice %arg11[%add3A_23, %dma_wait3A_72] : memref<10240x128xf32, #tpu.memory_space<vmem_shared>> -> memref<128x128xf32, #tpu.memory_space<vmem_shared>>
      tpu.wait_dma2 semaphore(%run_scoped3A : memref<!tpu.dma_semaphore, #tpu.memory_space<semaphore_mem>>) src(%arg9 : memref<128x128xf32, #tpu.memory_space<vmem>>) dst(%dma_wait3A_73 : memref<128x128xf32, #tpu.memory_space<vmem_shared>>)
      tpu.yield
    }) : () -> ()
    %add3A_24 = arith.constant 512 : i32
    %add3A_25 = arith.addi %mul3A_15, %add3A_24 : i32
    "tpu.region"() ({
      %run_scoped3A = tpu.sem_alloc : memref<!tpu.dma_semaphore, #tpu.memory_space<semaphore_mem>>
      %dma_start3A = arith.constant 0 : i32
      %dma_start3A_68 = tpu.memref_slice %arg11[%add3A_25, %dma_start3A] : memref<10240x128xf32, #tpu.memory_space<vmem_shared>> -> memref<128x128xf32, #tpu.memory_space<vmem_shared>>
      %dma_start3A_69 = arith.constant 0 : i32
      %dma_start3A_70 = tpu.memref_slice %arg11[%add3A_25, %dma_start3A_69] : memref<10240x128xf32, #tpu.memory_space<vmem_shared>> -> memref<128x128xf32, #tpu.memory_space<vmem_shared>>
      tpu.enqueue_dma source(%arg9 : memref<128x128xf32, #tpu.memory_space<vmem>>) target(%dma_start3A_70 : memref<128x128xf32, #tpu.memory_space<vmem_shared>>) target_semaphore(%run_scoped3A : memref<!tpu.dma_semaphore, #tpu.memory_space<semaphore_mem>>)
      %dma_wait3A = arith.constant 0 : i32
      %dma_wait3A_71 = tpu.memref_slice %arg11[%add3A_25, %dma_wait3A] : memref<10240x128xf32, #tpu.memory_space<vmem_shared>> -> memref<128x128xf32, #tpu.memory_space<vmem_shared>>
      %dma_wait3A_72 = arith.constant 0 : i32
      %dma_wait3A_73 = tpu.memref_slice %arg11[%add3A_25, %dma_wait3A_72] : memref<10240x128xf32, #tpu.memory_space<vmem_shared>> -> memref<128x128xf32, #tpu.memory_space<vmem_shared>>
      tpu.wait_dma2 semaphore(%run_scoped3A : memref<!tpu.dma_semaphore, #tpu.memory_space<semaphore_mem>>) src(%arg9 : memref<128x128xf32, #tpu.memory_space<vmem>>) dst(%dma_wait3A_73 : memref<128x128xf32, #tpu.memory_space<vmem_shared>>)
      tpu.yield
    }) : () -> ()
    %barrier3A = arith.constant 0 : index
    tpu.barrier barrier_id(%barrier3A)
    %mul3A_26 = arith.constant 80 : i32
    %mul3A_27 = arith.muli %add3A, %mul3A_26 : i32
    "tpu.region"() ({
      %run_scoped3A = tpu.sem_alloc : memref<!tpu.dma_semaphore, #tpu.memory_space<semaphore_mem>>
      %dma_start3A = arith.constant 0 : i32
      %dma_start3A_68 = tpu.memref_slice %arg3[%mul3A_27, %dma_start3A] : memref<2560x128xi32, #tpu.memory_space<hbm>> -> memref<80x128xi32, #tpu.memory_space<hbm>>
      %dma_start3A_69 = arith.constant 0 : i32
      %dma_start3A_70 = tpu.memref_slice %arg3[%mul3A_27, %dma_start3A_69] : memref<2560x128xi32, #tpu.memory_space<hbm>> -> memref<80x128xi32, #tpu.memory_space<hbm>>
      tpu.enqueue_dma source(%dma_start3A_70 : memref<80x128xi32, #tpu.memory_space<hbm>>) target(%arg7 : memref<80x128xi32, #tpu.memory_space<vmem>>) target_semaphore(%run_scoped3A : memref<!tpu.dma_semaphore, #tpu.memory_space<semaphore_mem>>)
      %dma_wait3A = arith.constant 0 : i32
      %dma_wait3A_71 = tpu.memref_slice %arg3[%mul3A_27, %dma_wait3A] : memref<2560x128xi32, #tpu.memory_space<hbm>> -> memref<80x128xi32, #tpu.memory_space<hbm>>
      %dma_wait3A_72 = arith.constant 0 : i32
      %dma_wait3A_73 = tpu.memref_slice %arg3[%mul3A_27, %dma_wait3A_72] : memref<2560x128xi32, #tpu.memory_space<hbm>> -> memref<80x128xi32, #tpu.memory_space<hbm>>
      tpu.wait_dma2 semaphore(%run_scoped3A : memref<!tpu.dma_semaphore, #tpu.memory_space<semaphore_mem>>) src(%dma_wait3A_73 : memref<80x128xi32, #tpu.memory_space<hbm>>) dst(%arg7 : memref<80x128xi32, #tpu.memory_space<vmem>>)
      tpu.yield
    }) : () -> ()
    %mul3A_28 = arith.constant 80 : i32
    %mul3A_29 = arith.muli %add3A, %mul3A_28 : i32
    "tpu.region"() ({
      %run_scoped3A = tpu.sem_alloc : memref<!tpu.dma_semaphore, #tpu.memory_space<semaphore_mem>>
      %dma_start3A = arith.constant 0 : i32
      %dma_start3A_68 = tpu.memref_slice %arg4[%mul3A_29, %dma_start3A] : memref<2560x128xi32, #tpu.memory_space<hbm>> -> memref<80x128xi32, #tpu.memory_space<hbm>>
      %dma_start3A_69 = arith.constant 0 : i32
      %dma_start3A_70 = tpu.memref_slice %arg4[%mul3A_29, %dma_start3A_69] : memref<2560x128xi32, #tpu.memory_space<hbm>> -> memref<80x128xi32, #tpu.memory_space<hbm>>
      tpu.enqueue_dma source(%dma_start3A_70 : memref<80x128xi32, #tpu.memory_space<hbm>>) target(%arg8 : memref<80x128xi32, #tpu.memory_space<vmem>>) target_semaphore(%run_scoped3A : memref<!tpu.dma_semaphore, #tpu.memory_space<semaphore_mem>>)
      %dma_wait3A = arith.constant 0 : i32
      %dma_wait3A_71 = tpu.memref_slice %arg4[%mul3A_29, %dma_wait3A] : memref<2560x128xi32, #tpu.memory_space<hbm>> -> memref<80x128xi32, #tpu.memory_space<hbm>>
      %dma_wait3A_72 = arith.constant 0 : i32
      %dma_wait3A_73 = tpu.memref_slice %arg4[%mul3A_29, %dma_wait3A_72] : memref<2560x128xi32, #tpu.memory_space<hbm>> -> memref<80x128xi32, #tpu.memory_space<hbm>>
      tpu.wait_dma2 semaphore(%run_scoped3A : memref<!tpu.dma_semaphore, #tpu.memory_space<semaphore_mem>>) src(%dma_wait3A_73 : memref<80x128xi32, #tpu.memory_space<hbm>>) dst(%arg8 : memref<80x128xi32, #tpu.memory_space<vmem>>)
      tpu.yield
    }) : () -> ()
    %scan3A_30 = arith.constant 0 : i32
    %scan3A_31 = arith.constant 0 : i32
    %scan3A_32 = arith.constant 80 : i32
    %scan3A_33 = arith.addi %scan3A_31, %scan3A_32 : i32
    %scan3A_34 = arith.constant 1 : i32
    %scan3A_35 = scf.for %scan3A_68 = %scan3A_31 to %scan3A_33 step %scan3A_34 iter_args(%scan3A_69 = %scan3A_30) -> (i32)  : i32 {
      %dma_start3A = arith.constant 0 : i32
      %dma_start3A_70 = tpu.memref_slice %arg7[%scan3A_68, %dma_start3A] : memref<80x128xi32, #tpu.memory_space<vmem>> -> memref<1x128xi32, #tpu.memory_space<vmem>>
      %dma_start3A_71 = tpu.memref_squeeze %dma_start3A_70 : memref<1x128xi32, #tpu.memory_space<vmem>> -> memref<128xi32, #tpu.memory_space<vmem>>
      %dma_start3A_72 = arith.constant 0 : i32
      %dma_start3A_73 = arith.constant 0 : i32
      %dma_start3A_74 = tpu.memref_slice %arg2[%dma_start3A_72, %dma_start3A_73] : memref<50064x128xf32, #tpu.memory_space<hbm>> -> memref<50064x128xf32, #tpu.memory_space<hbm>>
      tpu.enqueue_indirect_dma source(%dma_start3A_74 : memref<50064x128xf32, #tpu.memory_space<hbm>>) target(%arg9 : memref<128x128xf32, #tpu.memory_space<vmem>>) offsets(%dma_start3A_71 : memref<128xi32, #tpu.memory_space<vmem>>) semaphore(%arg12 : memref<!tpu.dma_semaphore, #tpu.memory_space<semaphore_mem>>)
      %dma_wait3A = arith.constant 0 : i32
      %dma_wait3A_75 = tpu.memref_slice %arg7[%scan3A_68, %dma_wait3A] : memref<80x128xi32, #tpu.memory_space<vmem>> -> memref<1x128xi32, #tpu.memory_space<vmem>>
      %dma_wait3A_76 = tpu.memref_squeeze %dma_wait3A_75 : memref<1x128xi32, #tpu.memory_space<vmem>> -> memref<128xi32, #tpu.memory_space<vmem>>
      %dma_wait3A_77 = arith.constant 0 : i32
      %dma_wait3A_78 = arith.constant 0 : i32
      %dma_wait3A_79 = tpu.memref_slice %arg2[%dma_wait3A_77, %dma_wait3A_78] : memref<50064x128xf32, #tpu.memory_space<hbm>> -> memref<50064x128xf32, #tpu.memory_space<hbm>>
      tpu.wait_indirect_dma semaphore(%arg12 : memref<!tpu.dma_semaphore, #tpu.memory_space<semaphore_mem>>) src(%dma_wait3A_79 : memref<50064x128xf32, #tpu.memory_space<hbm>>) dst(%arg9 : memref<128x128xf32, #tpu.memory_space<vmem>>)
      "tpu.region"() ({
        %run_scoped3A = tpu.sem_alloc : memref<!tpu.dma_semaphore, #tpu.memory_space<semaphore_mem>>
        %dma_start3A_81 = arith.constant 0 : i32
        %dma_start3A_82 = tpu.memref_slice %arg8[%scan3A_68, %dma_start3A_81] : memref<80x128xi32, #tpu.memory_space<vmem>> -> memref<1x128xi32, #tpu.memory_space<vmem>>
        %dma_start3A_83 = tpu.memref_squeeze %dma_start3A_82 : memref<1x128xi32, #tpu.memory_space<vmem>> -> memref<128xi32, #tpu.memory_space<vmem>>
        %dma_start3A_84 = arith.constant 0 : i32
        %dma_start3A_85 = arith.constant 0 : i32
        %dma_start3A_86 = tpu.memref_slice %arg11[%dma_start3A_84, %dma_start3A_85] : memref<10240x128xf32, #tpu.memory_space<vmem_shared>> -> memref<10240x128xf32, #tpu.memory_space<vmem_shared>>
        tpu.enqueue_indirect_dma source(%arg9 : memref<128x128xf32, #tpu.memory_space<vmem>>) target(%dma_start3A_86 : memref<10240x128xf32, #tpu.memory_space<vmem_shared>>) offsets(%dma_start3A_83 : memref<128xi32, #tpu.memory_space<vmem>>) semaphore(%run_scoped3A : memref<!tpu.dma_semaphore, #tpu.memory_space<semaphore_mem>>) {add = true}
        %dma_wait3A_87 = arith.constant 0 : i32
        %dma_wait3A_88 = tpu.memref_slice %arg8[%scan3A_68, %dma_wait3A_87] : memref<80x128xi32, #tpu.memory_space<vmem>> -> memref<1x128xi32, #tpu.memory_space<vmem>>
        %dma_wait3A_89 = tpu.memref_squeeze %dma_wait3A_88 : memref<1x128xi32, #tpu.memory_space<vmem>> -> memref<128xi32, #tpu.memory_space<vmem>>
        %dma_wait3A_90 = arith.constant 0 : i32
        %dma_wait3A_91 = arith.constant 0 : i32
        %dma_wait3A_92 = tpu.memref_slice %arg11[%dma_wait3A_90, %dma_wait3A_91] : memref<10240x128xf32, #tpu.memory_space<vmem_shared>> -> memref<10240x128xf32, #tpu.memory_space<vmem_shared>>
        tpu.wait_indirect_dma semaphore(%run_scoped3A : memref<!tpu.dma_semaphore, #tpu.memory_space<semaphore_mem>>) src(%arg9 : memref<128x128xf32, #tpu.memory_space<vmem>>) dst(%dma_wait3A_92 : memref<10240x128xf32, #tpu.memory_space<vmem_shared>>)
        tpu.yield
      }) : () -> ()
      %scan3A_80 = arith.constant 0 : i32
      scf.yield %scan3A_80 : i32
    }
    %scan3A_36 = arith.constant 80 : i32
    %broadcast_in_dim3A = arith.constant 1.000000e+00 : f32
    %broadcast_in_dim3A_37 = vector.broadcast %broadcast_in_dim3A : f32 to vector<16xf32>
    %scan3A_38 = arith.constant 0 : i32
    %scan3A_39 = arith.constant 0 : i32
    %scan3A_40 = arith.constant 640 : i32
    %scan3A_41 = arith.addi %scan3A_39, %scan3A_40 : i32
    %scan3A_42 = arith.constant 1 : i32
    %scan3A_43 = scf.for %scan3A_68 = %scan3A_39 to %scan3A_41 step %scan3A_42 iter_args(%scan3A_69 = %scan3A_38) -> (i32)  : i32 {
      %jit3A = arith.constant 8 : i32
      %div3A = arith.divsi %scan3A_68, %jit3A : i32
      %sign3A = arith.constant 0 : i32
      %sign3A_70 = arith.cmpi sgt, %scan3A_68, %sign3A : i32
      %sign3A_71 = arith.extui %sign3A_70 : i1 to i32
      %sign3A_72 = arith.constant 0 : i32
      %sign3A_73 = arith.cmpi slt, %scan3A_68, %sign3A_72 : i32
      %sign3A_74 = arith.extui %sign3A_73 : i1 to i32
      %sign3A_75 = arith.subi %sign3A_71, %sign3A_74 : i32
      %sign3A_76 = arith.constant 0 : i32
      %sign3A_77 = arith.cmpi sgt, %jit3A, %sign3A_76 : i32
      %sign3A_78 = arith.extui %sign3A_77 : i1 to i32
      %sign3A_79 = arith.constant 0 : i32
      %sign3A_80 = arith.cmpi slt, %jit3A, %sign3A_79 : i32
      %sign3A_81 = arith.extui %sign3A_80 : i1 to i32
      %sign3A_82 = arith.subi %sign3A_78, %sign3A_81 : i32
      %ne3A = arith.cmpi ne, %sign3A_75, %sign3A_82 : i32
      %rem3A = arith.remsi %scan3A_68, %jit3A : i32
      %ne3A_83 = arith.constant 0 : i32
      %ne3A_84 = arith.cmpi ne, %rem3A, %ne3A_83 : i32
      %and3A = arith.andi %ne3A, %ne3A_84 : i1
      %sub3A = arith.constant 1 : i32
      %sub3A_85 = arith.subi %div3A, %sub3A : i32
      %select_n3A = arith.select %and3A, %sub3A_85, %div3A : i32
      %jit3A_86 = arith.constant 8 : i32
      %eq3A = arith.constant 0 : i32
      %eq3A_87 = arith.cmpi eq, %jit3A_86, %eq3A : i32
      %jit3A_88 = arith.constant 1 : i32
      %select_n3A_89 = arith.select %eq3A_87, %jit3A_88, %jit3A_86 : i32
      %rem3A_90 = arith.remsi %scan3A_68, %select_n3A_89 : i32
      %ne3A_91 = arith.constant 0 : i32
      %ne3A_92 = arith.cmpi ne, %rem3A_90, %ne3A_91 : i32
      %lt3A = arith.constant 0 : i32
      %lt3A_93 = arith.cmpi slt, %rem3A_90, %lt3A : i32
      %lt3A_94 = arith.constant 0 : i32
      %lt3A_95 = arith.cmpi slt, %select_n3A_89, %lt3A_94 : i32
      %ne3A_96 = arith.xori %lt3A_93, %lt3A_95 : i1
      %and3A_97 = arith.andi %ne3A_96, %ne3A_92 : i1
      %add3A_98 = arith.addi %rem3A_90, %select_n3A_89 : i32
      %select_n3A_99 = arith.select %and3A_97, %add3A_98, %rem3A_90 : i32
      %mul3A_100 = arith.constant 16 : i32
      %mul3A_101 = arith.muli %select_n3A_99, %mul3A_100 : i32
      %get3A = arith.index_cast %select_n3A : i32 to index
      %get3A_102 = arith.index_cast %mul3A_101 : i32 to index
      %get3A_103 = tpu.vector_load %arg8[%get3A, %get3A_102] {strides = array<i32>} : memref<80x128xi32, #tpu.memory_space<vmem>>, vector<16xi32>,
      %shift_right_logical3A = arith.constant 7 : i32
      %shift_right_logical3A_104 = vector.broadcast %shift_right_logical3A : i32 to vector<16xi32>
      %shift_right_logical3A_105 = arith.shrui %get3A_103, %shift_right_logical3A_104 : vector<16xi32>
      %and3A_106 = arith.constant 127 : i32
      %and3A_107 = vector.broadcast %and3A_106 : i32 to vector<16xi32>
      %and3A_108 = arith.andi %get3A_103, %and3A_107 : vector<16xi32>
      tpu.vector_store_idx %arg10[%shift_right_logical3A_105, %and3A_108], %broadcast_in_dim3A_37 {add = true} : memref<80x128xf32, #tpu.memory_space<vmem>>[vector<16xi32>, vector<16xi32>], vector<16xf32>,
      %scan3A_109 = arith.constant 0 : i32
      scf.yield %scan3A_109 : i32
    }
    %scan3A_44 = arith.constant 640 : i32
    %mul3A_45 = arith.constant 80 : i32
    %mul3A_46 = arith.muli %add3A, %mul3A_45 : i32
    "tpu.region"() ({
      %run_scoped3A = tpu.sem_alloc : memref<!tpu.dma_semaphore, #tpu.memory_space<semaphore_mem>>
      %dma_start3A = arith.constant 0 : i32
      %dma_start3A_68 = tpu.memref_slice %arg6[%mul3A_46, %dma_start3A] : memref<2560x128xf32, #tpu.memory_space<hbm>> -> memref<80x128xf32, #tpu.memory_space<hbm>>
      %dma_start3A_69 = arith.constant 0 : i32
      %dma_start3A_70 = tpu.memref_slice %arg6[%mul3A_46, %dma_start3A_69] : memref<2560x128xf32, #tpu.memory_space<hbm>> -> memref<80x128xf32, #tpu.memory_space<hbm>>
      tpu.enqueue_dma source(%arg10 : memref<80x128xf32, #tpu.memory_space<vmem>>) target(%dma_start3A_70 : memref<80x128xf32, #tpu.memory_space<hbm>>) target_semaphore(%run_scoped3A : memref<!tpu.dma_semaphore, #tpu.memory_space<semaphore_mem>>)
      %dma_wait3A = arith.constant 0 : i32
      %dma_wait3A_71 = tpu.memref_slice %arg6[%mul3A_46, %dma_wait3A] : memref<2560x128xf32, #tpu.memory_space<hbm>> -> memref<80x128xf32, #tpu.memory_space<hbm>>
      %dma_wait3A_72 = arith.constant 0 : i32
      %dma_wait3A_73 = tpu.memref_slice %arg6[%mul3A_46, %dma_wait3A_72] : memref<2560x128xf32, #tpu.memory_space<hbm>> -> memref<80x128xf32, #tpu.memory_space<hbm>>
      tpu.wait_dma2 semaphore(%run_scoped3A : memref<!tpu.dma_semaphore, #tpu.memory_space<semaphore_mem>>) src(%arg10 : memref<80x128xf32, #tpu.memory_space<vmem>>) dst(%dma_wait3A_73 : memref<80x128xf32, #tpu.memory_space<hbm>>)
      tpu.yield
    }) : () -> ()
    %barrier3A_47 = arith.constant 0 : index
    tpu.barrier barrier_id(%barrier3A_47)
    %add3A_48 = arith.constant 0 : i32
    %add3A_49 = arith.addi %mul3A_15, %add3A_48 : i32
    %add3A_50 = arith.constant 0 : i32
    %add3A_51 = arith.addi %mul3A_15, %add3A_50 : i32
    "tpu.region"() ({
      %run_scoped3A = tpu.sem_alloc : memref<!tpu.dma_semaphore, #tpu.memory_space<semaphore_mem>>
      %dma_start3A = arith.constant 0 : i32
      %dma_start3A_68 = tpu.memref_slice %arg5[%arg0, %add3A_51, %dma_start3A] : memref<2x10240x128xf32, #tpu.memory_space<hbm>> -> memref<1x128x128xf32, #tpu.memory_space<hbm>>
      %dma_start3A_69 = tpu.memref_squeeze %dma_start3A_68 : memref<1x128x128xf32, #tpu.memory_space<hbm>> -> memref<128x128xf32, #tpu.memory_space<hbm>>
      %dma_start3A_70 = arith.constant 0 : i32
      %dma_start3A_71 = tpu.memref_slice %arg11[%add3A_49, %dma_start3A_70] : memref<10240x128xf32, #tpu.memory_space<vmem_shared>> -> memref<128x128xf32, #tpu.memory_space<vmem_shared>>
      tpu.enqueue_dma source(%dma_start3A_71 : memref<128x128xf32, #tpu.memory_space<vmem_shared>>) target(%dma_start3A_69 : memref<128x128xf32, #tpu.memory_space<hbm>>) target_semaphore(%run_scoped3A : memref<!tpu.dma_semaphore, #tpu.memory_space<semaphore_mem>>)
      %dma_wait3A = arith.constant 0 : i32
      %dma_wait3A_72 = tpu.memref_slice %arg5[%arg0, %add3A_51, %dma_wait3A] : memref<2x10240x128xf32, #tpu.memory_space<hbm>> -> memref<1x128x128xf32, #tpu.memory_space<hbm>>
      %dma_wait3A_73 = tpu.memref_squeeze %dma_wait3A_72 : memref<1x128x128xf32, #tpu.memory_space<hbm>> -> memref<128x128xf32, #tpu.memory_space<hbm>>
      %dma_wait3A_74 = arith.constant 0 : i32
      %dma_wait3A_75 = tpu.memref_slice %arg11[%add3A_49, %dma_wait3A_74] : memref<10240x128xf32, #tpu.memory_space<vmem_shared>> -> memref<128x128xf32, #tpu.memory_space<vmem_shared>>
      tpu.wait_dma2 semaphore(%run_scoped3A : memref<!tpu.dma_semaphore, #tpu.memory_space<semaphore_mem>>) src(%dma_wait3A_75 : memref<128x128xf32, #tpu.memory_space<vmem_shared>>) dst(%dma_wait3A_73 : memref<128x128xf32, #tpu.memory_space<hbm>>)
      tpu.yield
    }) : () -> ()
    %add3A_52 = arith.constant 128 : i32
    %add3A_53 = arith.addi %mul3A_15, %add3A_52 : i32
    %add3A_54 = arith.constant 128 : i32
    %add3A_55 = arith.addi %mul3A_15, %add3A_54 : i32
    "tpu.region"() ({
      %run_scoped3A = tpu.sem_alloc : memref<!tpu.dma_semaphore, #tpu.memory_space<semaphore_mem>>
      %dma_start3A = arith.constant 0 : i32
      %dma_start3A_68 = tpu.memref_slice %arg5[%arg0, %add3A_55, %dma_start3A] : memref<2x10240x128xf32, #tpu.memory_space<hbm>> -> memref<1x128x128xf32, #tpu.memory_space<hbm>>
      %dma_start3A_69 = tpu.memref_squeeze %dma_start3A_68 : memref<1x128x128xf32, #tpu.memory_space<hbm>> -> memref<128x128xf32, #tpu.memory_space<hbm>>
      %dma_start3A_70 = arith.constant 0 : i32
      %dma_start3A_71 = tpu.memref_slice %arg11[%add3A_53, %dma_start3A_70] : memref<10240x128xf32, #tpu.memory_space<vmem_shared>> -> memref<128x128xf32, #tpu.memory_space<vmem_shared>>
      tpu.enqueue_dma source(%dma_start3A_71 : memref<128x128xf32, #tpu.memory_space<vmem_shared>>) target(%dma_start3A_69 : memref<128x128xf32, #tpu.memory_space<hbm>>) target_semaphore(%run_scoped3A : memref<!tpu.dma_semaphore, #tpu.memory_space<semaphore_mem>>)
      %dma_wait3A = arith.constant 0 : i32
      %dma_wait3A_72 = tpu.memref_slice %arg5[%arg0, %add3A_55, %dma_wait3A] : memref<2x10240x128xf32, #tpu.memory_space<hbm>> -> memref<1x128x128xf32, #tpu.memory_space<hbm>>
      %dma_wait3A_73 = tpu.memref_squeeze %dma_wait3A_72 : memref<1x128x128xf32, #tpu.memory_space<hbm>> -> memref<128x128xf32, #tpu.memory_space<hbm>>
      %dma_wait3A_74 = arith.constant 0 : i32
      %dma_wait3A_75 = tpu.memref_slice %arg11[%add3A_53, %dma_wait3A_74] : memref<10240x128xf32, #tpu.memory_space<vmem_shared>> -> memref<128x128xf32, #tpu.memory_space<vmem_shared>>
      tpu.wait_dma2 semaphore(%run_scoped3A : memref<!tpu.dma_semaphore, #tpu.memory_space<semaphore_mem>>) src(%dma_wait3A_75 : memref<128x128xf32, #tpu.memory_space<vmem_shared>>) dst(%dma_wait3A_73 : memref<128x128xf32, #tpu.memory_space<hbm>>)
      tpu.yield
    }) : () -> ()
    %add3A_56 = arith.constant 256 : i32
    %add3A_57 = arith.addi %mul3A_15, %add3A_56 : i32
    %add3A_58 = arith.constant 256 : i32
    %add3A_59 = arith.addi %mul3A_15, %add3A_58 : i32
    "tpu.region"() ({
      %run_scoped3A = tpu.sem_alloc : memref<!tpu.dma_semaphore, #tpu.memory_space<semaphore_mem>>
      %dma_start3A = arith.constant 0 : i32
      %dma_start3A_68 = tpu.memref_slice %arg5[%arg0, %add3A_59, %dma_start3A] : memref<2x10240x128xf32, #tpu.memory_space<hbm>> -> memref<1x128x128xf32, #tpu.memory_space<hbm>>
      %dma_start3A_69 = tpu.memref_squeeze %dma_start3A_68 : memref<1x128x128xf32, #tpu.memory_space<hbm>> -> memref<128x128xf32, #tpu.memory_space<hbm>>
      %dma_start3A_70 = arith.constant 0 : i32
      %dma_start3A_71 = tpu.memref_slice %arg11[%add3A_57, %dma_start3A_70] : memref<10240x128xf32, #tpu.memory_space<vmem_shared>> -> memref<128x128xf32, #tpu.memory_space<vmem_shared>>
      tpu.enqueue_dma source(%dma_start3A_71 : memref<128x128xf32, #tpu.memory_space<vmem_shared>>) target(%dma_start3A_69 : memref<128x128xf32, #tpu.memory_space<hbm>>) target_semaphore(%run_scoped3A : memref<!tpu.dma_semaphore, #tpu.memory_space<semaphore_mem>>)
      %dma_wait3A = arith.constant 0 : i32
      %dma_wait3A_72 = tpu.memref_slice %arg5[%arg0, %add3A_59, %dma_wait3A] : memref<2x10240x128xf32, #tpu.memory_space<hbm>> -> memref<1x128x128xf32, #tpu.memory_space<hbm>>
      %dma_wait3A_73 = tpu.memref_squeeze %dma_wait3A_72 : memref<1x128x128xf32, #tpu.memory_space<hbm>> -> memref<128x128xf32, #tpu.memory_space<hbm>>
      %dma_wait3A_74 = arith.constant 0 : i32
      %dma_wait3A_75 = tpu.memref_slice %arg11[%add3A_57, %dma_wait3A_74] : memref<10240x128xf32, #tpu.memory_space<vmem_shared>> -> memref<128x128xf32, #tpu.memory_space<vmem_shared>>
      tpu.wait_dma2 semaphore(%run_scoped3A : memref<!tpu.dma_semaphore, #tpu.memory_space<semaphore_mem>>) src(%dma_wait3A_75 : memref<128x128xf32, #tpu.memory_space<vmem_shared>>) dst(%dma_wait3A_73 : memref<128x128xf32, #tpu.memory_space<hbm>>)
      tpu.yield
    }) : () -> ()
    %add3A_60 = arith.constant 384 : i32
    %add3A_61 = arith.addi %mul3A_15, %add3A_60 : i32
    %add3A_62 = arith.constant 384 : i32
    %add3A_63 = arith.addi %mul3A_15, %add3A_62 : i32
    "tpu.region"() ({
      %run_scoped3A = tpu.sem_alloc : memref<!tpu.dma_semaphore, #tpu.memory_space<semaphore_mem>>
      %dma_start3A = arith.constant 0 : i32
      %dma_start3A_68 = tpu.memref_slice %arg5[%arg0, %add3A_63, %dma_start3A] : memref<2x10240x128xf32, #tpu.memory_space<hbm>> -> memref<1x128x128xf32, #tpu.memory_space<hbm>>
      %dma_start3A_69 = tpu.memref_squeeze %dma_start3A_68 : memref<1x128x128xf32, #tpu.memory_space<hbm>> -> memref<128x128xf32, #tpu.memory_space<hbm>>
      %dma_start3A_70 = arith.constant 0 : i32
      %dma_start3A_71 = tpu.memref_slice %arg11[%add3A_61, %dma_start3A_70] : memref<10240x128xf32, #tpu.memory_space<vmem_shared>> -> memref<128x128xf32, #tpu.memory_space<vmem_shared>>
      tpu.enqueue_dma source(%dma_start3A_71 : memref<128x128xf32, #tpu.memory_space<vmem_shared>>) target(%dma_start3A_69 : memref<128x128xf32, #tpu.memory_space<hbm>>) target_semaphore(%run_scoped3A : memref<!tpu.dma_semaphore, #tpu.memory_space<semaphore_mem>>)
      %dma_wait3A = arith.constant 0 : i32
      %dma_wait3A_72 = tpu.memref_slice %arg5[%arg0, %add3A_63, %dma_wait3A] : memref<2x10240x128xf32, #tpu.memory_space<hbm>> -> memref<1x128x128xf32, #tpu.memory_space<hbm>>
      %dma_wait3A_73 = tpu.memref_squeeze %dma_wait3A_72 : memref<1x128x128xf32, #tpu.memory_space<hbm>> -> memref<128x128xf32, #tpu.memory_space<hbm>>
      %dma_wait3A_74 = arith.constant 0 : i32
      %dma_wait3A_75 = tpu.memref_slice %arg11[%add3A_61, %dma_wait3A_74] : memref<10240x128xf32, #tpu.memory_space<vmem_shared>> -> memref<128x128xf32, #tpu.memory_space<vmem_shared>>
      tpu.wait_dma2 semaphore(%run_scoped3A : memref<!tpu.dma_semaphore, #tpu.memory_space<semaphore_mem>>) src(%dma_wait3A_75 : memref<128x128xf32, #tpu.memory_space<vmem_shared>>) dst(%dma_wait3A_73 : memref<128x128xf32, #tpu.memory_space<hbm>>)
      tpu.yield
    }) : () -> ()
    %add3A_64 = arith.constant 512 : i32
    %add3A_65 = arith.addi %mul3A_15, %add3A_64 : i32
    %add3A_66 = arith.constant 512 : i32
    %add3A_67 = arith.addi %mul3A_15, %add3A_66 : i32
    "tpu.region"() ({
      %run_scoped3A = tpu.sem_alloc : memref<!tpu.dma_semaphore, #tpu.memory_space<semaphore_mem>>
      %dma_start3A = arith.constant 0 : i32
      %dma_start3A_68 = tpu.memref_slice %arg5[%arg0, %add3A_67, %dma_start3A] : memref<2x10240x128xf32, #tpu.memory_space<hbm>> -> memref<1x128x128xf32, #tpu.memory_space<hbm>>
      %dma_start3A_69 = tpu.memref_squeeze %dma_start3A_68 : memref<1x128x128xf32, #tpu.memory_space<hbm>> -> memref<128x128xf32, #tpu.memory_space<hbm>>
      %dma_start3A_70 = arith.constant 0 : i32
      %dma_start3A_71 = tpu.memref_slice %arg11[%add3A_65, %dma_start3A_70] : memref<10240x128xf32, #tpu.memory_space<vmem_shared>> -> memref<128x128xf32, #tpu.memory_space<vmem_shared>>
      tpu.enqueue_dma source(%dma_start3A_71 : memref<128x128xf32, #tpu.memory_space<vmem_shared>>) target(%dma_start3A_69 : memref<128x128xf32, #tpu.memory_space<hbm>>) target_semaphore(%run_scoped3A : memref<!tpu.dma_semaphore, #tpu.memory_space<semaphore_mem>>)
      %dma_wait3A = arith.constant 0 : i32
      %dma_wait3A_72 = tpu.memref_slice %arg5[%arg0, %add3A_67, %dma_wait3A] : memref<2x10240x128xf32, #tpu.memory_space<hbm>> -> memref<1x128x128xf32, #tpu.memory_space<hbm>>
      %dma_wait3A_73 = tpu.memref_squeeze %dma_wait3A_72 : memref<1x128x128xf32, #tpu.memory_space<hbm>> -> memref<128x128xf32, #tpu.memory_space<hbm>>
      %dma_wait3A_74 = arith.constant 0 : i32
      %dma_wait3A_75 = tpu.memref_slice %arg11[%add3A_65, %dma_wait3A_74] : memref<10240x128xf32, #tpu.memory_space<vmem_shared>> -> memref<128x128xf32, #tpu.memory_space<vmem_shared>>
      tpu.wait_dma2 semaphore(%run_scoped3A : memref<!tpu.dma_semaphore, #tpu.memory_space<semaphore_mem>>) src(%dma_wait3A_75 : memref<128x128xf32, #tpu.memory_space<vmem_shared>>) dst(%dma_wait3A_73 : memref<128x128xf32, #tpu.memory_space<hbm>>)
      tpu.yield
    }) : () -> ()
    return
  }
}

#map = affine_map<(d0, d1) -> (0, 0)>
#map1 = affine_map<(d0, d1) -> (0)>
module attributes {stable_mosaic.version = 14 : i64} {
  func.func @_stage_a(%arg0: i32, %arg1: i32, %arg2: memref<200000x128xf32, #tpu.memory_space<hbm>>, %arg3: memref<256x112xi32, #tpu.memory_space<hbm>>, %arg4: memref<256x112xi32, #tpu.memory_space<hbm>>, %arg5: memref<28672x128xf32, #tpu.memory_space<hbm>>, %arg6: memref<256x112xi32, #tpu.memory_space<hbm>>, %arg7: memref<1563x128xi32, #tpu.memory_space<hbm>>, %arg8: memref<2048xi32, #tpu.memory_space<hbm>>, %arg9: memref<2048xi32, #tpu.memory_space<hbm>>, %arg10: memref<50064x128xf32, #tpu.memory_space<hbm>>, %arg11: memref<2048x128xi32, #tpu.memory_space<hbm>>, %arg12: memref<2048x128xi32, #tpu.memory_space<hbm>>, %arg13: memref<8x112xi32, #tpu.memory_space<vmem>>, %arg14: memref<8x112xi32, #tpu.memory_space<vmem>>, %arg15: memref<112x128xf32, #tpu.memory_space<vmem>>, %arg16: memref<64xi32, #tpu.memory_space<vmem>>, %arg17: memref<64xi32, #tpu.memory_space<vmem>>, %arg18: memref<64x128xi32, #tpu.memory_space<vmem>>, %arg19: memref<!tpu.dma_semaphore, #tpu.memory_space<semaphore_mem>>) attributes {dimension_semantics = [#tpu.dimension_semantics<core_parallel>, #tpu.dimension_semantics<subcore_parallel>], iteration_bounds = array<i64: 2, 16>, scalar_prefetch = 0 : i64, scratch_operands = 7 : i64, tpu.core_type = #tpu.core_type<sc_vector_subcore>, window_params = [{transform_indices = #map}, {transform_indices = #map}, {transform_indices = #map}, {transform_indices = #map}, {transform_indices = #map}, {transform_indices = #map}, {transform_indices = #map1}, {transform_indices = #map1}, {transform_indices = #map}, {transform_indices = #map}, {transform_indices = #map}]} {
    %mul3A = arith.constant 2 : i32
    %mul3A_0 = arith.muli %arg1, %mul3A : i32
    %add3A = arith.addi %mul3A_0, %arg0 : i32
    %mul3A_1 = arith.constant 8 : i32
    %mul3A_2 = arith.muli %add3A, %mul3A_1 : i32
    "tpu.region"() ({
      %run_scoped3A = tpu.sem_alloc : memref<!tpu.dma_semaphore, #tpu.memory_space<semaphore_mem>>
      %dma_start3A_436 = arith.constant 0 : i32
      %dma_start3A_437 = tpu.memref_slice %arg3[%mul3A_2, %dma_start3A_436] : memref<256x112xi32, #tpu.memory_space<hbm>> -> memref<8x112xi32, #tpu.memory_space<hbm>>
      %dma_start3A_438 = arith.constant 0 : i32
      %dma_start3A_439 = tpu.memref_slice %arg3[%mul3A_2, %dma_start3A_438] : memref<256x112xi32, #tpu.memory_space<hbm>> -> memref<8x112xi32, #tpu.memory_space<hbm>>
      tpu.enqueue_dma source(%dma_start3A_439 : memref<8x112xi32, #tpu.memory_space<hbm>>) target(%arg13 : memref<8x112xi32, #tpu.memory_space<vmem>>) target_semaphore(%run_scoped3A : memref<!tpu.dma_semaphore, #tpu.memory_space<semaphore_mem>>)
      %dma_wait3A_440 = arith.constant 0 : i32
      %dma_wait3A_441 = tpu.memref_slice %arg3[%mul3A_2, %dma_wait3A_440] : memref<256x112xi32, #tpu.memory_space<hbm>> -> memref<8x112xi32, #tpu.memory_space<hbm>>
      %dma_wait3A_442 = arith.constant 0 : i32
      %dma_wait3A_443 = tpu.memref_slice %arg3[%mul3A_2, %dma_wait3A_442] : memref<256x112xi32, #tpu.memory_space<hbm>> -> memref<8x112xi32, #tpu.memory_space<hbm>>
      tpu.wait_dma2 semaphore(%run_scoped3A : memref<!tpu.dma_semaphore, #tpu.memory_space<semaphore_mem>>) src(%dma_wait3A_443 : memref<8x112xi32, #tpu.memory_space<hbm>>) dst(%arg13 : memref<8x112xi32, #tpu.memory_space<vmem>>)
      tpu.yield
    }) : () -> ()
    "tpu.region"() ({
      %run_scoped3A = tpu.sem_alloc : memref<!tpu.dma_semaphore, #tpu.memory_space<semaphore_mem>>
      %dma_start3A_436 = arith.constant 0 : i32
      %dma_start3A_437 = tpu.memref_slice %arg4[%mul3A_2, %dma_start3A_436] : memref<256x112xi32, #tpu.memory_space<hbm>> -> memref<8x112xi32, #tpu.memory_space<hbm>>
      %dma_start3A_438 = arith.constant 0 : i32
      %dma_start3A_439 = tpu.memref_slice %arg4[%mul3A_2, %dma_start3A_438] : memref<256x112xi32, #tpu.memory_space<hbm>> -> memref<8x112xi32, #tpu.memory_space<hbm>>
      tpu.enqueue_dma source(%dma_start3A_439 : memref<8x112xi32, #tpu.memory_space<hbm>>) target(%arg14 : memref<8x112xi32, #tpu.memory_space<vmem>>) target_semaphore(%run_scoped3A : memref<!tpu.dma_semaphore, #tpu.memory_space<semaphore_mem>>)
      %dma_wait3A_440 = arith.constant 0 : i32
      %dma_wait3A_441 = tpu.memref_slice %arg4[%mul3A_2, %dma_wait3A_440] : memref<256x112xi32, #tpu.memory_space<hbm>> -> memref<8x112xi32, #tpu.memory_space<hbm>>
      %dma_wait3A_442 = arith.constant 0 : i32
      %dma_wait3A_443 = tpu.memref_slice %arg4[%mul3A_2, %dma_wait3A_442] : memref<256x112xi32, #tpu.memory_space<hbm>> -> memref<8x112xi32, #tpu.memory_space<hbm>>
      tpu.wait_dma2 semaphore(%run_scoped3A : memref<!tpu.dma_semaphore, #tpu.memory_space<semaphore_mem>>) src(%dma_wait3A_443 : memref<8x112xi32, #tpu.memory_space<hbm>>) dst(%arg14 : memref<8x112xi32, #tpu.memory_space<vmem>>)
      tpu.yield
    }) : () -> ()
    %dma_start3A = arith.constant 0 : i32
    %dma_start3A_3 = arith.constant 0 : i32
    %dma_start3A_4 = tpu.memref_slice %arg13[%dma_start3A, %dma_start3A_3] : memref<8x112xi32, #tpu.memory_space<vmem>> -> memref<1x112xi32, #tpu.memory_space<vmem>>
    %dma_start3A_5 = tpu.memref_squeeze %dma_start3A_4 : memref<1x112xi32, #tpu.memory_space<vmem>> -> memref<112xi32, #tpu.memory_space<vmem>>
    %dma_start3A_6 = arith.constant 0 : i32
    %dma_start3A_7 = arith.constant 0 : i32
    %dma_start3A_8 = tpu.memref_slice %arg2[%dma_start3A_6, %dma_start3A_7] : memref<200000x128xf32, #tpu.memory_space<hbm>> -> memref<200000x128xf32, #tpu.memory_space<hbm>>
    tpu.enqueue_indirect_dma source(%dma_start3A_8 : memref<200000x128xf32, #tpu.memory_space<hbm>>) target(%arg15 : memref<112x128xf32, #tpu.memory_space<vmem>>) offsets(%dma_start3A_5 : memref<112xi32, #tpu.memory_space<vmem>>) semaphore(%arg19 : memref<!tpu.dma_semaphore, #tpu.memory_space<semaphore_mem>>)
    %dma_wait3A = arith.constant 0 : i32
    %dma_wait3A_9 = arith.constant 0 : i32
    %dma_wait3A_10 = tpu.memref_slice %arg13[%dma_wait3A, %dma_wait3A_9] : memref<8x112xi32, #tpu.memory_space<vmem>> -> memref<1x112xi32, #tpu.memory_space<vmem>>
    %dma_wait3A_11 = tpu.memref_squeeze %dma_wait3A_10 : memref<1x112xi32, #tpu.memory_space<vmem>> -> memref<112xi32, #tpu.memory_space<vmem>>
    %dma_wait3A_12 = arith.constant 0 : i32
    %dma_wait3A_13 = arith.constant 0 : i32
    %dma_wait3A_14 = tpu.memref_slice %arg2[%dma_wait3A_12, %dma_wait3A_13] : memref<200000x128xf32, #tpu.memory_space<hbm>> -> memref<200000x128xf32, #tpu.memory_space<hbm>>
    tpu.wait_indirect_dma semaphore(%arg19 : memref<!tpu.dma_semaphore, #tpu.memory_space<semaphore_mem>>) src(%dma_wait3A_14 : memref<200000x128xf32, #tpu.memory_space<hbm>>) dst(%arg15 : memref<112x128xf32, #tpu.memory_space<vmem>>)
    %dma_start3A_15 = arith.constant 0 : i32
    %dma_start3A_16 = arith.constant 0 : i32
    %dma_start3A_17 = tpu.memref_slice %arg14[%dma_start3A_15, %dma_start3A_16] : memref<8x112xi32, #tpu.memory_space<vmem>> -> memref<1x112xi32, #tpu.memory_space<vmem>>
    %dma_start3A_18 = tpu.memref_squeeze %dma_start3A_17 : memref<1x112xi32, #tpu.memory_space<vmem>> -> memref<112xi32, #tpu.memory_space<vmem>>
    %dma_start3A_19 = arith.constant 0 : i32
    %dma_start3A_20 = arith.constant 0 : i32
    %dma_start3A_21 = tpu.memref_slice %arg10[%dma_start3A_19, %dma_start3A_20] : memref<50064x128xf32, #tpu.memory_space<hbm>> -> memref<50064x128xf32, #tpu.memory_space<hbm>>
    tpu.enqueue_indirect_dma source(%arg15 : memref<112x128xf32, #tpu.memory_space<vmem>>) target(%dma_start3A_21 : memref<50064x128xf32, #tpu.memory_space<hbm>>) offsets(%dma_start3A_18 : memref<112xi32, #tpu.memory_space<vmem>>) semaphore(%arg19 : memref<!tpu.dma_semaphore, #tpu.memory_space<semaphore_mem>>)
    %dma_wait3A_22 = arith.constant 0 : i32
    %dma_wait3A_23 = arith.constant 0 : i32
    %dma_wait3A_24 = tpu.memref_slice %arg14[%dma_wait3A_22, %dma_wait3A_23] : memref<8x112xi32, #tpu.memory_space<vmem>> -> memref<1x112xi32, #tpu.memory_space<vmem>>
    %dma_wait3A_25 = tpu.memref_squeeze %dma_wait3A_24 : memref<1x112xi32, #tpu.memory_space<vmem>> -> memref<112xi32, #tpu.memory_space<vmem>>
    %dma_wait3A_26 = arith.constant 0 : i32
    %dma_wait3A_27 = arith.constant 0 : i32
    %dma_wait3A_28 = tpu.memref_slice %arg10[%dma_wait3A_26, %dma_wait3A_27] : memref<50064x128xf32, #tpu.memory_space<hbm>> -> memref<50064x128xf32, #tpu.memory_space<hbm>>
    tpu.wait_indirect_dma semaphore(%arg19 : memref<!tpu.dma_semaphore, #tpu.memory_space<semaphore_mem>>) src(%arg15 : memref<112x128xf32, #tpu.memory_space<vmem>>) dst(%dma_wait3A_28 : memref<50064x128xf32, #tpu.memory_space<hbm>>)
    %dma_start3A_29 = arith.constant 1 : i32
    %dma_start3A_30 = arith.constant 0 : i32
    %dma_start3A_31 = tpu.memref_slice %arg13[%dma_start3A_29, %dma_start3A_30] : memref<8x112xi32, #tpu.memory_space<vmem>> -> memref<1x112xi32, #tpu.memory_space<vmem>>
    %dma_start3A_32 = tpu.memref_squeeze %dma_start3A_31 : memref<1x112xi32, #tpu.memory_space<vmem>> -> memref<112xi32, #tpu.memory_space<vmem>>
    %dma_start3A_33 = arith.constant 0 : i32
    %dma_start3A_34 = arith.constant 0 : i32
    %dma_start3A_35 = tpu.memref_slice %arg2[%dma_start3A_33, %dma_start3A_34] : memref<200000x128xf32, #tpu.memory_space<hbm>> -> memref<200000x128xf32, #tpu.memory_space<hbm>>
    tpu.enqueue_indirect_dma source(%dma_start3A_35 : memref<200000x128xf32, #tpu.memory_space<hbm>>) target(%arg15 : memref<112x128xf32, #tpu.memory_space<vmem>>) offsets(%dma_start3A_32 : memref<112xi32, #tpu.memory_space<vmem>>) semaphore(%arg19 : memref<!tpu.dma_semaphore, #tpu.memory_space<semaphore_mem>>)
    %dma_wait3A_36 = arith.constant 1 : i32
    %dma_wait3A_37 = arith.constant 0 : i32
    %dma_wait3A_38 = tpu.memref_slice %arg13[%dma_wait3A_36, %dma_wait3A_37] : memref<8x112xi32, #tpu.memory_space<vmem>> -> memref<1x112xi32, #tpu.memory_space<vmem>>
    %dma_wait3A_39 = tpu.memref_squeeze %dma_wait3A_38 : memref<1x112xi32, #tpu.memory_space<vmem>> -> memref<112xi32, #tpu.memory_space<vmem>>
    %dma_wait3A_40 = arith.constant 0 : i32
    %dma_wait3A_41 = arith.constant 0 : i32
    %dma_wait3A_42 = tpu.memref_slice %arg2[%dma_wait3A_40, %dma_wait3A_41] : memref<200000x128xf32, #tpu.memory_space<hbm>> -> memref<200000x128xf32, #tpu.memory_space<hbm>>
    tpu.wait_indirect_dma semaphore(%arg19 : memref<!tpu.dma_semaphore, #tpu.memory_space<semaphore_mem>>) src(%dma_wait3A_42 : memref<200000x128xf32, #tpu.memory_space<hbm>>) dst(%arg15 : memref<112x128xf32, #tpu.memory_space<vmem>>)
    %dma_start3A_43 = arith.constant 1 : i32
    %dma_start3A_44 = arith.constant 0 : i32
    %dma_start3A_45 = tpu.memref_slice %arg14[%dma_start3A_43, %dma_start3A_44] : memref<8x112xi32, #tpu.memory_space<vmem>> -> memref<1x112xi32, #tpu.memory_space<vmem>>
    %dma_start3A_46 = tpu.memref_squeeze %dma_start3A_45 : memref<1x112xi32, #tpu.memory_space<vmem>> -> memref<112xi32, #tpu.memory_space<vmem>>
    %dma_start3A_47 = arith.constant 0 : i32
    %dma_start3A_48 = arith.constant 0 : i32
    %dma_start3A_49 = tpu.memref_slice %arg10[%dma_start3A_47, %dma_start3A_48] : memref<50064x128xf32, #tpu.memory_space<hbm>> -> memref<50064x128xf32, #tpu.memory_space<hbm>>
    tpu.enqueue_indirect_dma source(%arg15 : memref<112x128xf32, #tpu.memory_space<vmem>>) target(%dma_start3A_49 : memref<50064x128xf32, #tpu.memory_space<hbm>>) offsets(%dma_start3A_46 : memref<112xi32, #tpu.memory_space<vmem>>) semaphore(%arg19 : memref<!tpu.dma_semaphore, #tpu.memory_space<semaphore_mem>>)
    %dma_wait3A_50 = arith.constant 1 : i32
    %dma_wait3A_51 = arith.constant 0 : i32
    %dma_wait3A_52 = tpu.memref_slice %arg14[%dma_wait3A_50, %dma_wait3A_51] : memref<8x112xi32, #tpu.memory_space<vmem>> -> memref<1x112xi32, #tpu.memory_space<vmem>>
    %dma_wait3A_53 = tpu.memref_squeeze %dma_wait3A_52 : memref<1x112xi32, #tpu.memory_space<vmem>> -> memref<112xi32, #tpu.memory_space<vmem>>
    %dma_wait3A_54 = arith.constant 0 : i32
    %dma_wait3A_55 = arith.constant 0 : i32
    %dma_wait3A_56 = tpu.memref_slice %arg10[%dma_wait3A_54, %dma_wait3A_55] : memref<50064x128xf32, #tpu.memory_space<hbm>> -> memref<50064x128xf32, #tpu.memory_space<hbm>>
    tpu.wait_indirect_dma semaphore(%arg19 : memref<!tpu.dma_semaphore, #tpu.memory_space<semaphore_mem>>) src(%arg15 : memref<112x128xf32, #tpu.memory_space<vmem>>) dst(%dma_wait3A_56 : memref<50064x128xf32, #tpu.memory_space<hbm>>)
    %dma_start3A_57 = arith.constant 2 : i32
    %dma_start3A_58 = arith.constant 0 : i32
    %dma_start3A_59 = tpu.memref_slice %arg13[%dma_start3A_57, %dma_start3A_58] : memref<8x112xi32, #tpu.memory_space<vmem>> -> memref<1x112xi32, #tpu.memory_space<vmem>>
    %dma_start3A_60 = tpu.memref_squeeze %dma_start3A_59 : memref<1x112xi32, #tpu.memory_space<vmem>> -> memref<112xi32, #tpu.memory_space<vmem>>
    %dma_start3A_61 = arith.constant 0 : i32
    %dma_start3A_62 = arith.constant 0 : i32
    %dma_start3A_63 = tpu.memref_slice %arg2[%dma_start3A_61, %dma_start3A_62] : memref<200000x128xf32, #tpu.memory_space<hbm>> -> memref<200000x128xf32, #tpu.memory_space<hbm>>
    tpu.enqueue_indirect_dma source(%dma_start3A_63 : memref<200000x128xf32, #tpu.memory_space<hbm>>) target(%arg15 : memref<112x128xf32, #tpu.memory_space<vmem>>) offsets(%dma_start3A_60 : memref<112xi32, #tpu.memory_space<vmem>>) semaphore(%arg19 : memref<!tpu.dma_semaphore, #tpu.memory_space<semaphore_mem>>)
    %dma_wait3A_64 = arith.constant 2 : i32
    %dma_wait3A_65 = arith.constant 0 : i32
    %dma_wait3A_66 = tpu.memref_slice %arg13[%dma_wait3A_64, %dma_wait3A_65] : memref<8x112xi32, #tpu.memory_space<vmem>> -> memref<1x112xi32, #tpu.memory_space<vmem>>
    %dma_wait3A_67 = tpu.memref_squeeze %dma_wait3A_66 : memref<1x112xi32, #tpu.memory_space<vmem>> -> memref<112xi32, #tpu.memory_space<vmem>>
    %dma_wait3A_68 = arith.constant 0 : i32
    %dma_wait3A_69 = arith.constant 0 : i32
    %dma_wait3A_70 = tpu.memref_slice %arg2[%dma_wait3A_68, %dma_wait3A_69] : memref<200000x128xf32, #tpu.memory_space<hbm>> -> memref<200000x128xf32, #tpu.memory_space<hbm>>
    tpu.wait_indirect_dma semaphore(%arg19 : memref<!tpu.dma_semaphore, #tpu.memory_space<semaphore_mem>>) src(%dma_wait3A_70 : memref<200000x128xf32, #tpu.memory_space<hbm>>) dst(%arg15 : memref<112x128xf32, #tpu.memory_space<vmem>>)
    %dma_start3A_71 = arith.constant 2 : i32
    %dma_start3A_72 = arith.constant 0 : i32
    %dma_start3A_73 = tpu.memref_slice %arg14[%dma_start3A_71, %dma_start3A_72] : memref<8x112xi32, #tpu.memory_space<vmem>> -> memref<1x112xi32, #tpu.memory_space<vmem>>
    %dma_start3A_74 = tpu.memref_squeeze %dma_start3A_73 : memref<1x112xi32, #tpu.memory_space<vmem>> -> memref<112xi32, #tpu.memory_space<vmem>>
    %dma_start3A_75 = arith.constant 0 : i32
    %dma_start3A_76 = arith.constant 0 : i32
    %dma_start3A_77 = tpu.memref_slice %arg10[%dma_start3A_75, %dma_start3A_76] : memref<50064x128xf32, #tpu.memory_space<hbm>> -> memref<50064x128xf32, #tpu.memory_space<hbm>>
    tpu.enqueue_indirect_dma source(%arg15 : memref<112x128xf32, #tpu.memory_space<vmem>>) target(%dma_start3A_77 : memref<50064x128xf32, #tpu.memory_space<hbm>>) offsets(%dma_start3A_74 : memref<112xi32, #tpu.memory_space<vmem>>) semaphore(%arg19 : memref<!tpu.dma_semaphore, #tpu.memory_space<semaphore_mem>>)
    %dma_wait3A_78 = arith.constant 2 : i32
    %dma_wait3A_79 = arith.constant 0 : i32
    %dma_wait3A_80 = tpu.memref_slice %arg14[%dma_wait3A_78, %dma_wait3A_79] : memref<8x112xi32, #tpu.memory_space<vmem>> -> memref<1x112xi32, #tpu.memory_space<vmem>>
    %dma_wait3A_81 = tpu.memref_squeeze %dma_wait3A_80 : memref<1x112xi32, #tpu.memory_space<vmem>> -> memref<112xi32, #tpu.memory_space<vmem>>
    %dma_wait3A_82 = arith.constant 0 : i32
    %dma_wait3A_83 = arith.constant 0 : i32
    %dma_wait3A_84 = tpu.memref_slice %arg10[%dma_wait3A_82, %dma_wait3A_83] : memref<50064x128xf32, #tpu.memory_space<hbm>> -> memref<50064x128xf32, #tpu.memory_space<hbm>>
    tpu.wait_indirect_dma semaphore(%arg19 : memref<!tpu.dma_semaphore, #tpu.memory_space<semaphore_mem>>) src(%arg15 : memref<112x128xf32, #tpu.memory_space<vmem>>) dst(%dma_wait3A_84 : memref<50064x128xf32, #tpu.memory_space<hbm>>)
    %dma_start3A_85 = arith.constant 3 : i32
    %dma_start3A_86 = arith.constant 0 : i32
    %dma_start3A_87 = tpu.memref_slice %arg13[%dma_start3A_85, %dma_start3A_86] : memref<8x112xi32, #tpu.memory_space<vmem>> -> memref<1x112xi32, #tpu.memory_space<vmem>>
    %dma_start3A_88 = tpu.memref_squeeze %dma_start3A_87 : memref<1x112xi32, #tpu.memory_space<vmem>> -> memref<112xi32, #tpu.memory_space<vmem>>
    %dma_start3A_89 = arith.constant 0 : i32
    %dma_start3A_90 = arith.constant 0 : i32
    %dma_start3A_91 = tpu.memref_slice %arg2[%dma_start3A_89, %dma_start3A_90] : memref<200000x128xf32, #tpu.memory_space<hbm>> -> memref<200000x128xf32, #tpu.memory_space<hbm>>
    tpu.enqueue_indirect_dma source(%dma_start3A_91 : memref<200000x128xf32, #tpu.memory_space<hbm>>) target(%arg15 : memref<112x128xf32, #tpu.memory_space<vmem>>) offsets(%dma_start3A_88 : memref<112xi32, #tpu.memory_space<vmem>>) semaphore(%arg19 : memref<!tpu.dma_semaphore, #tpu.memory_space<semaphore_mem>>)
    %dma_wait3A_92 = arith.constant 3 : i32
    %dma_wait3A_93 = arith.constant 0 : i32
    %dma_wait3A_94 = tpu.memref_slice %arg13[%dma_wait3A_92, %dma_wait3A_93] : memref<8x112xi32, #tpu.memory_space<vmem>> -> memref<1x112xi32, #tpu.memory_space<vmem>>
    %dma_wait3A_95 = tpu.memref_squeeze %dma_wait3A_94 : memref<1x112xi32, #tpu.memory_space<vmem>> -> memref<112xi32, #tpu.memory_space<vmem>>
    %dma_wait3A_96 = arith.constant 0 : i32
    %dma_wait3A_97 = arith.constant 0 : i32
    %dma_wait3A_98 = tpu.memref_slice %arg2[%dma_wait3A_96, %dma_wait3A_97] : memref<200000x128xf32, #tpu.memory_space<hbm>> -> memref<200000x128xf32, #tpu.memory_space<hbm>>
    tpu.wait_indirect_dma semaphore(%arg19 : memref<!tpu.dma_semaphore, #tpu.memory_space<semaphore_mem>>) src(%dma_wait3A_98 : memref<200000x128xf32, #tpu.memory_space<hbm>>) dst(%arg15 : memref<112x128xf32, #tpu.memory_space<vmem>>)
    %dma_start3A_99 = arith.constant 3 : i32
    %dma_start3A_100 = arith.constant 0 : i32
    %dma_start3A_101 = tpu.memref_slice %arg14[%dma_start3A_99, %dma_start3A_100] : memref<8x112xi32, #tpu.memory_space<vmem>> -> memref<1x112xi32, #tpu.memory_space<vmem>>
    %dma_start3A_102 = tpu.memref_squeeze %dma_start3A_101 : memref<1x112xi32, #tpu.memory_space<vmem>> -> memref<112xi32, #tpu.memory_space<vmem>>
    %dma_start3A_103 = arith.constant 0 : i32
    %dma_start3A_104 = arith.constant 0 : i32
    %dma_start3A_105 = tpu.memref_slice %arg10[%dma_start3A_103, %dma_start3A_104] : memref<50064x128xf32, #tpu.memory_space<hbm>> -> memref<50064x128xf32, #tpu.memory_space<hbm>>
    tpu.enqueue_indirect_dma source(%arg15 : memref<112x128xf32, #tpu.memory_space<vmem>>) target(%dma_start3A_105 : memref<50064x128xf32, #tpu.memory_space<hbm>>) offsets(%dma_start3A_102 : memref<112xi32, #tpu.memory_space<vmem>>) semaphore(%arg19 : memref<!tpu.dma_semaphore, #tpu.memory_space<semaphore_mem>>)
    %dma_wait3A_106 = arith.constant 3 : i32
    %dma_wait3A_107 = arith.constant 0 : i32
    %dma_wait3A_108 = tpu.memref_slice %arg14[%dma_wait3A_106, %dma_wait3A_107] : memref<8x112xi32, #tpu.memory_space<vmem>> -> memref<1x112xi32, #tpu.memory_space<vmem>>
    %dma_wait3A_109 = tpu.memref_squeeze %dma_wait3A_108 : memref<1x112xi32, #tpu.memory_space<vmem>> -> memref<112xi32, #tpu.memory_space<vmem>>
    %dma_wait3A_110 = arith.constant 0 : i32
    %dma_wait3A_111 = arith.constant 0 : i32
    %dma_wait3A_112 = tpu.memref_slice %arg10[%dma_wait3A_110, %dma_wait3A_111] : memref<50064x128xf32, #tpu.memory_space<hbm>> -> memref<50064x128xf32, #tpu.memory_space<hbm>>
    tpu.wait_indirect_dma semaphore(%arg19 : memref<!tpu.dma_semaphore, #tpu.memory_space<semaphore_mem>>) src(%arg15 : memref<112x128xf32, #tpu.memory_space<vmem>>) dst(%dma_wait3A_112 : memref<50064x128xf32, #tpu.memory_space<hbm>>)
    %dma_start3A_113 = arith.constant 4 : i32
    %dma_start3A_114 = arith.constant 0 : i32
    %dma_start3A_115 = tpu.memref_slice %arg13[%dma_start3A_113, %dma_start3A_114] : memref<8x112xi32, #tpu.memory_space<vmem>> -> memref<1x112xi32, #tpu.memory_space<vmem>>
    %dma_start3A_116 = tpu.memref_squeeze %dma_start3A_115 : memref<1x112xi32, #tpu.memory_space<vmem>> -> memref<112xi32, #tpu.memory_space<vmem>>
    %dma_start3A_117 = arith.constant 0 : i32
    %dma_start3A_118 = arith.constant 0 : i32
    %dma_start3A_119 = tpu.memref_slice %arg2[%dma_start3A_117, %dma_start3A_118] : memref<200000x128xf32, #tpu.memory_space<hbm>> -> memref<200000x128xf32, #tpu.memory_space<hbm>>
    tpu.enqueue_indirect_dma source(%dma_start3A_119 : memref<200000x128xf32, #tpu.memory_space<hbm>>) target(%arg15 : memref<112x128xf32, #tpu.memory_space<vmem>>) offsets(%dma_start3A_116 : memref<112xi32, #tpu.memory_space<vmem>>) semaphore(%arg19 : memref<!tpu.dma_semaphore, #tpu.memory_space<semaphore_mem>>)
    %dma_wait3A_120 = arith.constant 4 : i32
    %dma_wait3A_121 = arith.constant 0 : i32
    %dma_wait3A_122 = tpu.memref_slice %arg13[%dma_wait3A_120, %dma_wait3A_121] : memref<8x112xi32, #tpu.memory_space<vmem>> -> memref<1x112xi32, #tpu.memory_space<vmem>>
    %dma_wait3A_123 = tpu.memref_squeeze %dma_wait3A_122 : memref<1x112xi32, #tpu.memory_space<vmem>> -> memref<112xi32, #tpu.memory_space<vmem>>
    %dma_wait3A_124 = arith.constant 0 : i32
    %dma_wait3A_125 = arith.constant 0 : i32
    %dma_wait3A_126 = tpu.memref_slice %arg2[%dma_wait3A_124, %dma_wait3A_125] : memref<200000x128xf32, #tpu.memory_space<hbm>> -> memref<200000x128xf32, #tpu.memory_space<hbm>>
    tpu.wait_indirect_dma semaphore(%arg19 : memref<!tpu.dma_semaphore, #tpu.memory_space<semaphore_mem>>) src(%dma_wait3A_126 : memref<200000x128xf32, #tpu.memory_space<hbm>>) dst(%arg15 : memref<112x128xf32, #tpu.memory_space<vmem>>)
    %dma_start3A_127 = arith.constant 4 : i32
    %dma_start3A_128 = arith.constant 0 : i32
    %dma_start3A_129 = tpu.memref_slice %arg14[%dma_start3A_127, %dma_start3A_128] : memref<8x112xi32, #tpu.memory_space<vmem>> -> memref<1x112xi32, #tpu.memory_space<vmem>>
    %dma_start3A_130 = tpu.memref_squeeze %dma_start3A_129 : memref<1x112xi32, #tpu.memory_space<vmem>> -> memref<112xi32, #tpu.memory_space<vmem>>
    %dma_start3A_131 = arith.constant 0 : i32
    %dma_start3A_132 = arith.constant 0 : i32
    %dma_start3A_133 = tpu.memref_slice %arg10[%dma_start3A_131, %dma_start3A_132] : memref<50064x128xf32, #tpu.memory_space<hbm>> -> memref<50064x128xf32, #tpu.memory_space<hbm>>
    tpu.enqueue_indirect_dma source(%arg15 : memref<112x128xf32, #tpu.memory_space<vmem>>) target(%dma_start3A_133 : memref<50064x128xf32, #tpu.memory_space<hbm>>) offsets(%dma_start3A_130 : memref<112xi32, #tpu.memory_space<vmem>>) semaphore(%arg19 : memref<!tpu.dma_semaphore, #tpu.memory_space<semaphore_mem>>)
    %dma_wait3A_134 = arith.constant 4 : i32
    %dma_wait3A_135 = arith.constant 0 : i32
    %dma_wait3A_136 = tpu.memref_slice %arg14[%dma_wait3A_134, %dma_wait3A_135] : memref<8x112xi32, #tpu.memory_space<vmem>> -> memref<1x112xi32, #tpu.memory_space<vmem>>
    %dma_wait3A_137 = tpu.memref_squeeze %dma_wait3A_136 : memref<1x112xi32, #tpu.memory_space<vmem>> -> memref<112xi32, #tpu.memory_space<vmem>>
    %dma_wait3A_138 = arith.constant 0 : i32
    %dma_wait3A_139 = arith.constant 0 : i32
    %dma_wait3A_140 = tpu.memref_slice %arg10[%dma_wait3A_138, %dma_wait3A_139] : memref<50064x128xf32, #tpu.memory_space<hbm>> -> memref<50064x128xf32, #tpu.memory_space<hbm>>
    tpu.wait_indirect_dma semaphore(%arg19 : memref<!tpu.dma_semaphore, #tpu.memory_space<semaphore_mem>>) src(%arg15 : memref<112x128xf32, #tpu.memory_space<vmem>>) dst(%dma_wait3A_140 : memref<50064x128xf32, #tpu.memory_space<hbm>>)
    %dma_start3A_141 = arith.constant 5 : i32
    %dma_start3A_142 = arith.constant 0 : i32
    %dma_start3A_143 = tpu.memref_slice %arg13[%dma_start3A_141, %dma_start3A_142] : memref<8x112xi32, #tpu.memory_space<vmem>> -> memref<1x112xi32, #tpu.memory_space<vmem>>
    %dma_start3A_144 = tpu.memref_squeeze %dma_start3A_143 : memref<1x112xi32, #tpu.memory_space<vmem>> -> memref<112xi32, #tpu.memory_space<vmem>>
    %dma_start3A_145 = arith.constant 0 : i32
    %dma_start3A_146 = arith.constant 0 : i32
    %dma_start3A_147 = tpu.memref_slice %arg2[%dma_start3A_145, %dma_start3A_146] : memref<200000x128xf32, #tpu.memory_space<hbm>> -> memref<200000x128xf32, #tpu.memory_space<hbm>>
    tpu.enqueue_indirect_dma source(%dma_start3A_147 : memref<200000x128xf32, #tpu.memory_space<hbm>>) target(%arg15 : memref<112x128xf32, #tpu.memory_space<vmem>>) offsets(%dma_start3A_144 : memref<112xi32, #tpu.memory_space<vmem>>) semaphore(%arg19 : memref<!tpu.dma_semaphore, #tpu.memory_space<semaphore_mem>>)
    %dma_wait3A_148 = arith.constant 5 : i32
    %dma_wait3A_149 = arith.constant 0 : i32
    %dma_wait3A_150 = tpu.memref_slice %arg13[%dma_wait3A_148, %dma_wait3A_149] : memref<8x112xi32, #tpu.memory_space<vmem>> -> memref<1x112xi32, #tpu.memory_space<vmem>>
    %dma_wait3A_151 = tpu.memref_squeeze %dma_wait3A_150 : memref<1x112xi32, #tpu.memory_space<vmem>> -> memref<112xi32, #tpu.memory_space<vmem>>
    %dma_wait3A_152 = arith.constant 0 : i32
    %dma_wait3A_153 = arith.constant 0 : i32
    %dma_wait3A_154 = tpu.memref_slice %arg2[%dma_wait3A_152, %dma_wait3A_153] : memref<200000x128xf32, #tpu.memory_space<hbm>> -> memref<200000x128xf32, #tpu.memory_space<hbm>>
    tpu.wait_indirect_dma semaphore(%arg19 : memref<!tpu.dma_semaphore, #tpu.memory_space<semaphore_mem>>) src(%dma_wait3A_154 : memref<200000x128xf32, #tpu.memory_space<hbm>>) dst(%arg15 : memref<112x128xf32, #tpu.memory_space<vmem>>)
    %dma_start3A_155 = arith.constant 5 : i32
    %dma_start3A_156 = arith.constant 0 : i32
    %dma_start3A_157 = tpu.memref_slice %arg14[%dma_start3A_155, %dma_start3A_156] : memref<8x112xi32, #tpu.memory_space<vmem>> -> memref<1x112xi32, #tpu.memory_space<vmem>>
    %dma_start3A_158 = tpu.memref_squeeze %dma_start3A_157 : memref<1x112xi32, #tpu.memory_space<vmem>> -> memref<112xi32, #tpu.memory_space<vmem>>
    %dma_start3A_159 = arith.constant 0 : i32
    %dma_start3A_160 = arith.constant 0 : i32
    %dma_start3A_161 = tpu.memref_slice %arg10[%dma_start3A_159, %dma_start3A_160] : memref<50064x128xf32, #tpu.memory_space<hbm>> -> memref<50064x128xf32, #tpu.memory_space<hbm>>
    tpu.enqueue_indirect_dma source(%arg15 : memref<112x128xf32, #tpu.memory_space<vmem>>) target(%dma_start3A_161 : memref<50064x128xf32, #tpu.memory_space<hbm>>) offsets(%dma_start3A_158 : memref<112xi32, #tpu.memory_space<vmem>>) semaphore(%arg19 : memref<!tpu.dma_semaphore, #tpu.memory_space<semaphore_mem>>)
    %dma_wait3A_162 = arith.constant 5 : i32
    %dma_wait3A_163 = arith.constant 0 : i32
    %dma_wait3A_164 = tpu.memref_slice %arg14[%dma_wait3A_162, %dma_wait3A_163] : memref<8x112xi32, #tpu.memory_space<vmem>> -> memref<1x112xi32, #tpu.memory_space<vmem>>
    %dma_wait3A_165 = tpu.memref_squeeze %dma_wait3A_164 : memref<1x112xi32, #tpu.memory_space<vmem>> -> memref<112xi32, #tpu.memory_space<vmem>>
    %dma_wait3A_166 = arith.constant 0 : i32
    %dma_wait3A_167 = arith.constant 0 : i32
    %dma_wait3A_168 = tpu.memref_slice %arg10[%dma_wait3A_166, %dma_wait3A_167] : memref<50064x128xf32, #tpu.memory_space<hbm>> -> memref<50064x128xf32, #tpu.memory_space<hbm>>
    tpu.wait_indirect_dma semaphore(%arg19 : memref<!tpu.dma_semaphore, #tpu.memory_space<semaphore_mem>>) src(%arg15 : memref<112x128xf32, #tpu.memory_space<vmem>>) dst(%dma_wait3A_168 : memref<50064x128xf32, #tpu.memory_space<hbm>>)
    %dma_start3A_169 = arith.constant 6 : i32
    %dma_start3A_170 = arith.constant 0 : i32
    %dma_start3A_171 = tpu.memref_slice %arg13[%dma_start3A_169, %dma_start3A_170] : memref<8x112xi32, #tpu.memory_space<vmem>> -> memref<1x112xi32, #tpu.memory_space<vmem>>
    %dma_start3A_172 = tpu.memref_squeeze %dma_start3A_171 : memref<1x112xi32, #tpu.memory_space<vmem>> -> memref<112xi32, #tpu.memory_space<vmem>>
    %dma_start3A_173 = arith.constant 0 : i32
    %dma_start3A_174 = arith.constant 0 : i32
    %dma_start3A_175 = tpu.memref_slice %arg2[%dma_start3A_173, %dma_start3A_174] : memref<200000x128xf32, #tpu.memory_space<hbm>> -> memref<200000x128xf32, #tpu.memory_space<hbm>>
    tpu.enqueue_indirect_dma source(%dma_start3A_175 : memref<200000x128xf32, #tpu.memory_space<hbm>>) target(%arg15 : memref<112x128xf32, #tpu.memory_space<vmem>>) offsets(%dma_start3A_172 : memref<112xi32, #tpu.memory_space<vmem>>) semaphore(%arg19 : memref<!tpu.dma_semaphore, #tpu.memory_space<semaphore_mem>>)
    %dma_wait3A_176 = arith.constant 6 : i32
    %dma_wait3A_177 = arith.constant 0 : i32
    %dma_wait3A_178 = tpu.memref_slice %arg13[%dma_wait3A_176, %dma_wait3A_177] : memref<8x112xi32, #tpu.memory_space<vmem>> -> memref<1x112xi32, #tpu.memory_space<vmem>>
    %dma_wait3A_179 = tpu.memref_squeeze %dma_wait3A_178 : memref<1x112xi32, #tpu.memory_space<vmem>> -> memref<112xi32, #tpu.memory_space<vmem>>
    %dma_wait3A_180 = arith.constant 0 : i32
    %dma_wait3A_181 = arith.constant 0 : i32
    %dma_wait3A_182 = tpu.memref_slice %arg2[%dma_wait3A_180, %dma_wait3A_181] : memref<200000x128xf32, #tpu.memory_space<hbm>> -> memref<200000x128xf32, #tpu.memory_space<hbm>>
    tpu.wait_indirect_dma semaphore(%arg19 : memref<!tpu.dma_semaphore, #tpu.memory_space<semaphore_mem>>) src(%dma_wait3A_182 : memref<200000x128xf32, #tpu.memory_space<hbm>>) dst(%arg15 : memref<112x128xf32, #tpu.memory_space<vmem>>)
    %dma_start3A_183 = arith.constant 6 : i32
    %dma_start3A_184 = arith.constant 0 : i32
    %dma_start3A_185 = tpu.memref_slice %arg14[%dma_start3A_183, %dma_start3A_184] : memref<8x112xi32, #tpu.memory_space<vmem>> -> memref<1x112xi32, #tpu.memory_space<vmem>>
    %dma_start3A_186 = tpu.memref_squeeze %dma_start3A_185 : memref<1x112xi32, #tpu.memory_space<vmem>> -> memref<112xi32, #tpu.memory_space<vmem>>
    %dma_start3A_187 = arith.constant 0 : i32
    %dma_start3A_188 = arith.constant 0 : i32
    %dma_start3A_189 = tpu.memref_slice %arg10[%dma_start3A_187, %dma_start3A_188] : memref<50064x128xf32, #tpu.memory_space<hbm>> -> memref<50064x128xf32, #tpu.memory_space<hbm>>
    tpu.enqueue_indirect_dma source(%arg15 : memref<112x128xf32, #tpu.memory_space<vmem>>) target(%dma_start3A_189 : memref<50064x128xf32, #tpu.memory_space<hbm>>) offsets(%dma_start3A_186 : memref<112xi32, #tpu.memory_space<vmem>>) semaphore(%arg19 : memref<!tpu.dma_semaphore, #tpu.memory_space<semaphore_mem>>)
    %dma_wait3A_190 = arith.constant 6 : i32
    %dma_wait3A_191 = arith.constant 0 : i32
    %dma_wait3A_192 = tpu.memref_slice %arg14[%dma_wait3A_190, %dma_wait3A_191] : memref<8x112xi32, #tpu.memory_space<vmem>> -> memref<1x112xi32, #tpu.memory_space<vmem>>
    %dma_wait3A_193 = tpu.memref_squeeze %dma_wait3A_192 : memref<1x112xi32, #tpu.memory_space<vmem>> -> memref<112xi32, #tpu.memory_space<vmem>>
    %dma_wait3A_194 = arith.constant 0 : i32
    %dma_wait3A_195 = arith.constant 0 : i32
    %dma_wait3A_196 = tpu.memref_slice %arg10[%dma_wait3A_194, %dma_wait3A_195] : memref<50064x128xf32, #tpu.memory_space<hbm>> -> memref<50064x128xf32, #tpu.memory_space<hbm>>
    tpu.wait_indirect_dma semaphore(%arg19 : memref<!tpu.dma_semaphore, #tpu.memory_space<semaphore_mem>>) src(%arg15 : memref<112x128xf32, #tpu.memory_space<vmem>>) dst(%dma_wait3A_196 : memref<50064x128xf32, #tpu.memory_space<hbm>>)
    %dma_start3A_197 = arith.constant 7 : i32
    %dma_start3A_198 = arith.constant 0 : i32
    %dma_start3A_199 = tpu.memref_slice %arg13[%dma_start3A_197, %dma_start3A_198] : memref<8x112xi32, #tpu.memory_space<vmem>> -> memref<1x112xi32, #tpu.memory_space<vmem>>
    %dma_start3A_200 = tpu.memref_squeeze %dma_start3A_199 : memref<1x112xi32, #tpu.memory_space<vmem>> -> memref<112xi32, #tpu.memory_space<vmem>>
    %dma_start3A_201 = arith.constant 0 : i32
    %dma_start3A_202 = arith.constant 0 : i32
    %dma_start3A_203 = tpu.memref_slice %arg2[%dma_start3A_201, %dma_start3A_202] : memref<200000x128xf32, #tpu.memory_space<hbm>> -> memref<200000x128xf32, #tpu.memory_space<hbm>>
    tpu.enqueue_indirect_dma source(%dma_start3A_203 : memref<200000x128xf32, #tpu.memory_space<hbm>>) target(%arg15 : memref<112x128xf32, #tpu.memory_space<vmem>>) offsets(%dma_start3A_200 : memref<112xi32, #tpu.memory_space<vmem>>) semaphore(%arg19 : memref<!tpu.dma_semaphore, #tpu.memory_space<semaphore_mem>>)
    %dma_wait3A_204 = arith.constant 7 : i32
    %dma_wait3A_205 = arith.constant 0 : i32
    %dma_wait3A_206 = tpu.memref_slice %arg13[%dma_wait3A_204, %dma_wait3A_205] : memref<8x112xi32, #tpu.memory_space<vmem>> -> memref<1x112xi32, #tpu.memory_space<vmem>>
    %dma_wait3A_207 = tpu.memref_squeeze %dma_wait3A_206 : memref<1x112xi32, #tpu.memory_space<vmem>> -> memref<112xi32, #tpu.memory_space<vmem>>
    %dma_wait3A_208 = arith.constant 0 : i32
    %dma_wait3A_209 = arith.constant 0 : i32
    %dma_wait3A_210 = tpu.memref_slice %arg2[%dma_wait3A_208, %dma_wait3A_209] : memref<200000x128xf32, #tpu.memory_space<hbm>> -> memref<200000x128xf32, #tpu.memory_space<hbm>>
    tpu.wait_indirect_dma semaphore(%arg19 : memref<!tpu.dma_semaphore, #tpu.memory_space<semaphore_mem>>) src(%dma_wait3A_210 : memref<200000x128xf32, #tpu.memory_space<hbm>>) dst(%arg15 : memref<112x128xf32, #tpu.memory_space<vmem>>)
    %dma_start3A_211 = arith.constant 7 : i32
    %dma_start3A_212 = arith.constant 0 : i32
    %dma_start3A_213 = tpu.memref_slice %arg14[%dma_start3A_211, %dma_start3A_212] : memref<8x112xi32, #tpu.memory_space<vmem>> -> memref<1x112xi32, #tpu.memory_space<vmem>>
    %dma_start3A_214 = tpu.memref_squeeze %dma_start3A_213 : memref<1x112xi32, #tpu.memory_space<vmem>> -> memref<112xi32, #tpu.memory_space<vmem>>
    %dma_start3A_215 = arith.constant 0 : i32
    %dma_start3A_216 = arith.constant 0 : i32
    %dma_start3A_217 = tpu.memref_slice %arg10[%dma_start3A_215, %dma_start3A_216] : memref<50064x128xf32, #tpu.memory_space<hbm>> -> memref<50064x128xf32, #tpu.memory_space<hbm>>
    tpu.enqueue_indirect_dma source(%arg15 : memref<112x128xf32, #tpu.memory_space<vmem>>) target(%dma_start3A_217 : memref<50064x128xf32, #tpu.memory_space<hbm>>) offsets(%dma_start3A_214 : memref<112xi32, #tpu.memory_space<vmem>>) semaphore(%arg19 : memref<!tpu.dma_semaphore, #tpu.memory_space<semaphore_mem>>)
    %dma_wait3A_218 = arith.constant 7 : i32
    %dma_wait3A_219 = arith.constant 0 : i32
    %dma_wait3A_220 = tpu.memref_slice %arg14[%dma_wait3A_218, %dma_wait3A_219] : memref<8x112xi32, #tpu.memory_space<vmem>> -> memref<1x112xi32, #tpu.memory_space<vmem>>
    %dma_wait3A_221 = tpu.memref_squeeze %dma_wait3A_220 : memref<1x112xi32, #tpu.memory_space<vmem>> -> memref<112xi32, #tpu.memory_space<vmem>>
    %dma_wait3A_222 = arith.constant 0 : i32
    %dma_wait3A_223 = arith.constant 0 : i32
    %dma_wait3A_224 = tpu.memref_slice %arg10[%dma_wait3A_222, %dma_wait3A_223] : memref<50064x128xf32, #tpu.memory_space<hbm>> -> memref<50064x128xf32, #tpu.memory_space<hbm>>
    tpu.wait_indirect_dma semaphore(%arg19 : memref<!tpu.dma_semaphore, #tpu.memory_space<semaphore_mem>>) src(%arg15 : memref<112x128xf32, #tpu.memory_space<vmem>>) dst(%dma_wait3A_224 : memref<50064x128xf32, #tpu.memory_space<hbm>>)
    "tpu.region"() ({
      %run_scoped3A = tpu.sem_alloc : memref<!tpu.dma_semaphore, #tpu.memory_space<semaphore_mem>>
      %dma_start3A_436 = arith.constant 0 : i32
      %dma_start3A_437 = tpu.memref_slice %arg6[%mul3A_2, %dma_start3A_436] : memref<256x112xi32, #tpu.memory_space<hbm>> -> memref<8x112xi32, #tpu.memory_space<hbm>>
      %dma_start3A_438 = arith.constant 0 : i32
      %dma_start3A_439 = tpu.memref_slice %arg6[%mul3A_2, %dma_start3A_438] : memref<256x112xi32, #tpu.memory_space<hbm>> -> memref<8x112xi32, #tpu.memory_space<hbm>>
      tpu.enqueue_dma source(%dma_start3A_439 : memref<8x112xi32, #tpu.memory_space<hbm>>) target(%arg14 : memref<8x112xi32, #tpu.memory_space<vmem>>) target_semaphore(%run_scoped3A : memref<!tpu.dma_semaphore, #tpu.memory_space<semaphore_mem>>)
      %dma_wait3A_440 = arith.constant 0 : i32
      %dma_wait3A_441 = tpu.memref_slice %arg6[%mul3A_2, %dma_wait3A_440] : memref<256x112xi32, #tpu.memory_space<hbm>> -> memref<8x112xi32, #tpu.memory_space<hbm>>
      %dma_wait3A_442 = arith.constant 0 : i32
      %dma_wait3A_443 = tpu.memref_slice %arg6[%mul3A_2, %dma_wait3A_442] : memref<256x112xi32, #tpu.memory_space<hbm>> -> memref<8x112xi32, #tpu.memory_space<hbm>>
      tpu.wait_dma2 semaphore(%run_scoped3A : memref<!tpu.dma_semaphore, #tpu.memory_space<semaphore_mem>>) src(%dma_wait3A_443 : memref<8x112xi32, #tpu.memory_space<hbm>>) dst(%arg14 : memref<8x112xi32, #tpu.memory_space<vmem>>)
      tpu.yield
    }) : () -> ()
    %mul3A_225 = arith.constant 896 : i32
    %mul3A_226 = arith.muli %add3A, %mul3A_225 : i32
    %add3A_227 = arith.constant 0 : i32
    %add3A_228 = arith.addi %mul3A_226, %add3A_227 : i32
    "tpu.region"() ({
      %run_scoped3A = tpu.sem_alloc : memref<!tpu.dma_semaphore, #tpu.memory_space<semaphore_mem>>
      %dma_start3A_436 = arith.constant 0 : i32
      %dma_start3A_437 = tpu.memref_slice %arg5[%add3A_228, %dma_start3A_436] : memref<28672x128xf32, #tpu.memory_space<hbm>> -> memref<112x128xf32, #tpu.memory_space<hbm>>
      %dma_start3A_438 = arith.constant 0 : i32
      %dma_start3A_439 = tpu.memref_slice %arg5[%add3A_228, %dma_start3A_438] : memref<28672x128xf32, #tpu.memory_space<hbm>> -> memref<112x128xf32, #tpu.memory_space<hbm>>
      tpu.enqueue_dma source(%dma_start3A_439 : memref<112x128xf32, #tpu.memory_space<hbm>>) target(%arg15 : memref<112x128xf32, #tpu.memory_space<vmem>>) target_semaphore(%run_scoped3A : memref<!tpu.dma_semaphore, #tpu.memory_space<semaphore_mem>>)
      %dma_wait3A_440 = arith.constant 0 : i32
      %dma_wait3A_441 = tpu.memref_slice %arg5[%add3A_228, %dma_wait3A_440] : memref<28672x128xf32, #tpu.memory_space<hbm>> -> memref<112x128xf32, #tpu.memory_space<hbm>>
      %dma_wait3A_442 = arith.constant 0 : i32
      %dma_wait3A_443 = tpu.memref_slice %arg5[%add3A_228, %dma_wait3A_442] : memref<28672x128xf32, #tpu.memory_space<hbm>> -> memref<112x128xf32, #tpu.memory_space<hbm>>
      tpu.wait_dma2 semaphore(%run_scoped3A : memref<!tpu.dma_semaphore, #tpu.memory_space<semaphore_mem>>) src(%dma_wait3A_443 : memref<112x128xf32, #tpu.memory_space<hbm>>) dst(%arg15 : memref<112x128xf32, #tpu.memory_space<vmem>>)
      tpu.yield
    }) : () -> ()
    %dma_start3A_229 = arith.constant 0 : i32
    %dma_start3A_230 = arith.constant 0 : i32
    %dma_start3A_231 = tpu.memref_slice %arg14[%dma_start3A_229, %dma_start3A_230] : memref<8x112xi32, #tpu.memory_space<vmem>> -> memref<1x112xi32, #tpu.memory_space<vmem>>
    %dma_start3A_232 = tpu.memref_squeeze %dma_start3A_231 : memref<1x112xi32, #tpu.memory_space<vmem>> -> memref<112xi32, #tpu.memory_space<vmem>>
    %dma_start3A_233 = arith.constant 0 : i32
    %dma_start3A_234 = arith.constant 0 : i32
    %dma_start3A_235 = tpu.memref_slice %arg10[%dma_start3A_233, %dma_start3A_234] : memref<50064x128xf32, #tpu.memory_space<hbm>> -> memref<50064x128xf32, #tpu.memory_space<hbm>>
    tpu.enqueue_indirect_dma source(%arg15 : memref<112x128xf32, #tpu.memory_space<vmem>>) target(%dma_start3A_235 : memref<50064x128xf32, #tpu.memory_space<hbm>>) offsets(%dma_start3A_232 : memref<112xi32, #tpu.memory_space<vmem>>) semaphore(%arg19 : memref<!tpu.dma_semaphore, #tpu.memory_space<semaphore_mem>>)
    %dma_wait3A_236 = arith.constant 0 : i32
    %dma_wait3A_237 = arith.constant 0 : i32
    %dma_wait3A_238 = tpu.memref_slice %arg14[%dma_wait3A_236, %dma_wait3A_237] : memref<8x112xi32, #tpu.memory_space<vmem>> -> memref<1x112xi32, #tpu.memory_space<vmem>>
    %dma_wait3A_239 = tpu.memref_squeeze %dma_wait3A_238 : memref<1x112xi32, #tpu.memory_space<vmem>> -> memref<112xi32, #tpu.memory_space<vmem>>
    %dma_wait3A_240 = arith.constant 0 : i32
    %dma_wait3A_241 = arith.constant 0 : i32
    %dma_wait3A_242 = tpu.memref_slice %arg10[%dma_wait3A_240, %dma_wait3A_241] : memref<50064x128xf32, #tpu.memory_space<hbm>> -> memref<50064x128xf32, #tpu.memory_space<hbm>>
    tpu.wait_indirect_dma semaphore(%arg19 : memref<!tpu.dma_semaphore, #tpu.memory_space<semaphore_mem>>) src(%arg15 : memref<112x128xf32, #tpu.memory_space<vmem>>) dst(%dma_wait3A_242 : memref<50064x128xf32, #tpu.memory_space<hbm>>)
    %mul3A_243 = arith.constant 896 : i32
    %mul3A_244 = arith.muli %add3A, %mul3A_243 : i32
    %add3A_245 = arith.constant 112 : i32
    %add3A_246 = arith.addi %mul3A_244, %add3A_245 : i32
    "tpu.region"() ({
      %run_scoped3A = tpu.sem_alloc : memref<!tpu.dma_semaphore, #tpu.memory_space<semaphore_mem>>
      %dma_start3A_436 = arith.constant 0 : i32
      %dma_start3A_437 = tpu.memref_slice %arg5[%add3A_246, %dma_start3A_436] : memref<28672x128xf32, #tpu.memory_space<hbm>> -> memref<112x128xf32, #tpu.memory_space<hbm>>
      %dma_start3A_438 = arith.constant 0 : i32
      %dma_start3A_439 = tpu.memref_slice %arg5[%add3A_246, %dma_start3A_438] : memref<28672x128xf32, #tpu.memory_space<hbm>> -> memref<112x128xf32, #tpu.memory_space<hbm>>
      tpu.enqueue_dma source(%dma_start3A_439 : memref<112x128xf32, #tpu.memory_space<hbm>>) target(%arg15 : memref<112x128xf32, #tpu.memory_space<vmem>>) target_semaphore(%run_scoped3A : memref<!tpu.dma_semaphore, #tpu.memory_space<semaphore_mem>>)
      %dma_wait3A_440 = arith.constant 0 : i32
      %dma_wait3A_441 = tpu.memref_slice %arg5[%add3A_246, %dma_wait3A_440] : memref<28672x128xf32, #tpu.memory_space<hbm>> -> memref<112x128xf32, #tpu.memory_space<hbm>>
      %dma_wait3A_442 = arith.constant 0 : i32
      %dma_wait3A_443 = tpu.memref_slice %arg5[%add3A_246, %dma_wait3A_442] : memref<28672x128xf32, #tpu.memory_space<hbm>> -> memref<112x128xf32, #tpu.memory_space<hbm>>
      tpu.wait_dma2 semaphore(%run_scoped3A : memref<!tpu.dma_semaphore, #tpu.memory_space<semaphore_mem>>) src(%dma_wait3A_443 : memref<112x128xf32, #tpu.memory_space<hbm>>) dst(%arg15 : memref<112x128xf32, #tpu.memory_space<vmem>>)
      tpu.yield
    }) : () -> ()
    %dma_start3A_247 = arith.constant 1 : i32
    %dma_start3A_248 = arith.constant 0 : i32
    %dma_start3A_249 = tpu.memref_slice %arg14[%dma_start3A_247, %dma_start3A_248] : memref<8x112xi32, #tpu.memory_space<vmem>> -> memref<1x112xi32, #tpu.memory_space<vmem>>
    %dma_start3A_250 = tpu.memref_squeeze %dma_start3A_249 : memref<1x112xi32, #tpu.memory_space<vmem>> -> memref<112xi32, #tpu.memory_space<vmem>>
    %dma_start3A_251 = arith.constant 0 : i32
    %dma_start3A_252 = arith.constant 0 : i32
    %dma_start3A_253 = tpu.memref_slice %arg10[%dma_start3A_251, %dma_start3A_252] : memref<50064x128xf32, #tpu.memory_space<hbm>> -> memref<50064x128xf32, #tpu.memory_space<hbm>>
    tpu.enqueue_indirect_dma source(%arg15 : memref<112x128xf32, #tpu.memory_space<vmem>>) target(%dma_start3A_253 : memref<50064x128xf32, #tpu.memory_space<hbm>>) offsets(%dma_start3A_250 : memref<112xi32, #tpu.memory_space<vmem>>) semaphore(%arg19 : memref<!tpu.dma_semaphore, #tpu.memory_space<semaphore_mem>>)
    %dma_wait3A_254 = arith.constant 1 : i32
    %dma_wait3A_255 = arith.constant 0 : i32
    %dma_wait3A_256 = tpu.memref_slice %arg14[%dma_wait3A_254, %dma_wait3A_255] : memref<8x112xi32, #tpu.memory_space<vmem>> -> memref<1x112xi32, #tpu.memory_space<vmem>>
    %dma_wait3A_257 = tpu.memref_squeeze %dma_wait3A_256 : memref<1x112xi32, #tpu.memory_space<vmem>> -> memref<112xi32, #tpu.memory_space<vmem>>
    %dma_wait3A_258 = arith.constant 0 : i32
    %dma_wait3A_259 = arith.constant 0 : i32
    %dma_wait3A_260 = tpu.memref_slice %arg10[%dma_wait3A_258, %dma_wait3A_259] : memref<50064x128xf32, #tpu.memory_space<hbm>> -> memref<50064x128xf32, #tpu.memory_space<hbm>>
    tpu.wait_indirect_dma semaphore(%arg19 : memref<!tpu.dma_semaphore, #tpu.memory_space<semaphore_mem>>) src(%arg15 : memref<112x128xf32, #tpu.memory_space<vmem>>) dst(%dma_wait3A_260 : memref<50064x128xf32, #tpu.memory_space<hbm>>)
    %mul3A_261 = arith.constant 896 : i32
    %mul3A_262 = arith.muli %add3A, %mul3A_261 : i32
    %add3A_263 = arith.constant 224 : i32
    %add3A_264 = arith.addi %mul3A_262, %add3A_263 : i32
    "tpu.region"() ({
      %run_scoped3A = tpu.sem_alloc : memref<!tpu.dma_semaphore, #tpu.memory_space<semaphore_mem>>
      %dma_start3A_436 = arith.constant 0 : i32
      %dma_start3A_437 = tpu.memref_slice %arg5[%add3A_264, %dma_start3A_436] : memref<28672x128xf32, #tpu.memory_space<hbm>> -> memref<112x128xf32, #tpu.memory_space<hbm>>
      %dma_start3A_438 = arith.constant 0 : i32
      %dma_start3A_439 = tpu.memref_slice %arg5[%add3A_264, %dma_start3A_438] : memref<28672x128xf32, #tpu.memory_space<hbm>> -> memref<112x128xf32, #tpu.memory_space<hbm>>
      tpu.enqueue_dma source(%dma_start3A_439 : memref<112x128xf32, #tpu.memory_space<hbm>>) target(%arg15 : memref<112x128xf32, #tpu.memory_space<vmem>>) target_semaphore(%run_scoped3A : memref<!tpu.dma_semaphore, #tpu.memory_space<semaphore_mem>>)
      %dma_wait3A_440 = arith.constant 0 : i32
      %dma_wait3A_441 = tpu.memref_slice %arg5[%add3A_264, %dma_wait3A_440] : memref<28672x128xf32, #tpu.memory_space<hbm>> -> memref<112x128xf32, #tpu.memory_space<hbm>>
      %dma_wait3A_442 = arith.constant 0 : i32
      %dma_wait3A_443 = tpu.memref_slice %arg5[%add3A_264, %dma_wait3A_442] : memref<28672x128xf32, #tpu.memory_space<hbm>> -> memref<112x128xf32, #tpu.memory_space<hbm>>
      tpu.wait_dma2 semaphore(%run_scoped3A : memref<!tpu.dma_semaphore, #tpu.memory_space<semaphore_mem>>) src(%dma_wait3A_443 : memref<112x128xf32, #tpu.memory_space<hbm>>) dst(%arg15 : memref<112x128xf32, #tpu.memory_space<vmem>>)
      tpu.yield
    }) : () -> ()
    %dma_start3A_265 = arith.constant 2 : i32
    %dma_start3A_266 = arith.constant 0 : i32
    %dma_start3A_267 = tpu.memref_slice %arg14[%dma_start3A_265, %dma_start3A_266] : memref<8x112xi32, #tpu.memory_space<vmem>> -> memref<1x112xi32, #tpu.memory_space<vmem>>
    %dma_start3A_268 = tpu.memref_squeeze %dma_start3A_267 : memref<1x112xi32, #tpu.memory_space<vmem>> -> memref<112xi32, #tpu.memory_space<vmem>>
    %dma_start3A_269 = arith.constant 0 : i32
    %dma_start3A_270 = arith.constant 0 : i32
    %dma_start3A_271 = tpu.memref_slice %arg10[%dma_start3A_269, %dma_start3A_270] : memref<50064x128xf32, #tpu.memory_space<hbm>> -> memref<50064x128xf32, #tpu.memory_space<hbm>>
    tpu.enqueue_indirect_dma source(%arg15 : memref<112x128xf32, #tpu.memory_space<vmem>>) target(%dma_start3A_271 : memref<50064x128xf32, #tpu.memory_space<hbm>>) offsets(%dma_start3A_268 : memref<112xi32, #tpu.memory_space<vmem>>) semaphore(%arg19 : memref<!tpu.dma_semaphore, #tpu.memory_space<semaphore_mem>>)
    %dma_wait3A_272 = arith.constant 2 : i32
    %dma_wait3A_273 = arith.constant 0 : i32
    %dma_wait3A_274 = tpu.memref_slice %arg14[%dma_wait3A_272, %dma_wait3A_273] : memref<8x112xi32, #tpu.memory_space<vmem>> -> memref<1x112xi32, #tpu.memory_space<vmem>>
    %dma_wait3A_275 = tpu.memref_squeeze %dma_wait3A_274 : memref<1x112xi32, #tpu.memory_space<vmem>> -> memref<112xi32, #tpu.memory_space<vmem>>
    %dma_wait3A_276 = arith.constant 0 : i32
    %dma_wait3A_277 = arith.constant 0 : i32
    %dma_wait3A_278 = tpu.memref_slice %arg10[%dma_wait3A_276, %dma_wait3A_277] : memref<50064x128xf32, #tpu.memory_space<hbm>> -> memref<50064x128xf32, #tpu.memory_space<hbm>>
    tpu.wait_indirect_dma semaphore(%arg19 : memref<!tpu.dma_semaphore, #tpu.memory_space<semaphore_mem>>) src(%arg15 : memref<112x128xf32, #tpu.memory_space<vmem>>) dst(%dma_wait3A_278 : memref<50064x128xf32, #tpu.memory_space<hbm>>)
    %mul3A_279 = arith.constant 896 : i32
    %mul3A_280 = arith.muli %add3A, %mul3A_279 : i32
    %add3A_281 = arith.constant 336 : i32
    %add3A_282 = arith.addi %mul3A_280, %add3A_281 : i32
    "tpu.region"() ({
      %run_scoped3A = tpu.sem_alloc : memref<!tpu.dma_semaphore, #tpu.memory_space<semaphore_mem>>
      %dma_start3A_436 = arith.constant 0 : i32
      %dma_start3A_437 = tpu.memref_slice %arg5[%add3A_282, %dma_start3A_436] : memref<28672x128xf32, #tpu.memory_space<hbm>> -> memref<112x128xf32, #tpu.memory_space<hbm>>
      %dma_start3A_438 = arith.constant 0 : i32
      %dma_start3A_439 = tpu.memref_slice %arg5[%add3A_282, %dma_start3A_438] : memref<28672x128xf32, #tpu.memory_space<hbm>> -> memref<112x128xf32, #tpu.memory_space<hbm>>
      tpu.enqueue_dma source(%dma_start3A_439 : memref<112x128xf32, #tpu.memory_space<hbm>>) target(%arg15 : memref<112x128xf32, #tpu.memory_space<vmem>>) target_semaphore(%run_scoped3A : memref<!tpu.dma_semaphore, #tpu.memory_space<semaphore_mem>>)
      %dma_wait3A_440 = arith.constant 0 : i32
      %dma_wait3A_441 = tpu.memref_slice %arg5[%add3A_282, %dma_wait3A_440] : memref<28672x128xf32, #tpu.memory_space<hbm>> -> memref<112x128xf32, #tpu.memory_space<hbm>>
      %dma_wait3A_442 = arith.constant 0 : i32
      %dma_wait3A_443 = tpu.memref_slice %arg5[%add3A_282, %dma_wait3A_442] : memref<28672x128xf32, #tpu.memory_space<hbm>> -> memref<112x128xf32, #tpu.memory_space<hbm>>
      tpu.wait_dma2 semaphore(%run_scoped3A : memref<!tpu.dma_semaphore, #tpu.memory_space<semaphore_mem>>) src(%dma_wait3A_443 : memref<112x128xf32, #tpu.memory_space<hbm>>) dst(%arg15 : memref<112x128xf32, #tpu.memory_space<vmem>>)
      tpu.yield
    }) : () -> ()
    %dma_start3A_283 = arith.constant 3 : i32
    %dma_start3A_284 = arith.constant 0 : i32
    %dma_start3A_285 = tpu.memref_slice %arg14[%dma_start3A_283, %dma_start3A_284] : memref<8x112xi32, #tpu.memory_space<vmem>> -> memref<1x112xi32, #tpu.memory_space<vmem>>
    %dma_start3A_286 = tpu.memref_squeeze %dma_start3A_285 : memref<1x112xi32, #tpu.memory_space<vmem>> -> memref<112xi32, #tpu.memory_space<vmem>>
    %dma_start3A_287 = arith.constant 0 : i32
    %dma_start3A_288 = arith.constant 0 : i32
    %dma_start3A_289 = tpu.memref_slice %arg10[%dma_start3A_287, %dma_start3A_288] : memref<50064x128xf32, #tpu.memory_space<hbm>> -> memref<50064x128xf32, #tpu.memory_space<hbm>>
    tpu.enqueue_indirect_dma source(%arg15 : memref<112x128xf32, #tpu.memory_space<vmem>>) target(%dma_start3A_289 : memref<50064x128xf32, #tpu.memory_space<hbm>>) offsets(%dma_start3A_286 : memref<112xi32, #tpu.memory_space<vmem>>) semaphore(%arg19 : memref<!tpu.dma_semaphore, #tpu.memory_space<semaphore_mem>>)
    %dma_wait3A_290 = arith.constant 3 : i32
    %dma_wait3A_291 = arith.constant 0 : i32
    %dma_wait3A_292 = tpu.memref_slice %arg14[%dma_wait3A_290, %dma_wait3A_291] : memref<8x112xi32, #tpu.memory_space<vmem>> -> memref<1x112xi32, #tpu.memory_space<vmem>>
    %dma_wait3A_293 = tpu.memref_squeeze %dma_wait3A_292 : memref<1x112xi32, #tpu.memory_space<vmem>> -> memref<112xi32, #tpu.memory_space<vmem>>
    %dma_wait3A_294 = arith.constant 0 : i32
    %dma_wait3A_295 = arith.constant 0 : i32
    %dma_wait3A_296 = tpu.memref_slice %arg10[%dma_wait3A_294, %dma_wait3A_295] : memref<50064x128xf32, #tpu.memory_space<hbm>> -> memref<50064x128xf32, #tpu.memory_space<hbm>>
    tpu.wait_indirect_dma semaphore(%arg19 : memref<!tpu.dma_semaphore, #tpu.memory_space<semaphore_mem>>) src(%arg15 : memref<112x128xf32, #tpu.memory_space<vmem>>) dst(%dma_wait3A_296 : memref<50064x128xf32, #tpu.memory_space<hbm>>)
    %mul3A_297 = arith.constant 896 : i32
    %mul3A_298 = arith.muli %add3A, %mul3A_297 : i32
    %add3A_299 = arith.constant 448 : i32
    %add3A_300 = arith.addi %mul3A_298, %add3A_299 : i32
    "tpu.region"() ({
      %run_scoped3A = tpu.sem_alloc : memref<!tpu.dma_semaphore, #tpu.memory_space<semaphore_mem>>
      %dma_start3A_436 = arith.constant 0 : i32
      %dma_start3A_437 = tpu.memref_slice %arg5[%add3A_300, %dma_start3A_436] : memref<28672x128xf32, #tpu.memory_space<hbm>> -> memref<112x128xf32, #tpu.memory_space<hbm>>
      %dma_start3A_438 = arith.constant 0 : i32
      %dma_start3A_439 = tpu.memref_slice %arg5[%add3A_300, %dma_start3A_438] : memref<28672x128xf32, #tpu.memory_space<hbm>> -> memref<112x128xf32, #tpu.memory_space<hbm>>
      tpu.enqueue_dma source(%dma_start3A_439 : memref<112x128xf32, #tpu.memory_space<hbm>>) target(%arg15 : memref<112x128xf32, #tpu.memory_space<vmem>>) target_semaphore(%run_scoped3A : memref<!tpu.dma_semaphore, #tpu.memory_space<semaphore_mem>>)
      %dma_wait3A_440 = arith.constant 0 : i32
      %dma_wait3A_441 = tpu.memref_slice %arg5[%add3A_300, %dma_wait3A_440] : memref<28672x128xf32, #tpu.memory_space<hbm>> -> memref<112x128xf32, #tpu.memory_space<hbm>>
      %dma_wait3A_442 = arith.constant 0 : i32
      %dma_wait3A_443 = tpu.memref_slice %arg5[%add3A_300, %dma_wait3A_442] : memref<28672x128xf32, #tpu.memory_space<hbm>> -> memref<112x128xf32, #tpu.memory_space<hbm>>
      tpu.wait_dma2 semaphore(%run_scoped3A : memref<!tpu.dma_semaphore, #tpu.memory_space<semaphore_mem>>) src(%dma_wait3A_443 : memref<112x128xf32, #tpu.memory_space<hbm>>) dst(%arg15 : memref<112x128xf32, #tpu.memory_space<vmem>>)
      tpu.yield
    }) : () -> ()
    %dma_start3A_301 = arith.constant 4 : i32
    %dma_start3A_302 = arith.constant 0 : i32
    %dma_start3A_303 = tpu.memref_slice %arg14[%dma_start3A_301, %dma_start3A_302] : memref<8x112xi32, #tpu.memory_space<vmem>> -> memref<1x112xi32, #tpu.memory_space<vmem>>
    %dma_start3A_304 = tpu.memref_squeeze %dma_start3A_303 : memref<1x112xi32, #tpu.memory_space<vmem>> -> memref<112xi32, #tpu.memory_space<vmem>>
    %dma_start3A_305 = arith.constant 0 : i32
    %dma_start3A_306 = arith.constant 0 : i32
    %dma_start3A_307 = tpu.memref_slice %arg10[%dma_start3A_305, %dma_start3A_306] : memref<50064x128xf32, #tpu.memory_space<hbm>> -> memref<50064x128xf32, #tpu.memory_space<hbm>>
    tpu.enqueue_indirect_dma source(%arg15 : memref<112x128xf32, #tpu.memory_space<vmem>>) target(%dma_start3A_307 : memref<50064x128xf32, #tpu.memory_space<hbm>>) offsets(%dma_start3A_304 : memref<112xi32, #tpu.memory_space<vmem>>) semaphore(%arg19 : memref<!tpu.dma_semaphore, #tpu.memory_space<semaphore_mem>>)
    %dma_wait3A_308 = arith.constant 4 : i32
    %dma_wait3A_309 = arith.constant 0 : i32
    %dma_wait3A_310 = tpu.memref_slice %arg14[%dma_wait3A_308, %dma_wait3A_309] : memref<8x112xi32, #tpu.memory_space<vmem>> -> memref<1x112xi32, #tpu.memory_space<vmem>>
    %dma_wait3A_311 = tpu.memref_squeeze %dma_wait3A_310 : memref<1x112xi32, #tpu.memory_space<vmem>> -> memref<112xi32, #tpu.memory_space<vmem>>
    %dma_wait3A_312 = arith.constant 0 : i32
    %dma_wait3A_313 = arith.constant 0 : i32
    %dma_wait3A_314 = tpu.memref_slice %arg10[%dma_wait3A_312, %dma_wait3A_313] : memref<50064x128xf32, #tpu.memory_space<hbm>> -> memref<50064x128xf32, #tpu.memory_space<hbm>>
    tpu.wait_indirect_dma semaphore(%arg19 : memref<!tpu.dma_semaphore, #tpu.memory_space<semaphore_mem>>) src(%arg15 : memref<112x128xf32, #tpu.memory_space<vmem>>) dst(%dma_wait3A_314 : memref<50064x128xf32, #tpu.memory_space<hbm>>)
    %mul3A_315 = arith.constant 896 : i32
    %mul3A_316 = arith.muli %add3A, %mul3A_315 : i32
    %add3A_317 = arith.constant 560 : i32
    %add3A_318 = arith.addi %mul3A_316, %add3A_317 : i32
    "tpu.region"() ({
      %run_scoped3A = tpu.sem_alloc : memref<!tpu.dma_semaphore, #tpu.memory_space<semaphore_mem>>
      %dma_start3A_436 = arith.constant 0 : i32
      %dma_start3A_437 = tpu.memref_slice %arg5[%add3A_318, %dma_start3A_436] : memref<28672x128xf32, #tpu.memory_space<hbm>> -> memref<112x128xf32, #tpu.memory_space<hbm>>
      %dma_start3A_438 = arith.constant 0 : i32
      %dma_start3A_439 = tpu.memref_slice %arg5[%add3A_318, %dma_start3A_438] : memref<28672x128xf32, #tpu.memory_space<hbm>> -> memref<112x128xf32, #tpu.memory_space<hbm>>
      tpu.enqueue_dma source(%dma_start3A_439 : memref<112x128xf32, #tpu.memory_space<hbm>>) target(%arg15 : memref<112x128xf32, #tpu.memory_space<vmem>>) target_semaphore(%run_scoped3A : memref<!tpu.dma_semaphore, #tpu.memory_space<semaphore_mem>>)
      %dma_wait3A_440 = arith.constant 0 : i32
      %dma_wait3A_441 = tpu.memref_slice %arg5[%add3A_318, %dma_wait3A_440] : memref<28672x128xf32, #tpu.memory_space<hbm>> -> memref<112x128xf32, #tpu.memory_space<hbm>>
      %dma_wait3A_442 = arith.constant 0 : i32
      %dma_wait3A_443 = tpu.memref_slice %arg5[%add3A_318, %dma_wait3A_442] : memref<28672x128xf32, #tpu.memory_space<hbm>> -> memref<112x128xf32, #tpu.memory_space<hbm>>
      tpu.wait_dma2 semaphore(%run_scoped3A : memref<!tpu.dma_semaphore, #tpu.memory_space<semaphore_mem>>) src(%dma_wait3A_443 : memref<112x128xf32, #tpu.memory_space<hbm>>) dst(%arg15 : memref<112x128xf32, #tpu.memory_space<vmem>>)
      tpu.yield
    }) : () -> ()
    %dma_start3A_319 = arith.constant 5 : i32
    %dma_start3A_320 = arith.constant 0 : i32
    %dma_start3A_321 = tpu.memref_slice %arg14[%dma_start3A_319, %dma_start3A_320] : memref<8x112xi32, #tpu.memory_space<vmem>> -> memref<1x112xi32, #tpu.memory_space<vmem>>
    %dma_start3A_322 = tpu.memref_squeeze %dma_start3A_321 : memref<1x112xi32, #tpu.memory_space<vmem>> -> memref<112xi32, #tpu.memory_space<vmem>>
    %dma_start3A_323 = arith.constant 0 : i32
    %dma_start3A_324 = arith.constant 0 : i32
    %dma_start3A_325 = tpu.memref_slice %arg10[%dma_start3A_323, %dma_start3A_324] : memref<50064x128xf32, #tpu.memory_space<hbm>> -> memref<50064x128xf32, #tpu.memory_space<hbm>>
    tpu.enqueue_indirect_dma source(%arg15 : memref<112x128xf32, #tpu.memory_space<vmem>>) target(%dma_start3A_325 : memref<50064x128xf32, #tpu.memory_space<hbm>>) offsets(%dma_start3A_322 : memref<112xi32, #tpu.memory_space<vmem>>) semaphore(%arg19 : memref<!tpu.dma_semaphore, #tpu.memory_space<semaphore_mem>>)
    %dma_wait3A_326 = arith.constant 5 : i32
    %dma_wait3A_327 = arith.constant 0 : i32
    %dma_wait3A_328 = tpu.memref_slice %arg14[%dma_wait3A_326, %dma_wait3A_327] : memref<8x112xi32, #tpu.memory_space<vmem>> -> memref<1x112xi32, #tpu.memory_space<vmem>>
    %dma_wait3A_329 = tpu.memref_squeeze %dma_wait3A_328 : memref<1x112xi32, #tpu.memory_space<vmem>> -> memref<112xi32, #tpu.memory_space<vmem>>
    %dma_wait3A_330 = arith.constant 0 : i32
    %dma_wait3A_331 = arith.constant 0 : i32
    %dma_wait3A_332 = tpu.memref_slice %arg10[%dma_wait3A_330, %dma_wait3A_331] : memref<50064x128xf32, #tpu.memory_space<hbm>> -> memref<50064x128xf32, #tpu.memory_space<hbm>>
    tpu.wait_indirect_dma semaphore(%arg19 : memref<!tpu.dma_semaphore, #tpu.memory_space<semaphore_mem>>) src(%arg15 : memref<112x128xf32, #tpu.memory_space<vmem>>) dst(%dma_wait3A_332 : memref<50064x128xf32, #tpu.memory_space<hbm>>)
    %mul3A_333 = arith.constant 896 : i32
    %mul3A_334 = arith.muli %add3A, %mul3A_333 : i32
    %add3A_335 = arith.constant 672 : i32
    %add3A_336 = arith.addi %mul3A_334, %add3A_335 : i32
    "tpu.region"() ({
      %run_scoped3A = tpu.sem_alloc : memref<!tpu.dma_semaphore, #tpu.memory_space<semaphore_mem>>
      %dma_start3A_436 = arith.constant 0 : i32
      %dma_start3A_437 = tpu.memref_slice %arg5[%add3A_336, %dma_start3A_436] : memref<28672x128xf32, #tpu.memory_space<hbm>> -> memref<112x128xf32, #tpu.memory_space<hbm>>
      %dma_start3A_438 = arith.constant 0 : i32
      %dma_start3A_439 = tpu.memref_slice %arg5[%add3A_336, %dma_start3A_438] : memref<28672x128xf32, #tpu.memory_space<hbm>> -> memref<112x128xf32, #tpu.memory_space<hbm>>
      tpu.enqueue_dma source(%dma_start3A_439 : memref<112x128xf32, #tpu.memory_space<hbm>>) target(%arg15 : memref<112x128xf32, #tpu.memory_space<vmem>>) target_semaphore(%run_scoped3A : memref<!tpu.dma_semaphore, #tpu.memory_space<semaphore_mem>>)
      %dma_wait3A_440 = arith.constant 0 : i32
      %dma_wait3A_441 = tpu.memref_slice %arg5[%add3A_336, %dma_wait3A_440] : memref<28672x128xf32, #tpu.memory_space<hbm>> -> memref<112x128xf32, #tpu.memory_space<hbm>>
      %dma_wait3A_442 = arith.constant 0 : i32
      %dma_wait3A_443 = tpu.memref_slice %arg5[%add3A_336, %dma_wait3A_442] : memref<28672x128xf32, #tpu.memory_space<hbm>> -> memref<112x128xf32, #tpu.memory_space<hbm>>
      tpu.wait_dma2 semaphore(%run_scoped3A : memref<!tpu.dma_semaphore, #tpu.memory_space<semaphore_mem>>) src(%dma_wait3A_443 : memref<112x128xf32, #tpu.memory_space<hbm>>) dst(%arg15 : memref<112x128xf32, #tpu.memory_space<vmem>>)
      tpu.yield
    }) : () -> ()
    %dma_start3A_337 = arith.constant 6 : i32
    %dma_start3A_338 = arith.constant 0 : i32
    %dma_start3A_339 = tpu.memref_slice %arg14[%dma_start3A_337, %dma_start3A_338] : memref<8x112xi32, #tpu.memory_space<vmem>> -> memref<1x112xi32, #tpu.memory_space<vmem>>
    %dma_start3A_340 = tpu.memref_squeeze %dma_start3A_339 : memref<1x112xi32, #tpu.memory_space<vmem>> -> memref<112xi32, #tpu.memory_space<vmem>>
    %dma_start3A_341 = arith.constant 0 : i32
    %dma_start3A_342 = arith.constant 0 : i32
    %dma_start3A_343 = tpu.memref_slice %arg10[%dma_start3A_341, %dma_start3A_342] : memref<50064x128xf32, #tpu.memory_space<hbm>> -> memref<50064x128xf32, #tpu.memory_space<hbm>>
    tpu.enqueue_indirect_dma source(%arg15 : memref<112x128xf32, #tpu.memory_space<vmem>>) target(%dma_start3A_343 : memref<50064x128xf32, #tpu.memory_space<hbm>>) offsets(%dma_start3A_340 : memref<112xi32, #tpu.memory_space<vmem>>) semaphore(%arg19 : memref<!tpu.dma_semaphore, #tpu.memory_space<semaphore_mem>>)
    %dma_wait3A_344 = arith.constant 6 : i32
    %dma_wait3A_345 = arith.constant 0 : i32
    %dma_wait3A_346 = tpu.memref_slice %arg14[%dma_wait3A_344, %dma_wait3A_345] : memref<8x112xi32, #tpu.memory_space<vmem>> -> memref<1x112xi32, #tpu.memory_space<vmem>>
    %dma_wait3A_347 = tpu.memref_squeeze %dma_wait3A_346 : memref<1x112xi32, #tpu.memory_space<vmem>> -> memref<112xi32, #tpu.memory_space<vmem>>
    %dma_wait3A_348 = arith.constant 0 : i32
    %dma_wait3A_349 = arith.constant 0 : i32
    %dma_wait3A_350 = tpu.memref_slice %arg10[%dma_wait3A_348, %dma_wait3A_349] : memref<50064x128xf32, #tpu.memory_space<hbm>> -> memref<50064x128xf32, #tpu.memory_space<hbm>>
    tpu.wait_indirect_dma semaphore(%arg19 : memref<!tpu.dma_semaphore, #tpu.memory_space<semaphore_mem>>) src(%arg15 : memref<112x128xf32, #tpu.memory_space<vmem>>) dst(%dma_wait3A_350 : memref<50064x128xf32, #tpu.memory_space<hbm>>)
    %mul3A_351 = arith.constant 896 : i32
    %mul3A_352 = arith.muli %add3A, %mul3A_351 : i32
    %add3A_353 = arith.constant 784 : i32
    %add3A_354 = arith.addi %mul3A_352, %add3A_353 : i32
    "tpu.region"() ({
      %run_scoped3A = tpu.sem_alloc : memref<!tpu.dma_semaphore, #tpu.memory_space<semaphore_mem>>
      %dma_start3A_436 = arith.constant 0 : i32
      %dma_start3A_437 = tpu.memref_slice %arg5[%add3A_354, %dma_start3A_436] : memref<28672x128xf32, #tpu.memory_space<hbm>> -> memref<112x128xf32, #tpu.memory_space<hbm>>
      %dma_start3A_438 = arith.constant 0 : i32
      %dma_start3A_439 = tpu.memref_slice %arg5[%add3A_354, %dma_start3A_438] : memref<28672x128xf32, #tpu.memory_space<hbm>> -> memref<112x128xf32, #tpu.memory_space<hbm>>
      tpu.enqueue_dma source(%dma_start3A_439 : memref<112x128xf32, #tpu.memory_space<hbm>>) target(%arg15 : memref<112x128xf32, #tpu.memory_space<vmem>>) target_semaphore(%run_scoped3A : memref<!tpu.dma_semaphore, #tpu.memory_space<semaphore_mem>>)
      %dma_wait3A_440 = arith.constant 0 : i32
      %dma_wait3A_441 = tpu.memref_slice %arg5[%add3A_354, %dma_wait3A_440] : memref<28672x128xf32, #tpu.memory_space<hbm>> -> memref<112x128xf32, #tpu.memory_space<hbm>>
      %dma_wait3A_442 = arith.constant 0 : i32
      %dma_wait3A_443 = tpu.memref_slice %arg5[%add3A_354, %dma_wait3A_442] : memref<28672x128xf32, #tpu.memory_space<hbm>> -> memref<112x128xf32, #tpu.memory_space<hbm>>
      tpu.wait_dma2 semaphore(%run_scoped3A : memref<!tpu.dma_semaphore, #tpu.memory_space<semaphore_mem>>) src(%dma_wait3A_443 : memref<112x128xf32, #tpu.memory_space<hbm>>) dst(%arg15 : memref<112x128xf32, #tpu.memory_space<vmem>>)
      tpu.yield
    }) : () -> ()
    %dma_start3A_355 = arith.constant 7 : i32
    %dma_start3A_356 = arith.constant 0 : i32
    %dma_start3A_357 = tpu.memref_slice %arg14[%dma_start3A_355, %dma_start3A_356] : memref<8x112xi32, #tpu.memory_space<vmem>> -> memref<1x112xi32, #tpu.memory_space<vmem>>
    %dma_start3A_358 = tpu.memref_squeeze %dma_start3A_357 : memref<1x112xi32, #tpu.memory_space<vmem>> -> memref<112xi32, #tpu.memory_space<vmem>>
    %dma_start3A_359 = arith.constant 0 : i32
    %dma_start3A_360 = arith.constant 0 : i32
    %dma_start3A_361 = tpu.memref_slice %arg10[%dma_start3A_359, %dma_start3A_360] : memref<50064x128xf32, #tpu.memory_space<hbm>> -> memref<50064x128xf32, #tpu.memory_space<hbm>>
    tpu.enqueue_indirect_dma source(%arg15 : memref<112x128xf32, #tpu.memory_space<vmem>>) target(%dma_start3A_361 : memref<50064x128xf32, #tpu.memory_space<hbm>>) offsets(%dma_start3A_358 : memref<112xi32, #tpu.memory_space<vmem>>) semaphore(%arg19 : memref<!tpu.dma_semaphore, #tpu.memory_space<semaphore_mem>>)
    %dma_wait3A_362 = arith.constant 7 : i32
    %dma_wait3A_363 = arith.constant 0 : i32
    %dma_wait3A_364 = tpu.memref_slice %arg14[%dma_wait3A_362, %dma_wait3A_363] : memref<8x112xi32, #tpu.memory_space<vmem>> -> memref<1x112xi32, #tpu.memory_space<vmem>>
    %dma_wait3A_365 = tpu.memref_squeeze %dma_wait3A_364 : memref<1x112xi32, #tpu.memory_space<vmem>> -> memref<112xi32, #tpu.memory_space<vmem>>
    %dma_wait3A_366 = arith.constant 0 : i32
    %dma_wait3A_367 = arith.constant 0 : i32
    %dma_wait3A_368 = tpu.memref_slice %arg10[%dma_wait3A_366, %dma_wait3A_367] : memref<50064x128xf32, #tpu.memory_space<hbm>> -> memref<50064x128xf32, #tpu.memory_space<hbm>>
    tpu.wait_indirect_dma semaphore(%arg19 : memref<!tpu.dma_semaphore, #tpu.memory_space<semaphore_mem>>) src(%arg15 : memref<112x128xf32, #tpu.memory_space<vmem>>) dst(%dma_wait3A_368 : memref<50064x128xf32, #tpu.memory_space<hbm>>)
    %mul3A_369 = arith.constant 64 : i32
    %mul3A_370 = arith.muli %add3A, %mul3A_369 : i32
    "tpu.region"() ({
      %run_scoped3A = tpu.sem_alloc : memref<!tpu.dma_semaphore, #tpu.memory_space<semaphore_mem>>
      %dma_start3A_436 = tpu.memref_slice %arg8[%mul3A_370] : memref<2048xi32, #tpu.memory_space<hbm>> -> memref<64xi32, #tpu.memory_space<hbm>>
      %dma_start3A_437 = tpu.memref_slice %arg8[%mul3A_370] : memref<2048xi32, #tpu.memory_space<hbm>> -> memref<64xi32, #tpu.memory_space<hbm>>
      tpu.enqueue_dma source(%dma_start3A_437 : memref<64xi32, #tpu.memory_space<hbm>>) target(%arg16 : memref<64xi32, #tpu.memory_space<vmem>>) target_semaphore(%run_scoped3A : memref<!tpu.dma_semaphore, #tpu.memory_space<semaphore_mem>>)
      %dma_wait3A_438 = tpu.memref_slice %arg8[%mul3A_370] : memref<2048xi32, #tpu.memory_space<hbm>> -> memref<64xi32, #tpu.memory_space<hbm>>
      %dma_wait3A_439 = tpu.memref_slice %arg8[%mul3A_370] : memref<2048xi32, #tpu.memory_space<hbm>> -> memref<64xi32, #tpu.memory_space<hbm>>
      tpu.wait_dma2 semaphore(%run_scoped3A : memref<!tpu.dma_semaphore, #tpu.memory_space<semaphore_mem>>) src(%dma_wait3A_439 : memref<64xi32, #tpu.memory_space<hbm>>) dst(%arg16 : memref<64xi32, #tpu.memory_space<vmem>>)
      tpu.yield
    }) : () -> ()
    %get3A = arith.constant 0 : index
    %get3A_371 = tpu.vector_load %arg16[%get3A] {strides = array<i32>} : memref<64xi32, #tpu.memory_space<vmem>>, vector<16xi32>,
    %shift_right_logical3A = arith.constant 7 : i32
    %shift_right_logical3A_372 = vector.broadcast %shift_right_logical3A : i32 to vector<16xi32>
    %shift_right_logical3A_373 = arith.shrui %get3A_371, %shift_right_logical3A_372 : vector<16xi32>
    %swap3A = arith.constant 0 : index
    %swap3A_374 = tpu.vector_load %arg17[%swap3A] {strides = array<i32>} : memref<64xi32, #tpu.memory_space<vmem>>, vector<16xi32>,
    tpu.vector_store %arg17[%swap3A], %shift_right_logical3A_373 {strides = array<i32>} : memref<64xi32, #tpu.memory_space<vmem>>, vector<16xi32>,
    %get3A_375 = arith.constant 16 : index
    %get3A_376 = tpu.vector_load %arg16[%get3A_375] {strides = array<i32>} : memref<64xi32, #tpu.memory_space<vmem>>, vector<16xi32>,
    %shift_right_logical3A_377 = arith.constant 7 : i32
    %shift_right_logical3A_378 = vector.broadcast %shift_right_logical3A_377 : i32 to vector<16xi32>
    %shift_right_logical3A_379 = arith.shrui %get3A_376, %shift_right_logical3A_378 : vector<16xi32>
    %swap3A_380 = arith.constant 16 : index
    %swap3A_381 = tpu.vector_load %arg17[%swap3A_380] {strides = array<i32>} : memref<64xi32, #tpu.memory_space<vmem>>, vector<16xi32>,
    tpu.vector_store %arg17[%swap3A_380], %shift_right_logical3A_379 {strides = array<i32>} : memref<64xi32, #tpu.memory_space<vmem>>, vector<16xi32>,
    %get3A_382 = arith.constant 32 : index
    %get3A_383 = tpu.vector_load %arg16[%get3A_382] {strides = array<i32>} : memref<64xi32, #tpu.memory_space<vmem>>, vector<16xi32>,
    %shift_right_logical3A_384 = arith.constant 7 : i32
    %shift_right_logical3A_385 = vector.broadcast %shift_right_logical3A_384 : i32 to vector<16xi32>
    %shift_right_logical3A_386 = arith.shrui %get3A_383, %shift_right_logical3A_385 : vector<16xi32>
    %swap3A_387 = arith.constant 32 : index
    %swap3A_388 = tpu.vector_load %arg17[%swap3A_387] {strides = array<i32>} : memref<64xi32, #tpu.memory_space<vmem>>, vector<16xi32>,
    tpu.vector_store %arg17[%swap3A_387], %shift_right_logical3A_386 {strides = array<i32>} : memref<64xi32, #tpu.memory_space<vmem>>, vector<16xi32>,
    %get3A_389 = arith.constant 48 : index
    %get3A_390 = tpu.vector_load %arg16[%get3A_389] {strides = array<i32>} : memref<64xi32, #tpu.memory_space<vmem>>, vector<16xi32>,
    %shift_right_logical3A_391 = arith.constant 7 : i32
    %shift_right_logical3A_392 = vector.broadcast %shift_right_logical3A_391 : i32 to vector<16xi32>
    %shift_right_logical3A_393 = arith.shrui %get3A_390, %shift_right_logical3A_392 : vector<16xi32>
    %swap3A_394 = arith.constant 48 : index
    %swap3A_395 = tpu.vector_load %arg17[%swap3A_394] {strides = array<i32>} : memref<64xi32, #tpu.memory_space<vmem>>, vector<16xi32>,
    tpu.vector_store %arg17[%swap3A_394], %shift_right_logical3A_393 {strides = array<i32>} : memref<64xi32, #tpu.memory_space<vmem>>, vector<16xi32>,
    %dma_start3A_396 = arith.constant 0 : i32
    %dma_start3A_397 = arith.constant 0 : i32
    %dma_start3A_398 = tpu.memref_slice %arg7[%dma_start3A_396, %dma_start3A_397] : memref<1563x128xi32, #tpu.memory_space<hbm>> -> memref<1563x128xi32, #tpu.memory_space<hbm>>
    tpu.enqueue_indirect_dma source(%dma_start3A_398 : memref<1563x128xi32, #tpu.memory_space<hbm>>) target(%arg18 : memref<64x128xi32, #tpu.memory_space<vmem>>) offsets(%arg17 : memref<64xi32, #tpu.memory_space<vmem>>) semaphore(%arg19 : memref<!tpu.dma_semaphore, #tpu.memory_space<semaphore_mem>>)
    %dma_wait3A_399 = arith.constant 0 : i32
    %dma_wait3A_400 = arith.constant 0 : i32
    %dma_wait3A_401 = tpu.memref_slice %arg7[%dma_wait3A_399, %dma_wait3A_400] : memref<1563x128xi32, #tpu.memory_space<hbm>> -> memref<1563x128xi32, #tpu.memory_space<hbm>>
    tpu.wait_indirect_dma semaphore(%arg19 : memref<!tpu.dma_semaphore, #tpu.memory_space<semaphore_mem>>) src(%dma_wait3A_401 : memref<1563x128xi32, #tpu.memory_space<hbm>>) dst(%arg18 : memref<64x128xi32, #tpu.memory_space<vmem>>)
    "tpu.region"() ({
      %run_scoped3A = tpu.sem_alloc : memref<!tpu.dma_semaphore, #tpu.memory_space<semaphore_mem>>
      %dma_start3A_436 = arith.constant 0 : i32
      %dma_start3A_437 = tpu.memref_slice %arg11[%mul3A_370, %dma_start3A_436] : memref<2048x128xi32, #tpu.memory_space<hbm>> -> memref<64x128xi32, #tpu.memory_space<hbm>>
      %dma_start3A_438 = arith.constant 0 : i32
      %dma_start3A_439 = tpu.memref_slice %arg11[%mul3A_370, %dma_start3A_438] : memref<2048x128xi32, #tpu.memory_space<hbm>> -> memref<64x128xi32, #tpu.memory_space<hbm>>
      tpu.enqueue_dma source(%arg18 : memref<64x128xi32, #tpu.memory_space<vmem>>) target(%dma_start3A_439 : memref<64x128xi32, #tpu.memory_space<hbm>>) target_semaphore(%run_scoped3A : memref<!tpu.dma_semaphore, #tpu.memory_space<semaphore_mem>>)
      %dma_wait3A_440 = arith.constant 0 : i32
      %dma_wait3A_441 = tpu.memref_slice %arg11[%mul3A_370, %dma_wait3A_440] : memref<2048x128xi32, #tpu.memory_space<hbm>> -> memref<64x128xi32, #tpu.memory_space<hbm>>
      %dma_wait3A_442 = arith.constant 0 : i32
      %dma_wait3A_443 = tpu.memref_slice %arg11[%mul3A_370, %dma_wait3A_442] : memref<2048x128xi32, #tpu.memory_space<hbm>> -> memref<64x128xi32, #tpu.memory_space<hbm>>
      tpu.wait_dma2 semaphore(%run_scoped3A : memref<!tpu.dma_semaphore, #tpu.memory_space<semaphore_mem>>) src(%arg18 : memref<64x128xi32, #tpu.memory_space<vmem>>) dst(%dma_wait3A_443 : memref<64x128xi32, #tpu.memory_space<hbm>>)
      tpu.yield
    }) : () -> ()
    "tpu.region"() ({
      %run_scoped3A = tpu.sem_alloc : memref<!tpu.dma_semaphore, #tpu.memory_space<semaphore_mem>>
      %dma_start3A_436 = tpu.memref_slice %arg9[%mul3A_370] : memref<2048xi32, #tpu.memory_space<hbm>> -> memref<64xi32, #tpu.memory_space<hbm>>
      %dma_start3A_437 = tpu.memref_slice %arg9[%mul3A_370] : memref<2048xi32, #tpu.memory_space<hbm>> -> memref<64xi32, #tpu.memory_space<hbm>>
      tpu.enqueue_dma source(%dma_start3A_437 : memref<64xi32, #tpu.memory_space<hbm>>) target(%arg16 : memref<64xi32, #tpu.memory_space<vmem>>) target_semaphore(%run_scoped3A : memref<!tpu.dma_semaphore, #tpu.memory_space<semaphore_mem>>)
      %dma_wait3A_438 = tpu.memref_slice %arg9[%mul3A_370] : memref<2048xi32, #tpu.memory_space<hbm>> -> memref<64xi32, #tpu.memory_space<hbm>>
      %dma_wait3A_439 = tpu.memref_slice %arg9[%mul3A_370] : memref<2048xi32, #tpu.memory_space<hbm>> -> memref<64xi32, #tpu.memory_space<hbm>>
      tpu.wait_dma2 semaphore(%run_scoped3A : memref<!tpu.dma_semaphore, #tpu.memory_space<semaphore_mem>>) src(%dma_wait3A_439 : memref<64xi32, #tpu.memory_space<hbm>>) dst(%arg16 : memref<64xi32, #tpu.memory_space<vmem>>)
      tpu.yield
    }) : () -> ()
    %get3A_402 = arith.constant 0 : index
    %get3A_403 = tpu.vector_load %arg16[%get3A_402] {strides = array<i32>} : memref<64xi32, #tpu.memory_space<vmem>>, vector<16xi32>,
    %shift_right_logical3A_404 = arith.constant 7 : i32
    %shift_right_logical3A_405 = vector.broadcast %shift_right_logical3A_404 : i32 to vector<16xi32>
    %shift_right_logical3A_406 = arith.shrui %get3A_403, %shift_right_logical3A_405 : vector<16xi32>
    %swap3A_407 = arith.constant 0 : index
    %swap3A_408 = tpu.vector_load %arg17[%swap3A_407] {strides = array<i32>} : memref<64xi32, #tpu.memory_space<vmem>>, vector<16xi32>,
    tpu.vector_store %arg17[%swap3A_407], %shift_right_logical3A_406 {strides = array<i32>} : memref<64xi32, #tpu.memory_space<vmem>>, vector<16xi32>,
    %get3A_409 = arith.constant 16 : index
    %get3A_410 = tpu.vector_load %arg16[%get3A_409] {strides = array<i32>} : memref<64xi32, #tpu.memory_space<vmem>>, vector<16xi32>,
    %shift_right_logical3A_411 = arith.constant 7 : i32
    %shift_right_logical3A_412 = vector.broadcast %shift_right_logical3A_411 : i32 to vector<16xi32>
    %shift_right_logical3A_413 = arith.shrui %get3A_410, %shift_right_logical3A_412 : vector<16xi32>
    %swap3A_414 = arith.constant 16 : index
    %swap3A_415 = tpu.vector_load %arg17[%swap3A_414] {strides = array<i32>} : memref<64xi32, #tpu.memory_space<vmem>>, vector<16xi32>,
    tpu.vector_store %arg17[%swap3A_414], %shift_right_logical3A_413 {strides = array<i32>} : memref<64xi32, #tpu.memory_space<vmem>>, vector<16xi32>,
    %get3A_416 = arith.constant 32 : index
    %get3A_417 = tpu.vector_load %arg16[%get3A_416] {strides = array<i32>} : memref<64xi32, #tpu.memory_space<vmem>>, vector<16xi32>,
    %shift_right_logical3A_418 = arith.constant 7 : i32
    %shift_right_logical3A_419 = vector.broadcast %shift_right_logical3A_418 : i32 to vector<16xi32>
    %shift_right_logical3A_420 = arith.shrui %get3A_417, %shift_right_logical3A_419 : vector<16xi32>
    %swap3A_421 = arith.constant 32 : index
    %swap3A_422 = tpu.vector_load %arg17[%swap3A_421] {strides = array<i32>} : memref<64xi32, #tpu.memory_space<vmem>>, vector<16xi32>,
    tpu.vector_store %arg17[%swap3A_421], %shift_right_logical3A_420 {strides = array<i32>} : memref<64xi32, #tpu.memory_space<vmem>>, vector<16xi32>,
    %get3A_423 = arith.constant 48 : index
    %get3A_424 = tpu.vector_load %arg16[%get3A_423] {strides = array<i32>} : memref<64xi32, #tpu.memory_space<vmem>>, vector<16xi32>,
    %shift_right_logical3A_425 = arith.constant 7 : i32
    %shift_right_logical3A_426 = vector.broadcast %shift_right_logical3A_425 : i32 to vector<16xi32>
    %shift_right_logical3A_427 = arith.shrui %get3A_424, %shift_right_logical3A_426 : vector<16xi32>
    %swap3A_428 = arith.constant 48 : index
    %swap3A_429 = tpu.vector_load %arg17[%swap3A_428] {strides = array<i32>} : memref<64xi32, #tpu.memory_space<vmem>>, vector<16xi32>,
    tpu.vector_store %arg17[%swap3A_428], %shift_right_logical3A_427 {strides = array<i32>} : memref<64xi32, #tpu.memory_space<vmem>>, vector<16xi32>,
    %dma_start3A_430 = arith.constant 0 : i32
    %dma_start3A_431 = arith.constant 0 : i32
    %dma_start3A_432 = tpu.memref_slice %arg7[%dma_start3A_430, %dma_start3A_431] : memref<1563x128xi32, #tpu.memory_space<hbm>> -> memref<1563x128xi32, #tpu.memory_space<hbm>>
    tpu.enqueue_indirect_dma source(%dma_start3A_432 : memref<1563x128xi32, #tpu.memory_space<hbm>>) target(%arg18 : memref<64x128xi32, #tpu.memory_space<vmem>>) offsets(%arg17 : memref<64xi32, #tpu.memory_space<vmem>>) semaphore(%arg19 : memref<!tpu.dma_semaphore, #tpu.memory_space<semaphore_mem>>)
    %dma_wait3A_433 = arith.constant 0 : i32
    %dma_wait3A_434 = arith.constant 0 : i32
    %dma_wait3A_435 = tpu.memref_slice %arg7[%dma_wait3A_433, %dma_wait3A_434] : memref<1563x128xi32, #tpu.memory_space<hbm>> -> memref<1563x128xi32, #tpu.memory_space<hbm>>
    tpu.wait_indirect_dma semaphore(%arg19 : memref<!tpu.dma_semaphore, #tpu.memory_space<semaphore_mem>>) src(%dma_wait3A_435 : memref<1563x128xi32, #tpu.memory_space<hbm>>) dst(%arg18 : memref<64x128xi32, #tpu.memory_space<vmem>>)
    "tpu.region"() ({
      %run_scoped3A = tpu.sem_alloc : memref<!tpu.dma_semaphore, #tpu.memory_space<semaphore_mem>>
      %dma_start3A_436 = arith.constant 0 : i32
      %dma_start3A_437 = tpu.memref_slice %arg12[%mul3A_370, %dma_start3A_436] : memref<2048x128xi32, #tpu.memory_space<hbm>> -> memref<64x128xi32, #tpu.memory_space<hbm>>
      %dma_start3A_438 = arith.constant 0 : i32
      %dma_start3A_439 = tpu.memref_slice %arg12[%mul3A_370, %dma_start3A_438] : memref<2048x128xi32, #tpu.memory_space<hbm>> -> memref<64x128xi32, #tpu.memory_space<hbm>>
      tpu.enqueue_dma source(%arg18 : memref<64x128xi32, #tpu.memory_space<vmem>>) target(%dma_start3A_439 : memref<64x128xi32, #tpu.memory_space<hbm>>) target_semaphore(%run_scoped3A : memref<!tpu.dma_semaphore, #tpu.memory_space<semaphore_mem>>)
      %dma_wait3A_440 = arith.constant 0 : i32
      %dma_wait3A_441 = tpu.memref_slice %arg12[%mul3A_370, %dma_wait3A_440] : memref<2048x128xi32, #tpu.memory_space<hbm>> -> memref<64x128xi32, #tpu.memory_space<hbm>>
      %dma_wait3A_442 = arith.constant 0 : i32
      %dma_wait3A_443 = tpu.memref_slice %arg12[%mul3A_370, %dma_wait3A_442] : memref<2048x128xi32, #tpu.memory_space<hbm>> -> memref<64x128xi32, #tpu.memory_space<hbm>>
      tpu.wait_dma2 semaphore(%run_scoped3A : memref<!tpu.dma_semaphore, #tpu.memory_space<semaphore_mem>>) src(%arg18 : memref<64x128xi32, #tpu.memory_space<vmem>>) dst(%dma_wait3A_443 : memref<64x128xi32, #tpu.memory_space<hbm>>)
      tpu.yield
    }) : () -> ()
    return
  }
}

#map = affine_map<(d0, d1) -> (0, 0)>
#map1 = affine_map<(d0, d1) -> (0)>
module attributes {stable_mosaic.version = 14 : i64} {
  func.func @_stage_e(%arg0: i32, %arg1: i32, %arg2: memref<10240x128xf32, #tpu.memory_space<hbm>>, %arg3: memref<100000x128xf32, #tpu.memory_space<hbm>>, %arg4: memref<2048xi32, #tpu.memory_space<hbm>>, %arg5: memref<2048xi32, #tpu.memory_space<hbm>>, %arg6: memref<2048xi32, #tpu.memory_space<hbm>>, %arg7: memref<2048xi32, #tpu.memory_space<hbm>>, %arg8: memref<10048x128xf32, #tpu.memory_space<hbm>>, %arg9: memref<320x128xf32, #tpu.memory_space<vmem>>, %arg10: memref<128xi32, #tpu.memory_space<vmem>>, %arg11: memref<128xi32, #tpu.memory_space<vmem>>, %arg12: memref<128xi32, #tpu.memory_space<vmem>>, %arg13: memref<128xi32, #tpu.memory_space<vmem>>, %arg14: memref<128x128xf32, #tpu.memory_space<vmem>>, %arg15: memref<128x128xf32, #tpu.memory_space<vmem>>, %arg16: memref<!tpu.dma_semaphore, #tpu.memory_space<semaphore_mem>>) attributes {dimension_semantics = [#tpu.dimension_semantics<core_parallel>, #tpu.dimension_semantics<subcore_parallel>], iteration_bounds = array<i64: 2, 16>, scalar_prefetch = 0 : i64, scratch_operands = 8 : i64, tpu.core_type = #tpu.core_type<sc_vector_subcore>, window_params = [{transform_indices = #map}, {transform_indices = #map}, {transform_indices = #map1}, {transform_indices = #map1}, {transform_indices = #map1}, {transform_indices = #map1}, {transform_indices = #map}]} {
    %eq3A = arith.constant 0 : i32
    %eq3A_0 = arith.cmpi eq, %arg0, %eq3A : i32
    %convert_element_type3A = arith.extui %eq3A_0 : i1 to i32
    %cond3A = arith.constant 0 : i32
    %cond3A_1 = arith.cmpi ne, %convert_element_type3A, %cond3A : i32
    scf.if %cond3A_1 {
      %mul3A = arith.constant 632 : i32
      %mul3A_2 = arith.muli %arg1, %mul3A : i32
      %min3A = arith.constant 9368 : i32
      %min3A_3 = arith.minsi %mul3A_2, %min3A : i32
      "tpu.region"() ({
        %run_scoped3A = tpu.sem_alloc : memref<!tpu.dma_semaphore, #tpu.memory_space<semaphore_mem>>
        %dma_start3A_32 = arith.constant 0 : i32
        %dma_start3A_33 = tpu.memref_slice %arg2[%min3A_3, %dma_start3A_32] : memref<10240x128xf32, #tpu.memory_space<hbm>> -> memref<320x128xf32, #tpu.memory_space<hbm>>
        %dma_start3A_34 = arith.constant 0 : i32
        %dma_start3A_35 = tpu.memref_slice %arg2[%min3A_3, %dma_start3A_34] : memref<10240x128xf32, #tpu.memory_space<hbm>> -> memref<320x128xf32, #tpu.memory_space<hbm>>
        tpu.enqueue_dma source(%dma_start3A_35 : memref<320x128xf32, #tpu.memory_space<hbm>>) target(%arg9 : memref<320x128xf32, #tpu.memory_space<vmem>>) target_semaphore(%run_scoped3A : memref<!tpu.dma_semaphore, #tpu.memory_space<semaphore_mem>>)
        %dma_wait3A_36 = arith.constant 0 : i32
        %dma_wait3A_37 = tpu.memref_slice %arg2[%min3A_3, %dma_wait3A_36] : memref<10240x128xf32, #tpu.memory_space<hbm>> -> memref<320x128xf32, #tpu.memory_space<hbm>>
        %dma_wait3A_38 = arith.constant 0 : i32
        %dma_wait3A_39 = tpu.memref_slice %arg2[%min3A_3, %dma_wait3A_38] : memref<10240x128xf32, #tpu.memory_space<hbm>> -> memref<320x128xf32, #tpu.memory_space<hbm>>
        tpu.wait_dma2 semaphore(%run_scoped3A : memref<!tpu.dma_semaphore, #tpu.memory_space<semaphore_mem>>) src(%dma_wait3A_39 : memref<320x128xf32, #tpu.memory_space<hbm>>) dst(%arg9 : memref<320x128xf32, #tpu.memory_space<vmem>>)
        tpu.yield
      }) : () -> ()
      "tpu.region"() ({
        %run_scoped3A = tpu.sem_alloc : memref<!tpu.dma_semaphore, #tpu.memory_space<semaphore_mem>>
        %dma_start3A_32 = arith.constant 0 : i32
        %dma_start3A_33 = tpu.memref_slice %arg8[%min3A_3, %dma_start3A_32] : memref<10048x128xf32, #tpu.memory_space<hbm>> -> memref<320x128xf32, #tpu.memory_space<hbm>>
        %dma_start3A_34 = arith.constant 0 : i32
        %dma_start3A_35 = tpu.memref_slice %arg8[%min3A_3, %dma_start3A_34] : memref<10048x128xf32, #tpu.memory_space<hbm>> -> memref<320x128xf32, #tpu.memory_space<hbm>>
        tpu.enqueue_dma source(%arg9 : memref<320x128xf32, #tpu.memory_space<vmem>>) target(%dma_start3A_35 : memref<320x128xf32, #tpu.memory_space<hbm>>) target_semaphore(%run_scoped3A : memref<!tpu.dma_semaphore, #tpu.memory_space<semaphore_mem>>)
        %dma_wait3A_36 = arith.constant 0 : i32
        %dma_wait3A_37 = tpu.memref_slice %arg8[%min3A_3, %dma_wait3A_36] : memref<10048x128xf32, #tpu.memory_space<hbm>> -> memref<320x128xf32, #tpu.memory_space<hbm>>
        %dma_wait3A_38 = arith.constant 0 : i32
        %dma_wait3A_39 = tpu.memref_slice %arg8[%min3A_3, %dma_wait3A_38] : memref<10048x128xf32, #tpu.memory_space<hbm>> -> memref<320x128xf32, #tpu.memory_space<hbm>>
        tpu.wait_dma2 semaphore(%run_scoped3A : memref<!tpu.dma_semaphore, #tpu.memory_space<semaphore_mem>>) src(%arg9 : memref<320x128xf32, #tpu.memory_space<vmem>>) dst(%dma_wait3A_39 : memref<320x128xf32, #tpu.memory_space<hbm>>)
        tpu.yield
      }) : () -> ()
      %add3A = arith.constant 320 : i32
      %add3A_4 = arith.addi %min3A_3, %add3A : i32
      "tpu.region"() ({
        %run_scoped3A = tpu.sem_alloc : memref<!tpu.dma_semaphore, #tpu.memory_space<semaphore_mem>>
        %dma_start3A_32 = arith.constant 0 : i32
        %dma_start3A_33 = arith.constant 0 : i32
        %dma_start3A_34 = tpu.memref_slice %arg9[%dma_start3A_32, %dma_start3A_33] : memref<320x128xf32, #tpu.memory_space<vmem>> -> memref<312x128xf32, #tpu.memory_space<vmem>>
        %dma_start3A_35 = arith.constant 0 : i32
        %dma_start3A_36 = tpu.memref_slice %arg2[%add3A_4, %dma_start3A_35] : memref<10240x128xf32, #tpu.memory_space<hbm>> -> memref<312x128xf32, #tpu.memory_space<hbm>>
        %dma_start3A_37 = arith.constant 0 : i32
        %dma_start3A_38 = arith.constant 0 : i32
        %dma_start3A_39 = tpu.memref_slice %arg9[%dma_start3A_37, %dma_start3A_38] : memref<320x128xf32, #tpu.memory_space<vmem>> -> memref<312x128xf32, #tpu.memory_space<vmem>>
        %dma_start3A_40 = arith.constant 0 : i32
        %dma_start3A_41 = tpu.memref_slice %arg2[%add3A_4, %dma_start3A_40] : memref<10240x128xf32, #tpu.memory_space<hbm>> -> memref<312x128xf32, #tpu.memory_space<hbm>>
        tpu.enqueue_dma source(%dma_start3A_41 : memref<312x128xf32, #tpu.memory_space<hbm>>) target(%dma_start3A_39 : memref<312x128xf32, #tpu.memory_space<vmem>>) target_semaphore(%run_scoped3A : memref<!tpu.dma_semaphore, #tpu.memory_space<semaphore_mem>>)
        %dma_wait3A_42 = arith.constant 0 : i32
        %dma_wait3A_43 = arith.constant 0 : i32
        %dma_wait3A_44 = tpu.memref_slice %arg9[%dma_wait3A_42, %dma_wait3A_43] : memref<320x128xf32, #tpu.memory_space<vmem>> -> memref<312x128xf32, #tpu.memory_space<vmem>>
        %dma_wait3A_45 = arith.constant 0 : i32
        %dma_wait3A_46 = tpu.memref_slice %arg2[%add3A_4, %dma_wait3A_45] : memref<10240x128xf32, #tpu.memory_space<hbm>> -> memref<312x128xf32, #tpu.memory_space<hbm>>
        %dma_wait3A_47 = arith.constant 0 : i32
        %dma_wait3A_48 = arith.constant 0 : i32
        %dma_wait3A_49 = tpu.memref_slice %arg9[%dma_wait3A_47, %dma_wait3A_48] : memref<320x128xf32, #tpu.memory_space<vmem>> -> memref<312x128xf32, #tpu.memory_space<vmem>>
        %dma_wait3A_50 = arith.constant 0 : i32
        %dma_wait3A_51 = tpu.memref_slice %arg2[%add3A_4, %dma_wait3A_50] : memref<10240x128xf32, #tpu.memory_space<hbm>> -> memref<312x128xf32, #tpu.memory_space<hbm>>
        tpu.wait_dma2 semaphore(%run_scoped3A : memref<!tpu.dma_semaphore, #tpu.memory_space<semaphore_mem>>) src(%dma_wait3A_51 : memref<312x128xf32, #tpu.memory_space<hbm>>) dst(%dma_wait3A_49 : memref<312x128xf32, #tpu.memory_space<vmem>>)
        tpu.yield
      }) : () -> ()
      %add3A_5 = arith.constant 320 : i32
      %add3A_6 = arith.addi %min3A_3, %add3A_5 : i32
      "tpu.region"() ({
        %run_scoped3A = tpu.sem_alloc : memref<!tpu.dma_semaphore, #tpu.memory_space<semaphore_mem>>
        %dma_start3A_32 = arith.constant 0 : i32
        %dma_start3A_33 = arith.constant 0 : i32
        %dma_start3A_34 = tpu.memref_slice %arg9[%dma_start3A_32, %dma_start3A_33] : memref<320x128xf32, #tpu.memory_space<vmem>> -> memref<312x128xf32, #tpu.memory_space<vmem>>
        %dma_start3A_35 = arith.constant 0 : i32
        %dma_start3A_36 = tpu.memref_slice %arg8[%add3A_6, %dma_start3A_35] : memref<10048x128xf32, #tpu.memory_space<hbm>> -> memref<312x128xf32, #tpu.memory_space<hbm>>
        %dma_start3A_37 = arith.constant 0 : i32
        %dma_start3A_38 = tpu.memref_slice %arg8[%add3A_6, %dma_start3A_37] : memref<10048x128xf32, #tpu.memory_space<hbm>> -> memref<312x128xf32, #tpu.memory_space<hbm>>
        %dma_start3A_39 = arith.constant 0 : i32
        %dma_start3A_40 = arith.constant 0 : i32
        %dma_start3A_41 = tpu.memref_slice %arg9[%dma_start3A_39, %dma_start3A_40] : memref<320x128xf32, #tpu.memory_space<vmem>> -> memref<312x128xf32, #tpu.memory_space<vmem>>
        tpu.enqueue_dma source(%dma_start3A_41 : memref<312x128xf32, #tpu.memory_space<vmem>>) target(%dma_start3A_38 : memref<312x128xf32, #tpu.memory_space<hbm>>) target_semaphore(%run_scoped3A : memref<!tpu.dma_semaphore, #tpu.memory_space<semaphore_mem>>)
        %dma_wait3A_42 = arith.constant 0 : i32
        %dma_wait3A_43 = arith.constant 0 : i32
        %dma_wait3A_44 = tpu.memref_slice %arg9[%dma_wait3A_42, %dma_wait3A_43] : memref<320x128xf32, #tpu.memory_space<vmem>> -> memref<312x128xf32, #tpu.memory_space<vmem>>
        %dma_wait3A_45 = arith.constant 0 : i32
        %dma_wait3A_46 = tpu.memref_slice %arg8[%add3A_6, %dma_wait3A_45] : memref<10048x128xf32, #tpu.memory_space<hbm>> -> memref<312x128xf32, #tpu.memory_space<hbm>>
        %dma_wait3A_47 = arith.constant 0 : i32
        %dma_wait3A_48 = tpu.memref_slice %arg8[%add3A_6, %dma_wait3A_47] : memref<10048x128xf32, #tpu.memory_space<hbm>> -> memref<312x128xf32, #tpu.memory_space<hbm>>
        %dma_wait3A_49 = arith.constant 0 : i32
        %dma_wait3A_50 = arith.constant 0 : i32
        %dma_wait3A_51 = tpu.memref_slice %arg9[%dma_wait3A_49, %dma_wait3A_50] : memref<320x128xf32, #tpu.memory_space<vmem>> -> memref<312x128xf32, #tpu.memory_space<vmem>>
        tpu.wait_dma2 semaphore(%run_scoped3A : memref<!tpu.dma_semaphore, #tpu.memory_space<semaphore_mem>>) src(%dma_wait3A_51 : memref<312x128xf32, #tpu.memory_space<vmem>>) dst(%dma_wait3A_48 : memref<312x128xf32, #tpu.memory_space<hbm>>)
        tpu.yield
      }) : () -> ()
      %mul3A_7 = arith.constant 128 : i32
      %mul3A_8 = arith.muli %arg1, %mul3A_7 : i32
      "tpu.region"() ({
        %run_scoped3A = tpu.sem_alloc : memref<!tpu.dma_semaphore, #tpu.memory_space<semaphore_mem>>
        %dma_start3A_32 = tpu.memref_slice %arg4[%mul3A_8] : memref<2048xi32, #tpu.memory_space<hbm>> -> memref<128xi32, #tpu.memory_space<hbm>>
        %dma_start3A_33 = tpu.memref_slice %arg4[%mul3A_8] : memref<2048xi32, #tpu.memory_space<hbm>> -> memref<128xi32, #tpu.memory_space<hbm>>
        tpu.enqueue_dma source(%dma_start3A_33 : memref<128xi32, #tpu.memory_space<hbm>>) target(%arg10 : memref<128xi32, #tpu.memory_space<vmem>>) target_semaphore(%run_scoped3A : memref<!tpu.dma_semaphore, #tpu.memory_space<semaphore_mem>>)
        %dma_wait3A_34 = tpu.memref_slice %arg4[%mul3A_8] : memref<2048xi32, #tpu.memory_space<hbm>> -> memref<128xi32, #tpu.memory_space<hbm>>
        %dma_wait3A_35 = tpu.memref_slice %arg4[%mul3A_8] : memref<2048xi32, #tpu.memory_space<hbm>> -> memref<128xi32, #tpu.memory_space<hbm>>
        tpu.wait_dma2 semaphore(%run_scoped3A : memref<!tpu.dma_semaphore, #tpu.memory_space<semaphore_mem>>) src(%dma_wait3A_35 : memref<128xi32, #tpu.memory_space<hbm>>) dst(%arg10 : memref<128xi32, #tpu.memory_space<vmem>>)
        tpu.yield
      }) : () -> ()
      "tpu.region"() ({
        %run_scoped3A = tpu.sem_alloc : memref<!tpu.dma_semaphore, #tpu.memory_space<semaphore_mem>>
        %dma_start3A_32 = tpu.memref_slice %arg5[%mul3A_8] : memref<2048xi32, #tpu.memory_space<hbm>> -> memref<128xi32, #tpu.memory_space<hbm>>
        %dma_start3A_33 = tpu.memref_slice %arg5[%mul3A_8] : memref<2048xi32, #tpu.memory_space<hbm>> -> memref<128xi32, #tpu.memory_space<hbm>>
        tpu.enqueue_dma source(%dma_start3A_33 : memref<128xi32, #tpu.memory_space<hbm>>) target(%arg11 : memref<128xi32, #tpu.memory_space<vmem>>) target_semaphore(%run_scoped3A : memref<!tpu.dma_semaphore, #tpu.memory_space<semaphore_mem>>)
        %dma_wait3A_34 = tpu.memref_slice %arg5[%mul3A_8] : memref<2048xi32, #tpu.memory_space<hbm>> -> memref<128xi32, #tpu.memory_space<hbm>>
        %dma_wait3A_35 = tpu.memref_slice %arg5[%mul3A_8] : memref<2048xi32, #tpu.memory_space<hbm>> -> memref<128xi32, #tpu.memory_space<hbm>>
        tpu.wait_dma2 semaphore(%run_scoped3A : memref<!tpu.dma_semaphore, #tpu.memory_space<semaphore_mem>>) src(%dma_wait3A_35 : memref<128xi32, #tpu.memory_space<hbm>>) dst(%arg11 : memref<128xi32, #tpu.memory_space<vmem>>)
        tpu.yield
      }) : () -> ()
      "tpu.region"() ({
        %run_scoped3A = tpu.sem_alloc : memref<!tpu.dma_semaphore, #tpu.memory_space<semaphore_mem>>
        %dma_start3A_32 = tpu.memref_slice %arg6[%mul3A_8] : memref<2048xi32, #tpu.memory_space<hbm>> -> memref<128xi32, #tpu.memory_space<hbm>>
        %dma_start3A_33 = tpu.memref_slice %arg6[%mul3A_8] : memref<2048xi32, #tpu.memory_space<hbm>> -> memref<128xi32, #tpu.memory_space<hbm>>
        tpu.enqueue_dma source(%dma_start3A_33 : memref<128xi32, #tpu.memory_space<hbm>>) target(%arg12 : memref<128xi32, #tpu.memory_space<vmem>>) target_semaphore(%run_scoped3A : memref<!tpu.dma_semaphore, #tpu.memory_space<semaphore_mem>>)
        %dma_wait3A_34 = tpu.memref_slice %arg6[%mul3A_8] : memref<2048xi32, #tpu.memory_space<hbm>> -> memref<128xi32, #tpu.memory_space<hbm>>
        %dma_wait3A_35 = tpu.memref_slice %arg6[%mul3A_8] : memref<2048xi32, #tpu.memory_space<hbm>> -> memref<128xi32, #tpu.memory_space<hbm>>
        tpu.wait_dma2 semaphore(%run_scoped3A : memref<!tpu.dma_semaphore, #tpu.memory_space<semaphore_mem>>) src(%dma_wait3A_35 : memref<128xi32, #tpu.memory_space<hbm>>) dst(%arg12 : memref<128xi32, #tpu.memory_space<vmem>>)
        tpu.yield
      }) : () -> ()
      "tpu.region"() ({
        %run_scoped3A = tpu.sem_alloc : memref<!tpu.dma_semaphore, #tpu.memory_space<semaphore_mem>>
        %dma_start3A_32 = tpu.memref_slice %arg7[%mul3A_8] : memref<2048xi32, #tpu.memory_space<hbm>> -> memref<128xi32, #tpu.memory_space<hbm>>
        %dma_start3A_33 = tpu.memref_slice %arg7[%mul3A_8] : memref<2048xi32, #tpu.memory_space<hbm>> -> memref<128xi32, #tpu.memory_space<hbm>>
        tpu.enqueue_dma source(%dma_start3A_33 : memref<128xi32, #tpu.memory_space<hbm>>) target(%arg13 : memref<128xi32, #tpu.memory_space<vmem>>) target_semaphore(%run_scoped3A : memref<!tpu.dma_semaphore, #tpu.memory_space<semaphore_mem>>)
        %dma_wait3A_34 = tpu.memref_slice %arg7[%mul3A_8] : memref<2048xi32, #tpu.memory_space<hbm>> -> memref<128xi32, #tpu.memory_space<hbm>>
        %dma_wait3A_35 = tpu.memref_slice %arg7[%mul3A_8] : memref<2048xi32, #tpu.memory_space<hbm>> -> memref<128xi32, #tpu.memory_space<hbm>>
        tpu.wait_dma2 semaphore(%run_scoped3A : memref<!tpu.dma_semaphore, #tpu.memory_space<semaphore_mem>>) src(%dma_wait3A_35 : memref<128xi32, #tpu.memory_space<hbm>>) dst(%arg13 : memref<128xi32, #tpu.memory_space<vmem>>)
        tpu.yield
      }) : () -> ()
      %dma_start3A = arith.constant 0 : i32
      %dma_start3A_9 = arith.constant 0 : i32
      %dma_start3A_10 = tpu.memref_slice %arg3[%dma_start3A, %dma_start3A_9] : memref<100000x128xf32, #tpu.memory_space<hbm>> -> memref<100000x128xf32, #tpu.memory_space<hbm>>
      tpu.enqueue_indirect_dma source(%dma_start3A_10 : memref<100000x128xf32, #tpu.memory_space<hbm>>) target(%arg14 : memref<128x128xf32, #tpu.memory_space<vmem>>) offsets(%arg10 : memref<128xi32, #tpu.memory_space<vmem>>) semaphore(%arg16 : memref<!tpu.dma_semaphore, #tpu.memory_space<semaphore_mem>>)
      %dma_wait3A = arith.constant 0 : i32
      %dma_wait3A_11 = arith.constant 0 : i32
      %dma_wait3A_12 = tpu.memref_slice %arg3[%dma_wait3A, %dma_wait3A_11] : memref<100000x128xf32, #tpu.memory_space<hbm>> -> memref<100000x128xf32, #tpu.memory_space<hbm>>
      tpu.wait_indirect_dma semaphore(%arg16 : memref<!tpu.dma_semaphore, #tpu.memory_space<semaphore_mem>>) src(%dma_wait3A_12 : memref<100000x128xf32, #tpu.memory_space<hbm>>) dst(%arg14 : memref<128x128xf32, #tpu.memory_space<vmem>>)
      %dma_start3A_13 = arith.constant 0 : i32
      %dma_start3A_14 = arith.constant 0 : i32
      %dma_start3A_15 = tpu.memref_slice %arg2[%dma_start3A_13, %dma_start3A_14] : memref<10240x128xf32, #tpu.memory_space<hbm>> -> memref<10240x128xf32, #tpu.memory_space<hbm>>
      tpu.enqueue_indirect_dma source(%dma_start3A_15 : memref<10240x128xf32, #tpu.memory_space<hbm>>) target(%arg15 : memref<128x128xf32, #tpu.memory_space<vmem>>) offsets(%arg13 : memref<128xi32, #tpu.memory_space<vmem>>) semaphore(%arg16 : memref<!tpu.dma_semaphore, #tpu.memory_space<semaphore_mem>>)
      %dma_wait3A_16 = arith.constant 0 : i32
      %dma_wait3A_17 = arith.constant 0 : i32
      %dma_wait3A_18 = tpu.memref_slice %arg2[%dma_wait3A_16, %dma_wait3A_17] : memref<10240x128xf32, #tpu.memory_space<hbm>> -> memref<10240x128xf32, #tpu.memory_space<hbm>>
      tpu.wait_indirect_dma semaphore(%arg16 : memref<!tpu.dma_semaphore, #tpu.memory_space<semaphore_mem>>) src(%dma_wait3A_18 : memref<10240x128xf32, #tpu.memory_space<hbm>>) dst(%arg15 : memref<128x128xf32, #tpu.memory_space<vmem>>)
      %barrier3A = arith.constant 0 : index
      tpu.barrier barrier_id(%barrier3A)
      %dma_start3A_19 = arith.constant 0 : i32
      %dma_start3A_20 = arith.constant 0 : i32
      %dma_start3A_21 = tpu.memref_slice %arg8[%dma_start3A_19, %dma_start3A_20] : memref<10048x128xf32, #tpu.memory_space<hbm>> -> memref<10048x128xf32, #tpu.memory_space<hbm>>
      tpu.enqueue_indirect_dma source(%arg14 : memref<128x128xf32, #tpu.memory_space<vmem>>) target(%dma_start3A_21 : memref<10048x128xf32, #tpu.memory_space<hbm>>) offsets(%arg11 : memref<128xi32, #tpu.memory_space<vmem>>) semaphore(%arg16 : memref<!tpu.dma_semaphore, #tpu.memory_space<semaphore_mem>>)
      %dma_wait3A_22 = arith.constant 0 : i32
      %dma_wait3A_23 = arith.constant 0 : i32
      %dma_wait3A_24 = tpu.memref_slice %arg8[%dma_wait3A_22, %dma_wait3A_23] : memref<10048x128xf32, #tpu.memory_space<hbm>> -> memref<10048x128xf32, #tpu.memory_space<hbm>>
      tpu.wait_indirect_dma semaphore(%arg16 : memref<!tpu.dma_semaphore, #tpu.memory_space<semaphore_mem>>) src(%arg14 : memref<128x128xf32, #tpu.memory_space<vmem>>) dst(%dma_wait3A_24 : memref<10048x128xf32, #tpu.memory_space<hbm>>)
      %barrier3A_25 = arith.constant 0 : index
      tpu.barrier barrier_id(%barrier3A_25)
      %dma_start3A_26 = arith.constant 0 : i32
      %dma_start3A_27 = arith.constant 0 : i32
      %dma_start3A_28 = tpu.memref_slice %arg8[%dma_start3A_26, %dma_start3A_27] : memref<10048x128xf32, #tpu.memory_space<hbm>> -> memref<10048x128xf32, #tpu.memory_space<hbm>>
      tpu.enqueue_indirect_dma source(%arg15 : memref<128x128xf32, #tpu.memory_space<vmem>>) target(%dma_start3A_28 : memref<10048x128xf32, #tpu.memory_space<hbm>>) offsets(%arg12 : memref<128xi32, #tpu.memory_space<vmem>>) semaphore(%arg16 : memref<!tpu.dma_semaphore, #tpu.memory_space<semaphore_mem>>)
      %dma_wait3A_29 = arith.constant 0 : i32
      %dma_wait3A_30 = arith.constant 0 : i32
      %dma_wait3A_31 = tpu.memref_slice %arg8[%dma_wait3A_29, %dma_wait3A_30] : memref<10048x128xf32, #tpu.memory_space<hbm>> -> memref<10048x128xf32, #tpu.memory_space<hbm>>
      tpu.wait_indirect_dma semaphore(%arg16 : memref<!tpu.dma_semaphore, #tpu.memory_space<semaphore_mem>>) src(%arg15 : memref<128x128xf32, #tpu.memory_space<vmem>>) dst(%dma_wait3A_31 : memref<10048x128xf32, #tpu.memory_space<hbm>>)
    } else {
    }
    return
  }
}

#map = affine_map<(d0, d1) -> (0, 0)>
#map1 = affine_map<(d0, d1) -> (0, 0, 0)>
module attributes {stable_mosaic.version = 14 : i64} {
  func.func @_agg_kernel(%arg0: i32, %arg1: i32, %arg2: memref<10048x128xf32, #tpu.memory_space<hbm>>, %arg3: memref<512x128xi32, #tpu.memory_space<hbm>>, %arg4: memref<512x128xi32, #tpu.memory_space<hbm>>, %arg5: memref<2x2048x128xf32, #tpu.memory_space<hbm>>, %arg6: memref<512x128xf32, #tpu.memory_space<hbm>>, %arg7: memref<16x128xi32, #tpu.memory_space<vmem>>, %arg8: memref<16x128xi32, #tpu.memory_space<vmem>>, %arg9: memref<128x128xf32, #tpu.memory_space<vmem>>, %arg10: memref<16x128xf32, #tpu.memory_space<vmem>>, %arg11: memref<2048x128xf32, #tpu.memory_space<vmem_shared>>, %arg12: memref<!tpu.dma_semaphore, #tpu.memory_space<semaphore_mem>>) attributes {dimension_semantics = [#tpu.dimension_semantics<core_parallel>, #tpu.dimension_semantics<subcore_parallel>], iteration_bounds = array<i64: 2, 16>, scalar_prefetch = 0 : i64, scratch_operands = 6 : i64, tpu.core_type = #tpu.core_type<sc_vector_subcore>, window_params = [{transform_indices = #map}, {transform_indices = #map}, {transform_indices = #map}, {transform_indices = #map1}, {transform_indices = #map}]} {
    %mul3A = arith.constant 2 : i32
    %mul3A_0 = arith.muli %arg1, %mul3A : i32
    %add3A = arith.addi %mul3A_0, %arg0 : i32
    %scan3A = arith.constant 0 : i32
    %scan3A_1 = arith.constant 0 : i32
    %scan3A_2 = arith.constant 1024 : i32
    %scan3A_3 = arith.addi %scan3A_1, %scan3A_2 : i32
    %scan3A_4 = arith.constant 1 : i32
    %scan3A_5 = scf.for %scan3A_44 = %scan3A_1 to %scan3A_3 step %scan3A_4 iter_args(%scan3A_45 = %scan3A) -> (i32)  : i32 {
      %jit3A = arith.constant 8 : i32
      %div3A = arith.divsi %scan3A_44, %jit3A : i32
      %sign3A = arith.constant 0 : i32
      %sign3A_46 = arith.cmpi sgt, %scan3A_44, %sign3A : i32
      %sign3A_47 = arith.extui %sign3A_46 : i1 to i32
      %sign3A_48 = arith.constant 0 : i32
      %sign3A_49 = arith.cmpi slt, %scan3A_44, %sign3A_48 : i32
      %sign3A_50 = arith.extui %sign3A_49 : i1 to i32
      %sign3A_51 = arith.subi %sign3A_47, %sign3A_50 : i32
      %sign3A_52 = arith.constant 0 : i32
      %sign3A_53 = arith.cmpi sgt, %jit3A, %sign3A_52 : i32
      %sign3A_54 = arith.extui %sign3A_53 : i1 to i32
      %sign3A_55 = arith.constant 0 : i32
      %sign3A_56 = arith.cmpi slt, %jit3A, %sign3A_55 : i32
      %sign3A_57 = arith.extui %sign3A_56 : i1 to i32
      %sign3A_58 = arith.subi %sign3A_54, %sign3A_57 : i32
      %ne3A = arith.cmpi ne, %sign3A_51, %sign3A_58 : i32
      %rem3A = arith.remsi %scan3A_44, %jit3A : i32
      %ne3A_59 = arith.constant 0 : i32
      %ne3A_60 = arith.cmpi ne, %rem3A, %ne3A_59 : i32
      %and3A = arith.andi %ne3A, %ne3A_60 : i1
      %sub3A = arith.constant 1 : i32
      %sub3A_61 = arith.subi %div3A, %sub3A : i32
      %select_n3A = arith.select %and3A, %sub3A_61, %div3A : i32
      %jit3A_62 = arith.constant 8 : i32
      %eq3A = arith.constant 0 : i32
      %eq3A_63 = arith.cmpi eq, %jit3A_62, %eq3A : i32
      %jit3A_64 = arith.constant 1 : i32
      %select_n3A_65 = arith.select %eq3A_63, %jit3A_64, %jit3A_62 : i32
      %rem3A_66 = arith.remsi %scan3A_44, %select_n3A_65 : i32
      %ne3A_67 = arith.constant 0 : i32
      %ne3A_68 = arith.cmpi ne, %rem3A_66, %ne3A_67 : i32
      %lt3A = arith.constant 0 : i32
      %lt3A_69 = arith.cmpi slt, %rem3A_66, %lt3A : i32
      %lt3A_70 = arith.constant 0 : i32
      %lt3A_71 = arith.cmpi slt, %select_n3A_65, %lt3A_70 : i32
      %ne3A_72 = arith.xori %lt3A_69, %lt3A_71 : i1
      %and3A_73 = arith.andi %ne3A_72, %ne3A_68 : i1
      %add3A_74 = arith.addi %rem3A_66, %select_n3A_65 : i32
      %select_n3A_75 = arith.select %and3A_73, %add3A_74, %rem3A_66 : i32
      %mul3A_76 = arith.constant 16 : i32
      %mul3A_77 = arith.muli %select_n3A_75, %mul3A_76 : i32
      %broadcast_in_dim3A_78 = arith.constant 0.000000e+00 : f32
      %broadcast_in_dim3A_79 = vector.broadcast %broadcast_in_dim3A_78 : f32 to vector<16xf32>
      %swap3A = arith.index_cast %select_n3A : i32 to index
      %swap3A_80 = arith.index_cast %mul3A_77 : i32 to index
      %swap3A_81 = tpu.vector_load %arg9[%swap3A, %swap3A_80] {strides = array<i32>} : memref<128x128xf32, #tpu.memory_space<vmem>>, vector<16xf32>,
      tpu.vector_store %arg9[%swap3A, %swap3A_80], %broadcast_in_dim3A_79 {strides = array<i32>} : memref<128x128xf32, #tpu.memory_space<vmem>>, vector<16xf32>,
      %scan3A_82 = arith.constant 0 : i32
      scf.yield %scan3A_82 : i32
    }
    %scan3A_6 = arith.constant 1024 : i32
    %scan3A_7 = arith.constant 0 : i32
    %scan3A_8 = arith.constant 0 : i32
    %scan3A_9 = arith.constant 128 : i32
    %scan3A_10 = arith.addi %scan3A_8, %scan3A_9 : i32
    %scan3A_11 = arith.constant 1 : i32
    %scan3A_12 = scf.for %scan3A_44 = %scan3A_8 to %scan3A_10 step %scan3A_11 iter_args(%scan3A_45 = %scan3A_7) -> (i32)  : i32 {
      %jit3A = arith.constant 8 : i32
      %div3A = arith.divsi %scan3A_44, %jit3A : i32
      %sign3A = arith.constant 0 : i32
      %sign3A_46 = arith.cmpi sgt, %scan3A_44, %sign3A : i32
      %sign3A_47 = arith.extui %sign3A_46 : i1 to i32
      %sign3A_48 = arith.constant 0 : i32
      %sign3A_49 = arith.cmpi slt, %scan3A_44, %sign3A_48 : i32
      %sign3A_50 = arith.extui %sign3A_49 : i1 to i32
      %sign3A_51 = arith.subi %sign3A_47, %sign3A_50 : i32
      %sign3A_52 = arith.constant 0 : i32
      %sign3A_53 = arith.cmpi sgt, %jit3A, %sign3A_52 : i32
      %sign3A_54 = arith.extui %sign3A_53 : i1 to i32
      %sign3A_55 = arith.constant 0 : i32
      %sign3A_56 = arith.cmpi slt, %jit3A, %sign3A_55 : i32
      %sign3A_57 = arith.extui %sign3A_56 : i1 to i32
      %sign3A_58 = arith.subi %sign3A_54, %sign3A_57 : i32
      %ne3A = arith.cmpi ne, %sign3A_51, %sign3A_58 : i32
      %rem3A = arith.remsi %scan3A_44, %jit3A : i32
      %ne3A_59 = arith.constant 0 : i32
      %ne3A_60 = arith.cmpi ne, %rem3A, %ne3A_59 : i32
      %and3A = arith.andi %ne3A, %ne3A_60 : i1
      %sub3A = arith.constant 1 : i32
      %sub3A_61 = arith.subi %div3A, %sub3A : i32
      %select_n3A = arith.select %and3A, %sub3A_61, %div3A : i32
      %jit3A_62 = arith.constant 8 : i32
      %eq3A = arith.constant 0 : i32
      %eq3A_63 = arith.cmpi eq, %jit3A_62, %eq3A : i32
      %jit3A_64 = arith.constant 1 : i32
      %select_n3A_65 = arith.select %eq3A_63, %jit3A_64, %jit3A_62 : i32
      %rem3A_66 = arith.remsi %scan3A_44, %select_n3A_65 : i32
      %ne3A_67 = arith.constant 0 : i32
      %ne3A_68 = arith.cmpi ne, %rem3A_66, %ne3A_67 : i32
      %lt3A = arith.constant 0 : i32
      %lt3A_69 = arith.cmpi slt, %rem3A_66, %lt3A : i32
      %lt3A_70 = arith.constant 0 : i32
      %lt3A_71 = arith.cmpi slt, %select_n3A_65, %lt3A_70 : i32
      %ne3A_72 = arith.xori %lt3A_69, %lt3A_71 : i1
      %and3A_73 = arith.andi %ne3A_72, %ne3A_68 : i1
      %add3A_74 = arith.addi %rem3A_66, %select_n3A_65 : i32
      %select_n3A_75 = arith.select %and3A_73, %add3A_74, %rem3A_66 : i32
      %mul3A_76 = arith.constant 16 : i32
      %mul3A_77 = arith.muli %select_n3A_75, %mul3A_76 : i32
      %broadcast_in_dim3A_78 = arith.constant 0.000000e+00 : f32
      %broadcast_in_dim3A_79 = vector.broadcast %broadcast_in_dim3A_78 : f32 to vector<16xf32>
      %swap3A = arith.index_cast %select_n3A : i32 to index
      %swap3A_80 = arith.index_cast %mul3A_77 : i32 to index
      %swap3A_81 = tpu.vector_load %arg10[%swap3A, %swap3A_80] {strides = array<i32>} : memref<16x128xf32, #tpu.memory_space<vmem>>, vector<16xf32>,
      tpu.vector_store %arg10[%swap3A, %swap3A_80], %broadcast_in_dim3A_79 {strides = array<i32>} : memref<16x128xf32, #tpu.memory_space<vmem>>, vector<16xf32>,
      %scan3A_82 = arith.constant 0 : i32
      scf.yield %scan3A_82 : i32
    }
    %scan3A_13 = arith.constant 128 : i32
    %mul3A_14 = arith.constant 128 : i32
    %mul3A_15 = arith.muli %arg1, %mul3A_14 : i32
    %add3A_16 = arith.constant 0 : i32
    %add3A_17 = arith.addi %mul3A_15, %add3A_16 : i32
    "tpu.region"() ({
      %run_scoped3A = tpu.sem_alloc : memref<!tpu.dma_semaphore, #tpu.memory_space<semaphore_mem>>
      %dma_start3A = arith.constant 0 : i32
      %dma_start3A_44 = tpu.memref_slice %arg11[%add3A_17, %dma_start3A] : memref<2048x128xf32, #tpu.memory_space<vmem_shared>> -> memref<128x128xf32, #tpu.memory_space<vmem_shared>>
      %dma_start3A_45 = arith.constant 0 : i32
      %dma_start3A_46 = tpu.memref_slice %arg11[%add3A_17, %dma_start3A_45] : memref<2048x128xf32, #tpu.memory_space<vmem_shared>> -> memref<128x128xf32, #tpu.memory_space<vmem_shared>>
      tpu.enqueue_dma source(%arg9 : memref<128x128xf32, #tpu.memory_space<vmem>>) target(%dma_start3A_46 : memref<128x128xf32, #tpu.memory_space<vmem_shared>>) target_semaphore(%run_scoped3A : memref<!tpu.dma_semaphore, #tpu.memory_space<semaphore_mem>>)
      %dma_wait3A = arith.constant 0 : i32
      %dma_wait3A_47 = tpu.memref_slice %arg11[%add3A_17, %dma_wait3A] : memref<2048x128xf32, #tpu.memory_space<vmem_shared>> -> memref<128x128xf32, #tpu.memory_space<vmem_shared>>
      %dma_wait3A_48 = arith.constant 0 : i32
      %dma_wait3A_49 = tpu.memref_slice %arg11[%add3A_17, %dma_wait3A_48] : memref<2048x128xf32, #tpu.memory_space<vmem_shared>> -> memref<128x128xf32, #tpu.memory_space<vmem_shared>>
      tpu.wait_dma2 semaphore(%run_scoped3A : memref<!tpu.dma_semaphore, #tpu.memory_space<semaphore_mem>>) src(%arg9 : memref<128x128xf32, #tpu.memory_space<vmem>>) dst(%dma_wait3A_49 : memref<128x128xf32, #tpu.memory_space<vmem_shared>>)
      tpu.yield
    }) : () -> ()
    %barrier3A = arith.constant 0 : index
    tpu.barrier barrier_id(%barrier3A)
    %mul3A_18 = arith.constant 16 : i32
    %mul3A_19 = arith.muli %add3A, %mul3A_18 : i32
    "tpu.region"() ({
      %run_scoped3A = tpu.sem_alloc : memref<!tpu.dma_semaphore, #tpu.memory_space<semaphore_mem>>
      %dma_start3A = arith.constant 0 : i32
      %dma_start3A_44 = tpu.memref_slice %arg3[%mul3A_19, %dma_start3A] : memref<512x128xi32, #tpu.memory_space<hbm>> -> memref<16x128xi32, #tpu.memory_space<hbm>>
      %dma_start3A_45 = arith.constant 0 : i32
      %dma_start3A_46 = tpu.memref_slice %arg3[%mul3A_19, %dma_start3A_45] : memref<512x128xi32, #tpu.memory_space<hbm>> -> memref<16x128xi32, #tpu.memory_space<hbm>>
      tpu.enqueue_dma source(%dma_start3A_46 : memref<16x128xi32, #tpu.memory_space<hbm>>) target(%arg7 : memref<16x128xi32, #tpu.memory_space<vmem>>) target_semaphore(%run_scoped3A : memref<!tpu.dma_semaphore, #tpu.memory_space<semaphore_mem>>)
      %dma_wait3A = arith.constant 0 : i32
      %dma_wait3A_47 = tpu.memref_slice %arg3[%mul3A_19, %dma_wait3A] : memref<512x128xi32, #tpu.memory_space<hbm>> -> memref<16x128xi32, #tpu.memory_space<hbm>>
      %dma_wait3A_48 = arith.constant 0 : i32
      %dma_wait3A_49 = tpu.memref_slice %arg3[%mul3A_19, %dma_wait3A_48] : memref<512x128xi32, #tpu.memory_space<hbm>> -> memref<16x128xi32, #tpu.memory_space<hbm>>
      tpu.wait_dma2 semaphore(%run_scoped3A : memref<!tpu.dma_semaphore, #tpu.memory_space<semaphore_mem>>) src(%dma_wait3A_49 : memref<16x128xi32, #tpu.memory_space<hbm>>) dst(%arg7 : memref<16x128xi32, #tpu.memory_space<vmem>>)
      tpu.yield
    }) : () -> ()
    %mul3A_20 = arith.constant 16 : i32
    %mul3A_21 = arith.muli %add3A, %mul3A_20 : i32
    "tpu.region"() ({
      %run_scoped3A = tpu.sem_alloc : memref<!tpu.dma_semaphore, #tpu.memory_space<semaphore_mem>>
      %dma_start3A = arith.constant 0 : i32
      %dma_start3A_44 = tpu.memref_slice %arg4[%mul3A_21, %dma_start3A] : memref<512x128xi32, #tpu.memory_space<hbm>> -> memref<16x128xi32, #tpu.memory_space<hbm>>
      %dma_start3A_45 = arith.constant 0 : i32
      %dma_start3A_46 = tpu.memref_slice %arg4[%mul3A_21, %dma_start3A_45] : memref<512x128xi32, #tpu.memory_space<hbm>> -> memref<16x128xi32, #tpu.memory_space<hbm>>
      tpu.enqueue_dma source(%dma_start3A_46 : memref<16x128xi32, #tpu.memory_space<hbm>>) target(%arg8 : memref<16x128xi32, #tpu.memory_space<vmem>>) target_semaphore(%run_scoped3A : memref<!tpu.dma_semaphore, #tpu.memory_space<semaphore_mem>>)
      %dma_wait3A = arith.constant 0 : i32
      %dma_wait3A_47 = tpu.memref_slice %arg4[%mul3A_21, %dma_wait3A] : memref<512x128xi32, #tpu.memory_space<hbm>> -> memref<16x128xi32, #tpu.memory_space<hbm>>
      %dma_wait3A_48 = arith.constant 0 : i32
      %dma_wait3A_49 = tpu.memref_slice %arg4[%mul3A_21, %dma_wait3A_48] : memref<512x128xi32, #tpu.memory_space<hbm>> -> memref<16x128xi32, #tpu.memory_space<hbm>>
      tpu.wait_dma2 semaphore(%run_scoped3A : memref<!tpu.dma_semaphore, #tpu.memory_space<semaphore_mem>>) src(%dma_wait3A_49 : memref<16x128xi32, #tpu.memory_space<hbm>>) dst(%arg8 : memref<16x128xi32, #tpu.memory_space<vmem>>)
      tpu.yield
    }) : () -> ()
    %scan3A_22 = arith.constant 0 : i32
    %scan3A_23 = arith.constant 0 : i32
    %scan3A_24 = arith.constant 16 : i32
    %scan3A_25 = arith.addi %scan3A_23, %scan3A_24 : i32
    %scan3A_26 = arith.constant 1 : i32
    %scan3A_27 = scf.for %scan3A_44 = %scan3A_23 to %scan3A_25 step %scan3A_26 iter_args(%scan3A_45 = %scan3A_22) -> (i32)  : i32 {
      %dma_start3A = arith.constant 0 : i32
      %dma_start3A_46 = tpu.memref_slice %arg7[%scan3A_44, %dma_start3A] : memref<16x128xi32, #tpu.memory_space<vmem>> -> memref<1x128xi32, #tpu.memory_space<vmem>>
      %dma_start3A_47 = tpu.memref_squeeze %dma_start3A_46 : memref<1x128xi32, #tpu.memory_space<vmem>> -> memref<128xi32, #tpu.memory_space<vmem>>
      %dma_start3A_48 = arith.constant 0 : i32
      %dma_start3A_49 = arith.constant 0 : i32
      %dma_start3A_50 = tpu.memref_slice %arg2[%dma_start3A_48, %dma_start3A_49] : memref<10048x128xf32, #tpu.memory_space<hbm>> -> memref<10048x128xf32, #tpu.memory_space<hbm>>
      tpu.enqueue_indirect_dma source(%dma_start3A_50 : memref<10048x128xf32, #tpu.memory_space<hbm>>) target(%arg9 : memref<128x128xf32, #tpu.memory_space<vmem>>) offsets(%dma_start3A_47 : memref<128xi32, #tpu.memory_space<vmem>>) semaphore(%arg12 : memref<!tpu.dma_semaphore, #tpu.memory_space<semaphore_mem>>)
      %dma_wait3A = arith.constant 0 : i32
      %dma_wait3A_51 = tpu.memref_slice %arg7[%scan3A_44, %dma_wait3A] : memref<16x128xi32, #tpu.memory_space<vmem>> -> memref<1x128xi32, #tpu.memory_space<vmem>>
      %dma_wait3A_52 = tpu.memref_squeeze %dma_wait3A_51 : memref<1x128xi32, #tpu.memory_space<vmem>> -> memref<128xi32, #tpu.memory_space<vmem>>
      %dma_wait3A_53 = arith.constant 0 : i32
      %dma_wait3A_54 = arith.constant 0 : i32
      %dma_wait3A_55 = tpu.memref_slice %arg2[%dma_wait3A_53, %dma_wait3A_54] : memref<10048x128xf32, #tpu.memory_space<hbm>> -> memref<10048x128xf32, #tpu.memory_space<hbm>>
      tpu.wait_indirect_dma semaphore(%arg12 : memref<!tpu.dma_semaphore, #tpu.memory_space<semaphore_mem>>) src(%dma_wait3A_55 : memref<10048x128xf32, #tpu.memory_space<hbm>>) dst(%arg9 : memref<128x128xf32, #tpu.memory_space<vmem>>)
      "tpu.region"() ({
        %run_scoped3A = tpu.sem_alloc : memref<!tpu.dma_semaphore, #tpu.memory_space<semaphore_mem>>
        %dma_start3A_57 = arith.constant 0 : i32
        %dma_start3A_58 = tpu.memref_slice %arg8[%scan3A_44, %dma_start3A_57] : memref<16x128xi32, #tpu.memory_space<vmem>> -> memref<1x128xi32, #tpu.memory_space<vmem>>
        %dma_start3A_59 = tpu.memref_squeeze %dma_start3A_58 : memref<1x128xi32, #tpu.memory_space<vmem>> -> memref<128xi32, #tpu.memory_space<vmem>>
        %dma_start3A_60 = arith.constant 0 : i32
        %dma_start3A_61 = arith.constant 0 : i32
        %dma_start3A_62 = tpu.memref_slice %arg11[%dma_start3A_60, %dma_start3A_61] : memref<2048x128xf32, #tpu.memory_space<vmem_shared>> -> memref<2048x128xf32, #tpu.memory_space<vmem_shared>>
        tpu.enqueue_indirect_dma source(%arg9 : memref<128x128xf32, #tpu.memory_space<vmem>>) target(%dma_start3A_62 : memref<2048x128xf32, #tpu.memory_space<vmem_shared>>) offsets(%dma_start3A_59 : memref<128xi32, #tpu.memory_space<vmem>>) semaphore(%run_scoped3A : memref<!tpu.dma_semaphore, #tpu.memory_space<semaphore_mem>>) {add = true}
        %dma_wait3A_63 = arith.constant 0 : i32
        %dma_wait3A_64 = tpu.memref_slice %arg8[%scan3A_44, %dma_wait3A_63] : memref<16x128xi32, #tpu.memory_space<vmem>> -> memref<1x128xi32, #tpu.memory_space<vmem>>
        %dma_wait3A_65 = tpu.memref_squeeze %dma_wait3A_64 : memref<1x128xi32, #tpu.memory_space<vmem>> -> memref<128xi32, #tpu.memory_space<vmem>>
        %dma_wait3A_66 = arith.constant 0 : i32
        %dma_wait3A_67 = arith.constant 0 : i32
        %dma_wait3A_68 = tpu.memref_slice %arg11[%dma_wait3A_66, %dma_wait3A_67] : memref<2048x128xf32, #tpu.memory_space<vmem_shared>> -> memref<2048x128xf32, #tpu.memory_space<vmem_shared>>
        tpu.wait_indirect_dma semaphore(%run_scoped3A : memref<!tpu.dma_semaphore, #tpu.memory_space<semaphore_mem>>) src(%arg9 : memref<128x128xf32, #tpu.memory_space<vmem>>) dst(%dma_wait3A_68 : memref<2048x128xf32, #tpu.memory_space<vmem_shared>>)
        tpu.yield
      }) : () -> ()
      %scan3A_56 = arith.constant 0 : i32
      scf.yield %scan3A_56 : i32
    }
    %scan3A_28 = arith.constant 16 : i32
    %broadcast_in_dim3A = arith.constant 1.000000e+00 : f32
    %broadcast_in_dim3A_29 = vector.broadcast %broadcast_in_dim3A : f32 to vector<16xf32>
    %scan3A_30 = arith.constant 0 : i32
    %scan3A_31 = arith.constant 0 : i32
    %scan3A_32 = arith.constant 128 : i32
    %scan3A_33 = arith.addi %scan3A_31, %scan3A_32 : i32
    %scan3A_34 = arith.constant 1 : i32
    %scan3A_35 = scf.for %scan3A_44 = %scan3A_31 to %scan3A_33 step %scan3A_34 iter_args(%scan3A_45 = %scan3A_30) -> (i32)  : i32 {
      %jit3A = arith.constant 8 : i32
      %div3A = arith.divsi %scan3A_44, %jit3A : i32
      %sign3A = arith.constant 0 : i32
      %sign3A_46 = arith.cmpi sgt, %scan3A_44, %sign3A : i32
      %sign3A_47 = arith.extui %sign3A_46 : i1 to i32
      %sign3A_48 = arith.constant 0 : i32
      %sign3A_49 = arith.cmpi slt, %scan3A_44, %sign3A_48 : i32
      %sign3A_50 = arith.extui %sign3A_49 : i1 to i32
      %sign3A_51 = arith.subi %sign3A_47, %sign3A_50 : i32
      %sign3A_52 = arith.constant 0 : i32
      %sign3A_53 = arith.cmpi sgt, %jit3A, %sign3A_52 : i32
      %sign3A_54 = arith.extui %sign3A_53 : i1 to i32
      %sign3A_55 = arith.constant 0 : i32
      %sign3A_56 = arith.cmpi slt, %jit3A, %sign3A_55 : i32
      %sign3A_57 = arith.extui %sign3A_56 : i1 to i32
      %sign3A_58 = arith.subi %sign3A_54, %sign3A_57 : i32
      %ne3A = arith.cmpi ne, %sign3A_51, %sign3A_58 : i32
      %rem3A = arith.remsi %scan3A_44, %jit3A : i32
      %ne3A_59 = arith.constant 0 : i32
      %ne3A_60 = arith.cmpi ne, %rem3A, %ne3A_59 : i32
      %and3A = arith.andi %ne3A, %ne3A_60 : i1
      %sub3A = arith.constant 1 : i32
      %sub3A_61 = arith.subi %div3A, %sub3A : i32
      %select_n3A = arith.select %and3A, %sub3A_61, %div3A : i32
      %jit3A_62 = arith.constant 8 : i32
      %eq3A = arith.constant 0 : i32
      %eq3A_63 = arith.cmpi eq, %jit3A_62, %eq3A : i32
      %jit3A_64 = arith.constant 1 : i32
      %select_n3A_65 = arith.select %eq3A_63, %jit3A_64, %jit3A_62 : i32
      %rem3A_66 = arith.remsi %scan3A_44, %select_n3A_65 : i32
      %ne3A_67 = arith.constant 0 : i32
      %ne3A_68 = arith.cmpi ne, %rem3A_66, %ne3A_67 : i32
      %lt3A = arith.constant 0 : i32
      %lt3A_69 = arith.cmpi slt, %rem3A_66, %lt3A : i32
      %lt3A_70 = arith.constant 0 : i32
      %lt3A_71 = arith.cmpi slt, %select_n3A_65, %lt3A_70 : i32
      %ne3A_72 = arith.xori %lt3A_69, %lt3A_71 : i1
      %and3A_73 = arith.andi %ne3A_72, %ne3A_68 : i1
      %add3A_74 = arith.addi %rem3A_66, %select_n3A_65 : i32
      %select_n3A_75 = arith.select %and3A_73, %add3A_74, %rem3A_66 : i32
      %mul3A_76 = arith.constant 16 : i32
      %mul3A_77 = arith.muli %select_n3A_75, %mul3A_76 : i32
      %get3A = arith.index_cast %select_n3A : i32 to index
      %get3A_78 = arith.index_cast %mul3A_77 : i32 to index
      %get3A_79 = tpu.vector_load %arg8[%get3A, %get3A_78] {strides = array<i32>} : memref<16x128xi32, #tpu.memory_space<vmem>>, vector<16xi32>,
      %shift_right_logical3A = arith.constant 7 : i32
      %shift_right_logical3A_80 = vector.broadcast %shift_right_logical3A : i32 to vector<16xi32>
      %shift_right_logical3A_81 = arith.shrui %get3A_79, %shift_right_logical3A_80 : vector<16xi32>
      %and3A_82 = arith.constant 127 : i32
      %and3A_83 = vector.broadcast %and3A_82 : i32 to vector<16xi32>
      %and3A_84 = arith.andi %get3A_79, %and3A_83 : vector<16xi32>
      tpu.vector_store_idx %arg10[%shift_right_logical3A_81, %and3A_84], %broadcast_in_dim3A_29 {add = true} : memref<16x128xf32, #tpu.memory_space<vmem>>[vector<16xi32>, vector<16xi32>], vector<16xf32>,
      %scan3A_85 = arith.constant 0 : i32
      scf.yield %scan3A_85 : i32
    }
    %scan3A_36 = arith.constant 128 : i32
    %mul3A_37 = arith.constant 16 : i32
    %mul3A_38 = arith.muli %add3A, %mul3A_37 : i32
    "tpu.region"() ({
      %run_scoped3A = tpu.sem_alloc : memref<!tpu.dma_semaphore, #tpu.memory_space<semaphore_mem>>
      %dma_start3A = arith.constant 0 : i32
      %dma_start3A_44 = tpu.memref_slice %arg6[%mul3A_38, %dma_start3A] : memref<512x128xf32, #tpu.memory_space<hbm>> -> memref<16x128xf32, #tpu.memory_space<hbm>>
      %dma_start3A_45 = arith.constant 0 : i32
      %dma_start3A_46 = tpu.memref_slice %arg6[%mul3A_38, %dma_start3A_45] : memref<512x128xf32, #tpu.memory_space<hbm>> -> memref<16x128xf32, #tpu.memory_space<hbm>>
      tpu.enqueue_dma source(%arg10 : memref<16x128xf32, #tpu.memory_space<vmem>>) target(%dma_start3A_46 : memref<16x128xf32, #tpu.memory_space<hbm>>) target_semaphore(%run_scoped3A : memref<!tpu.dma_semaphore, #tpu.memory_space<semaphore_mem>>)
      %dma_wait3A = arith.constant 0 : i32
      %dma_wait3A_47 = tpu.memref_slice %arg6[%mul3A_38, %dma_wait3A] : memref<512x128xf32, #tpu.memory_space<hbm>> -> memref<16x128xf32, #tpu.memory_space<hbm>>
      %dma_wait3A_48 = arith.constant 0 : i32
      %dma_wait3A_49 = tpu.memref_slice %arg6[%mul3A_38, %dma_wait3A_48] : memref<512x128xf32, #tpu.memory_space<hbm>> -> memref<16x128xf32, #tpu.memory_space<hbm>>
      tpu.wait_dma2 semaphore(%run_scoped3A : memref<!tpu.dma_semaphore, #tpu.memory_space<semaphore_mem>>) src(%arg10 : memref<16x128xf32, #tpu.memory_space<vmem>>) dst(%dma_wait3A_49 : memref<16x128xf32, #tpu.memory_space<hbm>>)
      tpu.yield
    }) : () -> ()
    %barrier3A_39 = arith.constant 0 : index
    tpu.barrier barrier_id(%barrier3A_39)
    %add3A_40 = arith.constant 0 : i32
    %add3A_41 = arith.addi %mul3A_15, %add3A_40 : i32
    %add3A_42 = arith.constant 0 : i32
    %add3A_43 = arith.addi %mul3A_15, %add3A_42 : i32
    "tpu.region"() ({
      %run_scoped3A = tpu.sem_alloc : memref<!tpu.dma_semaphore, #tpu.memory_space<semaphore_mem>>
      %dma_start3A = arith.constant 0 : i32
      %dma_start3A_44 = tpu.memref_slice %arg5[%arg0, %add3A_43, %dma_start3A] : memref<2x2048x128xf32, #tpu.memory_space<hbm>> -> memref<1x128x128xf32, #tpu.memory_space<hbm>>
      %dma_start3A_45 = tpu.memref_squeeze %dma_start3A_44 : memref<1x128x128xf32, #tpu.memory_space<hbm>> -> memref<128x128xf32, #tpu.memory_space<hbm>>
      %dma_start3A_46 = arith.constant 0 : i32
      %dma_start3A_47 = tpu.memref_slice %arg11[%add3A_41, %dma_start3A_46] : memref<2048x128xf32, #tpu.memory_space<vmem_shared>> -> memref<128x128xf32, #tpu.memory_space<vmem_shared>>
      tpu.enqueue_dma source(%dma_start3A_47 : memref<128x128xf32, #tpu.memory_space<vmem_shared>>) target(%dma_start3A_45 : memref<128x128xf32, #tpu.memory_space<hbm>>) target_semaphore(%run_scoped3A : memref<!tpu.dma_semaphore, #tpu.memory_space<semaphore_mem>>)
      %dma_wait3A = arith.constant 0 : i32
      %dma_wait3A_48 = tpu.memref_slice %arg5[%arg0, %add3A_43, %dma_wait3A] : memref<2x2048x128xf32, #tpu.memory_space<hbm>> -> memref<1x128x128xf32, #tpu.memory_space<hbm>>
      %dma_wait3A_49 = tpu.memref_squeeze %dma_wait3A_48 : memref<1x128x128xf32, #tpu.memory_space<hbm>> -> memref<128x128xf32, #tpu.memory_space<hbm>>
      %dma_wait3A_50 = arith.constant 0 : i32
      %dma_wait3A_51 = tpu.memref_slice %arg11[%add3A_41, %dma_wait3A_50] : memref<2048x128xf32, #tpu.memory_space<vmem_shared>> -> memref<128x128xf32, #tpu.memory_space<vmem_shared>>
      tpu.wait_dma2 semaphore(%run_scoped3A : memref<!tpu.dma_semaphore, #tpu.memory_space<semaphore_mem>>) src(%dma_wait3A_51 : memref<128x128xf32, #tpu.memory_space<vmem_shared>>) dst(%dma_wait3A_49 : memref<128x128xf32, #tpu.memory_space<hbm>>)
      tpu.yield
    }) : () -> ()
    return
  }
}

module attributes {stable_mosaic.version = 14 : i64} {
  func.func @_stage_d_body(%arg0: i32, %arg1: memref<2048x128xi32, #tpu.memory_space<vmem>>, %arg2: memref<2048x1xi32, #tpu.memory_space<vmem>>, %arg3: memref<2048x1xi32, #tpu.memory_space<vmem>>, %arg4: memref<128x128xi32, #tpu.memory_space<vmem>>, %arg5: memref<128x1xi32, #tpu.memory_space<vmem>>, %arg6: memref<2048x1xi32, #tpu.memory_space<vmem>>, %arg7: memref<1x128xi32, #tpu.memory_space<vmem>>, %arg8: memref<1x128xi32, #tpu.memory_space<vmem>>, %arg9: memref<1x128xi32, #tpu.memory_space<vmem>>, %arg10: memref<1x128xi32, #tpu.memory_space<vmem>>, %arg11: memref<1x128xi32, #tpu.memory_space<vmem>>) attributes {dimension_semantics = [#tpu.dimension_semantics<arbitrary>], iteration_bounds = array<i64: 16>, scalar_prefetch = 0 : i64, scratch_operands = 0 : i64, tpu.core_type = #tpu.core_type<tc>, window_params = [{pipeline_mode = #tpu.pipeline_mode<synchronous>, transform_indices = @transform_0, window_bounds = array<i64: 2048, 128>}, {pipeline_mode = #tpu.pipeline_mode<synchronous>, transform_indices = @transform_1, window_bounds = array<i64: 2048, 1>}, {pipeline_mode = #tpu.pipeline_mode<synchronous>, transform_indices = @transform_2, window_bounds = array<i64: 2048, 1>}, {transform_indices = @transform_3, window_bounds = array<i64: 128, 128>}, {transform_indices = @transform_4, window_bounds = array<i64: 128, 1>}, {pipeline_mode = #tpu.pipeline_mode<synchronous>, transform_indices = @transform_5, window_bounds = array<i64: 2048, 1>}, {transform_indices = @transform_6, window_bounds = array<i64: 1, 128>}, {transform_indices = @transform_7, window_bounds = array<i64: 1, 128>}, {transform_indices = @transform_8, window_bounds = array<i64: 1, 128>}, {transform_indices = @transform_9, window_bounds = array<i64: 1, 128>}, {transform_indices = @transform_10, window_bounds = array<i64: 1, 128>}]} {
    %mul3A = arith.constant 128 : i32
    %mul3A_0 = arith.muli %arg0, %mul3A : i32
    %iota3A = tpu.iota {dimensions = array<i32: 1>} : vector<2048x128xi32>
    %get3A = arith.constant 0 : index
    %get3A_1 = arith.constant 0 : index
    %get3A_2 = vector.load %arg2[%get3A, %get3A_1] : memref<2048x1xi32, #tpu.memory_space<vmem>>, vector<2048x1xi32>
    %and3A = arith.constant 127 : i32
    %and3A_3 = vector.broadcast %and3A : i32 to vector<2048x1xi32>
    %and3A_4 = arith.andi %get3A_2, %and3A_3 : vector<2048x1xi32>
    %eq3A = vector.broadcast %and3A_4 : vector<2048x1xi32> to vector<2048x128xi32>
    %eq3A_5 = arith.cmpi eq, %iota3A, %eq3A : vector<2048x128xi32>
    %get3A_6 = arith.constant 0 : index
    %get3A_7 = arith.constant 0 : index
    %get3A_8 = vector.load %arg1[%get3A_6, %get3A_7] : memref<2048x128xi32, #tpu.memory_space<vmem>>, vector<2048x128xi32>
    %jit3A = arith.constant 0 : i32
    %broadcast_in_dim3A = vector.broadcast %jit3A : i32 to vector<2048x128xi32>
    %select_n3A = arith.select %eq3A_5, %get3A_8, %broadcast_in_dim3A : vector<2048x128xi1>, vector<2048x128xi32>
    %reduce_sum3A = arith.constant dense<0> : vector<2048xi32>
    %reduce_sum3A_9 = vector.multi_reduction <add>, %select_n3A, %reduce_sum3A [1] : vector<2048x128xi32> to vector<2048xi32>
    %reshape3A = vector.shape_cast %reduce_sum3A_9 : vector<2048xi32> to vector<2048x1xi32>
    %iota3A_10 = tpu.iota {dimensions = array<i32: 1>} : vector<128x128xi32>
    %get3A_11 = arith.constant 0 : index
    %get3A_12 = arith.constant 0 : index
    %get3A_13 = vector.load %arg5[%get3A_11, %get3A_12] : memref<128x1xi32, #tpu.memory_space<vmem>>, vector<128x1xi32>
    %and3A_14 = arith.constant 127 : i32
    %and3A_15 = vector.broadcast %and3A_14 : i32 to vector<128x1xi32>
    %and3A_16 = arith.andi %get3A_13, %and3A_15 : vector<128x1xi32>
    %eq3A_17 = vector.broadcast %and3A_16 : vector<128x1xi32> to vector<128x128xi32>
    %eq3A_18 = arith.cmpi eq, %iota3A_10, %eq3A_17 : vector<128x128xi32>
    %get3A_19 = arith.constant 0 : index
    %get3A_20 = arith.constant 0 : index
    %get3A_21 = vector.load %arg4[%get3A_19, %get3A_20] : memref<128x128xi32, #tpu.memory_space<vmem>>, vector<128x128xi32>
    %jit3A_22 = arith.constant 0 : i32
    %broadcast_in_dim3A_23 = vector.broadcast %jit3A_22 : i32 to vector<128x128xi32>
    %select_n3A_24 = arith.select %eq3A_18, %get3A_21, %broadcast_in_dim3A_23 : vector<128x128xi1>, vector<128x128xi32>
    %reduce_sum3A_25 = arith.constant dense<0> : vector<128xi32>
    %reduce_sum3A_26 = vector.multi_reduction <add>, %select_n3A_24, %reduce_sum3A_25 [1] : vector<128x128xi32> to vector<128xi32>
    %reshape3A_27 = vector.shape_cast %reduce_sum3A_26 : vector<128xi32> to vector<1x128xi32>
    %iota3A_28 = tpu.iota {dimensions = array<i32: 0>} : vector<2048x128xi32>
    %eq3A_29 = vector.broadcast %reshape3A : vector<2048x1xi32> to vector<2048x128xi32>
    %eq3A_30 = vector.broadcast %reshape3A_27 : vector<1x128xi32> to vector<2048x128xi32>
    %eq3A_31 = arith.cmpi eq, %eq3A_29, %eq3A_30 : vector<2048x128xi32>
    %mul3A_32 = arith.constant 16384 : i32
    %mul3A_33 = vector.broadcast %mul3A_32 : i32 to vector<2048x128xi32>
    %mul3A_34 = arith.muli %iota3A_28, %mul3A_33 : vector<2048x128xi32>
    %get3A_35 = arith.constant 0 : index
    %get3A_36 = arith.constant 0 : index
    %get3A_37 = vector.load %arg3[%get3A_35, %get3A_36] : memref<2048x1xi32, #tpu.memory_space<vmem>>, vector<2048x1xi32>
    %add3A = vector.broadcast %get3A_37 : vector<2048x1xi32> to vector<2048x128xi32>
    %add3A_38 = arith.addi %mul3A_34, %add3A : vector<2048x128xi32>
    %jit3A_39 = arith.constant -1 : i32
    %broadcast_in_dim3A_40 = vector.broadcast %jit3A_39 : i32 to vector<2048x128xi32>
    %select_n3A_41 = arith.select %eq3A_31, %add3A_38, %broadcast_in_dim3A_40 : vector<2048x128xi1>, vector<2048x128xi32>
    %reduce_max3A = arith.constant dense<-2147483648> : vector<128xi32>
    %reduce_max3A_42 = vector.multi_reduction <maxsi>, %select_n3A_41, %reduce_max3A [0] : vector<2048x128xi32> to vector<128xi32>
    %broadcast_in_dim3A_43 = vector.shape_cast %reduce_max3A_42 : vector<128xi32> to vector<1x128xi32>
    %get3A_44 = arith.constant 0 : index
    %get3A_45 = arith.constant 0 : index
    %get3A_46 = vector.load %arg6[%get3A_44, %get3A_45] : memref<2048x1xi32, #tpu.memory_space<vmem>>, vector<2048x1xi32>
    %get3A_47 = arith.constant 0 : index
    %get3A_48 = arith.constant 0 : index
    %get3A_49 = vector.load %arg7[%get3A_47, %get3A_48] : memref<1x128xi32, #tpu.memory_space<vmem>>, vector<1x128xi32>
    %eq3A_50 = vector.broadcast %get3A_46 : vector<2048x1xi32> to vector<2048x128xi32>
    %eq3A_51 = vector.broadcast %get3A_49 : vector<1x128xi32> to vector<2048x128xi32>
    %eq3A_52 = arith.cmpi eq, %eq3A_50, %eq3A_51 : vector<2048x128xi32>
    %jit3A_53 = arith.constant -1 : i32
    %broadcast_in_dim3A_54 = vector.broadcast %jit3A_53 : i32 to vector<2048x128xi32>
    %select_n3A_55 = arith.select %eq3A_52, %iota3A_28, %broadcast_in_dim3A_54 : vector<2048x128xi1>, vector<2048x128xi32>
    %reduce_max3A_56 = arith.constant dense<-2147483648> : vector<128xi32>
    %reduce_max3A_57 = vector.multi_reduction <maxsi>, %select_n3A_55, %reduce_max3A_56 [0] : vector<2048x128xi32> to vector<128xi32>
    %broadcast_in_dim3A_58 = vector.shape_cast %reduce_max3A_57 : vector<128xi32> to vector<1x128xi32>
    %iota3A_59 = tpu.iota {dimensions = array<i32: 1>} : vector<1x128xi32>
    %add3A_60 = vector.broadcast %mul3A_0 : i32 to vector<1x128xi32>
    %add3A_61 = arith.addi %iota3A_59, %add3A_60 : vector<1x128xi32>
    %eq3A_62 = arith.cmpi eq, %broadcast_in_dim3A_58, %add3A_61 : vector<1x128xi32>
    %shift_right_arithmetic3A = arith.constant 7 : i32
    %shift_right_arithmetic3A_63 = vector.broadcast %shift_right_arithmetic3A : i32 to vector<1x128xi32>
    %shift_right_arithmetic3A_64 = arith.shrsi %add3A_61, %shift_right_arithmetic3A_63 : vector<1x128xi32>
    %ge3A = arith.constant 0 : i32
    %ge3A_65 = vector.broadcast %ge3A : i32 to vector<1x128xi32>
    %ge3A_66 = arith.cmpi sge, %broadcast_in_dim3A_43, %ge3A_65 : vector<1x128xi32>
    %get3A_67 = arith.constant 0 : index
    %get3A_68 = arith.constant 0 : index
    %get3A_69 = vector.load %arg7[%get3A_67, %get3A_68] : memref<1x128xi32, #tpu.memory_space<vmem>>, vector<1x128xi32>
    %add3A_70 = arith.constant 10000 : i32
    %add3A_71 = vector.broadcast %add3A_70 : i32 to vector<1x128xi32>
    %add3A_72 = arith.addi %add3A_71, %shift_right_arithmetic3A_64 : vector<1x128xi32>
    %select_n3A_73 = arith.select %eq3A_62, %get3A_69, %add3A_72 : vector<1x128xi1>, vector<1x128xi32>
    %swap3A = arith.constant 0 : index
    %swap3A_74 = arith.constant 0 : index
    %swap3A_75 = vector.load %arg8[%swap3A, %swap3A_74] : memref<1x128xi32, #tpu.memory_space<vmem>>, vector<1x128xi32>
    tpu.vector_store %arg8[%swap3A, %swap3A_74], %select_n3A_73 {strides = array<i32>} : memref<1x128xi32, #tpu.memory_space<vmem>>, vector<1x128xi32>,
    %and3A_76 = arith.andi %eq3A_62, %ge3A_66 : vector<1x128xi1>
    %get3A_77 = arith.constant 0 : index
    %get3A_78 = arith.constant 0 : index
    %get3A_79 = vector.load %arg7[%get3A_77, %get3A_78] : memref<1x128xi32, #tpu.memory_space<vmem>>, vector<1x128xi32>
    %add3A_80 = arith.constant 10016 : i32
    %add3A_81 = vector.broadcast %add3A_80 : i32 to vector<1x128xi32>
    %add3A_82 = arith.addi %add3A_81, %shift_right_arithmetic3A_64 : vector<1x128xi32>
    %select_n3A_83 = arith.select %and3A_76, %get3A_79, %add3A_82 : vector<1x128xi1>, vector<1x128xi32>
    %swap3A_84 = arith.constant 0 : index
    %swap3A_85 = arith.constant 0 : index
    %swap3A_86 = vector.load %arg9[%swap3A_84, %swap3A_85] : memref<1x128xi32, #tpu.memory_space<vmem>>, vector<1x128xi32>
    tpu.vector_store %arg9[%swap3A_84, %swap3A_85], %select_n3A_83 {strides = array<i32>} : memref<1x128xi32, #tpu.memory_space<vmem>>, vector<1x128xi32>,
    %and3A_87 = arith.constant 16383 : i32
    %and3A_88 = vector.broadcast %and3A_87 : i32 to vector<1x128xi32>
    %and3A_89 = arith.andi %broadcast_in_dim3A_43, %and3A_88 : vector<1x128xi32>
    %jit3A_90 = arith.constant 0 : i32
    %broadcast_in_dim3A_91 = vector.broadcast %jit3A_90 : i32 to vector<1x128xi32>
    %select_n3A_92 = arith.select %ge3A_66, %and3A_89, %broadcast_in_dim3A_91 : vector<1x128xi1>, vector<1x128xi32>
    %swap3A_93 = arith.constant 0 : index
    %swap3A_94 = arith.constant 0 : index
    %swap3A_95 = vector.load %arg10[%swap3A_93, %swap3A_94] : memref<1x128xi32, #tpu.memory_space<vmem>>, vector<1x128xi32>
    tpu.vector_store %arg10[%swap3A_93, %swap3A_94], %select_n3A_92 {strides = array<i32>} : memref<1x128xi32, #tpu.memory_space<vmem>>, vector<1x128xi32>,
    %swap3A_96 = arith.constant 0 : index
    %swap3A_97 = arith.constant 0 : index
    %swap3A_98 = vector.load %arg11[%swap3A_96, %swap3A_97] : memref<1x128xi32, #tpu.memory_space<vmem>>, vector<1x128xi32>
    tpu.vector_store %arg11[%swap3A_96, %swap3A_97], %reshape3A_27 {strides = array<i32>} : memref<1x128xi32, #tpu.memory_space<vmem>>, vector<1x128xi32>,
    return
  }
  func.func @transform_0(%arg0: i32) -> (i32, i32) {
    %c0_i32 = arith.constant 0 : i32
    %c0_i32_0 = arith.constant 0 : i32
    %c0_i32_1 = arith.constant 0 : i32
    return %c0_i32, %c0_i32_0 : i32, i32
  }
  func.func @transform_1(%arg0: i32) -> (i32, i32) {
    %c0_i32 = arith.constant 0 : i32
    %c0_i32_0 = arith.constant 0 : i32
    %c0_i32_1 = arith.constant 0 : i32
    return %c0_i32, %c0_i32_0 : i32, i32
  }
  func.func @transform_2(%arg0: i32) -> (i32, i32) {
    %c0_i32 = arith.constant 0 : i32
    %c0_i32_0 = arith.constant 0 : i32
    %c0_i32_1 = arith.constant 0 : i32
    return %c0_i32, %c0_i32_0 : i32, i32
  }
  func.func @transform_3(%arg0: i32) -> (i32, i32) {
    %c0_i32 = arith.constant 0 : i32
    %c0_i32_0 = arith.constant 0 : i32
    return %arg0, %c0_i32 : i32, i32
  }
  func.func @transform_4(%arg0: i32) -> (i32, i32) {
    %c0_i32 = arith.constant 0 : i32
    %c0_i32_0 = arith.constant 0 : i32
    return %arg0, %c0_i32 : i32, i32
  }
  func.func @transform_5(%arg0: i32) -> (i32, i32) {
    %c0_i32 = arith.constant 0 : i32
    %c0_i32_0 = arith.constant 0 : i32
    %c0_i32_1 = arith.constant 0 : i32
    return %c0_i32, %c0_i32_0 : i32, i32
  }
  func.func @transform_6(%arg0: i32) -> (i32, i32) {
    %c0_i32 = arith.constant 0 : i32
    %c0_i32_0 = arith.constant 0 : i32
    return %c0_i32, %arg0 : i32, i32
  }
  func.func @transform_7(%arg0: i32) -> (i32, i32) {
    %c0_i32 = arith.constant 0 : i32
    %c0_i32_0 = arith.constant 0 : i32
    return %c0_i32, %arg0 : i32, i32
  }
  func.func @transform_8(%arg0: i32) -> (i32, i32) {
    %c0_i32 = arith.constant 0 : i32
    %c0_i32_0 = arith.constant 0 : i32
    return %c0_i32, %arg0 : i32, i32
  }
  func.func @transform_9(%arg0: i32) -> (i32, i32) {
    %c0_i32 = arith.constant 0 : i32
    %c0_i32_0 = arith.constant 0 : i32
    return %c0_i32, %arg0 : i32, i32
  }
  func.func @transform_10(%arg0: i32) -> (i32, i32) {
    %c0_i32 = arith.constant 0 : i32
    %c0_i32_0 = arith.constant 0 : i32
    return %c0_i32, %arg0 : i32, i32
  }
}

module attributes {stable_mosaic.version = 14 : i64} {
  func.func @_stage_c_body(%arg0: i32, %arg1: memref<1024x128xf32, #tpu.memory_space<vmem>>, %arg2: memref<1024x128xf32, #tpu.memory_space<vmem>>, %arg3: memref<32x1024xf32, #tpu.memory_space<vmem>>, %arg4: memref<1024x128xf32, #tpu.memory_space<vmem>>, %arg5: memref<128x128xf32, #tpu.memory_space<vmem>>, %arg6: memref<128x128xf32, #tpu.memory_space<vmem>>, %arg7: memref<1x128xf32, #tpu.memory_space<vmem>>, %arg8: memref<1024x128xf32, #tpu.memory_space<vmem>>) attributes {dimension_semantics = [#tpu.dimension_semantics<arbitrary>], iteration_bounds = array<i64: 10>, scalar_prefetch = 0 : i64, scratch_operands = 0 : i64, tpu.core_type = #tpu.core_type<tc>, window_params = [{transform_indices = @transform_0, window_bounds = array<i64: 1024, 128>}, {transform_indices = @transform_1, window_bounds = array<i64: 1024, 128>}, {transform_indices = @transform_2, window_bounds = array<i64: 32, 1024>}, {transform_indices = @transform_3, window_bounds = array<i64: 1024, 128>}, {pipeline_mode = #tpu.pipeline_mode<synchronous>, transform_indices = @transform_4, window_bounds = array<i64: 128, 128>}, {pipeline_mode = #tpu.pipeline_mode<synchronous>, transform_indices = @transform_5, window_bounds = array<i64: 128, 128>}, {pipeline_mode = #tpu.pipeline_mode<synchronous>, transform_indices = @transform_6, window_bounds = array<i64: 1, 128>}, {transform_indices = @transform_7, window_bounds = array<i64: 1024, 128>}]} {
    %get3A = arith.constant 0 : index
    %get3A_0 = arith.constant 0 : index
    %get3A_1 = vector.load %arg3[%get3A, %get3A_0] : memref<32x1024xf32, #tpu.memory_space<vmem>>, vector<32x1024xf32>
    %reduce_sum3A = arith.constant dense<0.000000e+00> : vector<1024xf32>
    %reduce_sum3A_2 = vector.multi_reduction <add>, %get3A_1, %reduce_sum3A [0] : vector<32x1024xf32> to vector<1024xf32>
    %reshape3A = vector.shape_cast %reduce_sum3A_2 : vector<1024xf32> to vector<1024x1xf32>
    %get3A_3 = arith.constant 0 : index
    %get3A_4 = arith.constant 0 : index
    %get3A_5 = vector.load %arg1[%get3A_3, %get3A_4] : memref<1024x128xf32, #tpu.memory_space<vmem>>, vector<1024x128xf32>
    %get3A_6 = arith.constant 0 : index
    %get3A_7 = arith.constant 0 : index
    %get3A_8 = vector.load %arg2[%get3A_6, %get3A_7] : memref<1024x128xf32, #tpu.memory_space<vmem>>, vector<1024x128xf32>
    %add3A = arith.addf %get3A_5, %get3A_8 : vector<1024x128xf32>
    %max3A = arith.constant 1.000000e+00 : f32
    %max3A_9 = vector.broadcast %max3A : f32 to vector<1024x1xf32>
    %max3A_10 = arith.maximumf %reshape3A, %max3A_9 : vector<1024x1xf32>
    %div3A = vector.broadcast %max3A_10 : vector<1024x1xf32> to vector<1024x128xf32>
    %div3A_11 = arith.divf %add3A, %div3A : vector<1024x128xf32>
    %get3A_12 = arith.constant 0 : index
    %get3A_13 = arith.constant 0 : index
    %get3A_14 = vector.load %arg5[%get3A_12, %get3A_13] : memref<128x128xf32, #tpu.memory_space<vmem>>, vector<128x128xf32>
    %dot_general3A = arith.constant dense<0.000000e+00> : vector<1024x128xf32>
    %dot_general3A_15 = tpu.matmul %div3A_11, %get3A_14, %dot_general3A {dimension_numbers = #tpu.dot_dimension_numbers<[1], [0], [0], [1], [0, 0, 1, 1], [], []>, transpose_lhs_hint = false} : vector<1024x128xf32>, vector<128x128xf32>, vector<1024x128xf32> -> vector<1024x128xf32>
    %get3A_16 = arith.constant 0 : index
    %get3A_17 = arith.constant 0 : index
    %get3A_18 = vector.load %arg4[%get3A_16, %get3A_17] : memref<1024x128xf32, #tpu.memory_space<vmem>>, vector<1024x128xf32>
    %get3A_19 = arith.constant 0 : index
    %get3A_20 = arith.constant 0 : index
    %get3A_21 = vector.load %arg6[%get3A_19, %get3A_20] : memref<128x128xf32, #tpu.memory_space<vmem>>, vector<128x128xf32>
    %dot_general3A_22 = arith.constant dense<0.000000e+00> : vector<1024x128xf32>
    %dot_general3A_23 = tpu.matmul %get3A_18, %get3A_21, %dot_general3A_22 {dimension_numbers = #tpu.dot_dimension_numbers<[1], [0], [0], [1], [0, 0, 1, 1], [], []>, transpose_lhs_hint = false} : vector<1024x128xf32>, vector<128x128xf32>, vector<1024x128xf32> -> vector<1024x128xf32>
    %add3A_24 = arith.addf %dot_general3A_15, %dot_general3A_23 : vector<1024x128xf32>
    %get3A_25 = arith.constant 0 : index
    %get3A_26 = arith.constant 0 : index
    %get3A_27 = vector.load %arg7[%get3A_25, %get3A_26] : memref<1x128xf32, #tpu.memory_space<vmem>>, vector<1x128xf32>
    %add3A_28 = vector.broadcast %get3A_27 : vector<1x128xf32> to vector<1024x128xf32>
    %add3A_29 = arith.addf %add3A_24, %add3A_28 : vector<1024x128xf32>
    %max3A_30 = arith.constant 0.000000e+00 : f32
    %max3A_31 = vector.broadcast %max3A_30 : f32 to vector<1024x128xf32>
    %max3A_32 = arith.maximumf %add3A_29, %max3A_31 : vector<1024x128xf32>
    %swap3A = arith.constant 0 : index
    %swap3A_33 = arith.constant 0 : index
    %swap3A_34 = vector.load %arg8[%swap3A, %swap3A_33] : memref<1024x128xf32, #tpu.memory_space<vmem>>, vector<1024x128xf32>
    tpu.vector_store %arg8[%swap3A, %swap3A_33], %max3A_32 {strides = array<i32>} : memref<1024x128xf32, #tpu.memory_space<vmem>>, vector<1024x128xf32>,
    return
  }
  func.func @transform_0(%arg0: i32) -> (i32, i32) {
    %c0_i32 = arith.constant 0 : i32
    %c0_i32_0 = arith.constant 0 : i32
    return %arg0, %c0_i32 : i32, i32
  }
  func.func @transform_1(%arg0: i32) -> (i32, i32) {
    %c0_i32 = arith.constant 0 : i32
    %c0_i32_0 = arith.constant 0 : i32
    return %arg0, %c0_i32 : i32, i32
  }
  func.func @transform_2(%arg0: i32) -> (i32, i32) {
    %c0_i32 = arith.constant 0 : i32
    %c0_i32_0 = arith.constant 0 : i32
    return %c0_i32, %arg0 : i32, i32
  }
  func.func @transform_3(%arg0: i32) -> (i32, i32) {
    %c0_i32 = arith.constant 0 : i32
    %c0_i32_0 = arith.constant 0 : i32
    return %arg0, %c0_i32 : i32, i32
  }
  func.func @transform_4(%arg0: i32) -> (i32, i32) {
    %c0_i32 = arith.constant 0 : i32
    %c0_i32_0 = arith.constant 0 : i32
    %c0_i32_1 = arith.constant 0 : i32
    return %c0_i32, %c0_i32_0 : i32, i32
  }
  func.func @transform_5(%arg0: i32) -> (i32, i32) {
    %c0_i32 = arith.constant 0 : i32
    %c0_i32_0 = arith.constant 0 : i32
    %c0_i32_1 = arith.constant 0 : i32
    return %c0_i32, %c0_i32_0 : i32, i32
  }
  func.func @transform_6(%arg0: i32) -> (i32, i32) {
    %c0_i32 = arith.constant 0 : i32
    %c0_i32_0 = arith.constant 0 : i32
    %c0_i32_1 = arith.constant 0 : i32
    return %c0_i32, %c0_i32_0 : i32, i32
  }
  func.func @transform_7(%arg0: i32) -> (i32, i32) {
    %c0_i32 = arith.constant 0 : i32
    %c0_i32_0 = arith.constant 0 : i32
    return %arg0, %c0_i32 : i32, i32
  }
}

module attributes {stable_mosaic.version = 14 : i64} {
  func.func @_stage_g_body(%arg0: i32, %arg1: memref<512x128xf32, #tpu.memory_space<vmem>>, %arg2: memref<512x128xf32, #tpu.memory_space<vmem>>, %arg3: memref<32x512xf32, #tpu.memory_space<vmem>>, %arg4: memref<512x128xf32, #tpu.memory_space<vmem>>, %arg5: memref<128x128xf32, #tpu.memory_space<vmem>>, %arg6: memref<128x128xf32, #tpu.memory_space<vmem>>, %arg7: memref<1x128xf32, #tpu.memory_space<vmem>>, %arg8: memref<512x47xf32, #tpu.memory_space<vmem>>) attributes {dimension_semantics = [#tpu.dimension_semantics<arbitrary>], iteration_bounds = array<i64: 4>, scalar_prefetch = 0 : i64, scratch_operands = 0 : i64, tpu.core_type = #tpu.core_type<tc>, window_params = [{transform_indices = @transform_0, window_bounds = array<i64: 512, 128>}, {transform_indices = @transform_1, window_bounds = array<i64: 512, 128>}, {transform_indices = @transform_2, window_bounds = array<i64: 32, 512>}, {transform_indices = @transform_3, window_bounds = array<i64: 512, 128>}, {pipeline_mode = #tpu.pipeline_mode<synchronous>, transform_indices = @transform_4, window_bounds = array<i64: 128, 128>}, {pipeline_mode = #tpu.pipeline_mode<synchronous>, transform_indices = @transform_5, window_bounds = array<i64: 128, 128>}, {pipeline_mode = #tpu.pipeline_mode<synchronous>, transform_indices = @transform_6, window_bounds = array<i64: 1, 128>}, {transform_indices = @transform_7, window_bounds = array<i64: 512, 47>}]} {
    %get3A = arith.constant 0 : index
    %get3A_0 = arith.constant 0 : index
    %get3A_1 = vector.load %arg3[%get3A, %get3A_0] : memref<32x512xf32, #tpu.memory_space<vmem>>, vector<32x512xf32>
    %reduce_sum3A = arith.constant dense<0.000000e+00> : vector<512xf32>
    %reduce_sum3A_2 = vector.multi_reduction <add>, %get3A_1, %reduce_sum3A [0] : vector<32x512xf32> to vector<512xf32>
    %reshape3A = vector.shape_cast %reduce_sum3A_2 : vector<512xf32> to vector<512x1xf32>
    %get3A_3 = arith.constant 0 : index
    %get3A_4 = arith.constant 0 : index
    %get3A_5 = vector.load %arg1[%get3A_3, %get3A_4] : memref<512x128xf32, #tpu.memory_space<vmem>>, vector<512x128xf32>
    %get3A_6 = arith.constant 0 : index
    %get3A_7 = arith.constant 0 : index
    %get3A_8 = vector.load %arg2[%get3A_6, %get3A_7] : memref<512x128xf32, #tpu.memory_space<vmem>>, vector<512x128xf32>
    %add3A = arith.addf %get3A_5, %get3A_8 : vector<512x128xf32>
    %max3A = arith.constant 1.000000e+00 : f32
    %max3A_9 = vector.broadcast %max3A : f32 to vector<512x1xf32>
    %max3A_10 = arith.maximumf %reshape3A, %max3A_9 : vector<512x1xf32>
    %div3A = vector.broadcast %max3A_10 : vector<512x1xf32> to vector<512x128xf32>
    %div3A_11 = arith.divf %add3A, %div3A : vector<512x128xf32>
    %get3A_12 = arith.constant 0 : index
    %get3A_13 = arith.constant 0 : index
    %get3A_14 = vector.load %arg5[%get3A_12, %get3A_13] : memref<128x128xf32, #tpu.memory_space<vmem>>, vector<128x128xf32>
    %dot_general3A = arith.constant dense<0.000000e+00> : vector<512x128xf32>
    %dot_general3A_15 = tpu.matmul %div3A_11, %get3A_14, %dot_general3A {dimension_numbers = #tpu.dot_dimension_numbers<[1], [0], [0], [1], [0, 0, 1, 1], [], []>, transpose_lhs_hint = false} : vector<512x128xf32>, vector<128x128xf32>, vector<512x128xf32> -> vector<512x128xf32>
    %get3A_16 = arith.constant 0 : index
    %get3A_17 = arith.constant 0 : index
    %get3A_18 = vector.load %arg4[%get3A_16, %get3A_17] : memref<512x128xf32, #tpu.memory_space<vmem>>, vector<512x128xf32>
    %get3A_19 = arith.constant 0 : index
    %get3A_20 = arith.constant 0 : index
    %get3A_21 = vector.load %arg6[%get3A_19, %get3A_20] : memref<128x128xf32, #tpu.memory_space<vmem>>, vector<128x128xf32>
    %dot_general3A_22 = arith.constant dense<0.000000e+00> : vector<512x128xf32>
    %dot_general3A_23 = tpu.matmul %get3A_18, %get3A_21, %dot_general3A_22 {dimension_numbers = #tpu.dot_dimension_numbers<[1], [0], [0], [1], [0, 0, 1, 1], [], []>, transpose_lhs_hint = false} : vector<512x128xf32>, vector<128x128xf32>, vector<512x128xf32> -> vector<512x128xf32>
    %add3A_24 = arith.addf %dot_general3A_15, %dot_general3A_23 : vector<512x128xf32>
    %get3A_25 = arith.constant 0 : index
    %get3A_26 = arith.constant 0 : index
    %get3A_27 = vector.load %arg7[%get3A_25, %get3A_26] : memref<1x128xf32, #tpu.memory_space<vmem>>, vector<1x128xf32>
    %add3A_28 = vector.broadcast %get3A_27 : vector<1x128xf32> to vector<512x128xf32>
    %add3A_29 = arith.addf %add3A_24, %add3A_28 : vector<512x128xf32>
    %slice3A = vector.extract_strided_slice %add3A_29 {offsets = [0, 0], sizes = [512, 47], strides = [1, 1]} : vector<512x128xf32> to vector<512x47xf32>
    %reduce_max3A = arith.constant dense<0xFF800000> : vector<512xf32>
    %reduce_max3A_30 = vector.multi_reduction <maximumf>, %slice3A, %reduce_max3A [1] : vector<512x47xf32> to vector<512xf32>
    %broadcast_in_dim3A = vector.shape_cast %reduce_max3A_30 : vector<512xf32> to vector<512x1xf32>
    %sub3A = vector.broadcast %broadcast_in_dim3A : vector<512x1xf32> to vector<512x47xf32>
    %sub3A_31 = arith.subf %slice3A, %sub3A : vector<512x47xf32>
    %exp3A = math.exp %sub3A_31 : vector<512x47xf32>
    %reduce_sum3A_32 = arith.constant dense<0.000000e+00> : vector<512xf32>
    %reduce_sum3A_33 = vector.multi_reduction <add>, %exp3A, %reduce_sum3A_32 [1] : vector<512x47xf32> to vector<512xf32>
    %broadcast_in_dim3A_34 = vector.shape_cast %reduce_sum3A_33 : vector<512xf32> to vector<512x1xf32>
    %log3A = math.log %broadcast_in_dim3A_34 : vector<512x1xf32>
    %sub3A_35 = vector.broadcast %log3A : vector<512x1xf32> to vector<512x47xf32>
    %sub3A_36 = arith.subf %sub3A_31, %sub3A_35 : vector<512x47xf32>
    %swap3A = arith.constant 0 : index
    %swap3A_37 = arith.constant 0 : index
    %swap3A_38 = vector.load %arg8[%swap3A, %swap3A_37] : memref<512x47xf32, #tpu.memory_space<vmem>>, vector<512x47xf32>
    tpu.vector_store %arg8[%swap3A, %swap3A_37], %sub3A_36 {strides = array<i32>} : memref<512x47xf32, #tpu.memory_space<vmem>>, vector<512x47xf32>,
    return
  }
  func.func @transform_0(%arg0: i32) -> (i32, i32) {
    %c0_i32 = arith.constant 0 : i32
    %c0_i32_0 = arith.constant 0 : i32
    return %arg0, %c0_i32 : i32, i32
  }
  func.func @transform_1(%arg0: i32) -> (i32, i32) {
    %c0_i32 = arith.constant 0 : i32
    %c0_i32_0 = arith.constant 0 : i32
    return %arg0, %c0_i32 : i32, i32
  }
  func.func @transform_2(%arg0: i32) -> (i32, i32) {
    %c0_i32 = arith.constant 0 : i32
    %c0_i32_0 = arith.constant 0 : i32
    return %c0_i32, %arg0 : i32, i32
  }
  func.func @transform_3(%arg0: i32) -> (i32, i32) {
    %c0_i32 = arith.constant 0 : i32
    %c0_i32_0 = arith.constant 0 : i32
    return %arg0, %c0_i32 : i32, i32
  }
  func.func @transform_4(%arg0: i32) -> (i32, i32) {
    %c0_i32 = arith.constant 0 : i32
    %c0_i32_0 = arith.constant 0 : i32
    %c0_i32_1 = arith.constant 0 : i32
    return %c0_i32, %c0_i32_0 : i32, i32
  }
  func.func @transform_5(%arg0: i32) -> (i32, i32) {
    %c0_i32 = arith.constant 0 : i32
    %c0_i32_0 = arith.constant 0 : i32
    %c0_i32_1 = arith.constant 0 : i32
    return %c0_i32, %c0_i32_0 : i32, i32
  }
  func.func @transform_6(%arg0: i32) -> (i32, i32) {
    %c0_i32 = arith.constant 0 : i32
    %c0_i32_0 = arith.constant 0 : i32
    %c0_i32_1 = arith.constant 0 : i32
    return %c0_i32, %c0_i32_0 : i32, i32
  }
  func.func @transform_7(%arg0: i32) -> (i32, i32) {
    %c0_i32 = arith.constant 0 : i32
    %c0_i32_0 = arith.constant 0 : i32
    return %arg0, %c0_i32 : i32, i32
  }
}

</mosaic_0001>

<sc_bundles>
// kernel: kernel.12.cloned.1.call-start
scs
__scs_entry_jumppad:
0x0: {  	(pc) =	sbr.rel $0x88, $3  }
0x1: {  	(tag) =	ssettag $0x0;
	lr =	simm.s32 $0x1  }
0x2: {  	[smem:$0x3F8F] =	sst lr;
	_ =	strace $0xD0000000  }
0x3: {  	_ = 	snop  }
0x4: {  	_ = 	snop  }
0x5: {  	_ = 	snop  }
0x6: {  	_ = 	snop  }
0x7: {  	_ = 	snop  }
__scs_overlays_trampoline_lowered:
0x8: {  	[smem:$0x3F9E] =	sst s0  }
0x9: {  	[smem:$0x3F9F] =	sst s1  }
0xa: {  	[smem:$0x3FA0] =	sst s2  }
0xb: {  	[smem:$0x3FA1] =	sst s3  }
0xc: {  	[smem:$0x3FA2] =	sst s4  }
0xd: {  	[smem:$0x3FA3] =	sst s5  }
0xe: {  	[smem:$0x3FA4] =	sst s6  }
0xf: {  	[smem:$0x3FA5] =	sst s7  }
0x10: {  	[smem:$0x3FA6] =	sst s8  }
0x11: {  	[smem:$0x3FA7] =	sst s9;
	s0 =	simm.s32 @!p0 $0x0  }
0x12: {  	s1 =	sld [smem:$0x3F8D];
	s0 =	simm.s32 @p0 $0x1  }
0x13: {  	[smem:$0x3FA8] =	sst s0;
	s0 =	simm.s32 @!p1 $0x0  }
0x14: {  	s2 =	sld [smem:$0x3F8C];
	s0 =	simm.s32 @p1 $0x1  }
0x15: {  	[smem:$0x3FA9] =	sst s0;
	s0 =	simm.s32 @!p2 $0x0  }
0x16: {  	s3 =	sld [smem:$0x3FDB];
	s0 =	simm.s32 @p2 $0x1  }
0x17: {  	s4 =	simm.s32 $0x1BF5;
	[smem:$0x3FAB] =	sst s0  }
0x18: {  	s0 =	sld [smem:$0x3F8E];
	_ =	swait.ge [sflag:s4], $0x0  }
0x19: {  	s7 =	sld [smem:$0x3F8F]  }
0x1a: {  	s8 =	sadd.s32 $0xFFFFE003, lr  }
0x1b: {  	s9 =	sadd.s32 $0xFFFFFEF7, lr;
	s5 =	simm.s32 $0xFFFFFFFF;
	p2 =	slt.u32 s8, $0xFFFFF086  }
0x1c: {  	p1 =	slt.u32 s9, $0xF7A;
	s5 =	simm.s32 @!p2 $0x0  }
0x1d: {  	s5 =	simm.s32 @p1 $0x1;
	p0 =	seq.s32 s7, s2  }
0x1e: {  	s7 =	smul.u32 @!p0 $0xF7A, s2;
	p2 =	seq.s32 @!p0 s5, $0x0  }
0x1f: {  	s9 =	smul.u32 $0xF7A, s1;
	s8 =	simm.s32 @!p0 $0x1BF5;
	p2 =	por !p2, p0  }
0x20: {  	[sflag:s8] =	ssyncset.s32 @!p0 $0xFFFFF086;
	s6 =	sadd.s32 @!p0 s3, s7;
	s7 =	simm.s32 @!p0 $0x108  }
0x21: {  	s3 =	sadd.s32 s3, s9;
	s6 =	sadd.s32 @!p0 $0x88, s6;
	s7 =	simm.s32 @p2 $0x1082  }
0x22: {  	[simem:s7], [sflag:s8] =	dma.local @!p0 [hbm:s6], $0xF7A  }
0x23: {  	s9 =	sor.u32 $0xD0000000, s2;
	s6 =	simm.s32 $0x108;
	_ =	swait.ge @!p0 [sflag:s8], $0x0  }
0x24: {  	s3 =	sadd.s32 $0x88, s3;
	s6 =	simm.s32 @!p1 $0x1082;
	[sflag:s4] =	ssyncset.s32 $0xFFFFF086  }
0x25: {  	[simem:s6], [sflag:s4] =	dma.local [hbm:s3], $0xF7A  }
0x26: {  	[smem:$0x3F8F] =	sst s1;
	(tag) =	ssettag s2;
	_ =	strace s9  }
0x27: {  	s1 =	sld [smem:$0x3F9F]  }
0x28: {  	s2 =	sld [smem:$0x3FA0]  }
0x29: {  	s4 =	sld [smem:$0x3FA2]  }
0x2a: {  	p0 =	seq.s32 s5, $0x0;
	s5 =	sld [smem:$0x3FA3]  }
0x2b: {  	s6 =	sld [smem:$0x3FA4]  }
0x2c: {  	s7 =	sld [smem:$0x3FA5]  }
0x2d: {  	s3 =	simm.s32 $0x108;
	s8 =	sld [smem:$0x3FA6]  }
0x2e: {  	s3 =	simm.s32 @!p0 $0x1082;
	s9 =	sld [smem:$0x3FA7]  }
0x2f: {  	lr =	sadd.s32 s0, s3;
	s0 =	sld [smem:$0x3F9E]  }
0x30: {  	s3 =	sld [smem:$0x3FA1]  }
0x31: {  	[smem:$0x3FAA] =	sst s10  }
0x32: {  	s10 =	sld [smem:$0x3FA8];
	_ =	sdelay $0x3  }
0x33: {  	p0 =	seq.s32 s10, $0x1;
	s10 =	sld [smem:$0x3FAA];
	_ =	sdelay $0x3  }
0x34: {  	[smem:$0x3FAA] =	sst s10  }
0x35: {  	s10 =	sld [smem:$0x3FA9];
	_ =	sdelay $0x3  }
0x36: {  	p1 =	seq.s32 s10, $0x1;
	s10 =	sld [smem:$0x3FAA];
	_ =	sdelay $0x3  }
0x37: {  	[smem:$0x3FAA] =	sst s10  }
0x38: {  	s10 =	sld [smem:$0x3FAB]  }
0x39: {  	_ = 	snop;
	(pc) =	sbr.ind lr, $3  }
0x3a: {  	_ = 	snop  }
0x3b: {  	_ = 	snop  }
0x3c: {  	p2 =	seq.s32 s10, $0x1;
	s10 =	sld [smem:$0x3FAA]  }
0x3d: {  	_ =	shalt  }
0x3e: {  	_ =	shalt  }
0x3f: {  	_ =	shalt  }
0x40: {  	_ =	shalt  }
0x41: {  	_ =	shalt  }
0x42: {  	_ =	shalt  }
0x43: {  	_ =	shalt  }
0x44: {  	_ =	shalt  }
0x45: {  	_ =	shalt  }
0x46: {  	_ =	shalt  }
0x47: {  	_ =	shalt  }
0x48: {  	_ =	shalt  }
0x49: {  	_ =	shalt  }
0x4a: {  	_ =	shalt  }
0x4b: {  	_ =	shalt  }
0x4c: {  	_ =	shalt  }
0x4d: {  	_ =	shalt  }
0x4e: {  	_ =	shalt  }
0x4f: {  	_ =	shalt  }
0x50: {  	_ =	shalt  }
0x51: {  	_ =	shalt  }
0x52: {  	_ =	shalt  }
0x53: {  	_ =	shalt  }
0x54: {  	_ =	shalt  }
0x55: {  	_ =	shalt  }
0x56: {  	_ =	shalt  }
0x57: {  	_ =	shalt  }
0x58: {  	_ =	shalt  }
0x59: {  	_ =	shalt  }
0x5a: {  	_ =	shalt  }
0x5b: {  	_ =	shalt  }
0x5c: {  	_ =	shalt  }
0x5d: {  	_ =	shalt  }
0x5e: {  	_ =	shalt  }
0x5f: {  	_ =	shalt  }
0x60: {  	_ =	shalt  }
0x61: {  	_ =	shalt  }
0x62: {  	_ =	shalt  }
0x63: {  	_ =	shalt  }
0x64: {  	_ =	shalt  }
0x65: {  	_ =	shalt  }
0x66: {  	_ =	shalt  }
0x67: {  	_ =	shalt  }
0x68: {  	_ =	shalt  }
0x69: {  	_ =	shalt  }
0x6a: {  	_ =	shalt  }
0x6b: {  	_ =	shalt  }
0x6c: {  	_ =	shalt  }
0x6d: {  	_ =	shalt  }
0x6e: {  	_ =	shalt  }
0x6f: {  	_ =	shalt  }
0x70: {  	_ =	shalt  }
0x71: {  	_ =	shalt  }
0x72: {  	_ =	shalt  }
0x73: {  	_ =	shalt  }
0x74: {  	_ =	shalt  }
0x75: {  	_ =	shalt  }
0x76: {  	_ =	shalt  }
0x77: {  	_ =	shalt  }
0x78: {  	_ =	shalt  }
0x79: {  	_ =	shalt  }
0x7a: {  	_ =	shalt  }
0x7b: {  	_ =	shalt  }
0x7c: {  	_ =	shalt  }
0x7d: {  	_ =	shalt  }
0x7e: {  	_ =	shalt  }
0x7f: {  	_ =	shalt  }
0x80: {  	_ =	shalt  }
0x81: {  	_ =	shalt  }
0x82: {  	_ =	shalt  }
0x83: {  	_ =	shalt  }
0x84: {  	_ =	shalt  }
0x85: {  	_ =	shalt  }
0x86: {  	_ =	shalt  }
0x87: {  	_ =	shalt  }
.Lfunc_end0:
.L_simem_size_0:
called_computation.3_lowered:
.L_overlay_start_0:
0x88: {  	s2 =	sld [smem:$0x3FD9]  }
0x89: {  	s3 =	sld [smem:$0x3FFE];
	_ =	sdelay $0x1  }
0x8a: {  	s1 =	srdreg.scid  }
0x8b: {  	s0 =	sand.u32 $0x1, s1  }
0x8c: {  	s16 =	sshll.u32 s0, $0xA;
	s2 =	sadd.s32 s3, s2  }
0x8d: {  	s2 =	sadd.s32 s2, s16  }
0x8e: {  	[smem:$0x3FB6] =	sst s2  }
0x8f: {  	_ = 	snop  }
0x90: {  	(tm) =	ssettm $0x1  }
0x91: {  	s17 =	sld [smem:$0x3FFB];
	_ =	sdelay $0x3  }
0x92: {  	_ =	strace s17  }
0x93: {  	s2 =	sld [smem:$0x3FFC];
	_ =	sdelay $0x3  }
0x94: {  	_ =	strace s2  }
0x95: {  	s2 =	sld [smem:$0x3FFD];
	_ =	sdelay $0x3  }
0x96: {  	_ =	strace s2  }
0x97: {  	_ =	strace $0x8FFFFFFF  }
0x98: {  	s18 =	sld [smem:$0x3FDB];
	_ =	sdelay $0x1  }
0x99: {  	s19 =	simm.s32 $_scs_section_size  }
0x9a: {  	s4 =	simm.s32 $_size__tile_overlayer_lowered;
	s5 =	simm.s32 $_tile_overlayer_lowered  }
0x9b: {  	s22 =	simm.s32 $0x1BFF;
	s21 =	sshll.u32 s5, $0x1;
	s2 =	sadd.s32 s19, s18  }
0x9c: {  	s6 =	simm.s32 $0x0;
	s20 =	sshll.u32 s4, $0x1;
	s4 =	sadd.s32 s21, s2  }
0x9d: {  	[timem:s6], [sflag:s22] =	dma.local [hbm:s4], s20  }
0x9e: {  	_ =	swait.ge [sflag:s22], s20  }
0x9f: {  	s3 =	ssub.s32 $0x0, s20;
	[sflag:s22] =	ssyncset.done $0x0  }
0xa0: {  	[sflag:s22] =	ssyncadd.s32 s3;
	_ =	sdelay $0x1  }
0xa1: {  	s23 =	simm.s32 $0x1B8B  }
0xa2: {  	_ =	swait.ge [sflag:s23], $0x1  }
0xa3: {  	[sflag:s23] =	ssyncset.done $0x0  }
0xa4: {  	s25 =	simm.s32 $0x1B8E;
	s24 =	sld [smem:$0x3FFE];
	[sflag:s23] =	ssyncadd.s32 $0xFFFFFFFF  }
0xa5: {  	s26 =	simm.s32 $execute0_lowered;
	[smem:$0x3FD2] =	sst s25  }
0xa6: {  	s4 =	sshll.u32 s26, $0x1;
	_ =	strace $0x80000052;
	[dreg:$0x1] =	wrdreg $0xFFFFFFFF  }
0xa7: {  	s28 =	simm.s32 $_size_execute0_lowered;
	s2 =	sadd.s32 s2, s4;
	[dreg:$0x0] =	wrdreg $0x0  }
0xa8: {  	s4 =	sshll.u32 s28, $0x1;
	[dreg:$0x2] =	wrdreg s2  }
0xa9: {  	[dreg:$0x3] =	wrdreg s4  }
0xaa: {  	[dreg:$0x4] =	wrdreg $0xC0  }
0xab: {  	_ =	task [dreg:s6], $0x5FFFF  }
0xac: {  	[dreg:$0x1] =	wrdreg $0xFFFFFFFF  }
0xad: {  	[dreg:$0x0] =	wrdreg $0x60  }
0xae: {  	[dreg:$0x2] =	wrdreg s24  }
0xaf: {  	[dreg:$0x3] =	wrdreg $0xB8000  }
0xb0: {  	[dreg:$0x4] =	wrdreg $0x9  }
0xb1: {  	_ =	task.clear_ibuf [dreg:s6], $0x5FFFF;
	_ =	strace $0x90000052  }
0xb2: {  	s29 =	simm.s32 $0x9;
	_ =	strace $0x80000054  }
0xb3: {  	_ =	swait.ge [sflag:s29], $0x1  }
0xb4: {  	[sflag:s29] =	ssyncadd.s32 $0xFFFFFFFF  }
0xb5: {  	_ =	strace $0x90000054  }
0xb6: {  	_ =	sfence  }
0xb7: {  	s30 =	sld [smem:$0x0];
	_ =	sdelay $0x2  }
0xb8: {  	s31 =	sshll.u32 s1, $0xD;
	s1 =	sshrl.u32 s1, $0x2  }
0xb9: {  	s3 =	sand.u32 $0x4000, s31;
	s1 =	sadd.s32 s1, s30  }
0xba: {  	s0 =	sor.u32 s3, s0;
	s1 =	sshll.u32 s1, $0x11  }
0xbb: {  	s0 =	sor.u32 s1, s0  }
0xbc: {  	s0 =	sadd.s32 $0x8F2B, s0  }
0xbd: {  	[sflag:s0] =	ssyncadd.remote.s32 $0x1  }
0xbe: {  	_ =	sfence.sel $0xFFFF  }
0xbf: {  	[dreg:$0x0] =	wrdreg $0xFFFFFFFF;
	(pc) =	sbr.abs _section_cstart, $3  }
0xc0: {  	[dreg:$0x1] =	wrdreg $0xFFFFFFFF  }
0xc1: {  	_ =	task.clear_ibuf [dreg:s6], $0x2FFFF;
	_ =	strace $0x9FFFFFFF  }
0xc2: {  	(tm) =	ssettm $0x7FFFFFFF  }
0xc3: {  	_ =	shalt  }
tec
execute0_lowered:
.L_overlay_start_1:
0x0: {  	(tag) =	ssettag $0x1  }
0x1: {  	s1 =	srdreg.scid;
	s17 =	rddreg [dreg:$0x0]  }
0x2: {  	s0 =	stileid.u32;
	s2 =	rddreg [dreg:$0x1];
	s3 =	simm.s32 $0x0  }
0x3: {  	s22 =	simm.s32 $0x80;
	s23 =	simm.s32 $0x1;
	s24 =	simm.s32 $0x9000  }
0x4: {  	s25 =	simm.s32 $0x0;
	s7 =	sand.u32 $0x1, s1;
	s6 =	smul.u32 $0x50000, s0  }
0x5: {  	s29 =	sshll.u32 s0, $0x1;
	s1 =	rddreg [dreg:$0x2];
	s11 =	smul.u32 $0x14000, s0  }
0x6: {  	[smem:$0x7FF] =	sst s3;
	s4 =	sor.u32 s7, s29;
	s19 =	smul.u32 $0x140000, s7  }
0x7: {  	_ =	strace $0x80000053;
	s30 =	ssub.s32 $0x2, s7;
	s5 =	smul.u32 $0x500, s4  }
0x8: {  	s4 =	sadd.s32 $0x8C200, s17;
	s8 =	sshrl.u32 s30, $0x1;
	s6 =	sshrl.u32 s6, $0x2  }
0x9: {  	s13 =	sadd.s32 $0x4000, s11;
	s15 =	sadd.s32 $0x8000, s11;
	s16 =	sadd.s32 $0xC000, s11  }
0xa: {  	s20 =	sadd.s32 $0x10000, s11;
	s18 =	ssub.s32 s30, s8;
	s7 =	sadd.s32 s15, s2  }
0xb: {  	s8 =	sadd.s32 s16, s2;
	s9 =	sadd.s32 s20, s2;
	s14 =	sadd.s32 s11, s19  }
0xc: {  	s21 =	sadd.s32 s19, s13;
	s15 =	sadd.s32 s19, s15;
	s16 =	sadd.s32 s19, s16  }
0xd: {  	s19 =	sadd.s32 s19, s20;
	s20 =	simm.s32 $0x2;
	s12 =	sadd.s32 s5, s17  }
0xe: {  	s5 =	sadd.s32 s6, s2;
	s6 =	sadd.s32 s13, s2;
	s14 =	sshrl.u32 s14, $0x3  }
0xf: {  	s31 =	sshrl.u32 s21, $0x3;
	s15 =	sshrl.u32 s15, $0x3;
	s16 =	sshrl.u32 s16, $0x3  }
0x10: {  	s19 =	sshrl.u32 s19, $0x3;
	s18 =	smax.u32 s18, $0x1;
	s10 =	sadd.s32 $0x159C00, s12  }
0x11: {  	s21 =	simm.s32 $0x2800;
	s11 =	sadd.s32 $0x14FC00, s12;
	s12 =	sadd.s32 $0x50000, s12  }
0x12: {  	s13 =	sadd.s32 s17, s14;
	s14 =	sadd.s32 s17, s31;
	s15 =	sadd.s32 s17, s15  }
0x13: {  	v0 =	vimm.f32 $0.0e+00;
	v1 =	vimm.f32 $1.000000000e+00;
	s16 =	sadd.s32 s17, s16;
	s17 =	sadd.s32 s17, s19;
	s19 =	simm.s32 $0x5000  }
.LBB2_1:
0x14: {  	s26 =	simm.s32 $0x0;
	s28 =	simm.s32 $0x0  }
.LBB2_2:
0x15: {  	p0 =	sne.s32 s28, $0xFFC0  }
.Ltmp0:
0x16: {  	_ = 	snop;
	(pc) =	sbr.rel @p0 .LBB2_2-.Ltmp0, $4  }
0x17: {  	s29 =	sand.u32 $0xFE00, s28  }
0x18: {  	s30 =	sand.u32 $0x70, s26;
	s29 =	sshrl.u32 s29, $0x2  }
0x19: {  	s29 =	sor.u32 s30, s29  }
0x1a: {  	s26 =	sadd.s32 $0x10, s26;
	s28 =	sadd.s32 $0x40, s28;
	[tilespmem:s29+$0x5000] =	vst v0  }
0x1b: {  	s26 =	simm.s32 $0x0  }
0x1c: {  	s28 =	sand.u32 $0xFE00, s26  }
0x1d: {  	s29 =	sand.u32 $0x70, s26;
	s30 =	sshrl.u32 s28, $0x2  }
0x1e: {  	s28 =	simm.s32 $0x40;
	s29 =	sor.u32 s29, s30  }
.LBB2_4:
0x1f: {  	p0 =	sne.s32 s28, $0x9FC0  }
0x20: {  	[tilespmem:s29+$0x9000] =	vst v0;
	s26 =	sadd.s32 $0x10, s26;
	s29 =	smov.u32 s28;
	s28 =	sadd.s32 $0x40, s28  }
.Ltmp1:
0x21: {  	(pc) =	sbr.rel @p0 .LBB2_4-.Ltmp1, $4  }
0x22: {  	_ = 	snop  }
0x23: {  	s29 =	sand.u32 $0xFE00, s29  }
0x24: {  	s30 =	sand.u32 $0x70, s26;
	s29 =	sshrl.u32 s29, $0x2  }
0x25: {  	s29 =	sor.u32 s30, s29  }
0x26: {  	[tilespmem:s29+$0x9000] =	vst v0  }
0x27: {  	[spmem:s5] =	stream.linear.scatter [tilespmem:s19], [sflag:$0x2], $0x4000, $0x38;
	[tilespmem:$0x1F800] =	vst v63  }
0x28: {  	_ =	swait.ge [sflag:s20], $0x4000  }
0x29: {  	[sflag:s20] =	ssyncset.done $0x0  }
0x2a: {  	[sflag:s20] =	ssyncadd.s32 $0xFFFFC000  }
0x2b: {  	[spmem:s6] =	stream.linear.scatter [tilespmem:s19], [sflag:$0x2], $0x4000, $0x38;
	[tilespmem:$0x1F800] =	vst v63  }
0x2c: {  	_ =	swait.ge [sflag:s20], $0x4000  }
0x2d: {  	[sflag:s20] =	ssyncset.done $0x0  }
0x2e: {  	[sflag:s20] =	ssyncadd.s32 $0xFFFFC000  }
0x2f: {  	[spmem:s7] =	stream.linear.scatter [tilespmem:s19], [sflag:$0x2], $0x4000, $0x38;
	[tilespmem:$0x1F800] =	vst v63  }
0x30: {  	_ =	swait.ge [sflag:s20], $0x4000  }
0x31: {  	[sflag:s20] =	ssyncset.done $0x0  }
0x32: {  	[sflag:s20] =	ssyncadd.s32 $0xFFFFC000  }
0x33: {  	[spmem:s8] =	stream.linear.scatter [tilespmem:s19], [sflag:$0x2], $0x4000, $0x38;
	[tilespmem:$0x1F800] =	vst v63  }
0x34: {  	_ =	swait.ge [sflag:s20], $0x4000  }
0x35: {  	[sflag:s20] =	ssyncset.done $0x0  }
0x36: {  	[sflag:s20] =	ssyncadd.s32 $0xFFFFC000  }
0x37: {  	[spmem:s9] =	stream.linear.scatter [tilespmem:s19], [sflag:$0x2], $0x4000, $0x38;
	[tilespmem:$0x1F800] =	vst v63  }
0x38: {  	_ =	swait.ge [sflag:s20], $0x4000  }
0x39: {  	[sflag:s20] =	ssyncset.done $0x0  }
0x3a: {  	[sflag:s20] =	ssyncadd.s32 $0xFFFFC000  }
0x3b: {  	s26 =	simm.s32 $0x0;
	[bflag:$0x0] =	sbarrier.arrive $0xFFFF  }
0x3c: {  	[tilespmem:s26], [sflag:$0x2] =	stream.linear.gather [hbm4b:s10+s26], $0x2800, $0x38;
	[tilespmem:$0x1F800] =	vst v63  }
0x3d: {  	_ =	swait.ge [sflag:s20], $0x2800  }
0x3e: {  	[sflag:s20] =	ssyncset.done $0x0  }
0x3f: {  	[sflag:s20] =	ssyncadd.s32 $0xFFFFD800  }
0x40: {  	[tilespmem:s21], [sflag:$0x2] =	stream.linear.gather [hbm4b:s11+s26], $0x2800, $0x38;
	[tilespmem:$0x1F800] =	vst v63  }
0x41: {  	_ =	swait.ge [sflag:s20], $0x2800  }
0x42: {  	[sflag:s20] =	ssyncset.done $0x0  }
0x43: {  	s28 =	simm.s32 $0x0;
	[sflag:s20] =	ssyncadd.s32 $0xFFFFD800  }
0x44: {  	[tilespmem:s19], [sflag:$0x1] =	stream.indirect.gather [hbm4b:s4+s22], $0x80, s28, s22, $0xb8;
	[tilespmem:$0x1F800] =	vst v63  }
0x45: {  	_ =	swait.ge [sflag:s23], $0x4000  }
0x46: {  	[sflag:s23] =	ssyncset.done $0x0  }
0x47: {  	s28 =	simm.s32 $0x2800;
	[sflag:s23] =	ssyncadd.s32 $0xFFFFC000  }
0x48: {  	[spmem:s2] =	stream.indirect.scatter.add.f32 [tilespmem:s19], [sflag:$0x2], $0x80, s28, s22, $0xb8;
	[tilespmem:$0x1F800] =	vst v63  }
0x49: {  	_ =	swait.ge [sflag:s20], $0x4000  }
0x4a: {  	s29 =	simm.s32 $0x400;
	s28 =	simm.s32 $0x200;
	[sflag:s20] =	ssyncset.done $0x0  }
.LBB2_6:
0x4b: {  	s30 =	sshra.s32 s28, $0x2  }
0x4c: {  	[sflag:s20] =	ssyncadd.s32 $0xFFFFC000;
	s28 =	smov.u32 s29;
	s31 =	sadd.s32 $0x200, s29  }
0x4d: {  	[tilespmem:s19], [sflag:$0x1] =	stream.indirect.gather [hbm4b:s4+s22], $0x80, s30, s22, $0xb8;
	[tilespmem:$0x1F800] =	vst v63  }
0x4e: {  	p0 =	sne.s32 s29, $0x9E00;
	_ =	swait.ge [sflag:s23], $0x4000  }
.Ltmp2:
0x4f: {  	[sflag:s23] =	ssyncset.done $0x0;
	(pc) =	sbr.rel @p0 .LBB2_6-.Ltmp2, $4  }
0x50: {  	s29 =	sadd.s32 $0x2800, s30;
	[sflag:s23] =	ssyncadd.s32 $0xFFFFC000  }
0x51: {  	[spmem:s2] =	stream.indirect.scatter.add.f32 [tilespmem:s19], [sflag:$0x2], $0x80, s29, s22, $0xb8;
	[tilespmem:$0x1F800] =	vst v63  }
0x52: {  	_ =	swait.ge [sflag:s20], $0x4000  }
0x53: {  	s29 =	smov.u32 s31;
	[sflag:s20] =	ssyncset.done $0x0  }
0x54: {  	s28 =	sshra.s32 s28, $0x2;
	[sflag:s20] =	ssyncadd.s32 $0xFFFFC000  }
0x55: {  	[tilespmem:s19], [sflag:$0x1] =	stream.indirect.gather [hbm4b:s4+s22], $0x80, s28, s22, $0xb8;
	[tilespmem:$0x1F800] =	vst v63  }
0x56: {  	_ =	swait.ge [sflag:s23], $0x4000  }
0x57: {  	[sflag:s23] =	ssyncset.done $0x0  }
0x58: {  	s28 =	sadd.s32 $0x2800, s28;
	[sflag:s23] =	ssyncadd.s32 $0xFFFFC000  }
0x59: {  	[spmem:s2] =	stream.indirect.scatter.add.f32 [tilespmem:s19], [sflag:$0x2], $0x80, s28, s22, $0xb8;
	[tilespmem:$0x1F800] =	vst v63  }
0x5a: {  	s28 =	sand.u32 $0xFE00, s26;
	_ =	swait.ge [sflag:s20], $0x4000  }
0x5b: {  	s31 =	sand.u32 $0x70, s26;
	s28 =	sshrl.u32 s28, $0x2;
	[sflag:s20] =	ssyncset.done $0x0  }
0x5c: {  	s26 =	sor.u32 s31, s28;
	[sflag:s20] =	ssyncadd.s32 $0xFFFFC000  }
0x5d: {  	v2 =	vld [tilespmem:s26+$0x2800];
	_ =	sdelay $0x4  }
0x5e: {  	s29 =	simm.s32 $0x40  }
0x5f: {  	s29 =	sand.u32 $0xFE00, s29;
	s28 =	simm.s32 $0x80;
	s26 =	simm.s32 $0x10  }
.LBB2_8:
0x60: {  	p0 =	sne.s32 s28, $0x9FC0;
	s30 =	sand.u32 $0x70, s26;
	s29 =	sshrl.u32 s29, $0x2  }
0x61: {  	s29 =	sor.u32 s30, s29;
	[tilespmem:v2+s24+$0x0] =	vst.idx.add.f32.msk $0xffff, v1  }
0x62: {  	v2 =	vld [tilespmem:s29+$0x2800];
	_ =	sdelay $0x1  }
.Ltmp3:
0x63: {  	(pc) =	sbr.rel @p0 .LBB2_8-.Ltmp3, $2  }
0x64: {  	_ =	sdelay $0x2  }
0x65: {  	s26 =	sadd.s32 $0x10, s26;
	s29 =	sand.u32 $0xFE00, s28;
	s28 =	sadd.s32 $0x40, s28  }
0x66: {  	_ =	sdelay $0x2  }
0x67: {  	s26 =	sand.u32 $0x70, s26;
	s28 =	sshrl.u32 s29, $0x2  }
0x68: {  	[tilespmem:v2+s24+$0x0] =	vst.idx.add.f32.msk $0xffff, v1;
	s26 =	sor.u32 s26, s28  }
0x69: {  	v2 =	vld [tilespmem:s26+$0x2800];
	_ =	sdelay $0x7  }
0x6a: {  	[tilespmem:v2+s24+$0x0] =	vst.idx.add.f32.msk $0xffff, v1  }
0x6b: {  	[hbm4b:s12+s3] =	stream.linear.scatter [tilespmem:s24], [sflag:$0x2], $0x2800, $0x38;
	[tilespmem:$0x1F800] =	vst v63  }
0x6c: {  	_ =	swait.ge [sflag:s20], $0x2800  }
0x6d: {  	[sflag:s20] =	ssyncset.done $0x0  }
0x6e: {  	s29 =	sshll.u32 s0, $0x6;
	[sflag:s20] =	ssyncadd.s32 $0xFFFFD800  }
0x6f: {  	s30 =	sshrl.u32 s5, $0x3;
	s26 =	sor.u32 $0x1C02, s29;
	[bflag:$0x0] =	sbarrier.arrive $0xFFFF  }
0x70: {  	[hbm:s13], [sflag:s26] =	dma.local [spmem:s30], $0x800  }
0x71: {  	_ =	swait.ge [sflag:s20], $0x800  }
0x72: {  	[sflag:s20] =	ssyncset.done $0x0  }
0x73: {  	s31 =	sshrl.u32 s6, $0x3;
	[sflag:s20] =	ssyncadd.s32 $0xFFFFF800  }
0x74: {  	[hbm:s14], [sflag:s26] =	dma.local [spmem:s31], $0x800  }
0x75: {  	_ =	swait.ge [sflag:s20], $0x800  }
0x76: {  	[sflag:s20] =	ssyncset.done $0x0  }
0x77: {  	s29 =	sshrl.u32 s7, $0x3;
	[sflag:s20] =	ssyncadd.s32 $0xFFFFF800  }
0x78: {  	[hbm:s15], [sflag:s26] =	dma.local [spmem:s29], $0x800  }
0x79: {  	_ =	swait.ge [sflag:s20], $0x800  }
0x7a: {  	[sflag:s20] =	ssyncset.done $0x0  }
0x7b: {  	s30 =	sshrl.u32 s8, $0x3;
	[sflag:s20] =	ssyncadd.s32 $0xFFFFF800  }
0x7c: {  	[hbm:s16], [sflag:s26] =	dma.local [spmem:s30], $0x800  }
0x7d: {  	s25 =	sadd.s32 $0x1, s25;
	_ =	swait.ge [sflag:s20], $0x800  }
0x7e: {  	p0 =	sne.s32 s25, s18;
	[sflag:s20] =	ssyncset.done $0x0  }
.Ltmp4:
0x7f: {  	s31 =	sshrl.u32 s9, $0x3;
	[sflag:s20] =	ssyncadd.s32 $0xFFFFF800;
	(pc) =	sbr.rel @p0 .LBB2_1-.Ltmp4, $4  }
0x80: {  	[hbm:s17], [sflag:s26] =	dma.local [spmem:s31], $0x800  }
0x81: {  	_ =	swait.ge [sflag:s20], $0x800  }
0x82: {  	[sflag:s20] =	ssyncset.done $0x0  }
0x83: {  	[sflag:s20] =	ssyncadd.s32 $0xFFFFF800  }
0x84: {  	_ =	sfence.sel $0x180000  }
0x85: {  	[bflag:$0x0] =	sbarrier.arrive $0xFFFF  }
0x86: {  	p0 =	sne.s32 s0, $0x0;
	_ =	strace $0x90000053  }
0x87: {  	s0 =	sadd.s32 @!p0 $0x100000, s1;
	[bflag:$0x2] =	sbarrier.arrive $0xFFFF  }
0x88: {  	[sflag:s0] =	ssyncadd.tile.s32 @!p0 $0x1;
	_ =	shalt  }
.Lfunc_end2:
_tile_overlayer_lowered:
.L_overlay_start_2:
0x89: {  	(tag) =	ssettag $0x2  }
0x8a: {  	s0 =	rddreg [dreg:$0x0];
	s2 =	stileid.u32  }
0x8b: {  	s1 =	rddreg [dreg:$0x1];
	p0 =	sne.s32 s2, $0x0  }
0x8c: {  	s3 =	rddreg [dreg:$0x2];
	[bflag:$0x3] =	sbarrier.arrive $0xFFFF;
	s2 =	simm.s32 @!p0 $0x1C02  }
0x8d: {  	[timem:s3], [sflag:s2] =	dma.local @!p0 [hbm:s0], s1  }
0x8e: {  	s0 =	simm.s32 @!p0 $0x2  }
0x8f: {  	_ =	swait.ge @!p0 [sflag:s0], s1  }
0x90: {  	s1 =	ssub.s32 @!p0 $0x0, s1;
	[sflag:s0] =	ssyncset.done @!p0 $0x0  }
0x91: {  	[sflag:s0] =	ssyncadd.s32 @!p0 s1  }
0x92: {  	[bflag:$0x3] =	sbarrier.arrive $0xFFFF  }
0x93: {  	_ =	shalt  }

// kernel: kernel.15.cloned.1.call-start
scs
__scs_entry_jumppad:
0x0: {  	(pc) =	sbr.rel $0x88, $3  }
0x1: {  	(tag) =	ssettag $0x0;
	lr =	simm.s32 $0x1  }
0x2: {  	[smem:$0x3F8F] =	sst lr;
	_ =	strace $0xD0000000  }
0x3: {  	_ = 	snop  }
0x4: {  	_ = 	snop  }
0x5: {  	_ = 	snop  }
0x6: {  	_ = 	snop  }
0x7: {  	_ = 	snop  }
__scs_overlays_trampoline_lowered:
0x8: {  	[smem:$0x3F9E] =	sst s0  }
0x9: {  	[smem:$0x3F9F] =	sst s1  }
0xa: {  	[smem:$0x3FA0] =	sst s2  }
0xb: {  	[smem:$0x3FA1] =	sst s3  }
0xc: {  	[smem:$0x3FA2] =	sst s4  }
0xd: {  	[smem:$0x3FA3] =	sst s5  }
0xe: {  	[smem:$0x3FA4] =	sst s6  }
0xf: {  	[smem:$0x3FA5] =	sst s7  }
0x10: {  	[smem:$0x3FA6] =	sst s8  }
0x11: {  	[smem:$0x3FA7] =	sst s9;
	s0 =	simm.s32 @!p0 $0x0  }
0x12: {  	s1 =	sld [smem:$0x3F8D];
	s0 =	simm.s32 @p0 $0x1  }
0x13: {  	[smem:$0x3FA8] =	sst s0;
	s0 =	simm.s32 @!p1 $0x0  }
0x14: {  	s2 =	sld [smem:$0x3F8C];
	s0 =	simm.s32 @p1 $0x1  }
0x15: {  	[smem:$0x3FA9] =	sst s0;
	s0 =	simm.s32 @!p2 $0x0  }
0x16: {  	s3 =	sld [smem:$0x3FDB];
	s0 =	simm.s32 @p2 $0x1  }
0x17: {  	s4 =	simm.s32 $0x1BF5;
	[smem:$0x3FAB] =	sst s0  }
0x18: {  	s0 =	sld [smem:$0x3F8E];
	_ =	swait.ge [sflag:s4], $0x0  }
0x19: {  	s7 =	sld [smem:$0x3F8F]  }
0x1a: {  	s8 =	sadd.s32 $0xFFFFE003, lr  }
0x1b: {  	s9 =	sadd.s32 $0xFFFFFEF7, lr;
	s5 =	simm.s32 $0xFFFFFFFF;
	p2 =	slt.u32 s8, $0xFFFFF086  }
0x1c: {  	p1 =	slt.u32 s9, $0xF7A;
	s5 =	simm.s32 @!p2 $0x0  }
0x1d: {  	s5 =	simm.s32 @p1 $0x1;
	p0 =	seq.s32 s7, s2  }
0x1e: {  	s7 =	smul.u32 @!p0 $0xF7A, s2;
	p2 =	seq.s32 @!p0 s5, $0x0  }
0x1f: {  	s9 =	smul.u32 $0xF7A, s1;
	s8 =	simm.s32 @!p0 $0x1BF5;
	p2 =	por !p2, p0  }
0x20: {  	[sflag:s8] =	ssyncset.s32 @!p0 $0xFFFFF086;
	s6 =	sadd.s32 @!p0 s3, s7;
	s7 =	simm.s32 @!p0 $0x108  }
0x21: {  	s3 =	sadd.s32 s3, s9;
	s6 =	sadd.s32 @!p0 $0x88, s6;
	s7 =	simm.s32 @p2 $0x1082  }
0x22: {  	[simem:s7], [sflag:s8] =	dma.local @!p0 [hbm:s6], $0xF7A  }
0x23: {  	s9 =	sor.u32 $0xD0000000, s2;
	s6 =	simm.s32 $0x108;
	_ =	swait.ge @!p0 [sflag:s8], $0x0  }
0x24: {  	s3 =	sadd.s32 $0x88, s3;
	s6 =	simm.s32 @!p1 $0x1082;
	[sflag:s4] =	ssyncset.s32 $0xFFFFF086  }
0x25: {  	[simem:s6], [sflag:s4] =	dma.local [hbm:s3], $0xF7A  }
0x26: {  	[smem:$0x3F8F] =	sst s1;
	(tag) =	ssettag s2;
	_ =	strace s9  }
0x27: {  	s1 =	sld [smem:$0x3F9F]  }
0x28: {  	s2 =	sld [smem:$0x3FA0]  }
0x29: {  	s4 =	sld [smem:$0x3FA2]  }
0x2a: {  	p0 =	seq.s32 s5, $0x0;
	s5 =	sld [smem:$0x3FA3]  }
0x2b: {  	s6 =	sld [smem:$0x3FA4]  }
0x2c: {  	s7 =	sld [smem:$0x3FA5]  }
0x2d: {  	s3 =	simm.s32 $0x108;
	s8 =	sld [smem:$0x3FA6]  }
0x2e: {  	s3 =	simm.s32 @!p0 $0x1082;
	s9 =	sld [smem:$0x3FA7]  }
0x2f: {  	lr =	sadd.s32 s0, s3;
	s0 =	sld [smem:$0x3F9E]  }
0x30: {  	s3 =	sld [smem:$0x3FA1]  }
0x31: {  	[smem:$0x3FAA] =	sst s10  }
0x32: {  	s10 =	sld [smem:$0x3FA8];
	_ =	sdelay $0x3  }
0x33: {  	p0 =	seq.s32 s10, $0x1;
	s10 =	sld [smem:$0x3FAA];
	_ =	sdelay $0x3  }
0x34: {  	[smem:$0x3FAA] =	sst s10  }
0x35: {  	s10 =	sld [smem:$0x3FA9];
	_ =	sdelay $0x3  }
0x36: {  	p1 =	seq.s32 s10, $0x1;
	s10 =	sld [smem:$0x3FAA];
	_ =	sdelay $0x3  }
0x37: {  	[smem:$0x3FAA] =	sst s10  }
0x38: {  	s10 =	sld [smem:$0x3FAB]  }
0x39: {  	_ = 	snop;
	(pc) =	sbr.ind lr, $3  }
0x3a: {  	_ = 	snop  }
0x3b: {  	_ = 	snop  }
0x3c: {  	p2 =	seq.s32 s10, $0x1;
	s10 =	sld [smem:$0x3FAA]  }
0x3d: {  	_ =	shalt  }
0x3e: {  	_ =	shalt  }
0x3f: {  	_ =	shalt  }
0x40: {  	_ =	shalt  }
0x41: {  	_ =	shalt  }
0x42: {  	_ =	shalt  }
0x43: {  	_ =	shalt  }
0x44: {  	_ =	shalt  }
0x45: {  	_ =	shalt  }
0x46: {  	_ =	shalt  }
0x47: {  	_ =	shalt  }
0x48: {  	_ =	shalt  }
0x49: {  	_ =	shalt  }
0x4a: {  	_ =	shalt  }
0x4b: {  	_ =	shalt  }
0x4c: {  	_ =	shalt  }
0x4d: {  	_ =	shalt  }
0x4e: {  	_ =	shalt  }
0x4f: {  	_ =	shalt  }
0x50: {  	_ =	shalt  }
0x51: {  	_ =	shalt  }
0x52: {  	_ =	shalt  }
0x53: {  	_ =	shalt  }
0x54: {  	_ =	shalt  }
0x55: {  	_ =	shalt  }
0x56: {  	_ =	shalt  }
0x57: {  	_ =	shalt  }
0x58: {  	_ =	shalt  }
0x59: {  	_ =	shalt  }
0x5a: {  	_ =	shalt  }
0x5b: {  	_ =	shalt  }
0x5c: {  	_ =	shalt  }
0x5d: {  	_ =	shalt  }
0x5e: {  	_ =	shalt  }
0x5f: {  	_ =	shalt  }
0x60: {  	_ =	shalt  }
0x61: {  	_ =	shalt  }
0x62: {  	_ =	shalt  }
0x63: {  	_ =	shalt  }
0x64: {  	_ =	shalt  }
0x65: {  	_ =	shalt  }
0x66: {  	_ =	shalt  }
0x67: {  	_ =	shalt  }
0x68: {  	_ =	shalt  }
0x69: {  	_ =	shalt  }
0x6a: {  	_ =	shalt  }
0x6b: {  	_ =	shalt  }
0x6c: {  	_ =	shalt  }
0x6d: {  	_ =	shalt  }
0x6e: {  	_ =	shalt  }
0x6f: {  	_ =	shalt  }
0x70: {  	_ =	shalt  }
0x71: {  	_ =	shalt  }
0x72: {  	_ =	shalt  }
0x73: {  	_ =	shalt  }
0x74: {  	_ =	shalt  }
0x75: {  	_ =	shalt  }
0x76: {  	_ =	shalt  }
0x77: {  	_ =	shalt  }
0x78: {  	_ =	shalt  }
0x79: {  	_ =	shalt  }
0x7a: {  	_ =	shalt  }
0x7b: {  	_ =	shalt  }
0x7c: {  	_ =	shalt  }
0x7d: {  	_ =	shalt  }
0x7e: {  	_ =	shalt  }
0x7f: {  	_ =	shalt  }
0x80: {  	_ =	shalt  }
0x81: {  	_ =	shalt  }
0x82: {  	_ =	shalt  }
0x83: {  	_ =	shalt  }
0x84: {  	_ =	shalt  }
0x85: {  	_ =	shalt  }
0x86: {  	_ =	shalt  }
0x87: {  	_ =	shalt  }
.Lfunc_end0:
.L_simem_size_0:
called_computation.4_lowered:
.L_overlay_start_0:
0x88: {  	s2 =	sld [smem:$0x3FD9]  }
0x89: {  	s3 =	sld [smem:$0x3FFE];
	_ =	sdelay $0x1  }
0x8a: {  	s1 =	srdreg.scid  }
0x8b: {  	s0 =	sand.u32 $0x1, s1  }
0x8c: {  	s17 =	sshll.u32 s0, $0xA;
	s2 =	sadd.s32 s3, s2  }
0x8d: {  	s2 =	sadd.s32 s2, s17  }
0x8e: {  	[smem:$0x3FB6] =	sst s2  }
0x8f: {  	_ = 	snop  }
0x90: {  	s2 =	sld [smem:$0x3FC2];
	(tm) =	ssettm $0x1  }
0x91: {  	s18 =	sld [smem:$0x3FFB];
	_ =	sdelay $0x3  }
0x92: {  	_ =	strace s18  }
0x93: {  	s3 =	sld [smem:$0x3FFC];
	_ =	sdelay $0x3  }
0x94: {  	_ =	strace s3  }
0x95: {  	s3 =	sld [smem:$0x3FFD];
	_ =	sdelay $0x3  }
0x96: {  	_ =	strace s3  }
0x97: {  	_ =	strace $0x8FFFFFFF  }
0x98: {  	s19 =	sld [smem:$0x3FDB];
	_ =	sdelay $0x1  }
0x99: {  	s4 =	simm.s32 $_scs_section_size  }
0x9a: {  	s5 =	simm.s32 $_size__tile_overlayer_lowered;
	s6 =	simm.s32 $_tile_overlayer_lowered  }
0x9b: {  	s22 =	simm.s32 $0x1BFF;
	s21 =	sshll.u32 s6, $0x1;
	s3 =	sadd.s32 s4, s19  }
0x9c: {  	s7 =	simm.s32 $0x0;
	s20 =	sshll.u32 s5, $0x1;
	s5 =	sadd.s32 s21, s3  }
0x9d: {  	[timem:s7], [sflag:s22] =	dma.local [hbm:s5], s20  }
0x9e: {  	_ =	swait.ge [sflag:s22], s20  }
0x9f: {  	s4 =	ssub.s32 $0x0, s20;
	[sflag:s22] =	ssyncset.done $0x0  }
0xa0: {  	[sflag:s22] =	ssyncadd.s32 s4;
	_ =	sdelay $0x1  }
0xa1: {  	s23 =	simm.s32 $0x1B8B  }
0xa2: {  	_ =	swait.ge [sflag:s23], $0x1  }
0xa3: {  	[sflag:s23] =	ssyncset.done $0x0  }
0xa4: {  	s25 =	simm.s32 $0x1B8E;
	s24 =	sld [smem:$0x3FFE];
	[sflag:s23] =	ssyncadd.s32 $0xFFFFFFFF  }
0xa5: {  	s26 =	simm.s32 $execute0_lowered;
	[smem:$0x3FD2] =	sst s25  }
0xa6: {  	s5 =	sshll.u32 s26, $0x1;
	_ =	strace $0x80000055;
	[dreg:$0x1] =	wrdreg $0xFFFFFFFF  }
0xa7: {  	s28 =	simm.s32 $_size_execute0_lowered;
	s3 =	sadd.s32 s3, s5;
	[dreg:$0x0] =	wrdreg $0x0  }
0xa8: {  	s5 =	sshll.u32 s28, $0x1;
	[dreg:$0x2] =	wrdreg s3  }
0xa9: {  	[dreg:$0x3] =	wrdreg s5  }
0xaa: {  	[dreg:$0x4] =	wrdreg $0xC0  }
0xab: {  	_ =	task [dreg:s7], $0x5FFFF  }
0xac: {  	[dreg:$0x1] =	wrdreg $0xFFFFFFFF  }
0xad: {  	[dreg:$0x0] =	wrdreg $0x60  }
0xae: {  	[dreg:$0x2] =	wrdreg s24  }
0xaf: {  	[dreg:$0x3] =	wrdreg s2  }
0xb0: {  	[dreg:$0x4] =	wrdreg $0x9  }
0xb1: {  	_ =	task.clear_ibuf [dreg:s7], $0x5FFFF;
	_ =	strace $0x90000055  }
0xb2: {  	s29 =	simm.s32 $0x9;
	_ =	strace $0x80000057  }
0xb3: {  	_ =	swait.ge [sflag:s29], $0x1  }
0xb4: {  	[sflag:s29] =	ssyncadd.s32 $0xFFFFFFFF  }
0xb5: {  	_ =	strace $0x90000057  }
0xb6: {  	_ =	sfence  }
0xb7: {  	s30 =	sld [smem:$0x0];
	_ =	sdelay $0x2  }
0xb8: {  	s31 =	sshll.u32 s1, $0xD;
	s1 =	sshrl.u32 s1, $0x2  }
0xb9: {  	s3 =	sand.u32 $0x4000, s31;
	s1 =	sadd.s32 s1, s30  }
0xba: {  	s0 =	sor.u32 s3, s0;
	s1 =	sshll.u32 s1, $0x11  }
0xbb: {  	s0 =	sor.u32 s1, s0  }
0xbc: {  	s0 =	sadd.s32 $0x8F2B, s0  }
0xbd: {  	[sflag:s0] =	ssyncadd.remote.s32 $0x1  }
0xbe: {  	_ =	sfence.sel $0xFFFF  }
0xbf: {  	[dreg:$0x0] =	wrdreg $0xFFFFFFFF;
	(pc) =	sbr.abs _section_cstart, $3  }
0xc0: {  	[dreg:$0x1] =	wrdreg $0xFFFFFFFF  }
0xc1: {  	_ =	task.clear_ibuf [dreg:s7], $0x2FFFF;
	_ =	strace $0x9FFFFFFF  }
0xc2: {  	(tm) =	ssettm $0x7FFFFFFF  }
0xc3: {  	_ =	shalt  }
tec
execute0_lowered:
.L_overlay_start_1:
0x0: {  	(tag) =	ssettag $0x1  }
0x1: {  	s1 =	srdreg.scid  }
0x2: {  	s1 =	sand.u32 $0x1, s1  }
0x3: {  	p0 =	seq.s32 s1, $0x1  }
.Ltmp0:
0x4: {  	_ = 	snop;
	(pc) =	sbr.rel @p0 .LBB2_2-.Ltmp0, $4  }
0x5: {  	s2 =	rddreg [dreg:$0x0]  }
0x6: {  	s3 =	rddreg [dreg:$0x1];
	s5 =	simm.s32 $0x0  }
0x7: {  	[smem:$0x7FF] =	sst s5  }
0x8: {  	s0 =	rddreg [dreg:$0x2];
	_ =	strace $0x80000056;
	s1 =	stileid.u32  }
0x9: {  	s4 =	smul.u32 $0x278, s1;
	_ =	sdelay $0x1  }
0xa: {  	s4 =	smin.u32 s4, $0x2498  }
0xb: {  	s6 =	sshll.u32 s4, $0x4  }
0xc: {  	s7 =	simm.s32 $0x2;
	s4 =	sadd.s32 s2, s6  }
0xd: {  	[tilespmem:s5], [sflag:$0x2] =	stream.linear.gather [hbm4b:s4+s5], $0xA000, $0x38;
	[tilespmem:$0x12200] =	vst v63  }
0xe: {  	_ =	swait.ge [sflag:s7], $0xA000  }
0xf: {  	s19 =	sadd.s32 $0x28000, s2;
	[sflag:s7] =	ssyncset.done $0x0  }
0x10: {  	s8 =	sadd.s32 s19, s6;
	[sflag:s7] =	ssyncadd.s32 $0xFFFF6000  }
0x11: {  	[hbm4b:s8+s5] =	stream.linear.scatter [tilespmem:s5], [sflag:$0x2], $0xA000, $0x38;
	[tilespmem:$0x12200] =	vst v63  }
0x12: {  	_ =	swait.ge [sflag:s7], $0xA000  }
0x13: {  	s6 =	sadd.s32 $0x1400, s6;
	[sflag:s7] =	ssyncset.done $0x0  }
0x14: {  	s20 =	sadd.s32 s2, s6;
	[sflag:s7] =	ssyncadd.s32 $0xFFFF6000  }
0x15: {  	[tilespmem:s5], [sflag:$0x2] =	stream.linear.gather [hbm4b:s20+s5], $0x9C00, $0x38;
	[tilespmem:$0x12200] =	vst v63  }
0x16: {  	_ =	swait.ge [sflag:s7], $0x9C00  }
0x17: {  	[sflag:s7] =	ssyncset.done $0x0  }
0x18: {  	s6 =	sadd.s32 s19, s6;
	[sflag:s7] =	ssyncadd.s32 $0xFFFF6400  }
0x19: {  	[hbm4b:s6+s5] =	stream.linear.scatter [tilespmem:s5], [sflag:$0x2], $0x9C00, $0x38;
	[tilespmem:$0x12200] =	vst v63  }
0x1a: {  	_ =	swait.ge [sflag:s7], $0x9C00  }
0x1b: {  	s21 =	sadd.s32 $0x5A600, s2;
	s22 =	sshll.u32 s1, $0x4;
	[sflag:s7] =	ssyncset.done $0x0  }
0x1c: {  	s9 =	simm.s32 $0xA000;
	s6 =	sadd.s32 s21, s22;
	[sflag:s7] =	ssyncadd.s32 $0xFFFF6400  }
0x1d: {  	[tilespmem:s9], [sflag:$0x2] =	stream.linear.gather [hbm4b:s6+s5], $0x80, $0x38;
	[tilespmem:$0x12200] =	vst v63  }
0x1e: {  	_ =	swait.ge [sflag:s7], $0x80  }
0x1f: {  	s23 =	sadd.s32 $0x5A000, s2;
	[sflag:s7] =	ssyncset.done $0x0  }
0x20: {  	s10 =	simm.s32 $0xA080;
	s6 =	sadd.s32 s23, s22;
	[sflag:s7] =	ssyncadd.s32 $0xFFFFFF80  }
0x21: {  	[tilespmem:s10], [sflag:$0x2] =	stream.linear.gather [hbm4b:s6+s5], $0x80, $0x38;
	[tilespmem:$0x12200] =	vst v63  }
0x22: {  	_ =	swait.ge [sflag:s7], $0x80  }
0x23: {  	s24 =	sadd.s32 $0x5A200, s2;
	[sflag:s7] =	ssyncset.done $0x0  }
0x24: {  	s11 =	simm.s32 $0xA100;
	s6 =	sadd.s32 s24, s22;
	[sflag:s7] =	ssyncadd.s32 $0xFFFFFF80  }
0x25: {  	[tilespmem:s11], [sflag:$0x2] =	stream.linear.gather [hbm4b:s6+s5], $0x80, $0x38;
	[tilespmem:$0x12200] =	vst v63  }
0x26: {  	_ =	swait.ge [sflag:s7], $0x80  }
0x27: {  	s25 =	sadd.s32 $0x5A400, s2;
	[sflag:s7] =	ssyncset.done $0x0  }
0x28: {  	s26 =	simm.s32 $0xA180;
	s6 =	sadd.s32 s25, s22;
	[sflag:s7] =	ssyncadd.s32 $0xFFFFFF80  }
0x29: {  	[tilespmem:s26], [sflag:$0x2] =	stream.linear.gather [hbm4b:s6+s5], $0x80, $0x38;
	[tilespmem:$0x12200] =	vst v63  }
0x2a: {  	_ =	swait.ge [sflag:s7], $0x80  }
0x2b: {  	s28 =	simm.s32 $0x80;
	[sflag:s7] =	ssyncset.done $0x0  }
0x2c: {  	s29 =	simm.s32 $0xA200;
	s30 =	simm.s32 $0x1;
	[sflag:s7] =	ssyncadd.s32 $0xFFFFFF80  }
0x2d: {  	[tilespmem:s29], [sflag:$0x1] =	stream.indirect.gather [hbm4b:s3+s28], $0x80, s9, s28, $0xb8;
	[tilespmem:$0x12200] =	vst v63  }
0x2e: {  	_ =	swait.ge [sflag:s30], $0x4000  }
0x2f: {  	[sflag:s30] =	ssyncset.done $0x0  }
0x30: {  	s31 =	simm.s32 $0xE200;
	[sflag:s30] =	ssyncadd.s32 $0xFFFFC000  }
0x31: {  	[tilespmem:s31], [sflag:$0x1] =	stream.indirect.gather [hbm4b:s2+s28], $0x80, s26, s28, $0xb8;
	[tilespmem:$0x12200] =	vst v63  }
0x32: {  	_ =	swait.ge [sflag:s30], $0x4000  }
0x33: {  	[sflag:s30] =	ssyncset.done $0x0  }
0x34: {  	[sflag:s30] =	ssyncadd.s32 $0xFFFFC000  }
0x35: {  	[bflag:$0x0] =	sbarrier.arrive $0xFFFF  }
0x36: {  	[hbm4b:s19+s28] =	stream.indirect.scatter [tilespmem:s29], [sflag:$0x1], $0x80, s10, s28, $0xb8;
	[tilespmem:$0x12200] =	vst v63  }
0x37: {  	_ =	swait.ge [sflag:s30], $0x4000  }
0x38: {  	[sflag:s30] =	ssyncset.done $0x0  }
0x39: {  	[sflag:s30] =	ssyncadd.s32 $0xFFFFC000  }
0x3a: {  	[bflag:$0x0] =	sbarrier.arrive $0xFFFF  }
0x3b: {  	[hbm4b:s19+s28] =	stream.indirect.scatter [tilespmem:s31], [sflag:$0x1], $0x80, s11, s28, $0xb8;
	[tilespmem:$0x12200] =	vst v63  }
0x3c: {  	_ =	swait.ge [sflag:s30], $0x4000  }
0x3d: {  	[sflag:s30] =	ssyncset.done $0x0  }
0x3e: {  	[sflag:s30] =	ssyncadd.s32 $0xFFFFC000  }
.LBB2_2:
0x3f: {  	_ =	sfence.sel $0x180000  }
0x40: {  	[bflag:$0x0] =	sbarrier.arrive $0xFFFF  }
0x41: {  	p0 =	sne.s32 s1, $0x0;
	_ =	strace $0x90000056  }
0x42: {  	s0 =	sadd.s32 @!p0 $0x100000, s0;
	[bflag:$0x2] =	sbarrier.arrive $0xFFFF  }
0x43: {  	[sflag:s0] =	ssyncadd.tile.s32 @!p0 $0x1;
	_ =	shalt  }
.Lfunc_end2:
_tile_overlayer_lowered:
.L_overlay_start_2:
0x44: {  	(tag) =	ssettag $0x2  }
0x45: {  	s0 =	rddreg [dreg:$0x0];
	s2 =	stileid.u32  }
0x46: {  	s1 =	rddreg [dreg:$0x1];
	p0 =	sne.s32 s2, $0x0  }
0x47: {  	s3 =	rddreg [dreg:$0x2];
	[bflag:$0x3] =	sbarrier.arrive $0xFFFF;
	s2 =	simm.s32 @!p0 $0x1C02  }
0x48: {  	[timem:s3], [sflag:s2] =	dma.local @!p0 [hbm:s0], s1  }
0x49: {  	s0 =	simm.s32 @!p0 $0x2  }
0x4a: {  	_ =	swait.ge @!p0 [sflag:s0], s1  }
0x4b: {  	s1 =	ssub.s32 @!p0 $0x0, s1;
	[sflag:s0] =	ssyncset.done @!p0 $0x0  }
0x4c: {  	[sflag:s0] =	ssyncadd.s32 @!p0 s1  }
0x4d: {  	[bflag:$0x3] =	sbarrier.arrive $0xFFFF  }
0x4e: {  	_ =	shalt  }

// kernel: kernel.18.cloned.1.call-start
scs
__scs_entry_jumppad:
0x0: {  	(pc) =	sbr.rel $0x88, $3  }
0x1: {  	(tag) =	ssettag $0x0;
	lr =	simm.s32 $0x1  }
0x2: {  	[smem:$0x3F8F] =	sst lr;
	_ =	strace $0xD0000000  }
0x3: {  	_ = 	snop  }
0x4: {  	_ = 	snop  }
0x5: {  	_ = 	snop  }
0x6: {  	_ = 	snop  }
0x7: {  	_ = 	snop  }
__scs_overlays_trampoline_lowered:
0x8: {  	[smem:$0x3F9E] =	sst s0  }
0x9: {  	[smem:$0x3F9F] =	sst s1  }
0xa: {  	[smem:$0x3FA0] =	sst s2  }
0xb: {  	[smem:$0x3FA1] =	sst s3  }
0xc: {  	[smem:$0x3FA2] =	sst s4  }
0xd: {  	[smem:$0x3FA3] =	sst s5  }
0xe: {  	[smem:$0x3FA4] =	sst s6  }
0xf: {  	[smem:$0x3FA5] =	sst s7  }
0x10: {  	[smem:$0x3FA6] =	sst s8  }
0x11: {  	[smem:$0x3FA7] =	sst s9;
	s0 =	simm.s32 @!p0 $0x0  }
0x12: {  	s1 =	sld [smem:$0x3F8D];
	s0 =	simm.s32 @p0 $0x1  }
0x13: {  	[smem:$0x3FA8] =	sst s0;
	s0 =	simm.s32 @!p1 $0x0  }
0x14: {  	s2 =	sld [smem:$0x3F8C];
	s0 =	simm.s32 @p1 $0x1  }
0x15: {  	[smem:$0x3FA9] =	sst s0;
	s0 =	simm.s32 @!p2 $0x0  }
0x16: {  	s3 =	sld [smem:$0x3FDB];
	s0 =	simm.s32 @p2 $0x1  }
0x17: {  	s4 =	simm.s32 $0x1BF5;
	[smem:$0x3FAB] =	sst s0  }
0x18: {  	s0 =	sld [smem:$0x3F8E];
	_ =	swait.ge [sflag:s4], $0x0  }
0x19: {  	s7 =	sld [smem:$0x3F8F]  }
0x1a: {  	s8 =	sadd.s32 $0xFFFFE003, lr  }
0x1b: {  	s9 =	sadd.s32 $0xFFFFFEF7, lr;
	s5 =	simm.s32 $0xFFFFFFFF;
	p2 =	slt.u32 s8, $0xFFFFF086  }
0x1c: {  	p1 =	slt.u32 s9, $0xF7A;
	s5 =	simm.s32 @!p2 $0x0  }
0x1d: {  	s5 =	simm.s32 @p1 $0x1;
	p0 =	seq.s32 s7, s2  }
0x1e: {  	s7 =	smul.u32 @!p0 $0xF7A, s2;
	p2 =	seq.s32 @!p0 s5, $0x0  }
0x1f: {  	s9 =	smul.u32 $0xF7A, s1;
	s8 =	simm.s32 @!p0 $0x1BF5;
	p2 =	por !p2, p0  }
0x20: {  	[sflag:s8] =	ssyncset.s32 @!p0 $0xFFFFF086;
	s6 =	sadd.s32 @!p0 s3, s7;
	s7 =	simm.s32 @!p0 $0x108  }
0x21: {  	s3 =	sadd.s32 s3, s9;
	s6 =	sadd.s32 @!p0 $0x88, s6;
	s7 =	simm.s32 @p2 $0x1082  }
0x22: {  	[simem:s7], [sflag:s8] =	dma.local @!p0 [hbm:s6], $0xF7A  }
0x23: {  	s9 =	sor.u32 $0xD0000000, s2;
	s6 =	simm.s32 $0x108;
	_ =	swait.ge @!p0 [sflag:s8], $0x0  }
0x24: {  	s3 =	sadd.s32 $0x88, s3;
	s6 =	simm.s32 @!p1 $0x1082;
	[sflag:s4] =	ssyncset.s32 $0xFFFFF086  }
0x25: {  	[simem:s6], [sflag:s4] =	dma.local [hbm:s3], $0xF7A  }
0x26: {  	[smem:$0x3F8F] =	sst s1;
	(tag) =	ssettag s2;
	_ =	strace s9  }
0x27: {  	s1 =	sld [smem:$0x3F9F]  }
0x28: {  	s2 =	sld [smem:$0x3FA0]  }
0x29: {  	s4 =	sld [smem:$0x3FA2]  }
0x2a: {  	p0 =	seq.s32 s5, $0x0;
	s5 =	sld [smem:$0x3FA3]  }
0x2b: {  	s6 =	sld [smem:$0x3FA4]  }
0x2c: {  	s7 =	sld [smem:$0x3FA5]  }
0x2d: {  	s3 =	simm.s32 $0x108;
	s8 =	sld [smem:$0x3FA6]  }
0x2e: {  	s3 =	simm.s32 @!p0 $0x1082;
	s9 =	sld [smem:$0x3FA7]  }
0x2f: {  	lr =	sadd.s32 s0, s3;
	s0 =	sld [smem:$0x3F9E]  }
0x30: {  	s3 =	sld [smem:$0x3FA1]  }
0x31: {  	[smem:$0x3FAA] =	sst s10  }
0x32: {  	s10 =	sld [smem:$0x3FA8];
	_ =	sdelay $0x3  }
0x33: {  	p0 =	seq.s32 s10, $0x1;
	s10 =	sld [smem:$0x3FAA];
	_ =	sdelay $0x3  }
0x34: {  	[smem:$0x3FAA] =	sst s10  }
0x35: {  	s10 =	sld [smem:$0x3FA9];
	_ =	sdelay $0x3  }
0x36: {  	p1 =	seq.s32 s10, $0x1;
	s10 =	sld [smem:$0x3FAA];
	_ =	sdelay $0x3  }
0x37: {  	[smem:$0x3FAA] =	sst s10  }
0x38: {  	s10 =	sld [smem:$0x3FAB]  }
0x39: {  	_ = 	snop;
	(pc) =	sbr.ind lr, $3  }
0x3a: {  	_ = 	snop  }
0x3b: {  	_ = 	snop  }
0x3c: {  	p2 =	seq.s32 s10, $0x1;
	s10 =	sld [smem:$0x3FAA]  }
0x3d: {  	_ =	shalt  }
0x3e: {  	_ =	shalt  }
0x3f: {  	_ =	shalt  }
0x40: {  	_ =	shalt  }
0x41: {  	_ =	shalt  }
0x42: {  	_ =	shalt  }
0x43: {  	_ =	shalt  }
0x44: {  	_ =	shalt  }
0x45: {  	_ =	shalt  }
0x46: {  	_ =	shalt  }
0x47: {  	_ =	shalt  }
0x48: {  	_ =	shalt  }
0x49: {  	_ =	shalt  }
0x4a: {  	_ =	shalt  }
0x4b: {  	_ =	shalt  }
0x4c: {  	_ =	shalt  }
0x4d: {  	_ =	shalt  }
0x4e: {  	_ =	shalt  }
0x4f: {  	_ =	shalt  }
0x50: {  	_ =	shalt  }
0x51: {  	_ =	shalt  }
0x52: {  	_ =	shalt  }
0x53: {  	_ =	shalt  }
0x54: {  	_ =	shalt  }
0x55: {  	_ =	shalt  }
0x56: {  	_ =	shalt  }
0x57: {  	_ =	shalt  }
0x58: {  	_ =	shalt  }
0x59: {  	_ =	shalt  }
0x5a: {  	_ =	shalt  }
0x5b: {  	_ =	shalt  }
0x5c: {  	_ =	shalt  }
0x5d: {  	_ =	shalt  }
0x5e: {  	_ =	shalt  }
0x5f: {  	_ =	shalt  }
0x60: {  	_ =	shalt  }
0x61: {  	_ =	shalt  }
0x62: {  	_ =	shalt  }
0x63: {  	_ =	shalt  }
0x64: {  	_ =	shalt  }
0x65: {  	_ =	shalt  }
0x66: {  	_ =	shalt  }
0x67: {  	_ =	shalt  }
0x68: {  	_ =	shalt  }
0x69: {  	_ =	shalt  }
0x6a: {  	_ =	shalt  }
0x6b: {  	_ =	shalt  }
0x6c: {  	_ =	shalt  }
0x6d: {  	_ =	shalt  }
0x6e: {  	_ =	shalt  }
0x6f: {  	_ =	shalt  }
0x70: {  	_ =	shalt  }
0x71: {  	_ =	shalt  }
0x72: {  	_ =	shalt  }
0x73: {  	_ =	shalt  }
0x74: {  	_ =	shalt  }
0x75: {  	_ =	shalt  }
0x76: {  	_ =	shalt  }
0x77: {  	_ =	shalt  }
0x78: {  	_ =	shalt  }
0x79: {  	_ =	shalt  }
0x7a: {  	_ =	shalt  }
0x7b: {  	_ =	shalt  }
0x7c: {  	_ =	shalt  }
0x7d: {  	_ =	shalt  }
0x7e: {  	_ =	shalt  }
0x7f: {  	_ =	shalt  }
0x80: {  	_ =	shalt  }
0x81: {  	_ =	shalt  }
0x82: {  	_ =	shalt  }
0x83: {  	_ =	shalt  }
0x84: {  	_ =	shalt  }
0x85: {  	_ =	shalt  }
0x86: {  	_ =	shalt  }
0x87: {  	_ =	shalt  }
.Lfunc_end0:
.L_simem_size_0:
called_computation.5_lowered:
.L_overlay_start_0:
0x88: {  	s2 =	sld [smem:$0x3FD9]  }
0x89: {  	s3 =	sld [smem:$0x3FFE];
	_ =	sdelay $0x1  }
0x8a: {  	s1 =	srdreg.scid  }
0x8b: {  	s0 =	sand.u32 $0x1, s1  }
0x8c: {  	s17 =	sshll.u32 s0, $0xA;
	s2 =	sadd.s32 s3, s2  }
0x8d: {  	s2 =	sadd.s32 s2, s17  }
0x8e: {  	[smem:$0x3FB6] =	sst s2  }
0x8f: {  	_ = 	snop  }
0x90: {  	s2 =	sld [smem:$0x3FD0];
	(tm) =	ssettm $0x1  }
0x91: {  	s18 =	sld [smem:$0x3FFB];
	_ =	sdelay $0x3  }
0x92: {  	_ =	strace s18  }
0x93: {  	s3 =	sld [smem:$0x3FFC];
	_ =	sdelay $0x3  }
0x94: {  	_ =	strace s3  }
0x95: {  	s3 =	sld [smem:$0x3FFD];
	_ =	sdelay $0x3  }
0x96: {  	_ =	strace s3  }
0x97: {  	_ =	strace $0x8FFFFFFF  }
0x98: {  	s19 =	sld [smem:$0x3FDB];
	_ =	sdelay $0x1  }
0x99: {  	s4 =	simm.s32 $_scs_section_size  }
0x9a: {  	s5 =	simm.s32 $_size__tile_overlayer_lowered;
	s6 =	simm.s32 $_tile_overlayer_lowered  }
0x9b: {  	s22 =	simm.s32 $0x1BFF;
	s21 =	sshll.u32 s6, $0x1;
	s3 =	sadd.s32 s4, s19  }
0x9c: {  	s7 =	simm.s32 $0x0;
	s20 =	sshll.u32 s5, $0x1;
	s5 =	sadd.s32 s21, s3  }
0x9d: {  	[timem:s7], [sflag:s22] =	dma.local [hbm:s5], s20  }
0x9e: {  	_ =	swait.ge [sflag:s22], s20  }
0x9f: {  	s4 =	ssub.s32 $0x0, s20;
	[sflag:s22] =	ssyncset.done $0x0  }
0xa0: {  	[sflag:s22] =	ssyncadd.s32 s4;
	_ =	sdelay $0x1  }
0xa1: {  	s23 =	simm.s32 $0x1B8B  }
0xa2: {  	_ =	swait.ge [sflag:s23], $0x1  }
0xa3: {  	[sflag:s23] =	ssyncset.done $0x0  }
0xa4: {  	s25 =	simm.s32 $0x1B8E;
	s24 =	sld [smem:$0x3FFE];
	[sflag:s23] =	ssyncadd.s32 $0xFFFFFFFF  }
0xa5: {  	s26 =	simm.s32 $execute0_lowered;
	[smem:$0x3FD2] =	sst s25  }
0xa6: {  	s5 =	sshll.u32 s26, $0x1;
	_ =	strace $0x80000058;
	[dreg:$0x1] =	wrdreg $0xFFFFFFFF  }
0xa7: {  	s28 =	simm.s32 $_size_execute0_lowered;
	s3 =	sadd.s32 s3, s5;
	[dreg:$0x0] =	wrdreg $0x0  }
0xa8: {  	s5 =	sshll.u32 s28, $0x1;
	[dreg:$0x2] =	wrdreg s3  }
0xa9: {  	[dreg:$0x3] =	wrdreg s5  }
0xaa: {  	[dreg:$0x4] =	wrdreg $0xC0  }
0xab: {  	_ =	task [dreg:s7], $0x5FFFF  }
0xac: {  	[dreg:$0x1] =	wrdreg $0xFFFFFFFF  }
0xad: {  	[dreg:$0x0] =	wrdreg $0x60  }
0xae: {  	[dreg:$0x2] =	wrdreg s24  }
0xaf: {  	[dreg:$0x3] =	wrdreg s2  }
0xb0: {  	[dreg:$0x4] =	wrdreg $0x58000  }
0xb1: {  	[dreg:$0x5] =	wrdreg $0x9  }
0xb2: {  	_ =	task.clear_ibuf [dreg:s7], $0x6FFFF;
	_ =	strace $0x90000058  }
0xb3: {  	s29 =	simm.s32 $0x9;
	_ =	strace $0x8000005A  }
0xb4: {  	_ =	swait.ge [sflag:s29], $0x1  }
0xb5: {  	[sflag:s29] =	ssyncadd.s32 $0xFFFFFFFF  }
0xb6: {  	_ =	strace $0x9000005A  }
0xb7: {  	_ =	sfence  }
0xb8: {  	s30 =	sld [smem:$0x0];
	_ =	sdelay $0x2  }
0xb9: {  	s31 =	sshll.u32 s1, $0xD;
	s1 =	sshrl.u32 s1, $0x2  }
0xba: {  	s3 =	sand.u32 $0x4000, s31;
	s1 =	sadd.s32 s1, s30  }
0xbb: {  	s0 =	sor.u32 s3, s0;
	s1 =	sshll.u32 s1, $0x11  }
0xbc: {  	s0 =	sor.u32 s1, s0  }
0xbd: {  	s0 =	sadd.s32 $0x8F2B, s0  }
0xbe: {  	[sflag:s0] =	ssyncadd.remote.s32 $0x1  }
0xbf: {  	_ =	sfence.sel $0xFFFF  }
0xc0: {  	[dreg:$0x0] =	wrdreg $0xFFFFFFFF;
	(pc) =	sbr.abs _section_cstart, $3  }
0xc1: {  	[dreg:$0x1] =	wrdreg $0xFFFFFFFF  }
0xc2: {  	_ =	task.clear_ibuf [dreg:s7], $0x2FFFF;
	_ =	strace $0x9FFFFFFF  }
0xc3: {  	(tm) =	ssettm $0x7FFFFFFF  }
tec
execute0_lowered:
.L_overlay_start_1:
0x0: {  	(tag) =	ssettag $0x1  }
0x1: {  	s9 =	rddreg [dreg:$0x0]  }
0x2: {  	s7 =	rddreg [dreg:$0x1]  }
0x3: {  	s1 =	rddreg [dreg:$0x2]  }
0x4: {  	s0 =	rddreg [dreg:$0x3];
	s2 =	simm.s32 $0x0  }
0x5: {  	s5 =	srdreg.scid;
	s3 =	stileid.u32;
	s14 =	simm.s32 $0x80  }
0x6: {  	s15 =	simm.s32 $0x1;
	s16 =	simm.s32 $0x5000;
	s17 =	simm.s32 $0x0  }
0x7: {  	[smem:$0x7FF] =	sst s2;
	s4 =	sadd.s32 $0x28000, s9;
	s10 =	sand.u32 $0x1, s5  }
0x8: {  	s28 =	sshll.u32 s3, $0x9;
	s30 =	sshll.u32 s3, $0xE;
	s31 =	sshll.u32 s3, $0xB  }
0x9: {  	_ =	strace $0x80000059;
	s6 =	sshll.u32 s10, $0x8;
	s8 =	ssub.s32 $0x2, s10  }
0xa: {  	s5 =	sadd.s32 s30, s1;
	s11 =	sor.u32 s6, s28;
	s29 =	sshrl.u32 s8, $0x1  }
0xb: {  	s10 =	sshll.u32 s10, $0xF;
	s12 =	sadd.s32 s11, s9;
	s13 =	ssub.s32 s8, s29  }
0xc: {  	s7 =	sadd.s32 s7, s11;
	s9 =	sadd.s32 s9, s31;
	s11 =	simm.s32 $0x1000  }
0xd: {  	s6 =	sadd.s32 $0x4F400, s12;
	s8 =	sadd.s32 $0x10000, s12;
	s9 =	sadd.s32 s10, s9  }
0xe: {  	v0 =	vimm.f32 $0.0e+00;
	v1 =	vimm.f32 $1.000000000e+00;
	s10 =	smax.u32 s13, $0x1;
	s12 =	simm.s32 $0x2;
	s13 =	simm.s32 $0x800  }
.LBB2_1:
0xf: {  	s18 =	simm.s32 $0x0;
	s19 =	simm.s32 $0x0  }
.LBB2_2:
0x10: {  	p0 =	sne.s32 s19, $0xFFC0  }
.Ltmp0:
0x11: {  	_ = 	snop;
	(pc) =	sbr.rel @p0 .LBB2_2-.Ltmp0, $4  }
0x12: {  	s20 =	sand.u32 $0xFE00, s19  }
0x13: {  	s21 =	sand.u32 $0x70, s18;
	s20 =	sshrl.u32 s20, $0x2  }
0x14: {  	s20 =	sor.u32 s21, s20  }
0x15: {  	s18 =	sadd.s32 $0x10, s18;
	s19 =	sadd.s32 $0x40, s19;
	[tilespmem:s20+$0x1000] =	vst v0  }
0x16: {  	s18 =	simm.s32 $0x0  }
0x17: {  	s19 =	sand.u32 $0x1E00, s18  }
0x18: {  	s20 =	sand.u32 $0x70, s18;
	s21 =	sshrl.u32 s19, $0x2  }
0x19: {  	s19 =	simm.s32 $0x40;
	s20 =	sor.u32 s20, s21  }
.LBB2_4:
0x1a: {  	p0 =	sne.s32 s19, $0x1FC0  }
0x1b: {  	[tilespmem:s20+$0x5000] =	vst v0;
	s18 =	sadd.s32 $0x10, s18;
	s20 =	smov.u32 s19;
	s19 =	sadd.s32 $0x40, s19  }
.Ltmp1:
0x1c: {  	(pc) =	sbr.rel @p0 .LBB2_4-.Ltmp1, $4  }
0x1d: {  	_ = 	snop  }
0x1e: {  	s20 =	sand.u32 $0x1E00, s20  }
0x1f: {  	s21 =	sand.u32 $0x70, s18;
	s20 =	sshrl.u32 s20, $0x2  }
0x20: {  	s20 =	sor.u32 s21, s20  }
0x21: {  	[tilespmem:s20+$0x5000] =	vst v0  }
0x22: {  	[spmem:s5] =	stream.linear.scatter [tilespmem:s11], [sflag:$0x2], $0x4000, $0x38;
	[tilespmem:$0x9800] =	vst v63  }
0x23: {  	_ =	swait.ge [sflag:s12], $0x4000  }
0x24: {  	[sflag:s12] =	ssyncset.done $0x0  }
0x25: {  	[sflag:s12] =	ssyncadd.s32 $0xFFFFC000  }
0x26: {  	s18 =	simm.s32 $0x0;
	[bflag:$0x0] =	sbarrier.arrive $0xFFFF  }
0x27: {  	[tilespmem:s18], [sflag:$0x2] =	stream.linear.gather [hbm4b:s6+s18], $0x800, $0x38;
	[tilespmem:$0x9800] =	vst v63  }
0x28: {  	_ =	swait.ge [sflag:s12], $0x800  }
0x29: {  	[sflag:s12] =	ssyncset.done $0x0  }
0x2a: {  	[sflag:s12] =	ssyncadd.s32 $0xFFFFF800  }
0x2b: {  	[tilespmem:s13], [sflag:$0x2] =	stream.linear.gather [hbm4b:s7+s18], $0x800, $0x38;
	[tilespmem:$0x9800] =	vst v63  }
0x2c: {  	_ =	swait.ge [sflag:s12], $0x800  }
0x2d: {  	[sflag:s12] =	ssyncset.done $0x0  }
0x2e: {  	s19 =	simm.s32 $0x0;
	[sflag:s12] =	ssyncadd.s32 $0xFFFFF800  }
0x2f: {  	[tilespmem:s11], [sflag:$0x1] =	stream.indirect.gather [hbm4b:s4+s14], $0x80, s19, s14, $0xb8;
	[tilespmem:$0x9800] =	vst v63  }
0x30: {  	_ =	swait.ge [sflag:s15], $0x4000  }
0x31: {  	[sflag:s15] =	ssyncset.done $0x0  }
0x32: {  	s31 =	simm.s32 $0x800;
	[sflag:s15] =	ssyncadd.s32 $0xFFFFC000  }
0x33: {  	[spmem:s1] =	stream.indirect.scatter.add.f32 [tilespmem:s11], [sflag:$0x2], $0x80, s31, s14, $0xb8;
	[tilespmem:$0x9800] =	vst v63  }
0x34: {  	_ =	swait.ge [sflag:s12], $0x4000  }
0x35: {  	s20 =	simm.s32 $0x400;
	s19 =	simm.s32 $0x200;
	[sflag:s12] =	ssyncset.done $0x0  }
.LBB2_6:
0x36: {  	s21 =	sshra.s32 s19, $0x2  }
0x37: {  	[sflag:s12] =	ssyncadd.s32 $0xFFFFC000;
	s19 =	smov.u32 s20;
	s22 =	sadd.s32 $0x200, s20  }
0x38: {  	[tilespmem:s11], [sflag:$0x1] =	stream.indirect.gather [hbm4b:s4+s14], $0x80, s21, s14, $0xb8;
	[tilespmem:$0x9800] =	vst v63  }
0x39: {  	p0 =	sne.s32 s20, $0x1E00;
	_ =	swait.ge [sflag:s15], $0x4000  }
.Ltmp2:
0x3a: {  	[sflag:s15] =	ssyncset.done $0x0;
	(pc) =	sbr.rel @p0 .LBB2_6-.Ltmp2, $4  }
0x3b: {  	s20 =	sadd.s32 $0x800, s21;
	[sflag:s15] =	ssyncadd.s32 $0xFFFFC000  }
0x3c: {  	[spmem:s1] =	stream.indirect.scatter.add.f32 [tilespmem:s11], [sflag:$0x2], $0x80, s20, s14, $0xb8;
	[tilespmem:$0x9800] =	vst v63  }
0x3d: {  	_ =	swait.ge [sflag:s12], $0x4000  }
0x3e: {  	s20 =	smov.u32 s22;
	[sflag:s12] =	ssyncset.done $0x0  }
0x3f: {  	s19 =	sshra.s32 s19, $0x2;
	[sflag:s12] =	ssyncadd.s32 $0xFFFFC000  }
0x40: {  	[tilespmem:s11], [sflag:$0x1] =	stream.indirect.gather [hbm4b:s4+s14], $0x80, s19, s14, $0xb8;
	[tilespmem:$0x9800] =	vst v63  }
0x41: {  	_ =	swait.ge [sflag:s15], $0x4000  }
0x42: {  	[sflag:s15] =	ssyncset.done $0x0  }
0x43: {  	s19 =	sadd.s32 $0x800, s19;
	[sflag:s15] =	ssyncadd.s32 $0xFFFFC000  }
0x44: {  	[spmem:s1] =	stream.indirect.scatter.add.f32 [tilespmem:s11], [sflag:$0x2], $0x80, s19, s14, $0xb8;
	[tilespmem:$0x9800] =	vst v63  }
0x45: {  	s30 =	sand.u32 $0x1E00, s18;
	_ =	swait.ge [sflag:s12], $0x4000  }
0x46: {  	s31 =	sand.u32 $0x70, s18;
	s19 =	sshrl.u32 s30, $0x2;
	[sflag:s12] =	ssyncset.done $0x0  }
0x47: {  	s18 =	sor.u32 s31, s19;
	[sflag:s12] =	ssyncadd.s32 $0xFFFFC000  }
0x48: {  	v2 =	vld [tilespmem:s18+$0x800];
	_ =	sdelay $0x4  }
0x49: {  	s20 =	simm.s32 $0x40  }
0x4a: {  	s20 =	sand.u32 $0x1E00, s20;
	s19 =	simm.s32 $0x80;
	s18 =	simm.s32 $0x10  }
.LBB2_8:
0x4b: {  	p0 =	sne.s32 s19, $0x1FC0;
	s21 =	sand.u32 $0x70, s18;
	s20 =	sshrl.u32 s20, $0x2  }
0x4c: {  	s20 =	sor.u32 s21, s20;
	[tilespmem:v2+s16+$0x0] =	vst.idx.add.f32.msk $0xffff, v1  }
0x4d: {  	v2 =	vld [tilespmem:s20+$0x800];
	_ =	sdelay $0x1  }
.Ltmp3:
0x4e: {  	(pc) =	sbr.rel @p0 .LBB2_8-.Ltmp3, $2  }
0x4f: {  	_ =	sdelay $0x2  }
0x50: {  	s18 =	sadd.s32 $0x10, s18;
	s20 =	sand.u32 $0x1E00, s19;
	s19 =	sadd.s32 $0x40, s19  }
0x51: {  	_ =	sdelay $0x2  }
0x52: {  	s18 =	sand.u32 $0x70, s18;
	s19 =	sshrl.u32 s20, $0x2  }
0x53: {  	[tilespmem:v2+s16+$0x0] =	vst.idx.add.f32.msk $0xffff, v1;
	s18 =	sor.u32 s18, s19  }
0x54: {  	v2 =	vld [tilespmem:s18+$0x800];
	_ =	sdelay $0x7  }
0x55: {  	[tilespmem:v2+s16+$0x0] =	vst.idx.add.f32.msk $0xffff, v1  }
0x56: {  	[hbm4b:s8+s2] =	stream.linear.scatter [tilespmem:s16], [sflag:$0x2], $0x800, $0x38;
	[tilespmem:$0x9800] =	vst v63  }
0x57: {  	_ =	swait.ge [sflag:s12], $0x800  }
0x58: {  	s30 =	sshll.u32 s3, $0x6;
	s17 =	sadd.s32 $0x1, s17;
	[sflag:s12] =	ssyncset.done $0x0  }
0x59: {  	s31 =	sshrl.u32 s5, $0x3;
	p0 =	sne.s32 s17, s10;
	[sflag:s12] =	ssyncadd.s32 $0xFFFFF800  }
.Ltmp4:
0x5a: {  	s18 =	sor.u32 $0x1C02, s30;
	[bflag:$0x0] =	sbarrier.arrive $0xFFFF;
	(pc) =	sbr.rel @p0 .LBB2_1-.Ltmp4, $4  }
0x5b: {  	[hbm:s9], [sflag:s18] =	dma.local [spmem:s31], $0x800  }
0x5c: {  	_ =	swait.ge [sflag:s12], $0x800  }
0x5d: {  	[sflag:s12] =	ssyncset.done $0x0  }
0x5e: {  	[sflag:s12] =	ssyncadd.s32 $0xFFFFF800  }
0x5f: {  	_ =	sfence.sel $0x180000  }
0x60: {  	[bflag:$0x0] =	sbarrier.arrive $0xFFFF  }
0x61: {  	p0 =	sne.s32 s3, $0x0;
	_ =	strace $0x90000059  }
0x62: {  	s0 =	sadd.s32 @!p0 $0x100000, s0;
	[bflag:$0x2] =	sbarrier.arrive $0xFFFF  }
0x63: {  	[sflag:s0] =	ssyncadd.tile.s32 @!p0 $0x1;
	_ =	shalt  }
.Lfunc_end2:
_tile_overlayer_lowered:
.L_overlay_start_2:
0x64: {  	(tag) =	ssettag $0x2  }
0x65: {  	s0 =	rddreg [dreg:$0x0];
	s2 =	stileid.u32  }
0x66: {  	s1 =	rddreg [dreg:$0x1];
	p0 =	sne.s32 s2, $0x0  }
0x67: {  	s3 =	rddreg [dreg:$0x2];
	[bflag:$0x3] =	sbarrier.arrive $0xFFFF;
	s2 =	simm.s32 @!p0 $0x1C02  }
0x68: {  	[timem:s3], [sflag:s2] =	dma.local @!p0 [hbm:s0], s1  }
0x69: {  	s0 =	simm.s32 @!p0 $0x2  }
0x6a: {  	_ =	swait.ge @!p0 [sflag:s0], s1  }
0x6b: {  	s1 =	ssub.s32 @!p0 $0x0, s1;
	[sflag:s0] =	ssyncset.done @!p0 $0x0  }
0x6c: {  	[sflag:s0] =	ssyncadd.s32 @!p0 s1  }
0x6d: {  	[bflag:$0x3] =	sbarrier.arrive $0xFFFF  }
0x6e: {  	_ =	shalt  }

// kernel: kernel.9.cloned.1.call-start
scs
__scs_entry_jumppad:
0x0: {  	(pc) =	sbr.rel $0x88, $3  }
0x1: {  	(tag) =	ssettag $0x0;
	lr =	simm.s32 $0x1  }
0x2: {  	[smem:$0x3F8F] =	sst lr;
	_ =	strace $0xD0000000  }
0x3: {  	_ = 	snop  }
0x4: {  	_ = 	snop  }
0x5: {  	_ = 	snop  }
0x6: {  	_ = 	snop  }
0x7: {  	_ = 	snop  }
__scs_overlays_trampoline_lowered:
0x8: {  	[smem:$0x3F9E] =	sst s0  }
0x9: {  	[smem:$0x3F9F] =	sst s1  }
0xa: {  	[smem:$0x3FA0] =	sst s2  }
0xb: {  	[smem:$0x3FA1] =	sst s3  }
0xc: {  	[smem:$0x3FA2] =	sst s4  }
0xd: {  	[smem:$0x3FA3] =	sst s5  }
0xe: {  	[smem:$0x3FA4] =	sst s6  }
0xf: {  	[smem:$0x3FA5] =	sst s7  }
0x10: {  	[smem:$0x3FA6] =	sst s8  }
0x11: {  	[smem:$0x3FA7] =	sst s9;
	s0 =	simm.s32 @!p0 $0x0  }
0x12: {  	s1 =	sld [smem:$0x3F8D];
	s0 =	simm.s32 @p0 $0x1  }
0x13: {  	[smem:$0x3FA8] =	sst s0;
	s0 =	simm.s32 @!p1 $0x0  }
0x14: {  	s2 =	sld [smem:$0x3F8C];
	s0 =	simm.s32 @p1 $0x1  }
0x15: {  	[smem:$0x3FA9] =	sst s0;
	s0 =	simm.s32 @!p2 $0x0  }
0x16: {  	s3 =	sld [smem:$0x3FDB];
	s0 =	simm.s32 @p2 $0x1  }
0x17: {  	s4 =	simm.s32 $0x1BF5;
	[smem:$0x3FAB] =	sst s0  }
0x18: {  	s0 =	sld [smem:$0x3F8E];
	_ =	swait.ge [sflag:s4], $0x0  }
0x19: {  	s7 =	sld [smem:$0x3F8F]  }
0x1a: {  	s8 =	sadd.s32 $0xFFFFE003, lr  }
0x1b: {  	s9 =	sadd.s32 $0xFFFFFEF7, lr;
	s5 =	simm.s32 $0xFFFFFFFF;
	p2 =	slt.u32 s8, $0xFFFFF086  }
0x1c: {  	p1 =	slt.u32 s9, $0xF7A;
	s5 =	simm.s32 @!p2 $0x0  }
0x1d: {  	s5 =	simm.s32 @p1 $0x1;
	p0 =	seq.s32 s7, s2  }
0x1e: {  	s7 =	smul.u32 @!p0 $0xF7A, s2;
	p2 =	seq.s32 @!p0 s5, $0x0  }
0x1f: {  	s9 =	smul.u32 $0xF7A, s1;
	s8 =	simm.s32 @!p0 $0x1BF5;
	p2 =	por !p2, p0  }
0x20: {  	[sflag:s8] =	ssyncset.s32 @!p0 $0xFFFFF086;
	s6 =	sadd.s32 @!p0 s3, s7;
	s7 =	simm.s32 @!p0 $0x108  }
0x21: {  	s3 =	sadd.s32 s3, s9;
	s6 =	sadd.s32 @!p0 $0x88, s6;
	s7 =	simm.s32 @p2 $0x1082  }
0x22: {  	[simem:s7], [sflag:s8] =	dma.local @!p0 [hbm:s6], $0xF7A  }
0x23: {  	s9 =	sor.u32 $0xD0000000, s2;
	s6 =	simm.s32 $0x108;
	_ =	swait.ge @!p0 [sflag:s8], $0x0  }
0x24: {  	s3 =	sadd.s32 $0x88, s3;
	s6 =	simm.s32 @!p1 $0x1082;
	[sflag:s4] =	ssyncset.s32 $0xFFFFF086  }
0x25: {  	[simem:s6], [sflag:s4] =	dma.local [hbm:s3], $0xF7A  }
0x26: {  	[smem:$0x3F8F] =	sst s1;
	(tag) =	ssettag s2;
	_ =	strace s9  }
0x27: {  	s1 =	sld [smem:$0x3F9F]  }
0x28: {  	s2 =	sld [smem:$0x3FA0]  }
0x29: {  	s4 =	sld [smem:$0x3FA2]  }
0x2a: {  	p0 =	seq.s32 s5, $0x0;
	s5 =	sld [smem:$0x3FA3]  }
0x2b: {  	s6 =	sld [smem:$0x3FA4]  }
0x2c: {  	s7 =	sld [smem:$0x3FA5]  }
0x2d: {  	s3 =	simm.s32 $0x108;
	s8 =	sld [smem:$0x3FA6]  }
0x2e: {  	s3 =	simm.s32 @!p0 $0x1082;
	s9 =	sld [smem:$0x3FA7]  }
0x2f: {  	lr =	sadd.s32 s0, s3;
	s0 =	sld [smem:$0x3F9E]  }
0x30: {  	s3 =	sld [smem:$0x3FA1]  }
0x31: {  	[smem:$0x3FAA] =	sst s10  }
0x32: {  	s10 =	sld [smem:$0x3FA8];
	_ =	sdelay $0x3  }
0x33: {  	p0 =	seq.s32 s10, $0x1;
	s10 =	sld [smem:$0x3FAA];
	_ =	sdelay $0x3  }
0x34: {  	[smem:$0x3FAA] =	sst s10  }
0x35: {  	s10 =	sld [smem:$0x3FA9];
	_ =	sdelay $0x3  }
0x36: {  	p1 =	seq.s32 s10, $0x1;
	s10 =	sld [smem:$0x3FAA];
	_ =	sdelay $0x3  }
0x37: {  	[smem:$0x3FAA] =	sst s10  }
0x38: {  	s10 =	sld [smem:$0x3FAB]  }
0x39: {  	_ = 	snop;
	(pc) =	sbr.ind lr, $3  }
0x3a: {  	_ = 	snop  }
0x3b: {  	_ = 	snop  }
0x3c: {  	p2 =	seq.s32 s10, $0x1;
	s10 =	sld [smem:$0x3FAA]  }
0x3d: {  	_ =	shalt  }
0x3e: {  	_ =	shalt  }
0x3f: {  	_ =	shalt  }
0x40: {  	_ =	shalt  }
0x41: {  	_ =	shalt  }
0x42: {  	_ =	shalt  }
0x43: {  	_ =	shalt  }
0x44: {  	_ =	shalt  }
0x45: {  	_ =	shalt  }
0x46: {  	_ =	shalt  }
0x47: {  	_ =	shalt  }
0x48: {  	_ =	shalt  }
0x49: {  	_ =	shalt  }
0x4a: {  	_ =	shalt  }
0x4b: {  	_ =	shalt  }
0x4c: {  	_ =	shalt  }
0x4d: {  	_ =	shalt  }
0x4e: {  	_ =	shalt  }
0x4f: {  	_ =	shalt  }
0x50: {  	_ =	shalt  }
0x51: {  	_ =	shalt  }
0x52: {  	_ =	shalt  }
0x53: {  	_ =	shalt  }
0x54: {  	_ =	shalt  }
0x55: {  	_ =	shalt  }
0x56: {  	_ =	shalt  }
0x57: {  	_ =	shalt  }
0x58: {  	_ =	shalt  }
0x59: {  	_ =	shalt  }
0x5a: {  	_ =	shalt  }
0x5b: {  	_ =	shalt  }
0x5c: {  	_ =	shalt  }
0x5d: {  	_ =	shalt  }
0x5e: {  	_ =	shalt  }
0x5f: {  	_ =	shalt  }
0x60: {  	_ =	shalt  }
0x61: {  	_ =	shalt  }
0x62: {  	_ =	shalt  }
0x63: {  	_ =	shalt  }
0x64: {  	_ =	shalt  }
0x65: {  	_ =	shalt  }
0x66: {  	_ =	shalt  }
0x67: {  	_ =	shalt  }
0x68: {  	_ =	shalt  }
0x69: {  	_ =	shalt  }
0x6a: {  	_ =	shalt  }
0x6b: {  	_ =	shalt  }
0x6c: {  	_ =	shalt  }
0x6d: {  	_ =	shalt  }
0x6e: {  	_ =	shalt  }
0x6f: {  	_ =	shalt  }
0x70: {  	_ =	shalt  }
0x71: {  	_ =	shalt  }
0x72: {  	_ =	shalt  }
0x73: {  	_ =	shalt  }
0x74: {  	_ =	shalt  }
0x75: {  	_ =	shalt  }
0x76: {  	_ =	shalt  }
0x77: {  	_ =	shalt  }
0x78: {  	_ =	shalt  }
0x79: {  	_ =	shalt  }
0x7a: {  	_ =	shalt  }
0x7b: {  	_ =	shalt  }
0x7c: {  	_ =	shalt  }
0x7d: {  	_ =	shalt  }
0x7e: {  	_ =	shalt  }
0x7f: {  	_ =	shalt  }
0x80: {  	_ =	shalt  }
0x81: {  	_ =	shalt  }
0x82: {  	_ =	shalt  }
0x83: {  	_ =	shalt  }
0x84: {  	_ =	shalt  }
0x85: {  	_ =	shalt  }
0x86: {  	_ =	shalt  }
0x87: {  	_ =	shalt  }
.Lfunc_end0:
.L_simem_size_0:
called_computation.2_lowered:
.L_overlay_start_0:
0x88: {  	s2 =	sld [smem:$0x3FD9]  }
0x89: {  	s3 =	sld [smem:$0x3FFE];
	_ =	sdelay $0x1  }
0x8a: {  	s1 =	srdreg.scid  }
0x8b: {  	s0 =	sand.u32 $0x1, s1  }
0x8c: {  	s17 =	sshll.u32 s0, $0xA;
	s2 =	sadd.s32 s3, s2  }
0x8d: {  	s2 =	sadd.s32 s2, s17  }
0x8e: {  	[smem:$0x3FB6] =	sst s2  }
0x8f: {  	_ = 	snop  }
0x90: {  	s2 =	sld [smem:$0x3FC8]  }
0x91: {  	s18 =	sld [smem:$0x3FC0]  }
0x92: {  	s4 =	sld [smem:$0x3FBE]  }
0x93: {  	s5 =	sld [smem:$0x3FD0];
	(tm) =	ssettm $0x1  }
0x94: {  	s6 =	sld [smem:$0x3FFB];
	_ =	sdelay $0x3  }
0x95: {  	_ =	strace s6  }
0x96: {  	s6 =	sld [smem:$0x3FFC];
	_ =	sdelay $0x3  }
0x97: {  	_ =	strace s6  }
0x98: {  	s6 =	sld [smem:$0x3FFD];
	_ =	sdelay $0x3  }
0x99: {  	_ =	strace s6  }
0x9a: {  	_ =	strace $0x8FFFFFFF  }
0x9b: {  	s19 =	sld [smem:$0x3FDB];
	_ =	sdelay $0x1  }
0x9c: {  	s7 =	simm.s32 $_scs_section_size  }
0x9d: {  	s8 =	simm.s32 $_size__tile_overlayer_lowered;
	s9 =	simm.s32 $_tile_overlayer_lowered  }
0x9e: {  	s22 =	simm.s32 $0x1BFF;
	s21 =	sshll.u32 s9, $0x1;
	s6 =	sadd.s32 s7, s19  }
0x9f: {  	s10 =	simm.s32 $0x0;
	s20 =	sshll.u32 s8, $0x1;
	s8 =	sadd.s32 s21, s6  }
0xa0: {  	[timem:s10], [sflag:s22] =	dma.local [hbm:s8], s20  }
0xa1: {  	_ =	swait.ge [sflag:s22], s20  }
0xa2: {  	s7 =	ssub.s32 $0x0, s20;
	[sflag:s22] =	ssyncset.done $0x0  }
0xa3: {  	[sflag:s22] =	ssyncadd.s32 s7;
	_ =	sdelay $0x1  }
0xa4: {  	s23 =	simm.s32 $0x1B8B  }
0xa5: {  	_ =	swait.ge [sflag:s23], $0x1  }
0xa6: {  	[sflag:s23] =	ssyncset.done $0x0  }
0xa7: {  	s25 =	simm.s32 $0x1B8E;
	s24 =	sld [smem:$0x3FFE];
	[sflag:s23] =	ssyncadd.s32 $0xFFFFFFFF  }
0xa8: {  	s26 =	simm.s32 $execute0_lowered;
	[smem:$0x3FD2] =	sst s25  }
0xa9: {  	s8 =	sshll.u32 s26, $0x1;
	_ =	strace $0x8000004F;
	[dreg:$0x1] =	wrdreg $0xFFFFFFFF  }
0xaa: {  	s28 =	simm.s32 $_size_execute0_lowered;
	s6 =	sadd.s32 s6, s8;
	[dreg:$0x0] =	wrdreg $0x0  }
0xab: {  	s8 =	sshll.u32 s28, $0x1;
	[dreg:$0x2] =	wrdreg s6  }
0xac: {  	[dreg:$0x3] =	wrdreg s8  }
0xad: {  	[dreg:$0x4] =	wrdreg $0xC0  }
0xae: {  	_ =	task [dreg:s10], $0x5FFFF  }
0xaf: {  	[dreg:$0x1] =	wrdreg $0xFFFFFFFF  }
0xb0: {  	[dreg:$0x0] =	wrdreg $0x60  }
0xb1: {  	[dreg:$0x2] =	wrdreg s2  }
0xb2: {  	[dreg:$0x3] =	wrdreg s24  }
0xb3: {  	[dreg:$0x4] =	wrdreg s5  }
0xb4: {  	[dreg:$0x5] =	wrdreg s18  }
0xb5: {  	[dreg:$0x6] =	wrdreg s4  }
0xb6: {  	[dreg:$0x7] =	wrdreg $0x9  }
0xb7: {  	_ =	task.clear_ibuf [dreg:s10], $0x8FFFF;
	_ =	strace $0x9000004F  }
0xb8: {  	s29 =	simm.s32 $0x9;
	_ =	strace $0x80000051  }
0xb9: {  	_ =	swait.ge [sflag:s29], $0x1  }
0xba: {  	[sflag:s29] =	ssyncadd.s32 $0xFFFFFFFF  }
0xbb: {  	_ =	strace $0x90000051  }
0xbc: {  	_ =	sfence  }
0xbd: {  	s30 =	sld [smem:$0x0];
	_ =	sdelay $0x2  }
0xbe: {  	s31 =	sshll.u32 s1, $0xD;
	s1 =	sshrl.u32 s1, $0x2  }
0xbf: {  	s3 =	sand.u32 $0x4000, s31;
	s1 =	sadd.s32 s1, s30  }
0xc0: {  	s0 =	sor.u32 s3, s0;
	s1 =	sshll.u32 s1, $0x11  }
0xc1: {  	s0 =	sor.u32 s1, s0  }
0xc2: {  	s0 =	sadd.s32 $0x8F2B, s0  }
0xc3: {  	[sflag:s0] =	ssyncadd.remote.s32 $0x1  }
0xc4: {  	_ =	sfence.sel $0xFFFF  }
0xc5: {  	[dreg:$0x0] =	wrdreg $0xFFFFFFFF;
	(pc) =	sbr.abs _section_cstart, $3  }
0xc6: {  	[dreg:$0x1] =	wrdreg $0xFFFFFFFF  }
0xc7: {  	_ =	task.clear_ibuf [dreg:s10], $0x2FFFF;
	_ =	strace $0x9FFFFFFF  }
0xc8: {  	(tm) =	ssettm $0x7FFFFFFF  }
0xc9: {  	_ =	shalt  }
tec
execute0_lowered:
.L_overlay_start_1:
0x0: {  	(tag) =	ssettag $0x1  }
0x1: {  	s2 =	rddreg [dreg:$0x0]  }
0x2: {  	s28 =	rddreg [dreg:$0x1]  }
0x3: {  	s5 =	rddreg [dreg:$0x2]  }
0x4: {  	s1 =	srdreg.scid;
	s0 =	stileid.u32  }
0x5: {  	s6 =	rddreg [dreg:$0x3];
	s1 =	sand.u32 $0x1, s1;
	s3 =	sshll.u32 s0, $0x1  }
0x6: {  	s7 =	rddreg [dreg:$0x4];
	s8 =	sor.u32 s1, s3  }
0x7: {  	s3 =	simm.s32 $0x0;
	s9 =	sshll.u32 s8, $0x7;
	s10 =	smul.u32 $0x3800, s8  }
0x8: {  	[smem:$0x7FF] =	sst s3;
	s12 =	smul.u32 $0x1C000, s8;
	s18 =	sshll.u32 s8, $0xA  }
0x9: {  	s8 =	sshll.u32 s8, $0x3;
	s4 =	sadd.s32 s28, s9;
	s9 =	sadd.s32 s5, s9  }
0xa: {  	_ =	strace $0x80000050;
	s6 =	sadd.s32 s6, s8;
	[dreg:$0x7] =	wrdreg s9  }
0xb: {  	s23 =	sadd.s32 s7, s8;
	[dreg:$0xf] =	wrdreg s6  }
0xc: {  	s21 =	sadd.s32 s18, s28;
	s11 =	sadd.s32 $0xB200, s4;
	[dreg:$0x11] =	wrdreg s23  }
0xd: {  	s13 =	sadd.s32 $0xC200, s28;
	s22 =	sadd.s32 $0x7C200, s21;
	[dreg:$0x6] =	wrdreg s11  }
0xe: {  	s5 =	sadd.s32 s13, s10;
	s25 =	sadd.s32 $0x84200, s21;
	[dreg:$0x10] =	wrdreg s22  }
0xf: {  	s11 =	sshrl.u32 s12, $0x3;
	s12 =	sadd.s32 $0x700, s5;
	[dreg:$0x12] =	wrdreg s25  }
0x10: {  	s10 =	sadd.s32 s13, s11;
	[dreg:$0x8] =	wrdreg s12  }
0x11: {  	s24 =	rddreg [dreg:$0x6];
	s14 =	sadd.s32 $0xE00, s10  }
0x12: {  	[tilespmem:s3], [sflag:$0x2] =	stream.linear.gather [hbm4b:s24+s3], $0x400, $0x38;
	[tilespmem:$0x6100] =	vst v63  }
0x13: {  	s15 =	sadd.s32 $0x1500, s10;
	[dreg:$0x9] =	wrdreg s14  }
0x14: {  	s16 =	sadd.s32 $0x1C00, s10;
	[dreg:$0xa] =	wrdreg s15  }
0x15: {  	s17 =	sadd.s32 $0x2300, s10;
	[dreg:$0xb] =	wrdreg s16  }
0x16: {  	s19 =	sadd.s32 $0x2A00, s10;
	[dreg:$0xc] =	wrdreg s17  }
0x17: {  	s20 =	sadd.s32 $0x3100, s10;
	[dreg:$0xd] =	wrdreg s19  }
0x18: {  	s6 =	simm.s32 $0x2;
	[dreg:$0xe] =	wrdreg s20  }
0x19: {  	_ =	swait.ge [sflag:s6], $0x400  }
0x1a: {  	[sflag:s6] =	ssyncset.done $0x0  }
0x1b: {  	s7 =	simm.s32 $0x400;
	s26 =	rddreg [dreg:$0x7];
	[sflag:s6] =	ssyncadd.s32 $0xFFFFFC00  }
0x1c: {  	[tilespmem:s7], [sflag:$0x2] =	stream.linear.gather [hbm4b:s26+s3], $0x400, $0x38;
	[tilespmem:$0x6100] =	vst v63  }
0x1d: {  	_ =	swait.ge [sflag:s6], $0x400  }
0x1e: {  	s8 =	simm.s32 $0x1;
	[sflag:s6] =	ssyncset.done $0x0  }
0x1f: {  	s9 =	simm.s32 $0x70;
	s10 =	simm.s32 $0x800;
	[sflag:s6] =	ssyncadd.s32 $0xFFFFFC00  }
0x20: {  	[tilespmem:s10], [sflag:$0x1] =	stream.indirect.gather [hbm4b:s2+s9], $0x80, s3, s9, $0xb8;
	[tilespmem:$0x6100] =	vst v63  }
0x21: {  	_ =	swait.ge [sflag:s8], $0x3800  }
0x22: {  	[sflag:s8] =	ssyncset.done $0x0  }
0x23: {  	s11 =	sadd.s32 $0x8C200, s28;
	[sflag:s8] =	ssyncadd.s32 $0xFFFFC800  }
0x24: {  	[hbm4b:s11+s9] =	stream.indirect.scatter [tilespmem:s10], [sflag:$0x1], $0x80, s7, s9, $0xb8;
	[tilespmem:$0x6100] =	vst v63  }
0x25: {  	_ =	swait.ge [sflag:s8], $0x3800  }
0x26: {  	[sflag:s8] =	ssyncset.done $0x0  }
0x27: {  	s12 =	simm.s32 $0x80;
	[sflag:s8] =	ssyncadd.s32 $0xFFFFC800  }
0x28: {  	[tilespmem:s10], [sflag:$0x1] =	stream.indirect.gather [hbm4b:s2+s9], $0x80, s12, s9, $0xb8;
	[tilespmem:$0x6100] =	vst v63  }
0x29: {  	_ =	swait.ge [sflag:s8], $0x3800  }
0x2a: {  	[sflag:s8] =	ssyncset.done $0x0  }
0x2b: {  	s13 =	simm.s32 $0x480;
	[sflag:s8] =	ssyncadd.s32 $0xFFFFC800  }
0x2c: {  	[hbm4b:s11+s9] =	stream.indirect.scatter [tilespmem:s10], [sflag:$0x1], $0x80, s13, s9, $0xb8;
	[tilespmem:$0x6100] =	vst v63  }
0x2d: {  	_ =	swait.ge [sflag:s8], $0x3800  }
0x2e: {  	[sflag:s8] =	ssyncset.done $0x0  }
0x2f: {  	s14 =	simm.s32 $0x100;
	[sflag:s8] =	ssyncadd.s32 $0xFFFFC800  }
0x30: {  	[tilespmem:s10], [sflag:$0x1] =	stream.indirect.gather [hbm4b:s2+s9], $0x80, s14, s9, $0xb8;
	[tilespmem:$0x6100] =	vst v63  }
0x31: {  	_ =	swait.ge [sflag:s8], $0x3800  }
0x32: {  	[sflag:s8] =	ssyncset.done $0x0  }
0x33: {  	s15 =	simm.s32 $0x500;
	[sflag:s8] =	ssyncadd.s32 $0xFFFFC800  }
0x34: {  	[hbm4b:s11+s9] =	stream.indirect.scatter [tilespmem:s10], [sflag:$0x1], $0x80, s15, s9, $0xb8;
	[tilespmem:$0x6100] =	vst v63  }
0x35: {  	_ =	swait.ge [sflag:s8], $0x3800  }
0x36: {  	[sflag:s8] =	ssyncset.done $0x0  }
0x37: {  	s16 =	simm.s32 $0x180;
	[sflag:s8] =	ssyncadd.s32 $0xFFFFC800  }
0x38: {  	[tilespmem:s10], [sflag:$0x1] =	stream.indirect.gather [hbm4b:s2+s9], $0x80, s16, s9, $0xb8;
	[tilespmem:$0x6100] =	vst v63  }
0x39: {  	_ =	swait.ge [sflag:s8], $0x3800  }
0x3a: {  	[sflag:s8] =	ssyncset.done $0x0  }
0x3b: {  	s17 =	simm.s32 $0x580;
	[sflag:s8] =	ssyncadd.s32 $0xFFFFC800  }
0x3c: {  	[hbm4b:s11+s9] =	stream.indirect.scatter [tilespmem:s10], [sflag:$0x1], $0x80, s17, s9, $0xb8;
	[tilespmem:$0x6100] =	vst v63  }
0x3d: {  	_ =	swait.ge [sflag:s8], $0x3800  }
0x3e: {  	[sflag:s8] =	ssyncset.done $0x0  }
0x3f: {  	s18 =	simm.s32 $0x200;
	[sflag:s8] =	ssyncadd.s32 $0xFFFFC800  }
0x40: {  	[tilespmem:s10], [sflag:$0x1] =	stream.indirect.gather [hbm4b:s2+s9], $0x80, s18, s9, $0xb8;
	[tilespmem:$0x6100] =	vst v63  }
0x41: {  	_ =	swait.ge [sflag:s8], $0x3800  }
0x42: {  	[sflag:s8] =	ssyncset.done $0x0  }
0x43: {  	s19 =	simm.s32 $0x600;
	[sflag:s8] =	ssyncadd.s32 $0xFFFFC800  }
0x44: {  	[hbm4b:s11+s9] =	stream.indirect.scatter [tilespmem:s10], [sflag:$0x1], $0x80, s19, s9, $0xb8;
	[tilespmem:$0x6100] =	vst v63  }
0x45: {  	_ =	swait.ge [sflag:s8], $0x3800  }
0x46: {  	[sflag:s8] =	ssyncset.done $0x0  }
0x47: {  	s20 =	simm.s32 $0x280;
	[sflag:s8] =	ssyncadd.s32 $0xFFFFC800  }
0x48: {  	[tilespmem:s10], [sflag:$0x1] =	stream.indirect.gather [hbm4b:s2+s9], $0x80, s20, s9, $0xb8;
	[tilespmem:$0x6100] =	vst v63  }
0x49: {  	_ =	swait.ge [sflag:s8], $0x3800  }
0x4a: {  	[sflag:s8] =	ssyncset.done $0x0  }
0x4b: {  	s21 =	simm.s32 $0x680;
	[sflag:s8] =	ssyncadd.s32 $0xFFFFC800  }
0x4c: {  	[hbm4b:s11+s9] =	stream.indirect.scatter [tilespmem:s10], [sflag:$0x1], $0x80, s21, s9, $0xb8;
	[tilespmem:$0x6100] =	vst v63  }
0x4d: {  	_ =	swait.ge [sflag:s8], $0x3800  }
0x4e: {  	[sflag:s8] =	ssyncset.done $0x0  }
0x4f: {  	s22 =	simm.s32 $0x300;
	[sflag:s8] =	ssyncadd.s32 $0xFFFFC800  }
0x50: {  	[tilespmem:s10], [sflag:$0x1] =	stream.indirect.gather [hbm4b:s2+s9], $0x80, s22, s9, $0xb8;
	[tilespmem:$0x6100] =	vst v63  }
0x51: {  	_ =	swait.ge [sflag:s8], $0x3800  }
0x52: {  	[sflag:s8] =	ssyncset.done $0x0  }
0x53: {  	s23 =	simm.s32 $0x700;
	[sflag:s8] =	ssyncadd.s32 $0xFFFFC800  }
0x54: {  	[hbm4b:s11+s9] =	stream.indirect.scatter [tilespmem:s10], [sflag:$0x1], $0x80, s23, s9, $0xb8;
	[tilespmem:$0x6100] =	vst v63  }
0x55: {  	_ =	swait.ge [sflag:s8], $0x3800  }
0x56: {  	[sflag:s8] =	ssyncset.done $0x0  }
0x57: {  	s24 =	simm.s32 $0x380;
	[sflag:s8] =	ssyncadd.s32 $0xFFFFC800  }
0x58: {  	[tilespmem:s10], [sflag:$0x1] =	stream.indirect.gather [hbm4b:s2+s9], $0x80, s24, s9, $0xb8;
	[tilespmem:$0x6100] =	vst v63  }
0x59: {  	_ =	swait.ge [sflag:s8], $0x3800  }
0x5a: {  	[sflag:s8] =	ssyncset.done $0x0  }
0x5b: {  	s25 =	simm.s32 $0x780;
	[sflag:s8] =	ssyncadd.s32 $0xFFFFC800  }
0x5c: {  	[hbm4b:s11+s9] =	stream.indirect.scatter [tilespmem:s10], [sflag:$0x1], $0x80, s25, s9, $0xb8;
	[tilespmem:$0x6100] =	vst v63  }
0x5d: {  	_ =	swait.ge [sflag:s8], $0x3800  }
0x5e: {  	[sflag:s8] =	ssyncset.done $0x0  }
0x5f: {  	[sflag:s8] =	ssyncadd.s32 $0xFFFFC800  }
0x60: {  	[tilespmem:s7], [sflag:$0x2] =	stream.linear.gather [hbm4b:s4+s3], $0x400, $0x38;
	[tilespmem:$0x6100] =	vst v63  }
0x61: {  	_ =	swait.ge [sflag:s6], $0x400  }
0x62: {  	[sflag:s6] =	ssyncset.done $0x0  }
0x63: {  	[sflag:s6] =	ssyncadd.s32 $0xFFFFFC00  }
0x64: {  	[tilespmem:s10], [sflag:$0x2] =	stream.linear.gather [hbm4b:s5+s3], $0x3800, $0x38;
	[tilespmem:$0x6100] =	vst v63  }
0x65: {  	_ =	swait.ge [sflag:s6], $0x3800  }
0x66: {  	[sflag:s6] =	ssyncset.done $0x0  }
0x67: {  	[sflag:s6] =	ssyncadd.s32 $0xFFFFC800  }
0x68: {  	[hbm4b:s11+s9] =	stream.indirect.scatter [tilespmem:s10], [sflag:$0x1], $0x80, s7, s9, $0xb8;
	[tilespmem:$0x6100] =	vst v63  }
0x69: {  	_ =	swait.ge [sflag:s8], $0x3800  }
0x6a: {  	[sflag:s8] =	ssyncset.done $0x0  }
0x6b: {  	s26 =	rddreg [dreg:$0x8];
	[sflag:s8] =	ssyncadd.s32 $0xFFFFC800  }
0x6c: {  	[tilespmem:s10], [sflag:$0x2] =	stream.linear.gather [hbm4b:s26+s3], $0x3800, $0x38;
	[tilespmem:$0x6100] =	vst v63  }
0x6d: {  	_ =	swait.ge [sflag:s6], $0x3800  }
0x6e: {  	[sflag:s6] =	ssyncset.done $0x0  }
0x6f: {  	[sflag:s6] =	ssyncadd.s32 $0xFFFFC800  }
0x70: {  	[hbm4b:s11+s9] =	stream.indirect.scatter [tilespmem:s10], [sflag:$0x1], $0x80, s13, s9, $0xb8;
	[tilespmem:$0x6100] =	vst v63  }
0x71: {  	_ =	swait.ge [sflag:s8], $0x3800  }
0x72: {  	[sflag:s8] =	ssyncset.done $0x0  }
0x73: {  	s0 =	rddreg [dreg:$0x9];
	[sflag:s8] =	ssyncadd.s32 $0xFFFFC800  }
0x74: {  	[tilespmem:s10], [sflag:$0x2] =	stream.linear.gather [hbm4b:s0+s3], $0x3800, $0x38;
	[tilespmem:$0x6100] =	vst v63  }
0x75: {  	_ =	swait.ge [sflag:s6], $0x3800  }
0x76: {  	[sflag:s6] =	ssyncset.done $0x0  }
0x77: {  	[sflag:s6] =	ssyncadd.s32 $0xFFFFC800  }
0x78: {  	[hbm4b:s11+s9] =	stream.indirect.scatter [tilespmem:s10], [sflag:$0x1], $0x80, s15, s9, $0xb8;
	[tilespmem:$0x6100] =	vst v63  }
0x79: {  	_ =	swait.ge [sflag:s8], $0x3800  }
0x7a: {  	[sflag:s8] =	ssyncset.done $0x0  }
0x7b: {  	s0 =	rddreg [dreg:$0xa];
	[sflag:s8] =	ssyncadd.s32 $0xFFFFC800  }
0x7c: {  	[tilespmem:s10], [sflag:$0x2] =	stream.linear.gather [hbm4b:s0+s3], $0x3800, $0x38;
	[tilespmem:$0x6100] =	vst v63  }
0x7d: {  	_ =	swait.ge [sflag:s6], $0x3800  }
0x7e: {  	[sflag:s6] =	ssyncset.done $0x0  }
0x7f: {  	[sflag:s6] =	ssyncadd.s32 $0xFFFFC800  }
0x80: {  	[hbm4b:s11+s9] =	stream.indirect.scatter [tilespmem:s10], [sflag:$0x1], $0x80, s17, s9, $0xb8;
	[tilespmem:$0x6100] =	vst v63  }
0x81: {  	_ =	swait.ge [sflag:s8], $0x3800  }
0x82: {  	[sflag:s8] =	ssyncset.done $0x0  }
0x83: {  	s0 =	rddreg [dreg:$0xb];
	[sflag:s8] =	ssyncadd.s32 $0xFFFFC800  }
0x84: {  	[tilespmem:s10], [sflag:$0x2] =	stream.linear.gather [hbm4b:s0+s3], $0x3800, $0x38;
	[tilespmem:$0x6100] =	vst v63  }
0x85: {  	_ =	swait.ge [sflag:s6], $0x3800  }
0x86: {  	[sflag:s6] =	ssyncset.done $0x0  }
0x87: {  	[sflag:s6] =	ssyncadd.s32 $0xFFFFC800  }
0x88: {  	[hbm4b:s11+s9] =	stream.indirect.scatter [tilespmem:s10], [sflag:$0x1], $0x80, s19, s9, $0xb8;
	[tilespmem:$0x6100] =	vst v63  }
0x89: {  	_ =	swait.ge [sflag:s8], $0x3800  }
0x8a: {  	[sflag:s8] =	ssyncset.done $0x0  }
0x8b: {  	s0 =	rddreg [dreg:$0xc];
	[sflag:s8] =	ssyncadd.s32 $0xFFFFC800  }
0x8c: {  	[tilespmem:s10], [sflag:$0x2] =	stream.linear.gather [hbm4b:s0+s3], $0x3800, $0x38;
	[tilespmem:$0x6100] =	vst v63  }
0x8d: {  	_ =	swait.ge [sflag:s6], $0x3800  }
0x8e: {  	[sflag:s6] =	ssyncset.done $0x0  }
0x8f: {  	[sflag:s6] =	ssyncadd.s32 $0xFFFFC800  }
0x90: {  	[hbm4b:s11+s9] =	stream.indirect.scatter [tilespmem:s10], [sflag:$0x1], $0x80, s21, s9, $0xb8;
	[tilespmem:$0x6100] =	vst v63  }
0x91: {  	_ =	swait.ge [sflag:s8], $0x3800  }
0x92: {  	[sflag:s8] =	ssyncset.done $0x0  }
0x93: {  	s0 =	rddreg [dreg:$0xd];
	[sflag:s8] =	ssyncadd.s32 $0xFFFFC800  }
0x94: {  	[tilespmem:s10], [sflag:$0x2] =	stream.linear.gather [hbm4b:s0+s3], $0x3800, $0x38;
	[tilespmem:$0x6100] =	vst v63  }
0x95: {  	_ =	swait.ge [sflag:s6], $0x3800  }
0x96: {  	[sflag:s6] =	ssyncset.done $0x0  }
0x97: {  	[sflag:s6] =	ssyncadd.s32 $0xFFFFC800  }
0x98: {  	[hbm4b:s11+s9] =	stream.indirect.scatter [tilespmem:s10], [sflag:$0x1], $0x80, s23, s9, $0xb8;
	[tilespmem:$0x6100] =	vst v63  }
0x99: {  	_ =	swait.ge [sflag:s8], $0x3800  }
0x9a: {  	[sflag:s8] =	ssyncset.done $0x0  }
0x9b: {  	s0 =	rddreg [dreg:$0xe];
	[sflag:s8] =	ssyncadd.s32 $0xFFFFC800  }
0x9c: {  	[tilespmem:s10], [sflag:$0x2] =	stream.linear.gather [hbm4b:s0+s3], $0x3800, $0x38;
	[tilespmem:$0x6100] =	vst v63  }
0x9d: {  	_ =	swait.ge [sflag:s6], $0x3800  }
0x9e: {  	[sflag:s6] =	ssyncset.done $0x0  }
0x9f: {  	[sflag:s6] =	ssyncadd.s32 $0xFFFFC800  }
0xa0: {  	[hbm4b:s11+s9] =	stream.indirect.scatter [tilespmem:s10], [sflag:$0x1], $0x80, s25, s9, $0xb8;
	[tilespmem:$0x6100] =	vst v63  }
0xa1: {  	_ =	swait.ge [sflag:s8], $0x3800  }
0xa2: {  	[sflag:s8] =	ssyncset.done $0x0  }
0xa3: {  	s26 =	simm.s32 $0x4000;
	s29 =	rddreg [dreg:$0xf];
	[sflag:s8] =	ssyncadd.s32 $0xFFFFC800  }
0xa4: {  	[tilespmem:s26], [sflag:$0x2] =	stream.linear.gather [hbm4b:s29+s3], $0x40, $0x38;
	[tilespmem:$0x6100] =	vst v63  }
0xa5: {  	_ =	swait.ge [sflag:s6], $0x40  }
0xa6: {  	[sflag:s6] =	ssyncset.done $0x0  }
0xa7: {  	[sflag:s6] =	ssyncadd.s32 $0xFFFFFFC0  }
0xa8: {  	v0 =	vld [tilespmem:$0x4030]  }
0xa9: {  	v1 =	vld [tilespmem:$0x4020]  }
0xaa: {  	v2 =	vld [tilespmem:$0x4010]  }
0xab: {  	v3 =	vld [tilespmem:$0x4000];
	_ =	sdelay $0x1  }
0xac: {  	v0 =	vshrl.u32 v0, $0x7  }
0xad: {  	v1 =	vshrl.u32 v1, $0x7;
	[tilespmem:$0x40B0] =	vst v0  }
0xae: {  	v56 =	vshrl.u32 v2, $0x7;
	[tilespmem:$0x40A0] =	vst v1  }
0xaf: {  	s30 =	simm.s32 $0x40;
	v57 =	vshrl.u32 v3, $0x7;
	[tilespmem:$0x4090] =	vst v56  }
0xb0: {  	s31 =	simm.s32 $0x4080;
	s28 =	sadd.s32 $0x5000, s28;
	s29 =	simm.s32 $0x4100;
	[tilespmem:$0x4080] =	vst v57  }
0xb1: {  	[tilespmem:s29], [sflag:$0x1] =	stream.indirect.gather [hbm4b:s28+s30], $0x80, s31, s30, $0xb8;
	[tilespmem:$0x6100] =	vst v63  }
0xb2: {  	_ =	swait.ge [sflag:s8], $0x2000  }
0xb3: {  	[sflag:s8] =	ssyncset.done $0x0  }
0xb4: {  	s0 =	rddreg [dreg:$0x10];
	[sflag:s8] =	ssyncadd.s32 $0xFFFFE000  }
0xb5: {  	[hbm4b:s0+s3] =	stream.linear.scatter [tilespmem:s29], [sflag:$0x2], $0x2000, $0x38;
	[tilespmem:$0x6100] =	vst v63  }
0xb6: {  	_ =	swait.ge [sflag:s6], $0x2000  }
0xb7: {  	[sflag:s6] =	ssyncset.done $0x0  }
0xb8: {  	s0 =	rddreg [dreg:$0x11];
	[sflag:s6] =	ssyncadd.s32 $0xFFFFE000  }
0xb9: {  	[tilespmem:s26], [sflag:$0x2] =	stream.linear.gather [hbm4b:s0+s3], $0x40, $0x38;
	[tilespmem:$0x6100] =	vst v63  }
0xba: {  	_ =	swait.ge [sflag:s6], $0x40  }
0xbb: {  	[sflag:s6] =	ssyncset.done $0x0  }
0xbc: {  	[sflag:s6] =	ssyncadd.s32 $0xFFFFFFC0  }
0xbd: {  	v58 =	vld [tilespmem:$0x4030]  }
0xbe: {  	v59 =	vld [tilespmem:$0x4000]  }
0xbf: {  	s0 =	ssub.s32 $0x2, s1;
	v60 =	vld [tilespmem:$0x4010]  }
0xc0: {  	s1 =	sshrl.u32 s0, $0x1;
	v61 =	vld [tilespmem:$0x4020]  }
0xc1: {  	s0 =	ssub.s32 s0, s1  }
0xc2: {  	s0 =	smax.u32 s0, $0x1;
	v0 =	vshrl.u32 v58, $0x7  }
0xc3: {  	p0 =	sne.s32 s0, $0x1;
	v1 =	vshrl.u32 v59, $0x7;
	[tilespmem:$0x40B0] =	vst v0  }
.Ltmp0:
0xc4: {  	v62 =	vshrl.u32 v60, $0x7;
	[tilespmem:$0x4080] =	vst v1;
	(pc) =	sbr.rel @!p0 .LBB2_2-.Ltmp0, $4  }
0xc5: {  	v63 =	vshrl.u32 v61, $0x7;
	[tilespmem:$0x4090] =	vst v62  }
0xc6: {  	[tilespmem:$0x40A0] =	vst v63  }
0xc7: {  	[tilespmem:s29], [sflag:$0x1] =	stream.indirect.gather [hbm4b:s28+s30], $0x80, s31, s30, $0xb8;
	[tilespmem:$0x6100] =	vst v63  }
0xc8: {  	s1 =	sadd.s32 $0xFFFFFFFF, s0;
	_ =	swait.ge [sflag:s8], $0x2000  }
.LBB2_1:
0xc9: {  	[sflag:s8] =	ssyncset.done $0x0  }
0xca: {  	s0 =	rddreg [dreg:$0x12];
	[sflag:s8] =	ssyncadd.s32 $0xFFFFE000  }
0xcb: {  	[hbm4b:s0+s3] =	stream.linear.scatter [tilespmem:s29], [sflag:$0x2], $0x2000, $0x38;
	[tilespmem:$0x6100] =	vst v63  }
0xcc: {  	_ =	swait.ge [sflag:s6], $0x2000  }
0xcd: {  	[sflag:s6] =	ssyncset.done $0x0  }
0xce: {  	s0 =	rddreg [dreg:$0x6];
	[sflag:s6] =	ssyncadd.s32 $0xFFFFE000  }
0xcf: {  	[tilespmem:s3], [sflag:$0x2] =	stream.linear.gather [hbm4b:s0+s3], $0x400, $0x38;
	[tilespmem:$0x6100] =	vst v63  }
0xd0: {  	_ =	swait.ge [sflag:s6], $0x400  }
0xd1: {  	[sflag:s6] =	ssyncset.done $0x0  }
0xd2: {  	s0 =	rddreg [dreg:$0x7];
	[sflag:s6] =	ssyncadd.s32 $0xFFFFFC00  }
0xd3: {  	[tilespmem:s7], [sflag:$0x2] =	stream.linear.gather [hbm4b:s0+s3], $0x400, $0x38;
	[tilespmem:$0x6100] =	vst v63  }
0xd4: {  	_ =	swait.ge [sflag:s6], $0x400  }
0xd5: {  	[sflag:s6] =	ssyncset.done $0x0  }
0xd6: {  	[sflag:s6] =	ssyncadd.s32 $0xFFFFFC00  }
0xd7: {  	[tilespmem:s10], [sflag:$0x1] =	stream.indirect.gather [hbm4b:s2+s9], $0x80, s3, s9, $0xb8;
	[tilespmem:$0x6100] =	vst v63  }
0xd8: {  	_ =	swait.ge [sflag:s8], $0x3800  }
0xd9: {  	[sflag:s8] =	ssyncset.done $0x0  }
0xda: {  	[sflag:s8] =	ssyncadd.s32 $0xFFFFC800  }
0xdb: {  	[hbm4b:s11+s9] =	stream.indirect.scatter [tilespmem:s10], [sflag:$0x1], $0x80, s7, s9, $0xb8;
	[tilespmem:$0x6100] =	vst v63  }
0xdc: {  	_ =	swait.ge [sflag:s8], $0x3800  }
0xdd: {  	[sflag:s8] =	ssyncset.done $0x0  }
0xde: {  	[sflag:s8] =	ssyncadd.s32 $0xFFFFC800  }
0xdf: {  	[tilespmem:s10], [sflag:$0x1] =	stream.indirect.gather [hbm4b:s2+s9], $0x80, s12, s9, $0xb8;
	[tilespmem:$0x6100] =	vst v63  }
0xe0: {  	_ =	swait.ge [sflag:s8], $0x3800  }
0xe1: {  	[sflag:s8] =	ssyncset.done $0x0  }
0xe2: {  	[sflag:s8] =	ssyncadd.s32 $0xFFFFC800  }
0xe3: {  	[hbm4b:s11+s9] =	stream.indirect.scatter [tilespmem:s10], [sflag:$0x1], $0x80, s13, s9, $0xb8;
	[tilespmem:$0x6100] =	vst v63  }
0xe4: {  	_ =	swait.ge [sflag:s8], $0x3800  }
0xe5: {  	[sflag:s8] =	ssyncset.done $0x0  }
0xe6: {  	[sflag:s8] =	ssyncadd.s32 $0xFFFFC800  }
0xe7: {  	[tilespmem:s10], [sflag:$0x1] =	stream.indirect.gather [hbm4b:s2+s9], $0x80, s14, s9, $0xb8;
	[tilespmem:$0x6100] =	vst v63  }
0xe8: {  	_ =	swait.ge [sflag:s8], $0x3800  }
0xe9: {  	[sflag:s8] =	ssyncset.done $0x0  }
0xea: {  	[sflag:s8] =	ssyncadd.s32 $0xFFFFC800  }
0xeb: {  	[hbm4b:s11+s9] =	stream.indirect.scatter [tilespmem:s10], [sflag:$0x1], $0x80, s15, s9, $0xb8;
	[tilespmem:$0x6100] =	vst v63  }
0xec: {  	_ =	swait.ge [sflag:s8], $0x3800  }
0xed: {  	[sflag:s8] =	ssyncset.done $0x0  }
0xee: {  	[sflag:s8] =	ssyncadd.s32 $0xFFFFC800  }
0xef: {  	[tilespmem:s10], [sflag:$0x1] =	stream.indirect.gather [hbm4b:s2+s9], $0x80, s16, s9, $0xb8;
	[tilespmem:$0x6100] =	vst v63  }
0xf0: {  	_ =	swait.ge [sflag:s8], $0x3800  }
0xf1: {  	[sflag:s8] =	ssyncset.done $0x0  }
0xf2: {  	[sflag:s8] =	ssyncadd.s32 $0xFFFFC800  }
0xf3: {  	[hbm4b:s11+s9] =	stream.indirect.scatter [tilespmem:s10], [sflag:$0x1], $0x80, s17, s9, $0xb8;
	[tilespmem:$0x6100] =	vst v63  }
0xf4: {  	_ =	swait.ge [sflag:s8], $0x3800  }
0xf5: {  	[sflag:s8] =	ssyncset.done $0x0  }
0xf6: {  	[sflag:s8] =	ssyncadd.s32 $0xFFFFC800  }
0xf7: {  	[tilespmem:s10], [sflag:$0x1] =	stream.indirect.gather [hbm4b:s2+s9], $0x80, s18, s9, $0xb8;
	[tilespmem:$0x6100] =	vst v63  }
0xf8: {  	_ =	swait.ge [sflag:s8], $0x3800  }
0xf9: {  	[sflag:s8] =	ssyncset.done $0x0  }
0xfa: {  	[sflag:s8] =	ssyncadd.s32 $0xFFFFC800  }
0xfb: {  	[hbm4b:s11+s9] =	stream.indirect.scatter [tilespmem:s10], [sflag:$0x1], $0x80, s19, s9, $0xb8;
	[tilespmem:$0x6100] =	vst v63  }
0xfc: {  	_ =	swait.ge [sflag:s8], $0x3800  }
0xfd: {  	[sflag:s8] =	ssyncset.done $0x0  }
0xfe: {  	[sflag:s8] =	ssyncadd.s32 $0xFFFFC800  }
0xff: {  	[tilespmem:s10], [sflag:$0x1] =	stream.indirect.gather [hbm4b:s2+s9], $0x80, s20, s9, $0xb8;
	[tilespmem:$0x6100] =	vst v63  }
0x100: {  	_ =	swait.ge [sflag:s8], $0x3800  }
0x101: {  	[sflag:s8] =	ssyncset.done $0x0  }
0x102: {  	[sflag:s8] =	ssyncadd.s32 $0xFFFFC800  }
0x103: {  	[hbm4b:s11+s9] =	stream.indirect.scatter [tilespmem:s10], [sflag:$0x1], $0x80, s21, s9, $0xb8;
	[tilespmem:$0x6100] =	vst v63  }
0x104: {  	_ =	swait.ge [sflag:s8], $0x3800  }
0x105: {  	[sflag:s8] =	ssyncset.done $0x0  }
0x106: {  	[sflag:s8] =	ssyncadd.s32 $0xFFFFC800  }
0x107: {  	[tilespmem:s10], [sflag:$0x1] =	stream.indirect.gather [hbm4b:s2+s9], $0x80, s22, s9, $0xb8;
	[tilespmem:$0x6100] =	vst v63  }
0x108: {  	_ =	swait.ge [sflag:s8], $0x3800  }
0x109: {  	[sflag:s8] =	ssyncset.done $0x0  }
0x10a: {  	[sflag:s8] =	ssyncadd.s32 $0xFFFFC800  }
0x10b: {  	[hbm4b:s11+s9] =	stream.indirect.scatter [tilespmem:s10], [sflag:$0x1], $0x80, s23, s9, $0xb8;
	[tilespmem:$0x6100] =	vst v63  }
0x10c: {  	_ =	swait.ge [sflag:s8], $0x3800  }
0x10d: {  	[sflag:s8] =	ssyncset.done $0x0  }
0x10e: {  	[sflag:s8] =	ssyncadd.s32 $0xFFFFC800  }
0x10f: {  	[tilespmem:s10], [sflag:$0x1] =	stream.indirect.gather [hbm4b:s2+s9], $0x80, s24, s9, $0xb8;
	[tilespmem:$0x6100] =	vst v63  }
0x110: {  	_ =	swait.ge [sflag:s8], $0x3800  }
0x111: {  	[sflag:s8] =	ssyncset.done $0x0  }
0x112: {  	[sflag:s8] =	ssyncadd.s32 $0xFFFFC800  }
0x113: {  	[hbm4b:s11+s9] =	stream.indirect.scatter [tilespmem:s10], [sflag:$0x1], $0x80, s25, s9, $0xb8;
	[tilespmem:$0x6100] =	vst v63  }
0x114: {  	_ =	swait.ge [sflag:s8], $0x3800  }
0x115: {  	[sflag:s8] =	ssyncset.done $0x0  }
0x116: {  	[sflag:s8] =	ssyncadd.s32 $0xFFFFC800  }
0x117: {  	[tilespmem:s7], [sflag:$0x2] =	stream.linear.gather [hbm4b:s4+s3], $0x400, $0x38;
	[tilespmem:$0x6100] =	vst v63  }
0x118: {  	_ =	swait.ge [sflag:s6], $0x400  }
0x119: {  	[sflag:s6] =	ssyncset.done $0x0  }
0x11a: {  	[sflag:s6] =	ssyncadd.s32 $0xFFFFFC00  }
0x11b: {  	[tilespmem:s10], [sflag:$0x2] =	stream.linear.gather [hbm4b:s5+s3], $0x3800, $0x38;
	[tilespmem:$0x6100] =	vst v63  }
0x11c: {  	_ =	swait.ge [sflag:s6], $0x3800  }
0x11d: {  	[sflag:s6] =	ssyncset.done $0x0  }
0x11e: {  	[sflag:s6] =	ssyncadd.s32 $0xFFFFC800  }
0x11f: {  	[hbm4b:s11+s9] =	stream.indirect.scatter [tilespmem:s10], [sflag:$0x1], $0x80, s7, s9, $0xb8;
	[tilespmem:$0x6100] =	vst v63  }
0x120: {  	_ =	swait.ge [sflag:s8], $0x3800  }
0x121: {  	[sflag:s8] =	ssyncset.done $0x0  }
0x122: {  	s0 =	rddreg [dreg:$0x8];
	[sflag:s8] =	ssyncadd.s32 $0xFFFFC800  }
0x123: {  	[tilespmem:s10], [sflag:$0x2] =	stream.linear.gather [hbm4b:s0+s3], $0x3800, $0x38;
	[tilespmem:$0x6100] =	vst v63  }
0x124: {  	_ =	swait.ge [sflag:s6], $0x3800  }
0x125: {  	[sflag:s6] =	ssyncset.done $0x0  }
0x126: {  	[sflag:s6] =	ssyncadd.s32 $0xFFFFC800  }
0x127: {  	[hbm4b:s11+s9] =	stream.indirect.scatter [tilespmem:s10], [sflag:$0x1], $0x80, s13, s9, $0xb8;
	[tilespmem:$0x6100] =	vst v63  }
0x128: {  	_ =	swait.ge [sflag:s8], $0x3800  }
0x129: {  	[sflag:s8] =	ssyncset.done $0x0  }
0x12a: {  	s0 =	rddreg [dreg:$0x9];
	[sflag:s8] =	ssyncadd.s32 $0xFFFFC800  }
0x12b: {  	[tilespmem:s10], [sflag:$0x2] =	stream.linear.gather [hbm4b:s0+s3], $0x3800, $0x38;
	[tilespmem:$0x6100] =	vst v63  }
0x12c: {  	_ =	swait.ge [sflag:s6], $0x3800  }
0x12d: {  	[sflag:s6] =	ssyncset.done $0x0  }
0x12e: {  	[sflag:s6] =	ssyncadd.s32 $0xFFFFC800  }
0x12f: {  	[hbm4b:s11+s9] =	stream.indirect.scatter [tilespmem:s10], [sflag:$0x1], $0x80, s15, s9, $0xb8;
	[tilespmem:$0x6100] =	vst v63  }
0x130: {  	_ =	swait.ge [sflag:s8], $0x3800  }
0x131: {  	[sflag:s8] =	ssyncset.done $0x0  }
0x132: {  	s0 =	rddreg [dreg:$0xa];
	[sflag:s8] =	ssyncadd.s32 $0xFFFFC800  }
0x133: {  	[tilespmem:s10], [sflag:$0x2] =	stream.linear.gather [hbm4b:s0+s3], $0x3800, $0x38;
	[tilespmem:$0x6100] =	vst v63  }
0x134: {  	_ =	swait.ge [sflag:s6], $0x3800  }
0x135: {  	[sflag:s6] =	ssyncset.done $0x0  }
0x136: {  	[sflag:s6] =	ssyncadd.s32 $0xFFFFC800  }
0x137: {  	[hbm4b:s11+s9] =	stream.indirect.scatter [tilespmem:s10], [sflag:$0x1], $0x80, s17, s9, $0xb8;
	[tilespmem:$0x6100] =	vst v63  }
0x138: {  	_ =	swait.ge [sflag:s8], $0x3800  }
0x139: {  	[sflag:s8] =	ssyncset.done $0x0  }
0x13a: {  	s0 =	rddreg [dreg:$0xb];
	[sflag:s8] =	ssyncadd.s32 $0xFFFFC800  }
0x13b: {  	[tilespmem:s10], [sflag:$0x2] =	stream.linear.gather [hbm4b:s0+s3], $0x3800, $0x38;
	[tilespmem:$0x6100] =	vst v63  }
0x13c: {  	_ =	swait.ge [sflag:s6], $0x3800  }
0x13d: {  	[sflag:s6] =	ssyncset.done $0x0  }
0x13e: {  	[sflag:s6] =	ssyncadd.s32 $0xFFFFC800  }
0x13f: {  	[hbm4b:s11+s9] =	stream.indirect.scatter [tilespmem:s10], [sflag:$0x1], $0x80, s19, s9, $0xb8;
	[tilespmem:$0x6100] =	vst v63  }
0x140: {  	_ =	swait.ge [sflag:s8], $0x3800  }
0x141: {  	[sflag:s8] =	ssyncset.done $0x0  }
0x142: {  	s0 =	rddreg [dreg:$0xc];
	[sflag:s8] =	ssyncadd.s32 $0xFFFFC800  }
0x143: {  	[tilespmem:s10], [sflag:$0x2] =	stream.linear.gather [hbm4b:s0+s3], $0x3800, $0x38;
	[tilespmem:$0x6100] =	vst v63  }
0x144: {  	_ =	swait.ge [sflag:s6], $0x3800  }
0x145: {  	[sflag:s6] =	ssyncset.done $0x0  }
0x146: {  	[sflag:s6] =	ssyncadd.s32 $0xFFFFC800  }
0x147: {  	[hbm4b:s11+s9] =	stream.indirect.scatter [tilespmem:s10], [sflag:$0x1], $0x80, s21, s9, $0xb8;
	[tilespmem:$0x6100] =	vst v63  }
0x148: {  	_ =	swait.ge [sflag:s8], $0x3800  }
0x149: {  	[sflag:s8] =	ssyncset.done $0x0  }
0x14a: {  	s0 =	rddreg [dreg:$0xd];
	[sflag:s8] =	ssyncadd.s32 $0xFFFFC800  }
0x14b: {  	[tilespmem:s10], [sflag:$0x2] =	stream.linear.gather [hbm4b:s0+s3], $0x3800, $0x38;
	[tilespmem:$0x6100] =	vst v63  }
0x14c: {  	_ =	swait.ge [sflag:s6], $0x3800  }
0x14d: {  	[sflag:s6] =	ssyncset.done $0x0  }
0x14e: {  	[sflag:s6] =	ssyncadd.s32 $0xFFFFC800  }
0x14f: {  	[hbm4b:s11+s9] =	stream.indirect.scatter [tilespmem:s10], [sflag:$0x1], $0x80, s23, s9, $0xb8;
	[tilespmem:$0x6100] =	vst v63  }
0x150: {  	_ =	swait.ge [sflag:s8], $0x3800  }
0x151: {  	[sflag:s8] =	ssyncset.done $0x0  }
0x152: {  	s0 =	rddreg [dreg:$0xe];
	[sflag:s8] =	ssyncadd.s32 $0xFFFFC800  }
0x153: {  	[tilespmem:s10], [sflag:$0x2] =	stream.linear.gather [hbm4b:s0+s3], $0x3800, $0x38;
	[tilespmem:$0x6100] =	vst v63  }
0x154: {  	_ =	swait.ge [sflag:s6], $0x3800  }
0x155: {  	[sflag:s6] =	ssyncset.done $0x0  }
0x156: {  	[sflag:s6] =	ssyncadd.s32 $0xFFFFC800  }
0x157: {  	[hbm4b:s11+s9] =	stream.indirect.scatter [tilespmem:s10], [sflag:$0x1], $0x80, s25, s9, $0xb8;
	[tilespmem:$0x6100] =	vst v63  }
0x158: {  	_ =	swait.ge [sflag:s8], $0x3800  }
0x159: {  	[sflag:s8] =	ssyncset.done $0x0  }
0x15a: {  	s0 =	rddreg [dreg:$0xf];
	[sflag:s8] =	ssyncadd.s32 $0xFFFFC800  }
0x15b: {  	[tilespmem:s26], [sflag:$0x2] =	stream.linear.gather [hbm4b:s0+s3], $0x40, $0x38;
	[tilespmem:$0x6100] =	vst v63  }
0x15c: {  	_ =	swait.ge [sflag:s6], $0x40  }
0x15d: {  	[sflag:s6] =	ssyncset.done $0x0  }
0x15e: {  	[sflag:s6] =	ssyncadd.s32 $0xFFFFFFC0  }
0x15f: {  	v0 =	vld [tilespmem:$0x4030]  }
0x160: {  	v1 =	vld [tilespmem:$0x4020]  }
0x161: {  	v2 =	vld [tilespmem:$0x4010]  }
0x162: {  	v3 =	vld [tilespmem:$0x4000];
	_ =	sdelay $0x1  }
0x163: {  	v0 =	vshrl.u32 v0, $0x7  }
0x164: {  	v1 =	vshrl.u32 v1, $0x7;
	[tilespmem:$0x40B0] =	vst v0  }
0x165: {  	v56 =	vshrl.u32 v2, $0x7;
	[tilespmem:$0x40A0] =	vst v1  }
0x166: {  	v57 =	vshrl.u32 v3, $0x7;
	[tilespmem:$0x4090] =	vst v56  }
0x167: {  	[tilespmem:$0x4080] =	vst v57  }
0x168: {  	[tilespmem:s29], [sflag:$0x1] =	stream.indirect.gather [hbm4b:s28+s30], $0x80, s31, s30, $0xb8;
	[tilespmem:$0x6100] =	vst v63  }
0x169: {  	_ =	swait.ge [sflag:s8], $0x2000  }
0x16a: {  	[sflag:s8] =	ssyncset.done $0x0  }
0x16b: {  	s0 =	rddreg [dreg:$0x10];
	[sflag:s8] =	ssyncadd.s32 $0xFFFFE000  }
0x16c: {  	[hbm4b:s0+s3] =	stream.linear.scatter [tilespmem:s29], [sflag:$0x2], $0x2000, $0x38;
	[tilespmem:$0x6100] =	vst v63  }
0x16d: {  	_ =	swait.ge [sflag:s6], $0x2000  }
0x16e: {  	[sflag:s6] =	ssyncset.done $0x0  }
0x16f: {  	s0 =	rddreg [dreg:$0x11];
	[sflag:s6] =	ssyncadd.s32 $0xFFFFE000  }
0x170: {  	[tilespmem:s26], [sflag:$0x2] =	stream.linear.gather [hbm4b:s0+s3], $0x40, $0x38;
	[tilespmem:$0x6100] =	vst v63  }
0x171: {  	_ =	swait.ge [sflag:s6], $0x40  }
0x172: {  	[sflag:s6] =	ssyncset.done $0x0  }
0x173: {  	[sflag:s6] =	ssyncadd.s32 $0xFFFFFFC0  }
0x174: {  	v58 =	vld [tilespmem:$0x4030]  }
0x175: {  	v59 =	vld [tilespmem:$0x4000]  }
0x176: {  	v60 =	vld [tilespmem:$0x4010]  }
0x177: {  	v61 =	vld [tilespmem:$0x4020];
	_ =	sdelay $0x1  }
0x178: {  	v0 =	vshrl.u32 v58, $0x7  }
0x179: {  	p0 =	sne.s32 s1, $0x1;
	v1 =	vshrl.u32 v59, $0x7;
	[tilespmem:$0x40B0] =	vst v0  }
.Ltmp1:
0x17a: {  	v62 =	vshrl.u32 v60, $0x7;
	[tilespmem:$0x4080] =	vst v1;
	(pc) =	sbr.rel @p0 .LBB2_1-.Ltmp1, $4  }
0x17b: {  	v63 =	vshrl.u32 v61, $0x7;
	[tilespmem:$0x4090] =	vst v62  }
0x17c: {  	[tilespmem:$0x40A0] =	vst v63  }
0x17d: {  	[tilespmem:s29], [sflag:$0x1] =	stream.indirect.gather [hbm4b:s28+s30], $0x80, s31, s30, $0xb8;
	[tilespmem:$0x6100] =	vst v63  }
0x17e: {  	s1 =	sadd.s32 $0xFFFFFFFF, s1;
	_ =	swait.ge [sflag:s8], $0x2000  }
.LBB2_2:
0x17f: {  	[sflag:s8] =	ssyncset.done $0x0  }
0x180: {  	s0 =	rddreg [dreg:$0x12];
	[sflag:s8] =	ssyncadd.s32 $0xFFFFE000  }
0x181: {  	[hbm4b:s0+s3] =	stream.linear.scatter [tilespmem:s29], [sflag:$0x2], $0x2000, $0x38;
	[tilespmem:$0x6100] =	vst v63  }
0x182: {  	_ =	swait.ge [sflag:s6], $0x2000  }
0x183: {  	[sflag:s6] =	ssyncset.done $0x0  }
0x184: {  	[sflag:s6] =	ssyncadd.s32 $0xFFFFE000  }
0x185: {  	_ =	sfence.sel $0x180000  }
0x186: {  	[bflag:$0x0] =	sbarrier.arrive $0xFFFF  }
0x187: {  	_ =	strace $0x90000050  }
0x188: {  	s31 =	stileid.u32;
	[bflag:$0x2] =	sbarrier.arrive $0xFFFF  }
0x189: {  	p0 =	sne.s32 s31, $0x0;
	s0 =	rddreg [dreg:$0x5]  }
0x18a: {  	s0 =	sadd.s32 @!p0 $0x100000, s0  }
0x18b: {  	[sflag:s0] =	ssyncadd.tile.s32 @!p0 $0x1;
	_ =	shalt  }
.Lfunc_end2:
_tile_overlayer_lowered:
.L_overlay_start_2:
0x18c: {  	(tag) =	ssettag $0x2  }
0x18d: {  	s0 =	rddreg [dreg:$0x0];
	s2 =	stileid.u32  }
0x18e: {  	s1 =	rddreg [dreg:$0x1];
	p0 =	sne.s32 s2, $0x0  }
0x18f: {  	s3 =	rddreg [dreg:$0x2];
	[bflag:$0x3] =	sbarrier.arrive $0xFFFF;
	s2 =	simm.s32 @!p0 $0x1C02  }
0x190: {  	[timem:s3], [sflag:s2] =	dma.local @!p0 [hbm:s0], s1  }
0x191: {  	s0 =	simm.s32 @!p0 $0x2  }
0x192: {  	_ =	swait.ge @!p0 [sflag:s0], s1  }
0x193: {  	s1 =	ssub.s32 @!p0 $0x0, s1;
	[sflag:s0] =	ssyncset.done @!p0 $0x0  }
0x194: {  	[sflag:s0] =	ssyncadd.s32 @!p0 s1  }
0x195: {  	[bflag:$0x3] =	sbarrier.arrive $0xFFFF  }
0x196: {  	_ =	shalt  }

// kernel: scatter_offload_async_start.1
scs
__scs_entry_jumppad:
0x0: {  	(pc) =	sbr.rel $0x88, $3  }
0x1: {  	(tag) =	ssettag $0x0;
	lr =	simm.s32 $0x1  }
0x2: {  	[smem:$0x3F8F] =	sst lr;
	_ =	strace $0xD0000000  }
0x3: {  	_ = 	snop  }
0x4: {  	_ = 	snop  }
0x5: {  	_ = 	snop  }
0x6: {  	_ = 	snop  }
0x7: {  	_ = 	snop  }
__scs_overlays_trampoline_lowered:
0x8: {  	[smem:$0x3F9E] =	sst s0  }
0x9: {  	[smem:$0x3F9F] =	sst s1  }
0xa: {  	[smem:$0x3FA0] =	sst s2  }
0xb: {  	[smem:$0x3FA1] =	sst s3  }
0xc: {  	[smem:$0x3FA2] =	sst s4  }
0xd: {  	[smem:$0x3FA3] =	sst s5  }
0xe: {  	[smem:$0x3FA4] =	sst s6  }
0xf: {  	[smem:$0x3FA5] =	sst s7  }
0x10: {  	[smem:$0x3FA6] =	sst s8  }
0x11: {  	[smem:$0x3FA7] =	sst s9;
	s0 =	simm.s32 @!p0 $0x0  }
0x12: {  	s1 =	sld [smem:$0x3F8D];
	s0 =	simm.s32 @p0 $0x1  }
0x13: {  	[smem:$0x3FA8] =	sst s0;
	s0 =	simm.s32 @!p1 $0x0  }
0x14: {  	s2 =	sld [smem:$0x3F8C];
	s0 =	simm.s32 @p1 $0x1  }
0x15: {  	[smem:$0x3FA9] =	sst s0;
	s0 =	simm.s32 @!p2 $0x0  }
0x16: {  	s3 =	sld [smem:$0x3FDB];
	s0 =	simm.s32 @p2 $0x1  }
0x17: {  	s4 =	simm.s32 $0x1BF5;
	[smem:$0x3FAB] =	sst s0  }
0x18: {  	s0 =	sld [smem:$0x3F8E];
	_ =	swait.ge [sflag:s4], $0x0  }
0x19: {  	s7 =	sld [smem:$0x3F8F]  }
0x1a: {  	s8 =	sadd.s32 $0xFFFFE003, lr  }
0x1b: {  	s9 =	sadd.s32 $0xFFFFFEF7, lr;
	s5 =	simm.s32 $0xFFFFFFFF;
	p2 =	slt.u32 s8, $0xFFFFF086  }
0x1c: {  	p1 =	slt.u32 s9, $0xF7A;
	s5 =	simm.s32 @!p2 $0x0  }
0x1d: {  	s5 =	simm.s32 @p1 $0x1;
	p0 =	seq.s32 s7, s2  }
0x1e: {  	s7 =	smul.u32 @!p0 $0xF7A, s2;
	p2 =	seq.s32 @!p0 s5, $0x0  }
0x1f: {  	s9 =	smul.u32 $0xF7A, s1;
	s8 =	simm.s32 @!p0 $0x1BF5;
	p2 =	por !p2, p0  }
0x20: {  	[sflag:s8] =	ssyncset.s32 @!p0 $0xFFFFF086;
	s6 =	sadd.s32 @!p0 s3, s7;
	s7 =	simm.s32 @!p0 $0x108  }
0x21: {  	s3 =	sadd.s32 s3, s9;
	s6 =	sadd.s32 @!p0 $0x88, s6;
	s7 =	simm.s32 @p2 $0x1082  }
0x22: {  	[simem:s7], [sflag:s8] =	dma.local @!p0 [hbm:s6], $0xF7A  }
0x23: {  	s9 =	sor.u32 $0xD0000000, s2;
	s6 =	simm.s32 $0x108;
	_ =	swait.ge @!p0 [sflag:s8], $0x0  }
0x24: {  	s3 =	sadd.s32 $0x88, s3;
	s6 =	simm.s32 @!p1 $0x1082;
	[sflag:s4] =	ssyncset.s32 $0xFFFFF086  }
0x25: {  	[simem:s6], [sflag:s4] =	dma.local [hbm:s3], $0xF7A  }
0x26: {  	[smem:$0x3F8F] =	sst s1;
	(tag) =	ssettag s2;
	_ =	strace s9  }
0x27: {  	s1 =	sld [smem:$0x3F9F]  }
0x28: {  	s2 =	sld [smem:$0x3FA0]  }
0x29: {  	s4 =	sld [smem:$0x3FA2]  }
0x2a: {  	p0 =	seq.s32 s5, $0x0;
	s5 =	sld [smem:$0x3FA3]  }
0x2b: {  	s6 =	sld [smem:$0x3FA4]  }
0x2c: {  	s7 =	sld [smem:$0x3FA5]  }
0x2d: {  	s3 =	simm.s32 $0x108;
	s8 =	sld [smem:$0x3FA6]  }
0x2e: {  	s3 =	simm.s32 @!p0 $0x1082;
	s9 =	sld [smem:$0x3FA7]  }
0x2f: {  	lr =	sadd.s32 s0, s3;
	s0 =	sld [smem:$0x3F9E]  }
0x30: {  	s3 =	sld [smem:$0x3FA1]  }
0x31: {  	[smem:$0x3FAA] =	sst s10  }
0x32: {  	s10 =	sld [smem:$0x3FA8];
	_ =	sdelay $0x3  }
0x33: {  	p0 =	seq.s32 s10, $0x1;
	s10 =	sld [smem:$0x3FAA];
	_ =	sdelay $0x3  }
0x34: {  	[smem:$0x3FAA] =	sst s10  }
0x35: {  	s10 =	sld [smem:$0x3FA9];
	_ =	sdelay $0x3  }
0x36: {  	p1 =	seq.s32 s10, $0x1;
	s10 =	sld [smem:$0x3FAA];
	_ =	sdelay $0x3  }
0x37: {  	[smem:$0x3FAA] =	sst s10  }
0x38: {  	s10 =	sld [smem:$0x3FAB]  }
0x39: {  	_ = 	snop;
	(pc) =	sbr.ind lr, $3  }
0x3a: {  	_ = 	snop  }
0x3b: {  	_ = 	snop  }
0x3c: {  	p2 =	seq.s32 s10, $0x1;
	s10 =	sld [smem:$0x3FAA]  }
0x3d: {  	_ =	shalt  }
0x3e: {  	_ =	shalt  }
0x3f: {  	_ =	shalt  }
0x40: {  	_ =	shalt  }
0x41: {  	_ =	shalt  }
0x42: {  	_ =	shalt  }
0x43: {  	_ =	shalt  }
0x44: {  	_ =	shalt  }
0x45: {  	_ =	shalt  }
0x46: {  	_ =	shalt  }
0x47: {  	_ =	shalt  }
0x48: {  	_ =	shalt  }
0x49: {  	_ =	shalt  }
0x4a: {  	_ =	shalt  }
0x4b: {  	_ =	shalt  }
0x4c: {  	_ =	shalt  }
0x4d: {  	_ =	shalt  }
0x4e: {  	_ =	shalt  }
0x4f: {  	_ =	shalt  }
0x50: {  	_ =	shalt  }
0x51: {  	_ =	shalt  }
0x52: {  	_ =	shalt  }
0x53: {  	_ =	shalt  }
0x54: {  	_ =	shalt  }
0x55: {  	_ =	shalt  }
0x56: {  	_ =	shalt  }
0x57: {  	_ =	shalt  }
0x58: {  	_ =	shalt  }
0x59: {  	_ =	shalt  }
0x5a: {  	_ =	shalt  }
0x5b: {  	_ =	shalt  }
0x5c: {  	_ =	shalt  }
0x5d: {  	_ =	shalt  }
0x5e: {  	_ =	shalt  }
0x5f: {  	_ =	shalt  }
0x60: {  	_ =	shalt  }
0x61: {  	_ =	shalt  }
0x62: {  	_ =	shalt  }
0x63: {  	_ =	shalt  }
0x64: {  	_ =	shalt  }
0x65: {  	_ =	shalt  }
0x66: {  	_ =	shalt  }
0x67: {  	_ =	shalt  }
0x68: {  	_ =	shalt  }
0x69: {  	_ =	shalt  }
0x6a: {  	_ =	shalt  }
0x6b: {  	_ =	shalt  }
0x6c: {  	_ =	shalt  }
0x6d: {  	_ =	shalt  }
0x6e: {  	_ =	shalt  }
0x6f: {  	_ =	shalt  }
0x70: {  	_ =	shalt  }
0x71: {  	_ =	shalt  }
0x72: {  	_ =	shalt  }
0x73: {  	_ =	shalt  }
0x74: {  	_ =	shalt  }
0x75: {  	_ =	shalt  }
0x76: {  	_ =	shalt  }
0x77: {  	_ =	shalt  }
0x78: {  	_ =	shalt  }
0x79: {  	_ =	shalt  }
0x7a: {  	_ =	shalt  }
0x7b: {  	_ =	shalt  }
0x7c: {  	_ =	shalt  }
0x7d: {  	_ =	shalt  }
0x7e: {  	_ =	shalt  }
0x7f: {  	_ =	shalt  }
0x80: {  	_ =	shalt  }
0x81: {  	_ =	shalt  }
0x82: {  	_ =	shalt  }
0x83: {  	_ =	shalt  }
0x84: {  	_ =	shalt  }
0x85: {  	_ =	shalt  }
0x86: {  	_ =	shalt  }
0x87: {  	_ =	shalt  }
.Lfunc_end0:
.L_simem_size_0:
called_computation.1_lowered:
.L_overlay_start_0:
0x88: {  	s0 =	sld [smem:$0x3FD9]  }
0x89: {  	s1 =	sld [smem:$0x3FFE];
	_ =	sdelay $0x3  }
0x8a: {  	s0 =	sadd.s32 s1, s0  }
0x8b: {  	[smem:$0x3FB6] =	sst s0  }
0x8c: {  	_ = 	snop  }
0x8d: {  	(tm) =	ssettm $0x1  }
0x8e: {  	s14 =	sld [smem:$0x3FFB];
	_ =	sdelay $0x3  }
0x8f: {  	_ =	strace s14  }
0x90: {  	s0 =	sld [smem:$0x3FFC];
	_ =	sdelay $0x3  }
0x91: {  	_ =	strace s0  }
0x92: {  	s0 =	sld [smem:$0x3FFD];
	_ =	sdelay $0x3  }
0x93: {  	_ =	strace s0  }
0x94: {  	_ =	strace $0x8FFFFFFF  }
0x95: {  	s15 =	sld [smem:$0x3FDB];
	_ =	sdelay $0x1  }
0x96: {  	s16 =	simm.s32 $_scs_section_size  }
0x97: {  	s2 =	simm.s32 $_size__tile_overlayer_lowered;
	s3 =	simm.s32 $_tile_overlayer_lowered  }
0x98: {  	s4 =	simm.s32 $0x1BFF;
	s17 =	sshll.u32 s3, $0x1;
	s1 =	sadd.s32 s16, s15  }
0x99: {  	s18 =	simm.s32 $0x0;
	s2 =	sshll.u32 s2, $0x1;
	s3 =	sadd.s32 s17, s1  }
0x9a: {  	[timem:s18], [sflag:s4] =	dma.local [hbm:s3], s2  }
0x9b: {  	_ =	swait.ge [sflag:s4], s2  }
0x9c: {  	s2 =	ssub.s32 $0x0, s2;
	[sflag:s4] =	ssyncset.done $0x0  }
0x9d: {  	[sflag:s4] =	ssyncadd.s32 s2;
	_ =	sdelay $0x1  }
0x9e: {  	s19 =	simm.s32 $0x1B8B  }
0x9f: {  	_ =	swait.ge [sflag:s19], $0x1  }
0xa0: {  	[sflag:s19] =	ssyncset.done $0x0  }
0xa1: {  	s21 =	simm.s32 $0x1B8E;
	s20 =	sld [smem:$0x3FFE];
	[sflag:s19] =	ssyncadd.s32 $0xFFFFFFFF  }
0xa2: {  	s22 =	simm.s32 $execute0_lowered;
	[smem:$0x3FD2] =	sst s21  }
0xa3: {  	s3 =	sshll.u32 s22, $0x1;
	_ =	strace $0x80000046;
	[dreg:$0x1] =	wrdreg $0xFFFFFFFF  }
0xa4: {  	s23 =	simm.s32 $_size_execute0_lowered;
	s3 =	sadd.s32 s1, s3;
	[dreg:$0x0] =	wrdreg $0x0  }
0xa5: {  	s4 =	sshll.u32 s23, $0x1;
	[dreg:$0x2] =	wrdreg s3  }
0xa6: {  	[dreg:$0x3] =	wrdreg s4  }
0xa7: {  	[dreg:$0x4] =	wrdreg $0xC0  }
0xa8: {  	s24 =	simm.s32 $execute1_lowered;
	_ =	task [dreg:s18], $0x5FFFF  }
0xa9: {  	s3 =	sshll.u32 s24, $0x1;
	[dreg:$0x1] =	wrdreg $0xFFFFFFFF  }
0xaa: {  	s1 =	sadd.s32 s1, s3;
	[dreg:$0x0] =	wrdreg $0x60  }
0xab: {  	[dreg:$0x2] =	wrdreg s1  }
0xac: {  	[dreg:$0x3] =	wrdreg s20  }
0xad: {  	[dreg:$0x4] =	wrdreg $0x9  }
0xae: {  	_ =	task.clear_ibuf [dreg:s18], $0x5FFFF;
	_ =	strace $0x90000046  }
0xaf: {  	s25 =	simm.s32 $0x9;
	_ =	strace $0x80000048  }
0xb0: {  	_ =	swait.ge [sflag:s25], $0x1  }
0xb1: {  	[sflag:s25] =	ssyncadd.s32 $0xFFFFFFFF  }
0xb2: {  	_ =	strace $0x90000048  }
0xb3: {  	_ =	strace $0x80000049;
	[dreg:$0x1] =	wrdreg $0xFFFFFFFF  }
0xb4: {  	[dreg:$0x0] =	wrdreg $0x2030  }
0xb5: {  	[dreg:$0x2] =	wrdreg s20  }
0xb6: {  	[dreg:$0x3] =	wrdreg $0xA  }
0xb7: {  	_ =	task.clear_ibuf [dreg:s18], $0x4FFFF;
	_ =	strace $0x90000049  }
0xb8: {  	s26 =	simm.s32 $0xA;
	_ =	strace $0x8000004B  }
0xb9: {  	_ =	swait.ge [sflag:s26], $0x1  }
0xba: {  	[sflag:s26] =	ssyncadd.s32 $0xFFFFFFFF  }
0xbb: {  	_ =	strace $0x9000004B  }
0xbc: {  	_ =	sfence  }
0xbd: {  	s28 =	sld [smem:$0x0];
	_ =	sdelay $0x1  }
0xbe: {  	s29 =	srdreg.scid  }
0xbf: {  	s30 =	sshll.u32 s29, $0xD;
	s31 =	sshrl.u32 s29, $0x2  }
0xc0: {  	s2 =	sand.u32 $0x1, s29;
	s3 =	sand.u32 $0x4000, s30;
	s1 =	sadd.s32 s31, s28  }
0xc1: {  	s2 =	sor.u32 s3, s2;
	s1 =	sshll.u32 s1, $0x11  }
0xc2: {  	s1 =	sor.u32 s1, s2  }
0xc3: {  	s1 =	sadd.s32 $0x8F2B, s1  }
0xc4: {  	[sflag:s1] =	ssyncadd.remote.s32 $0x1  }
0xc5: {  	_ =	sfence.sel $0xFFFF  }
0xc6: {  	[dreg:$0x0] =	wrdreg $0xFFFFFFFF;
	(pc) =	sbr.abs _section_cstart, $3  }
0xc7: {  	[dreg:$0x1] =	wrdreg $0xFFFFFFFF  }
0xc8: {  	_ =	task.clear_ibuf [dreg:s18], $0x2FFFF;
	_ =	strace $0x9FFFFFFF  }
0xc9: {  	(tm) =	ssettm $0x7FFFFFFF  }
tec
execute0_lowered:
.L_overlay_start_1:
0x0: {  	(tag) =	ssettag $0x1  }
0x1: {  	s2 =	rddreg [dreg:$0x0]  }
0x2: {  	s4 =	rddreg [dreg:$0x1]  }
0x3: {  	s0 =	rddreg [dreg:$0x2];
	s3 =	stileid.u32  }
0x4: {  	[bflag:$0x3] =	sbarrier.arrive $0xFFFF;
	s1 =	simm.s32 $_size_execute1_lowered;
	p0 =	sne.s32 s3, $0x0  }
0x5: {  	s1 =	sshll.u32 s1, $0x1;
	s5 =	simm.s32 @!p0 $0x1C3F;
	s6 =	simm.s32 @!p0 $0x4060  }
0x6: {  	[timem:s6], [sflag:s5] =	dma.local @!p0 [hbm:s2], s1  }
0x7: {  	s2 =	smul.u32 $0x640, s3  }
.Ltmp0:
0x8: {  	s31 =	simm.s32 $0x2;
	s7 =	simm.s32 $0x640;
	(pc) =	sbr.rel .LBB2_1-.Ltmp0, $4  }
0x9: {  	s8 =	simm.s32 $0x12C0;
	s10 =	simm.s32 $0x0;
	s9 =	simm.s32 $0x0  }
0xa: {  	s3 =	simm.s32 $0x1;
	_ =	strace $0x80000047;
	s30 =	sshrl.u32 s2, $0x3  }
0xb: {  	s6 =	simm.s32 $0x0;
	[sflag:s3] =	ssyncpa.u1 $0x0;
	s5 =	sadd.s32 s30, s4  }
0xc: {  	s4 =	sadd.s32 $0x4200, s4;
	[sflag:s31] =	ssyncpa.u1 $0x0;
	s5 =	sadd.s32 $0x3400, s5  }
.LBB2_9:
0xd: {  	p1 =	seq.s32 s9, $0x2  }
.Ltmp1:
0xe: {  	_ = 	snop;
	(pc) =	sbr.rel @p1 .LBB2_11-.Ltmp1, $1  }
0xf: {  	_ =	sdelay $0x3  }
.LBB2_10:
0x10: {  	s9 =	sadd.s32 $0x1, s9;
	s10 =	smov.u32 s2  }
.LBB2_1:
0x11: {  	p1 =	sne.s32 s9, $0x0  }
.Ltmp2:
0x12: {  	_ = 	snop;
	(pc) =	sbr.rel @!p1 .LBB2_2-.Ltmp2, $1  }
0x13: {  	_ =	sdelay $0x3  }
0x14: {  	s11 =	sand.u32 $0x1, s9  }
0x15: {  	p1 =	seq.s32 s11, $0x0  }
.Ltmp3:
0x16: {  	_ = 	snop;
	(pc) =	sbr.rel @p1 .LBB2_9-.Ltmp3, $1  }
0x17: {  	_ =	sdelay $0x3  }
0x18: {  	_ =	swait.ge [sflag:s3], $0x640  }
0x19: {  	[sflag:s3] =	ssyncset.done $0x0  }
0x1a: {  	s16 =	simm.s32 $0x730;
	[sflag:s3] =	ssyncadd.s32 $0xFFFFF9C0  }
0x1b: {  	v0 =	vld [tilespmem:s16+$0x0]  }
0x1c: {  	v1 =	vld [tilespmem:s16+$0xFFFFFF20]  }
0x1d: {  	v2 =	vld [tilespmem:s16+$0xFFFFFF30]  }
0x1e: {  	v3 =	vld [tilespmem:s16+$0xFFFFFF40]  }
0x1f: {  	s11 =	simm.s32 $0x13B0;
	v4 =	vld [tilespmem:s16+$0xFFFFFF50]  }
0x20: {  	v5 =	vld [tilespmem:s16+$0xFFFFFF60];
	[tilespmem:s11+$0x0] =	vst v0  }
0x21: {  	[tilespmem:s11+$0xFFFFFF20] =	vst v1;
	v0 =	vld [tilespmem:s16+$0xFFFFFF70]  }
0x22: {  	[tilespmem:s11+$0xFFFFFF30] =	vst v2;
	v1 =	vld [tilespmem:s16+$0xFFFFFF80]  }
0x23: {  	[tilespmem:s11+$0xFFFFFF40] =	vst v3;
	v2 =	vld [tilespmem:s16+$0xFFFFFF90]  }
0x24: {  	[tilespmem:s11+$0xFFFFFF50] =	vst v4;
	v3 =	vld [tilespmem:s16+$0xFFFFFFA0]  }
0x25: {  	[tilespmem:s11+$0xFFFFFF60] =	vst v5;
	v5 =	vld [tilespmem:s16+$0xFFFFFFB0]  }
0x26: {  	[tilespmem:s11+$0xFFFFFF70] =	vst v0;
	v0 =	vld [tilespmem:s16+$0xFFFFFFC0]  }
0x27: {  	[tilespmem:s11+$0xFFFFFF80] =	vst v1;
	v1 =	vld [tilespmem:s16+$0xFFFFFFD0]  }
0x28: {  	[tilespmem:s11+$0xFFFFFF90] =	vst v2;
	v2 =	vld [tilespmem:s16+$0xFFFFFFE0]  }
0x29: {  	s15 =	simm.s32 $0x0;
	s12 =	simm.s32 $0x5F0;
	[tilespmem:s11+$0xFFFFFFA0] =	vst v3;
	v3 =	vld [tilespmem:s16+$0xFFFFFFF0]  }
0x2a: {  	s13 =	simm.s32 $0x18C0;
	s14 =	simm.s32 $0xC40;
	v4 =	vld [tilespmem:s16+$0xFFFFFF10];
	[tilespmem:s11+$0xFFFFFFB0] =	vst v5;
	s16 =	simm.s32 $0x830  }
.LBB2_5:
0x2b: {  	v5 =	vld [tilespmem:s16+$0x0];
	s15 =	sadd.s32 $0x100, s15;
	[tilespmem:s11+$0xFFFFFFC0] =	vst v0  }
0x2c: {  	v0 =	vld [tilespmem:s16+$0xFFFFFF20];
	p1 =	slt.u32 s15, $0x500;
	[tilespmem:s11+$0xFFFFFFD0] =	vst v1  }
0x2d: {  	v1 =	vld [tilespmem:s16+$0xFFFFFF30];
	[tilespmem:s11+$0xFFFFFFE0] =	vst v2  }
0x2e: {  	v2 =	vld [tilespmem:s16+$0xFFFFFF40];
	[tilespmem:s11+$0xFFFFFFF0] =	vst v3  }
0x2f: {  	v3 =	vld [tilespmem:s16+$0xFFFFFF50];
	[tilespmem:s11+$0xFFFFFF10] =	vst v4;
	s11 =	sadd.s32 $0x100, s11  }
0x30: {  	v4 =	vld [tilespmem:s16+$0xFFFFFF60];
	[tilespmem:s11+$0x0] =	vst v5  }
0x31: {  	[tilespmem:s11+$0xFFFFFF20] =	vst v0;
	v0 =	vld [tilespmem:s16+$0xFFFFFF70]  }
0x32: {  	[tilespmem:s11+$0xFFFFFF30] =	vst v1;
	v1 =	vld [tilespmem:s16+$0xFFFFFF80]  }
0x33: {  	[tilespmem:s11+$0xFFFFFF40] =	vst v2;
	v2 =	vld [tilespmem:s16+$0xFFFFFF90]  }
0x34: {  	[tilespmem:s11+$0xFFFFFF50] =	vst v3;
	v3 =	vld [tilespmem:s16+$0xFFFFFFA0]  }
0x35: {  	[tilespmem:s11+$0xFFFFFF60] =	vst v4;
	v5 =	vld [tilespmem:s16+$0xFFFFFFB0]  }
.Ltmp4:
0x36: {  	[tilespmem:s11+$0xFFFFFF70] =	vst v0;
	v0 =	vld [tilespmem:s16+$0xFFFFFFC0];
	(pc) =	sbr.rel @p1 .LBB2_5-.Ltmp4, $4  }
0x37: {  	[tilespmem:s11+$0xFFFFFF80] =	vst v1;
	v1 =	vld [tilespmem:s16+$0xFFFFFFD0]  }
0x38: {  	[tilespmem:s11+$0xFFFFFF90] =	vst v2;
	v2 =	vld [tilespmem:s16+$0xFFFFFFE0]  }
0x39: {  	[tilespmem:s11+$0xFFFFFFA0] =	vst v3;
	v3 =	vld [tilespmem:s16+$0xFFFFFFF0]  }
0x3a: {  	v4 =	vld [tilespmem:s16+$0xFFFFFF10];
	[tilespmem:s11+$0xFFFFFFB0] =	vst v5;
	s16 =	sadd.s32 $0x100, s16  }
0x3b: {  	[tilespmem:s11+$0xFFFFFFC0] =	vst v0  }
0x3c: {  	[tilespmem:s11+$0xFFFFFFD0] =	vst v1  }
0x3d: {  	[tilespmem:s11+$0xFFFFFFE0] =	vst v2  }
0x3e: {  	[tilespmem:s11+$0xFFFFFFF0] =	vst v3  }
0x3f: {  	[tilespmem:s11+$0xFFFFFF10] =	vst v4  }
.LBB2_7:
0x40: {  	s12 =	sadd.s32 $0x10, s12  }
0x41: {  	v0 =	vld [tilespmem:s14+$0x0];
	p1 =	slt.u32 s12, $0x630  }
.Ltmp5:
0x42: {  	_ = 	snop;
	(pc) =	sbr.rel @p1 .LBB2_7-.Ltmp5, $2  }
0x43: {  	_ =	sdelay $0x2  }
0x44: {  	s14 =	sadd.s32 $0x10, s14;
	[tilespmem:s13+$0x0] =	vst v0;
	s13 =	sadd.s32 $0x10, s13  }
.Ltmp6:
0x45: {  	(pc) =	sbr.rel .LBB2_9-.Ltmp6, $4  }
0x46: {  	_ = 	snop  }
0x47: {  	s10 =	sshrl.u32 s10, $0x3  }
0x48: {  	s10 =	sadd.s32 s4, s10  }
0x49: {  	[hbm4b:s10+s6] =	stream.linear.scatter [tilespmem:s8], [sflag:$0x2], $0x640, $0x38;
	[tilespmem:$0x1900] =	vst v63  }
.LBB2_2:
.Ltmp7:
0x4a: {  	(pc) =	sbr.rel .LBB2_10-.Ltmp7, $2  }
0x4b: {  	_ =	sdelay $0x2  }
0x4c: {  	[tilespmem:s7], [sflag:$0x1] =	stream.linear.gather [hbm4b:s5+s6], $0x640, $0x38;
	[tilespmem:$0x1900] =	vst v63  }
.LBB2_11:
0x4d: {  	s2 =	simm.s32 $0x2  }
0x4e: {  	_ =	swait.ge [sflag:s2], $0x640  }
0x4f: {  	[sflag:s2] =	ssyncset.done $0x0  }
0x50: {  	[sflag:s2] =	ssyncadd.s32 $0xFFFFF9C0  }
0x51: {  	_ =	sfence.sel $0x180000  }
0x52: {  	s3 =	simm.s32 $0x1;
	[bflag:$0x0] =	sbarrier.arrive $0xFFFF  }
0x53: {  	[sflag:s3] =	ssyncpa.u1 $0x1  }
0x54: {  	[sflag:s2] =	ssyncpa.u1 $0x1  }
0x55: {  	_ =	strace $0x90000047  }
0x56: {  	s0 =	sadd.s32 @!p0 $0x100000, s0;
	[bflag:$0x2] =	sbarrier.arrive $0xFFFF  }
0x57: {  	[sflag:s0] =	ssyncadd.tile.s32 @!p0 $0x1;
	s0 =	simm.s32 @!p0 $0x3F  }
0x58: {  	_ =	swait.ge @!p0 [sflag:s0], s1  }
0x59: {  	s1 =	ssub.s32 @!p0 $0x0, s1;
	[sflag:s0] =	ssyncset.done @!p0 $0x0  }
0x5a: {  	[sflag:s0] =	ssyncadd.s32 @!p0 s1  }
0x5b: {  	[bflag:$0x3] =	sbarrier.arrive $0xFFFF  }
0x5c: {  	_ =	shalt  }
.Lfunc_end2:
execute1_lowered:
.L_overlay_start_2:
0x5d: {  	(tag) =	ssettag $0x2  }
0x5e: {  	s2 =	rddreg [dreg:$0x0]  }
0x5f: {  	s0 =	rddreg [dreg:$0x1]  }
0x60: {  	_ =	strace $0x8000004A;
	s4 =	stileid.u32;
	s5 =	simm.s32 $0x3E  }
0x61: {  	s1 =	sadd.s32 $0x4200, s2;
	p0 =	sne.s32 s4, $0x0;
	[sflag:s5] =	ssyncpa.u1 $0x0  }
0x62: {  	s30 =	smin.u32 s4, $0x9;
	s3 =	simm.s32 @!p0 $0x1C3E;
	s6 =	simm.s32 @!p0 $0x0  }
0x63: {  	[spmem:s6], [sflag:s3] =	dma.local @!p0 [hbm:s1], $0xC80  }
0x64: {  	s3 =	sadd.s32 s4, s30  }
0x65: {  	p1 =	slt.u32 s4, $0x9;
	s4 =	simm.s32 $0xFA0;
	s3 =	smul.u32 $0x7D0, s3  }
0x66: {  	s4 =	simm.s32 @!p1 $0x7D0  }
0x67: {  	s4 =	sadd.s32 s4, s3  }
0x68: {  	s4 =	smin.u32 s4, $0xC350  }
0x69: {  	s7 =	ssub.s32 s4, s3  }
0x6a: {  	p1 =	sgt.s32 s7, $0x0  }
0x6b: {  	s7 =	simm.s32 @!p1 $0x0  }
0x6c: {  	s8 =	sand.u32 $0xFFF0, s7  }
0x6d: {  	s8 =	sshrl.u32 s8, $0x4  }
0x6e: {  	s6 =	simm.s32 @!p0 $0x3E;
	s31 =	smul.u32 $0x1063, s8  }
0x6f: {  	_ =	swait.ge @!p0 [sflag:s6], $0xC80  }
0x70: {  	[sflag:s6] =	ssyncset.done @!p0 $0x0;
	s8 =	sshrl.u32 s31, $0x13  }
0x71: {  	s11 =	simm.s32 $0x0;
	[sflag:s6] =	ssyncadd.s32 @!p0 $0xFFFFF380;
	s9 =	smul.u32 $0x7D0, s8  }
.Ltmp8:
0x72: {  	s6 =	simm.s32 $0x2;
	[bflag:$0x0] =	sbarrier.arrive $0xFFFF;
	(pc) =	sbr.rel .LBB3_1-.Ltmp8, $4  }
0x73: {  	s10 =	smov.u32 s3;
	[sflag:s5] =	ssyncpa.u1 $0x1;
	s5 =	simm.s32 $0x1  }
0x74: {  	[sflag:s5] =	ssyncpa.u1 $0x0;
	p1 =	sne.s32 s7, s9;
	s9 =	simm.s32 $0x1  }
0x75: {  	(ifvalue) =	ssetifvalue $0x6400;
	[sflag:s6] =	ssyncpa.u1 $0x0;
	s9 =	simm.s32 @!p1 $0x0  }
0x76: {  	vm0 =	vmmov $0xffff;
	s7 =	sadd.s32 $0x1A00, s2;
	s8 =	sadd.s32 s8, s9;
	s9 =	simm.s32 $0x0  }
.LBB3_5:
0x77: {  	p2 =	sne.s32 s11, s8  }
.Ltmp9:
0x78: {  	_ = 	snop;
	(pc) =	sbr.rel @!p2 .LBB3_6-.Ltmp9, $4  }
0x79: {  	_ = 	snop  }
0x7a: {  	s12 =	sadd.s32 $0x7D0, s10  }
0x7b: {  	s10 =	smov.u32 s3;
	s13 =	sadd.s32 $0x1, s11;
	p1 =	slt.s32 s12, s4  }
0x7c: {  	s11 =	smov.u32 s13;
	s10 =	smov.u32 @p1 s12  }
.LBB3_1:
0x7d: {  	p1 =	sge.u32 s11, s8  }
0x7e: {  	s12 =	sxor.u32 @!p1 $0xFFFFFFFF, s11  }
0x7f: {  	s12 =	sand.u32 @!p1 $0x1, s12  }
0x80: {  	s12 =	smul.u32 @!p1 $0x7D0, s12  }
0x81: {  	s13 =	sshrl.u32 @!p1 s10, $0x3  }
0x82: {  	s16 =	sand.u32 @!p1 $0x7, s10;
	s14 =	sadd.s32 @!p1 s2, s13;
	s15 =	sadd.s32 @!p1 $0x640, s12  }
0x83: {  	[tilespmem:s15], [sflag:$0x2] =	stream.linear.gather @!p1 [hbm4b:s14+s16], $0x7D0, $0x38;
	[tilespmem:$0x2580] =	vst v63  }
0x84: {  	s13 =	sadd.s32 @!p1 s7, s13;
	s12 =	sadd.s32 @!p1 $0x15E0, s12  }
0x85: {  	[tilespmem:s12], [sflag:$0x2] =	stream.linear.gather @!p1 [hbm4b:s13+s16], $0x7D0, $0x38;
	[tilespmem:$0x2580] =	vst v63  }
0x86: {  	p1 =	seq.s32 s11, $0x0  }
.Ltmp10:
0x87: {  	_ = 	snop;
	(pc) =	sbr.rel @p1 .LBB3_5-.Ltmp10, $1  }
0x88: {  	_ =	sdelay $0x3  }
0x89: {  	s12 =	sand.u32 $0x1, s11  }
0x8a: {  	_ =	swait.ge [sflag:s6], $0xFA0;
	p1 =	seq.s32 s12, $0x1;
	s12 =	simm.s32 $0x7D0  }
0x8b: {  	[sflag:s6] =	ssyncset.done $0x0;
	s12 =	simm.s32 @!p1 $0x0  }
0x8c: {  	[sflag:s6] =	ssyncadd.s32 $0xFFFFF060;
	s14 =	sadd.s32 $0x640, s12  }
0x8d: {  	v0 =	vld.msk [tilespmem:s14+$0x0 ss:$0x1], $0xffff;
	_ =	sdelay $0x4  }
0x8e: {  	v0 =	vmin.u32 v0, $0x6400;
	_ =	sdelay $0x3  }
0x8f: {  	s13 =	simm.s32 $0x0;
	s12 =	sadd.s32 $0x15E0, s12;
	s14 =	sadd.s32 $0x10, s14  }
0x90: {  	[spmem:s9] =	stream.indirect_vreg.scatter.add.s32 [tilespmem:s12], [sflag:$0x1], $0x1, v0, vm0, $0x4038;
	[tilespmem:$0x2580] =	vst v63  }
.LBB3_3:
0x91: {  	v0 =	vld.msk [tilespmem:s14+$0x0 ss:$0x1], $0xffff;
	s13 =	sadd.s32 $0x10, s13  }
0x92: {  	p1 =	slt.u32 s13, $0x7C0;
	_ =	sdelay $0x4  }
0x93: {  	v0 =	vmin.u32 v0, $0x6400  }
.Ltmp11:
0x94: {  	(pc) =	sbr.rel @p1 .LBB3_3-.Ltmp11, $3  }
0x95: {  	_ =	sdelay $0x1  }
0x96: {  	s14 =	sadd.s32 $0x10, s14;
	s12 =	sadd.s32 $0x10, s12  }
0x97: {  	[spmem:s9] =	stream.indirect_vreg.scatter.add.s32 [tilespmem:s12], [sflag:$0x1], $0x1, v0, vm0, $0x4038;
	[tilespmem:$0x2580] =	vst v63  }
.Ltmp12:
0x98: {  	(pc) =	sbr.rel .LBB3_5-.Ltmp12, $4  }
0x99: {  	_ = 	snop  }
0x9a: {  	_ =	swait.ge [sflag:s5], $0x7D0  }
0x9b: {  	[sflag:s5] =	ssyncset.done $0x0  }
0x9c: {  	[sflag:s5] =	ssyncadd.s32 $0xFFFFF830  }
.LBB3_6:
0x9d: {  	_ =	sfence.sel $0x180000  }
0x9e: {  	s2 =	simm.s32 $0x2;
	[bflag:$0x0] =	sbarrier.arrive $0xFFFF  }
0x9f: {  	s30 =	simm.s32 $0x1;
	[sflag:s2] =	ssyncpa.u1 $0x1  }
0xa0: {  	[sflag:s30] =	ssyncpa.u1 $0x1  }
0xa1: {  	_ =	sfence.stream.spmem  }
0xa2: {  	s31 =	simm.s32 $0x3D;
	[bflag:$0x0] =	sbarrier.arrive $0xFFFF  }
0xa3: {  	s2 =	simm.s32 @p0 $0x3D;
	[sflag:s31] =	ssyncpa.u1 $0x0  }
0xa4: {  	[sflag:s2] =	ssyncpa.u1 @p0 $0x1  }
0xa5: {  	[bflag:$0x0] =	sbarrier.arrive @p0 $0xFFFF  }
0xa6: {  	_ =	strace @p0 $0x9000004A  }
0xa7: {  	s3 =	simm.s32 @!p0 $0x1C3D;
	s2 =	simm.s32 @!p0 $0x0;
	[bflag:$0x2] =	sbarrier.arrive @p0 $0xFFFF  }
0xa8: {  	[hbm:s1], [sflag:s3] =	dma.local @!p0 [spmem:s2], $0xC80  }
0xa9: {  	s1 =	simm.s32 @!p0 $0x3D  }
0xaa: {  	_ =	swait.ge @!p0 [sflag:s1], $0xC80  }
0xab: {  	[sflag:s1] =	ssyncset.done @!p0 $0x0  }
0xac: {  	[sflag:s1] =	ssyncadd.s32 @!p0 $0xFFFFF380  }
0xad: {  	[sflag:s1] =	ssyncpa.u1 @!p0 $0x1  }
0xae: {  	[bflag:$0x0] =	sbarrier.arrive @!p0 $0xFFFF  }
0xaf: {  	_ =	strace @!p0 $0x9000004A  }
0xb0: {  	s0 =	sadd.s32 @!p0 $0x100000, s0;
	[bflag:$0x2] =	sbarrier.arrive @!p0 $0xFFFF  }
0xb1: {  	[sflag:s0] =	ssyncadd.tile.s32 @!p0 $0x1;
	_ =	shalt  }
.Lfunc_end3:
_tile_overlayer_lowered:
.L_overlay_start_3:
0xb2: {  	(tag) =	ssettag $0x3  }
0xb3: {  	s0 =	rddreg [dreg:$0x0];
	s2 =	stileid.u32  }
0xb4: {  	s1 =	rddreg [dreg:$0x1];
	p0 =	sne.s32 s2, $0x0  }
0xb5: {  	s3 =	rddreg [dreg:$0x2];
	[bflag:$0x3] =	sbarrier.arrive $0xFFFF;
	s2 =	simm.s32 @!p0 $0x1C01  }
0xb6: {  	[timem:s3], [sflag:s2] =	dma.local @!p0 [hbm:s0], s1  }
0xb7: {  	s0 =	simm.s32 @!p0 $0x1  }
0xb8: {  	_ =	swait.ge @!p0 [sflag:s0], s1  }
0xb9: {  	s1 =	ssub.s32 @!p0 $0x0, s1;
	[sflag:s0] =	ssyncset.done @!p0 $0x0  }
0xba: {  	[sflag:s0] =	ssyncadd.s32 @!p0 s1  }
0xbb: {  	[bflag:$0x3] =	sbarrier.arrive $0xFFFF  }
0xbc: {  	_ =	shalt  }

// kernel: scatter_offload_async_start
scs
__scs_entry_jumppad:
0x0: {  	(pc) =	sbr.rel $0x88, $3  }
0x1: {  	(tag) =	ssettag $0x0;
	lr =	simm.s32 $0x1  }
0x2: {  	[smem:$0x3F8F] =	sst lr;
	_ =	strace $0xD0000000  }
0x3: {  	_ = 	snop  }
0x4: {  	_ = 	snop  }
0x5: {  	_ = 	snop  }
0x6: {  	_ = 	snop  }
0x7: {  	_ = 	snop  }
__scs_overlays_trampoline_lowered:
0x8: {  	[smem:$0x3F9E] =	sst s0  }
0x9: {  	[smem:$0x3F9F] =	sst s1  }
0xa: {  	[smem:$0x3FA0] =	sst s2  }
0xb: {  	[smem:$0x3FA1] =	sst s3  }
0xc: {  	[smem:$0x3FA2] =	sst s4  }
0xd: {  	[smem:$0x3FA3] =	sst s5  }
0xe: {  	[smem:$0x3FA4] =	sst s6  }
0xf: {  	[smem:$0x3FA5] =	sst s7  }
0x10: {  	[smem:$0x3FA6] =	sst s8  }
0x11: {  	[smem:$0x3FA7] =	sst s9;
	s0 =	simm.s32 @!p0 $0x0  }
0x12: {  	s1 =	sld [smem:$0x3F8D];
	s0 =	simm.s32 @p0 $0x1  }
0x13: {  	[smem:$0x3FA8] =	sst s0;
	s0 =	simm.s32 @!p1 $0x0  }
0x14: {  	s2 =	sld [smem:$0x3F8C];
	s0 =	simm.s32 @p1 $0x1  }
0x15: {  	[smem:$0x3FA9] =	sst s0;
	s0 =	simm.s32 @!p2 $0x0  }
0x16: {  	s3 =	sld [smem:$0x3FDB];
	s0 =	simm.s32 @p2 $0x1  }
0x17: {  	s4 =	simm.s32 $0x1BF5;
	[smem:$0x3FAB] =	sst s0  }
0x18: {  	s0 =	sld [smem:$0x3F8E];
	_ =	swait.ge [sflag:s4], $0x0  }
0x19: {  	s7 =	sld [smem:$0x3F8F]  }
0x1a: {  	s8 =	sadd.s32 $0xFFFFE003, lr  }
0x1b: {  	s9 =	sadd.s32 $0xFFFFFEF7, lr;
	s5 =	simm.s32 $0xFFFFFFFF;
	p2 =	slt.u32 s8, $0xFFFFF086  }
0x1c: {  	p1 =	slt.u32 s9, $0xF7A;
	s5 =	simm.s32 @!p2 $0x0  }
0x1d: {  	s5 =	simm.s32 @p1 $0x1;
	p0 =	seq.s32 s7, s2  }
0x1e: {  	s7 =	smul.u32 @!p0 $0xF7A, s2;
	p2 =	seq.s32 @!p0 s5, $0x0  }
0x1f: {  	s9 =	smul.u32 $0xF7A, s1;
	s8 =	simm.s32 @!p0 $0x1BF5;
	p2 =	por !p2, p0  }
0x20: {  	[sflag:s8] =	ssyncset.s32 @!p0 $0xFFFFF086;
	s6 =	sadd.s32 @!p0 s3, s7;
	s7 =	simm.s32 @!p0 $0x108  }
0x21: {  	s3 =	sadd.s32 s3, s9;
	s6 =	sadd.s32 @!p0 $0x88, s6;
	s7 =	simm.s32 @p2 $0x1082  }
0x22: {  	[simem:s7], [sflag:s8] =	dma.local @!p0 [hbm:s6], $0xF7A  }
0x23: {  	s9 =	sor.u32 $0xD0000000, s2;
	s6 =	simm.s32 $0x108;
	_ =	swait.ge @!p0 [sflag:s8], $0x0  }
0x24: {  	s3 =	sadd.s32 $0x88, s3;
	s6 =	simm.s32 @!p1 $0x1082;
	[sflag:s4] =	ssyncset.s32 $0xFFFFF086  }
0x25: {  	[simem:s6], [sflag:s4] =	dma.local [hbm:s3], $0xF7A  }
0x26: {  	[smem:$0x3F8F] =	sst s1;
	(tag) =	ssettag s2;
	_ =	strace s9  }
0x27: {  	s1 =	sld [smem:$0x3F9F]  }
0x28: {  	s2 =	sld [smem:$0x3FA0]  }
0x29: {  	s4 =	sld [smem:$0x3FA2]  }
0x2a: {  	p0 =	seq.s32 s5, $0x0;
	s5 =	sld [smem:$0x3FA3]  }
0x2b: {  	s6 =	sld [smem:$0x3FA4]  }
0x2c: {  	s7 =	sld [smem:$0x3FA5]  }
0x2d: {  	s3 =	simm.s32 $0x108;
	s8 =	sld [smem:$0x3FA6]  }
0x2e: {  	s3 =	simm.s32 @!p0 $0x1082;
	s9 =	sld [smem:$0x3FA7]  }
0x2f: {  	lr =	sadd.s32 s0, s3;
	s0 =	sld [smem:$0x3F9E]  }
0x30: {  	s3 =	sld [smem:$0x3FA1]  }
0x31: {  	[smem:$0x3FAA] =	sst s10  }
0x32: {  	s10 =	sld [smem:$0x3FA8];
	_ =	sdelay $0x3  }
0x33: {  	p0 =	seq.s32 s10, $0x1;
	s10 =	sld [smem:$0x3FAA];
	_ =	sdelay $0x3  }
0x34: {  	[smem:$0x3FAA] =	sst s10  }
0x35: {  	s10 =	sld [smem:$0x3FA9];
	_ =	sdelay $0x3  }
0x36: {  	p1 =	seq.s32 s10, $0x1;
	s10 =	sld [smem:$0x3FAA];
	_ =	sdelay $0x3  }
0x37: {  	[smem:$0x3FAA] =	sst s10  }
0x38: {  	s10 =	sld [smem:$0x3FAB]  }
0x39: {  	_ = 	snop;
	(pc) =	sbr.ind lr, $3  }
0x3a: {  	_ = 	snop  }
0x3b: {  	_ = 	snop  }
0x3c: {  	p2 =	seq.s32 s10, $0x1;
	s10 =	sld [smem:$0x3FAA]  }
0x3d: {  	_ =	shalt  }
0x3e: {  	_ =	shalt  }
0x3f: {  	_ =	shalt  }
0x40: {  	_ =	shalt  }
0x41: {  	_ =	shalt  }
0x42: {  	_ =	shalt  }
0x43: {  	_ =	shalt  }
0x44: {  	_ =	shalt  }
0x45: {  	_ =	shalt  }
0x46: {  	_ =	shalt  }
0x47: {  	_ =	shalt  }
0x48: {  	_ =	shalt  }
0x49: {  	_ =	shalt  }
0x4a: {  	_ =	shalt  }
0x4b: {  	_ =	shalt  }
0x4c: {  	_ =	shalt  }
0x4d: {  	_ =	shalt  }
0x4e: {  	_ =	shalt  }
0x4f: {  	_ =	shalt  }
0x50: {  	_ =	shalt  }
0x51: {  	_ =	shalt  }
0x52: {  	_ =	shalt  }
0x53: {  	_ =	shalt  }
0x54: {  	_ =	shalt  }
0x55: {  	_ =	shalt  }
0x56: {  	_ =	shalt  }
0x57: {  	_ =	shalt  }
0x58: {  	_ =	shalt  }
0x59: {  	_ =	shalt  }
0x5a: {  	_ =	shalt  }
0x5b: {  	_ =	shalt  }
0x5c: {  	_ =	shalt  }
0x5d: {  	_ =	shalt  }
0x5e: {  	_ =	shalt  }
0x5f: {  	_ =	shalt  }
0x60: {  	_ =	shalt  }
0x61: {  	_ =	shalt  }
0x62: {  	_ =	shalt  }
0x63: {  	_ =	shalt  }
0x64: {  	_ =	shalt  }
0x65: {  	_ =	shalt  }
0x66: {  	_ =	shalt  }
0x67: {  	_ =	shalt  }
0x68: {  	_ =	shalt  }
0x69: {  	_ =	shalt  }
0x6a: {  	_ =	shalt  }
0x6b: {  	_ =	shalt  }
0x6c: {  	_ =	shalt  }
0x6d: {  	_ =	shalt  }
0x6e: {  	_ =	shalt  }
0x6f: {  	_ =	shalt  }
0x70: {  	_ =	shalt  }
0x71: {  	_ =	shalt  }
0x72: {  	_ =	shalt  }
0x73: {  	_ =	shalt  }
0x74: {  	_ =	shalt  }
0x75: {  	_ =	shalt  }
0x76: {  	_ =	shalt  }
0x77: {  	_ =	shalt  }
0x78: {  	_ =	shalt  }
0x79: {  	_ =	shalt  }
0x7a: {  	_ =	shalt  }
0x7b: {  	_ =	shalt  }
0x7c: {  	_ =	shalt  }
0x7d: {  	_ =	shalt  }
0x7e: {  	_ =	shalt  }
0x7f: {  	_ =	shalt  }
0x80: {  	_ =	shalt  }
0x81: {  	_ =	shalt  }
0x82: {  	_ =	shalt  }
0x83: {  	_ =	shalt  }
0x84: {  	_ =	shalt  }
0x85: {  	_ =	shalt  }
0x86: {  	_ =	shalt  }
0x87: {  	_ =	shalt  }
.Lfunc_end0:
.L_simem_size_0:
called_computation_lowered:
.L_overlay_start_0:
0x88: {  	s0 =	sld [smem:$0x3FD9]  }
0x89: {  	s1 =	sld [smem:$0x3FFE];
	_ =	sdelay $0x3  }
0x8a: {  	s0 =	sadd.s32 s1, s0  }
0x8b: {  	[smem:$0x3FB6] =	sst s0  }
0x8c: {  	_ = 	snop  }
0x8d: {  	s0 =	sld [smem:$0x3FD0];
	(tm) =	ssettm $0x1  }
0x8e: {  	s16 =	sld [smem:$0x3FFB];
	_ =	sdelay $0x3  }
0x8f: {  	_ =	strace s16  }
0x90: {  	s1 =	sld [smem:$0x3FFC];
	_ =	sdelay $0x3  }
0x91: {  	_ =	strace s1  }
0x92: {  	s1 =	sld [smem:$0x3FFD];
	_ =	sdelay $0x3  }
0x93: {  	_ =	strace s1  }
0x94: {  	_ =	strace $0x8FFFFFFF  }
0x95: {  	s17 =	sld [smem:$0x3FDB];
	_ =	sdelay $0x1  }
0x96: {  	s2 =	simm.s32 $_scs_section_size  }
0x97: {  	s3 =	simm.s32 $_size__tile_overlayer_lowered;
	s4 =	simm.s32 $_tile_overlayer_lowered  }
0x98: {  	s20 =	simm.s32 $0x1BFF;
	s19 =	sshll.u32 s4, $0x1;
	s1 =	sadd.s32 s2, s17  }
0x99: {  	s5 =	simm.s32 $0x0;
	s18 =	sshll.u32 s3, $0x1;
	s3 =	sadd.s32 s19, s1  }
0x9a: {  	[timem:s5], [sflag:s20] =	dma.local [hbm:s3], s18  }
0x9b: {  	_ =	swait.ge [sflag:s20], s18  }
0x9c: {  	s2 =	ssub.s32 $0x0, s18;
	[sflag:s20] =	ssyncset.done $0x0  }
0x9d: {  	[sflag:s20] =	ssyncadd.s32 s2;
	_ =	sdelay $0x1  }
0x9e: {  	s21 =	simm.s32 $0x1B8B  }
0x9f: {  	_ =	swait.ge [sflag:s21], $0x1  }
0xa0: {  	[sflag:s21] =	ssyncset.done $0x0  }
0xa1: {  	s23 =	simm.s32 $0x1B8E;
	s22 =	sld [smem:$0x3FFE];
	[sflag:s21] =	ssyncadd.s32 $0xFFFFFFFF  }
0xa2: {  	s24 =	simm.s32 $execute0_lowered;
	[smem:$0x3FD2] =	sst s23  }
0xa3: {  	s3 =	sshll.u32 s24, $0x1;
	_ =	strace $0x8000004C;
	[dreg:$0x1] =	wrdreg $0xFFFFFFFF  }
0xa4: {  	s25 =	simm.s32 $_size_execute0_lowered;
	s1 =	sadd.s32 s1, s3;
	[dreg:$0x0] =	wrdreg $0x0  }
0xa5: {  	s3 =	sshll.u32 s25, $0x1;
	[dreg:$0x2] =	wrdreg s1  }
0xa6: {  	[dreg:$0x3] =	wrdreg s3  }
0xa7: {  	[dreg:$0x4] =	wrdreg $0xC0  }
0xa8: {  	_ =	task [dreg:s5], $0x5FFFF  }
0xa9: {  	[dreg:$0x1] =	wrdreg $0xFFFFFFFF  }
0xaa: {  	[dreg:$0x0] =	wrdreg $0x60  }
0xab: {  	[dreg:$0x2] =	wrdreg s22  }
0xac: {  	[dreg:$0x3] =	wrdreg s0  }
0xad: {  	[dreg:$0x4] =	wrdreg $0x9  }
0xae: {  	_ =	task.clear_ibuf [dreg:s5], $0x5FFFF;
	_ =	strace $0x9000004C  }
0xaf: {  	s26 =	simm.s32 $0x9;
	_ =	strace $0x8000004E  }
0xb0: {  	_ =	swait.ge [sflag:s26], $0x1  }
0xb1: {  	[sflag:s26] =	ssyncadd.s32 $0xFFFFFFFF  }
0xb2: {  	_ =	strace $0x9000004E  }
0xb3: {  	_ =	sfence  }
0xb4: {  	s28 =	sld [smem:$0x0];
	_ =	sdelay $0x1  }
0xb5: {  	s29 =	srdreg.scid  }
0xb6: {  	s30 =	sshll.u32 s29, $0xD;
	s31 =	sshrl.u32 s29, $0x2  }
0xb7: {  	s2 =	sand.u32 $0x4000, s30;
	s1 =	sand.u32 $0x1, s29;
	s0 =	sadd.s32 s31, s28  }
0xb8: {  	s1 =	sor.u32 s2, s1;
	s0 =	sshll.u32 s0, $0x11  }
0xb9: {  	s0 =	sor.u32 s0, s1  }
0xba: {  	s0 =	sadd.s32 $0x8F2B, s0  }
0xbb: {  	[sflag:s0] =	ssyncadd.remote.s32 $0x1  }
0xbc: {  	_ =	sfence.sel $0xFFFF  }
0xbd: {  	[dreg:$0x0] =	wrdreg $0xFFFFFFFF;
	(pc) =	sbr.abs _section_cstart, $3  }
0xbe: {  	[dreg:$0x1] =	wrdreg $0xFFFFFFFF  }
0xbf: {  	_ =	task.clear_ibuf [dreg:s5], $0x2FFFF;
	_ =	strace $0x9FFFFFFF  }
0xc0: {  	(tm) =	ssettm $0x7FFFFFFF  }
0xc1: {  	_ =	shalt  }
tec
execute0_lowered:
.L_overlay_start_1:
0x0: {  	(tag) =	ssettag $0x1  }
0x1: {  	s7 =	rddreg [dreg:$0x0]  }
0x2: {  	s2 =	rddreg [dreg:$0x1]  }
0x3: {  	s0 =	rddreg [dreg:$0x2]  }
0x4: {  	_ =	strace $0x8000004D;
	s4 =	stileid.u32;
	s5 =	simm.s32 $0x3E  }
0x5: {  	s1 =	sadd.s32 $0x3400, s7;
	p0 =	sne.s32 s4, $0x0;
	[sflag:s5] =	ssyncpa.u1 $0x0  }
0x6: {  	s30 =	smin.u32 s4, $0x9;
	s3 =	simm.s32 @!p0 $0x1C3E;
	s6 =	simm.s32 @!p0 $0x0  }
0x7: {  	[spmem:s6], [sflag:s3] =	dma.local @!p0 [hbm:s1], $0xC80  }
0x8: {  	s3 =	sadd.s32 s4, s30  }
0x9: {  	p1 =	slt.u32 s4, $0x9;
	s4 =	simm.s32 $0xFA0;
	s3 =	smul.u32 $0x7D0, s3  }
0xa: {  	s4 =	simm.s32 @!p1 $0x7D0  }
0xb: {  	s4 =	sadd.s32 s4, s3  }
0xc: {  	s4 =	smin.u32 s4, $0xC350  }
0xd: {  	s8 =	ssub.s32 s4, s3  }
0xe: {  	p1 =	sgt.s32 s8, $0x0  }
0xf: {  	s8 =	simm.s32 @!p1 $0x0  }
0x10: {  	s9 =	sand.u32 $0xFFF0, s8  }
0x11: {  	s9 =	sshrl.u32 s9, $0x4  }
0x12: {  	s6 =	simm.s32 @!p0 $0x3E;
	s31 =	smul.u32 $0x1063, s9  }
0x13: {  	_ =	swait.ge @!p0 [sflag:s6], $0xC80  }
0x14: {  	[sflag:s6] =	ssyncset.done @!p0 $0x0;
	s9 =	sshrl.u32 s31, $0x13  }
0x15: {  	s11 =	simm.s32 $0x0;
	[sflag:s6] =	ssyncadd.s32 @!p0 $0xFFFFF380;
	s10 =	smul.u32 $0x7D0, s9  }
.Ltmp0:
0x16: {  	s7 =	sadd.s32 $0x1A00, s7;
	[bflag:$0x0] =	sbarrier.arrive $0xFFFF;
	(pc) =	sbr.rel .LBB2_1-.Ltmp0, $4  }
0x17: {  	s6 =	simm.s32 $0x2;
	[sflag:s5] =	ssyncpa.u1 $0x1;
	s5 =	simm.s32 $0x1  }
0x18: {  	[sflag:s5] =	ssyncpa.u1 $0x0;
	p1 =	sne.s32 s8, s10;
	s8 =	simm.s32 $0x1  }
0x19: {  	(ifvalue) =	ssetifvalue $0x6400;
	[sflag:s6] =	ssyncpa.u1 $0x0;
	s8 =	simm.s32 @!p1 $0x0  }
0x1a: {  	vm0 =	vmmov $0xffff;
	s10 =	smov.u32 s3;
	s8 =	sadd.s32 s9, s8;
	s9 =	simm.s32 $0x0  }
.LBB2_5:
0x1b: {  	p2 =	sne.s32 s11, s8  }
.Ltmp1:
0x1c: {  	_ = 	snop;
	(pc) =	sbr.rel @!p2 .LBB2_6-.Ltmp1, $4  }
0x1d: {  	_ = 	snop  }
0x1e: {  	s12 =	sadd.s32 $0x7D0, s10  }
0x1f: {  	s10 =	smov.u32 s3;
	s13 =	sadd.s32 $0x1, s11;
	p1 =	slt.s32 s12, s4  }
0x20: {  	s11 =	smov.u32 s13;
	s10 =	smov.u32 @p1 s12  }
.LBB2_1:
0x21: {  	p1 =	sge.u32 s11, s8  }
0x22: {  	s12 =	sxor.u32 @!p1 $0xFFFFFFFF, s11  }
0x23: {  	s12 =	sand.u32 @!p1 $0x1, s12  }
0x24: {  	s12 =	smul.u32 @!p1 $0x7D0, s12  }
0x25: {  	s13 =	sshrl.u32 @!p1 s10, $0x3  }
0x26: {  	s16 =	sand.u32 @!p1 $0x7, s10;
	s14 =	sadd.s32 @!p1 s2, s13;
	s15 =	sadd.s32 @!p1 $0x640, s12  }
0x27: {  	[tilespmem:s15], [sflag:$0x2] =	stream.linear.gather @!p1 [hbm4b:s14+s16], $0x7D0, $0x38;
	[tilespmem:$0x2580] =	vst v63  }
0x28: {  	s13 =	sadd.s32 @!p1 s7, s13;
	s12 =	sadd.s32 @!p1 $0x15E0, s12  }
0x29: {  	[tilespmem:s12], [sflag:$0x2] =	stream.linear.gather @!p1 [hbm4b:s13+s16], $0x7D0, $0x38;
	[tilespmem:$0x2580] =	vst v63  }
0x2a: {  	p1 =	seq.s32 s11, $0x0  }
.Ltmp2:
0x2b: {  	_ = 	snop;
	(pc) =	sbr.rel @p1 .LBB2_5-.Ltmp2, $1  }
0x2c: {  	_ =	sdelay $0x3  }
0x2d: {  	s12 =	sand.u32 $0x1, s11  }
0x2e: {  	_ =	swait.ge [sflag:s6], $0xFA0;
	p1 =	seq.s32 s12, $0x1;
	s12 =	simm.s32 $0x7D0  }
0x2f: {  	[sflag:s6] =	ssyncset.done $0x0;
	s12 =	simm.s32 @!p1 $0x0  }
0x30: {  	[sflag:s6] =	ssyncadd.s32 $0xFFFFF060;
	s14 =	sadd.s32 $0x640, s12  }
0x31: {  	v0 =	vld.msk [tilespmem:s14+$0x0 ss:$0x1], $0xffff;
	_ =	sdelay $0x4  }
0x32: {  	v0 =	vmin.u32 v0, $0x6400;
	_ =	sdelay $0x3  }
0x33: {  	s13 =	simm.s32 $0x0;
	s12 =	sadd.s32 $0x15E0, s12;
	s14 =	sadd.s32 $0x10, s14  }
0x34: {  	[spmem:s9] =	stream.indirect_vreg.scatter.add.s32 [tilespmem:s12], [sflag:$0x1], $0x1, v0, vm0, $0x4038;
	[tilespmem:$0x2580] =	vst v63  }
.LBB2_3:
0x35: {  	v0 =	vld.msk [tilespmem:s14+$0x0 ss:$0x1], $0xffff;
	s13 =	sadd.s32 $0x10, s13  }
0x36: {  	p1 =	slt.u32 s13, $0x7C0;
	_ =	sdelay $0x4  }
0x37: {  	v0 =	vmin.u32 v0, $0x6400  }
.Ltmp3:
0x38: {  	(pc) =	sbr.rel @p1 .LBB2_3-.Ltmp3, $3  }
0x39: {  	_ =	sdelay $0x1  }
0x3a: {  	s14 =	sadd.s32 $0x10, s14;
	s12 =	sadd.s32 $0x10, s12  }
0x3b: {  	[spmem:s9] =	stream.indirect_vreg.scatter.add.s32 [tilespmem:s12], [sflag:$0x1], $0x1, v0, vm0, $0x4038;
	[tilespmem:$0x2580] =	vst v63  }
.Ltmp4:
0x3c: {  	(pc) =	sbr.rel .LBB2_5-.Ltmp4, $4  }
0x3d: {  	_ = 	snop  }
0x3e: {  	_ =	swait.ge [sflag:s5], $0x7D0  }
0x3f: {  	[sflag:s5] =	ssyncset.done $0x0  }
0x40: {  	[sflag:s5] =	ssyncadd.s32 $0xFFFFF830  }
.LBB2_6:
0x41: {  	_ =	sfence.sel $0x180000  }
0x42: {  	s2 =	simm.s32 $0x2;
	[bflag:$0x0] =	sbarrier.arrive $0xFFFF  }
0x43: {  	s30 =	simm.s32 $0x1;
	[sflag:s2] =	ssyncpa.u1 $0x1  }
0x44: {  	[sflag:s30] =	ssyncpa.u1 $0x1  }
0x45: {  	_ =	sfence.stream.spmem  }
0x46: {  	s31 =	simm.s32 $0x3D;
	[bflag:$0x0] =	sbarrier.arrive $0xFFFF  }
0x47: {  	s2 =	simm.s32 @p0 $0x3D;
	[sflag:s31] =	ssyncpa.u1 $0x0  }
0x48: {  	[sflag:s2] =	ssyncpa.u1 @p0 $0x1  }
0x49: {  	[bflag:$0x0] =	sbarrier.arrive @p0 $0xFFFF  }
0x4a: {  	_ =	strace @p0 $0x9000004D  }
0x4b: {  	s3 =	simm.s32 @!p0 $0x1C3D;
	s2 =	simm.s32 @!p0 $0x0;
	[bflag:$0x2] =	sbarrier.arrive @p0 $0xFFFF  }
0x4c: {  	[hbm:s1], [sflag:s3] =	dma.local @!p0 [spmem:s2], $0xC80  }
0x4d: {  	s1 =	simm.s32 @!p0 $0x3D  }
0x4e: {  	_ =	swait.ge @!p0 [sflag:s1], $0xC80  }
0x4f: {  	[sflag:s1] =	ssyncset.done @!p0 $0x0  }
0x50: {  	[sflag:s1] =	ssyncadd.s32 @!p0 $0xFFFFF380  }
0x51: {  	[sflag:s1] =	ssyncpa.u1 @!p0 $0x1  }
0x52: {  	[bflag:$0x0] =	sbarrier.arrive @!p0 $0xFFFF  }
0x53: {  	_ =	strace @!p0 $0x9000004D  }
0x54: {  	s0 =	sadd.s32 @!p0 $0x100000, s0;
	[bflag:$0x2] =	sbarrier.arrive @!p0 $0xFFFF  }
0x55: {  	[sflag:s0] =	ssyncadd.tile.s32 @!p0 $0x1;
	_ =	shalt  }
.Lfunc_end2:
_tile_overlayer_lowered:
.L_overlay_start_2:
0x56: {  	(tag) =	ssettag $0x2  }
0x57: {  	s0 =	rddreg [dreg:$0x0];
	s2 =	stileid.u32  }
0x58: {  	s1 =	rddreg [dreg:$0x1];
	p0 =	sne.s32 s2, $0x0  }
0x59: {  	s3 =	rddreg [dreg:$0x2];
	[bflag:$0x3] =	sbarrier.arrive $0xFFFF;
	s2 =	simm.s32 @!p0 $0x1C01  }
0x5a: {  	[timem:s3], [sflag:s2] =	dma.local @!p0 [hbm:s0], s1  }
0x5b: {  	s0 =	simm.s32 @!p0 $0x1  }
0x5c: {  	_ =	swait.ge @!p0 [sflag:s0], s1  }
0x5d: {  	s1 =	ssub.s32 @!p0 $0x0, s1;
	[sflag:s0] =	ssyncset.done @!p0 $0x0  }
0x5e: {  	[sflag:s0] =	ssyncadd.s32 @!p0 s1  }
0x5f: {  	[bflag:$0x3] =	sbarrier.arrive $0xFFFF  }
0x60: {  	_ =	shalt  }

</sc_bundles>
